<compile_context>
chip_gen: v7x
topology: tpu7x:2x2x1
jax: 0.10.2.dev20260603
libtpu: 0.0.44.dev20260713+nightly
codegen_flags: <defaults>
</compile_context>

<pallas_src>
import functools

import jax
import jax.numpy as jnp
from jax import lax
from jax.experimental import pallas as pl
from jax.experimental.pallas import tpu as pltpu
from jax.experimental.pallas import tpu_sc as plsc

BATCH = 16384
EMBED_DIM = 64
NUM_WORKERS = 32
B_PER_W = BATCH // NUM_WORKERS
HALF = B_PER_W // 2


def _dot_kernel(uid_hbm, iid_hbm, uemb_hbm, iemb_hbm, ibias_hbm, out_hbm,
                uidx_v, iidx_v, urows_v, irows_v, bias_v, out_v, sem, bsem):
    wid = lax.axis_index("s") * 2 + lax.axis_index("c")
    base = wid * B_PER_W

    pltpu.sync_copy(uid_hbm.at[pl.ds(base, B_PER_W)], uidx_v)
    pltpu.sync_copy(iid_hbm.at[pl.ds(base, B_PER_W)], iidx_v)

    iota16 = lax.iota(jnp.int32, 16)
    zeros16 = jnp.zeros((16,), jnp.int32)


    for h in range(2):
        def issue(g, carry):
            uvec = uidx_v[pl.ds(h * HALF + g * 16, 16)]
            ivec = iidx_v[pl.ds(h * HALF + g * 16, 16)]
            for k in range(16):
                r = g * 16 + k
                iu = uvec[k]
                ii = ivec[k]
                pltpu.make_async_copy(
                    uemb_hbm.at[pl.ds(iu, 1), :],
                    urows_v.at[pl.ds(r, 1), :], sem,
                ).start()
                pltpu.make_async_copy(
                    iemb_hbm.at[pl.ds(ii, 1), :],
                    irows_v.at[pl.ds(r, 1), :], sem,
                ).start()
                pltpu.make_async_copy(
                    ibias_hbm.at[pl.ds(ii, 1)],
                    bias_v.at[pl.ds(r, 1), :], bsem,
                ).start()
            return carry

        lax.fori_loop(0, HALF // 16, issue, 0)

        pltpu.make_async_copy(
            uemb_hbm.at[pl.ds(0, HALF), :], urows_v, sem).wait()
        pltpu.make_async_copy(
            iemb_hbm.at[pl.ds(0, HALF), :], irows_v, sem).wait()
        pltpu.make_async_copy(
            ibias_hbm.at[pl.ds(0, HALF)], bias_v, bsem).wait()

        def rows16(g, carry):
            out16 = jnp.zeros((16,), jnp.float32)
            for k in range(16):
                r = g * 16 + k
                u0 = urows_v[r, pl.ds(0, 16)]
                u1 = urows_v[r, pl.ds(16, 16)]
                u2 = urows_v[r, pl.ds(32, 16)]
                u3 = urows_v[r, pl.ds(48, 16)]
                w0 = irows_v[r, pl.ds(0, 16)]
                w1 = irows_v[r, pl.ds(16, 16)]
                w2 = irows_v[r, pl.ds(32, 16)]
                w3 = irows_v[r, pl.ds(48, 16)]
                acc = (u0 * w0 + u1 * w1) + (u2 * w2 + u3 * w3)
                s = jnp.sum(acc)
                out16 = jnp.where(iota16 == k, s, out16)
            b16 = plsc.load_gather(bias_v, [g * 16 + iota16, zeros16])
            out_v[pl.ds(h * HALF + g * 16, 16)] = out16 + b16
            return carry

        lax.fori_loop(0, HALF // 16, rows16, 0)

    pltpu.sync_copy(out_v, out_hbm.at[pl.ds(base, B_PER_W)])


@jax.jit
def kernel(user_ids, item_ids, user_embed, item_embed, item_bias):
    mesh = plsc.VectorSubcoreMesh(core_axis_name="c", subcore_axis_name="s")
    run = functools.partial(
        pl.kernel,
        mesh=mesh,
        compiler_params=pltpu.CompilerParams(
            needs_layout_passes=False, use_tc_tiling_on_sc=True),
        out_type=jax.ShapeDtypeStruct((BATCH,), jnp.float32),
        scratch_types=[
            pltpu.VMEM((B_PER_W,), jnp.int32),
            pltpu.VMEM((B_PER_W,), jnp.int32),
            pltpu.VMEM((HALF, EMBED_DIM), jnp.float32),
            pltpu.VMEM((HALF, EMBED_DIM), jnp.float32),
            pltpu.VMEM((HALF, 1), jnp.float32),
            pltpu.VMEM((B_PER_W,), jnp.float32),
            pltpu.SemaphoreType.DMA,
            pltpu.SemaphoreType.DMA,
        ],
    )(_dot_kernel)
    return run(user_ids, item_ids, user_embed, item_embed, item_bias)

# --- scband reference (transcript-rebuilt; emitter-appended) ---
"""Pipeline reference for scband-discriminator-57131654972062 (READ-ONLY COPY).

The authoritative reference and input builder live on the scoring server;
editing this copy changes nothing except your own understanding.
"""

import jax, jax.numpy as jnp
import numpy as np

NUM_USERS = 100000
NUM_ITEMS = 100000
EMBED_DIM = 64
BATCH = 16384


def setup_inputs(seed: int = 0) -> dict:
    key = jax.random.key(seed)
    k1, k2, k3, k4, k5 = jax.random.split(key, 5)
    user_ids = jax.random.randint(k1, (BATCH,), 0, NUM_USERS, dtype=jnp.int64 if jax.config.read('jax_enable_x64') else jnp.int32)
    item_ids = jax.random.randint(k2, (BATCH,), 0, NUM_ITEMS, dtype=jnp.int64 if jax.config.read('jax_enable_x64') else jnp.int32)
    user_embed = jax.random.normal(k3, (NUM_USERS, EMBED_DIM), dtype=jnp.float32)
    item_embed = jax.random.normal(k4, (NUM_ITEMS, EMBED_DIM), dtype=jnp.float32)
    item_bias = jax.random.normal(k5, (NUM_ITEMS, 1), dtype=jnp.float32)
    return {
        'user_ids': user_ids,
        'item_ids': item_ids,
        'user_embed': user_embed,
        'item_embed': item_embed,
        'item_bias': item_bias,
    }


def reference(user_ids, item_ids, user_embed, item_embed, item_bias):
    # v_u = self.user_embed(user_ids)
    v_u = jnp.take(user_embed, user_ids, axis=0)          # [B, D]
    # w_i = self.item_embed(item_ids)
    w_i = jnp.take(item_embed, item_ids, axis=0)          # [B, D]
    # c_i = self.item_bias(item_ids).squeeze()
    c_i = jnp.take(item_bias, item_ids, axis=0).squeeze() # [B]
    # (v_u * w_i).sum(dim=1) + c_i
    return (v_u * w_i).sum(axis=1) + c_i

if __name__ == "__main__":
    import jax
    _d = setup_inputs()
    print(jax.jit(kernel)(*tuple(_d.values())))

</pallas_src>

<mosaic_0001>
#map = affine_map<(d0, d1) -> (0)>
#map1 = affine_map<(d0, d1) -> (0, 0)>
module attributes {stable_mosaic.version = 14 : i64} {
  func.func @_dot_kernel(%arg0: i32, %arg1: i32, %arg2: memref<16384xi32, #tpu.memory_space<hbm>>, %arg3: memref<16384xi32, #tpu.memory_space<hbm>>, %arg4: memref<100000x64xf32, #tpu.memory_space<hbm>>, %arg5: memref<100000x64xf32, #tpu.memory_space<hbm>>, %arg6: memref<100000x1xf32, #tpu.memory_space<hbm>>, %arg7: memref<16384xf32, #tpu.memory_space<hbm>>, %arg8: memref<512xi32, #tpu.memory_space<vmem>>, %arg9: memref<512xi32, #tpu.memory_space<vmem>>, %arg10: memref<256x64xf32, #tpu.memory_space<vmem>>, %arg11: memref<256x64xf32, #tpu.memory_space<vmem>>, %arg12: memref<256x1xf32, #tpu.memory_space<vmem>>, %arg13: memref<512xf32, #tpu.memory_space<vmem>>, %arg14: memref<!tpu.dma_semaphore, #tpu.memory_space<semaphore_mem>>, %arg15: memref<!tpu.dma_semaphore, #tpu.memory_space<semaphore_mem>>) attributes {dimension_semantics = [#tpu.dimension_semantics<core_parallel>, #tpu.dimension_semantics<subcore_parallel>], iteration_bounds = array<i64: 2, 16>, scalar_prefetch = 0 : i64, scratch_operands = 8 : i64, tpu.core_type = #tpu.core_type<sc_vector_subcore>, window_params = [{transform_indices = #map}, {transform_indices = #map}, {transform_indices = #map1}, {transform_indices = #map1}, {transform_indices = #map1}, {transform_indices = #map}]} {
    %mul3A = arith.constant 2 : i32
    %mul3A_0 = arith.muli %arg1, %mul3A : i32
    %add3A = arith.addi %mul3A_0, %arg0 : i32
    %mul3A_1 = arith.constant 512 : i32
    %mul3A_2 = arith.muli %add3A, %mul3A_1 : i32
    "tpu.region"() ({
      %run_scoped3A = tpu.sem_alloc : memref<!tpu.dma_semaphore, #tpu.memory_space<semaphore_mem>>
      %dma_start3A = tpu.memref_slice %arg2[%mul3A_2] : memref<16384xi32, #tpu.memory_space<hbm>> -> memref<512xi32, #tpu.memory_space<hbm>>
      %dma_start3A_62 = tpu.memref_slice %arg2[%mul3A_2] : memref<16384xi32, #tpu.memory_space<hbm>> -> memref<512xi32, #tpu.memory_space<hbm>>
      tpu.enqueue_dma source(%dma_start3A_62 : memref<512xi32, #tpu.memory_space<hbm>>) target(%arg8 : memref<512xi32, #tpu.memory_space<vmem>>) target_semaphore(%run_scoped3A : memref<!tpu.dma_semaphore, #tpu.memory_space<semaphore_mem>>)
      %dma_wait3A_63 = tpu.memref_slice %arg2[%mul3A_2] : memref<16384xi32, #tpu.memory_space<hbm>> -> memref<512xi32, #tpu.memory_space<hbm>>
      %dma_wait3A_64 = tpu.memref_slice %arg2[%mul3A_2] : memref<16384xi32, #tpu.memory_space<hbm>> -> memref<512xi32, #tpu.memory_space<hbm>>
      tpu.wait_dma2 semaphore(%run_scoped3A : memref<!tpu.dma_semaphore, #tpu.memory_space<semaphore_mem>>) src(%dma_wait3A_64 : memref<512xi32, #tpu.memory_space<hbm>>) dst(%arg8 : memref<512xi32, #tpu.memory_space<vmem>>)
      tpu.yield
    }) : () -> ()
    "tpu.region"() ({
      %run_scoped3A = tpu.sem_alloc : memref<!tpu.dma_semaphore, #tpu.memory_space<semaphore_mem>>
      %dma_start3A = tpu.memref_slice %arg3[%mul3A_2] : memref<16384xi32, #tpu.memory_space<hbm>> -> memref<512xi32, #tpu.memory_space<hbm>>
      %dma_start3A_62 = tpu.memref_slice %arg3[%mul3A_2] : memref<16384xi32, #tpu.memory_space<hbm>> -> memref<512xi32, #tpu.memory_space<hbm>>
      tpu.enqueue_dma source(%dma_start3A_62 : memref<512xi32, #tpu.memory_space<hbm>>) target(%arg9 : memref<512xi32, #tpu.memory_space<vmem>>) target_semaphore(%run_scoped3A : memref<!tpu.dma_semaphore, #tpu.memory_space<semaphore_mem>>)
      %dma_wait3A_63 = tpu.memref_slice %arg3[%mul3A_2] : memref<16384xi32, #tpu.memory_space<hbm>> -> memref<512xi32, #tpu.memory_space<hbm>>
      %dma_wait3A_64 = tpu.memref_slice %arg3[%mul3A_2] : memref<16384xi32, #tpu.memory_space<hbm>> -> memref<512xi32, #tpu.memory_space<hbm>>
      tpu.wait_dma2 semaphore(%run_scoped3A : memref<!tpu.dma_semaphore, #tpu.memory_space<semaphore_mem>>) src(%dma_wait3A_64 : memref<512xi32, #tpu.memory_space<hbm>>) dst(%arg9 : memref<512xi32, #tpu.memory_space<vmem>>)
      tpu.yield
    }) : () -> ()
    %iota3A = tpu.iota {dimensions = array<i32: 0>} : vector<16xi32>
    %broadcast_in_dim3A = arith.constant 0 : i32
    %broadcast_in_dim3A_3 = vector.broadcast %broadcast_in_dim3A : i32 to vector<16xi32>
    %scan3A = arith.constant 0 : i32
    %scan3A_4 = arith.constant 0 : i32
    %scan3A_5 = arith.constant 16 : i32
    %scan3A_6 = arith.addi %scan3A_4, %scan3A_5 : i32
    %scan3A_7 = arith.constant 1 : i32
    scf.for %scan3A_62 = %scan3A_4 to %scan3A_6 step %scan3A_7  : i32 {
      %mul3A_63 = arith.constant 16 : i32
      %mul3A_64 = arith.muli %scan3A_62, %mul3A_63 : i32
      %add3A_65 = arith.constant 0 : i32
      %add3A_66 = arith.addi %add3A_65, %mul3A_64 : i32
      %get3A = arith.index_cast %add3A_66 : i32 to index
      %get3A_67 = tpu.vector_load %arg8[%get3A] {strides = array<i32>} : memref<512xi32, #tpu.memory_space<vmem>>, vector<16xi32>,
      %mul3A_68 = arith.constant 16 : i32
      %mul3A_69 = arith.muli %scan3A_62, %mul3A_68 : i32
      %add3A_70 = arith.constant 0 : i32
      %add3A_71 = arith.addi %add3A_70, %mul3A_69 : i32
      %get3A_72 = arith.index_cast %add3A_71 : i32 to index
      %get3A_73 = tpu.vector_load %arg9[%get3A_72] {strides = array<i32>} : memref<512xi32, #tpu.memory_space<vmem>>, vector<16xi32>,
      %mul3A_74 = arith.constant 16 : i32
      %mul3A_75 = arith.muli %scan3A_62, %mul3A_74 : i32
      %add3A_76 = arith.constant 0 : i32
      %add3A_77 = arith.addi %mul3A_75, %add3A_76 : i32
      %slice3A = vector.extract_strided_slice %get3A_67 {offsets = [0], sizes = [1], strides = [1]} : vector<16xi32> to vector<1xi32>
      %squeeze3A = vector.extract %slice3A[0] : i32 from vector<1xi32>
      %slice3A_78 = vector.extract_strided_slice %get3A_73 {offsets = [0], sizes = [1], strides = [1]} : vector<16xi32> to vector<1xi32>
      %squeeze3A_79 = vector.extract %slice3A_78[0] : i32 from vector<1xi32>
      %dma_start3A = arith.constant 0 : i32
      %dma_start3A_80 = tpu.memref_slice %arg10[%add3A_77, %dma_start3A] : memref<256x64xf32, #tpu.memory_space<vmem>> -> memref<1x64xf32, #tpu.memory_space<vmem>>
      %dma_start3A_81 = arith.constant 0 : i32
      %dma_start3A_82 = tpu.memref_slice %arg4[%squeeze3A, %dma_start3A_81] : memref<100000x64xf32, #tpu.memory_space<hbm>> -> memref<1x64xf32, #tpu.memory_space<hbm>>
      %dma_start3A_83 = arith.constant 0 : i32
      %dma_start3A_84 = tpu.memref_slice %arg10[%add3A_77, %dma_start3A_83] : memref<256x64xf32, #tpu.memory_space<vmem>> -> memref<1x64xf32, #tpu.memory_space<vmem>>
      %dma_start3A_85 = arith.constant 0 : i32
      %dma_start3A_86 = tpu.memref_slice %arg4[%squeeze3A, %dma_start3A_85] : memref<100000x64xf32, #tpu.memory_space<hbm>> -> memref<1x64xf32, #tpu.memory_space<hbm>>
      tpu.enqueue_dma source(%dma_start3A_86 : memref<1x64xf32, #tpu.memory_space<hbm>>) target(%dma_start3A_84 : memref<1x64xf32, #tpu.memory_space<vmem>>) target_semaphore(%arg14 : memref<!tpu.dma_semaphore, #tpu.memory_space<semaphore_mem>>)
      %dma_start3A_87 = arith.constant 0 : i32
      %dma_start3A_88 = tpu.memref_slice %arg11[%add3A_77, %dma_start3A_87] : memref<256x64xf32, #tpu.memory_space<vmem>> -> memref<1x64xf32, #tpu.memory_space<vmem>>
      %dma_start3A_89 = arith.constant 0 : i32
      %dma_start3A_90 = tpu.memref_slice %arg5[%squeeze3A_79, %dma_start3A_89] : memref<100000x64xf32, #tpu.memory_space<hbm>> -> memref<1x64xf32, #tpu.memory_space<hbm>>
      %dma_start3A_91 = arith.constant 0 : i32
      %dma_start3A_92 = tpu.memref_slice %arg11[%add3A_77, %dma_start3A_91] : memref<256x64xf32, #tpu.memory_space<vmem>> -> memref<1x64xf32, #tpu.memory_space<vmem>>
      %dma_start3A_93 = arith.constant 0 : i32
      %dma_start3A_94 = tpu.memref_slice %arg5[%squeeze3A_79, %dma_start3A_93] : memref<100000x64xf32, #tpu.memory_space<hbm>> -> memref<1x64xf32, #tpu.memory_space<hbm>>
      tpu.enqueue_dma source(%dma_start3A_94 : memref<1x64xf32, #tpu.memory_space<hbm>>) target(%dma_start3A_92 : memref<1x64xf32, #tpu.memory_space<vmem>>) target_semaphore(%arg14 : memref<!tpu.dma_semaphore, #tpu.memory_space<semaphore_mem>>)
      %dma_start3A_95 = arith.constant 0 : i32
      %dma_start3A_96 = tpu.memref_slice %arg12[%add3A_77, %dma_start3A_95] : memref<256x1xf32, #tpu.memory_space<vmem>> -> memref<1x1xf32, #tpu.memory_space<vmem>>
      %dma_start3A_97 = arith.constant 0 : i32
      %dma_start3A_98 = tpu.memref_slice %arg6[%squeeze3A_79, %dma_start3A_97] : memref<100000x1xf32, #tpu.memory_space<hbm>> -> memref<1x1xf32, #tpu.memory_space<hbm>>
      %dma_start3A_99 = arith.constant 0 : i32
      %dma_start3A_100 = tpu.memref_slice %arg12[%add3A_77, %dma_start3A_99] : memref<256x1xf32, #tpu.memory_space<vmem>> -> memref<1x1xf32, #tpu.memory_space<vmem>>
      %dma_start3A_101 = arith.constant 0 : i32
      %dma_start3A_102 = tpu.memref_slice %arg6[%squeeze3A_79, %dma_start3A_101] : memref<100000x1xf32, #tpu.memory_space<hbm>> -> memref<1x1xf32, #tpu.memory_space<hbm>>
      tpu.enqueue_dma source(%dma_start3A_102 : memref<1x1xf32, #tpu.memory_space<hbm>>) target(%dma_start3A_100 : memref<1x1xf32, #tpu.memory_space<vmem>>) target_semaphore(%arg15 : memref<!tpu.dma_semaphore, #tpu.memory_space<semaphore_mem>>)
      %mul3A_103 = arith.constant 16 : i32
      %mul3A_104 = arith.muli %scan3A_62, %mul3A_103 : i32
      %add3A_105 = arith.constant 1 : i32
      %add3A_106 = arith.addi %mul3A_104, %add3A_105 : i32
      %slice3A_107 = vector.extract_strided_slice %get3A_67 {offsets = [1], sizes = [1], strides = [1]} : vector<16xi32> to vector<1xi32>
      %squeeze3A_108 = vector.extract %slice3A_107[0] : i32 from vector<1xi32>
      %slice3A_109 = vector.extract_strided_slice %get3A_73 {offsets = [1], sizes = [1], strides = [1]} : vector<16xi32> to vector<1xi32>
      %squeeze3A_110 = vector.extract %slice3A_109[0] : i32 from vector<1xi32>
      %dma_start3A_111 = arith.constant 0 : i32
      %dma_start3A_112 = tpu.memref_slice %arg10[%add3A_106, %dma_start3A_111] : memref<256x64xf32, #tpu.memory_space<vmem>> -> memref<1x64xf32, #tpu.memory_space<vmem>>
      %dma_start3A_113 = arith.constant 0 : i32
      %dma_start3A_114 = tpu.memref_slice %arg4[%squeeze3A_108, %dma_start3A_113] : memref<100000x64xf32, #tpu.memory_space<hbm>> -> memref<1x64xf32, #tpu.memory_space<hbm>>
      %dma_start3A_115 = arith.constant 0 : i32
      %dma_start3A_116 = tpu.memref_slice %arg10[%add3A_106, %dma_start3A_115] : memref<256x64xf32, #tpu.memory_space<vmem>> -> memref<1x64xf32, #tpu.memory_space<vmem>>
      %dma_start3A_117 = arith.constant 0 : i32
      %dma_start3A_118 = tpu.memref_slice %arg4[%squeeze3A_108, %dma_start3A_117] : memref<100000x64xf32, #tpu.memory_space<hbm>> -> memref<1x64xf32, #tpu.memory_space<hbm>>
      tpu.enqueue_dma source(%dma_start3A_118 : memref<1x64xf32, #tpu.memory_space<hbm>>) target(%dma_start3A_116 : memref<1x64xf32, #tpu.memory_space<vmem>>) target_semaphore(%arg14 : memref<!tpu.dma_semaphore, #tpu.memory_space<semaphore_mem>>)
      %dma_start3A_119 = arith.constant 0 : i32
      %dma_start3A_120 = tpu.memref_slice %arg11[%add3A_106, %dma_start3A_119] : memref<256x64xf32, #tpu.memory_space<vmem>> -> memref<1x64xf32, #tpu.memory_space<vmem>>
      %dma_start3A_121 = arith.constant 0 : i32
      %dma_start3A_122 = tpu.memref_slice %arg5[%squeeze3A_110, %dma_start3A_121] : memref<100000x64xf32, #tpu.memory_space<hbm>> -> memref<1x64xf32, #tpu.memory_space<hbm>>
      %dma_start3A_123 = arith.constant 0 : i32
      %dma_start3A_124 = tpu.memref_slice %arg11[%add3A_106, %dma_start3A_123] : memref<256x64xf32, #tpu.memory_space<vmem>> -> memref<1x64xf32, #tpu.memory_space<vmem>>
      %dma_start3A_125 = arith.constant 0 : i32
      %dma_start3A_126 = tpu.memref_slice %arg5[%squeeze3A_110, %dma_start3A_125] : memref<100000x64xf32, #tpu.memory_space<hbm>> -> memref<1x64xf32, #tpu.memory_space<hbm>>
      tpu.enqueue_dma source(%dma_start3A_126 : memref<1x64xf32, #tpu.memory_space<hbm>>) target(%dma_start3A_124 : memref<1x64xf32, #tpu.memory_space<vmem>>) target_semaphore(%arg14 : memref<!tpu.dma_semaphore, #tpu.memory_space<semaphore_mem>>)
      %dma_start3A_127 = arith.constant 0 : i32
      %dma_start3A_128 = tpu.memref_slice %arg12[%add3A_106, %dma_start3A_127] : memref<256x1xf32, #tpu.memory_space<vmem>> -> memref<1x1xf32, #tpu.memory_space<vmem>>
      %dma_start3A_129 = arith.constant 0 : i32
      %dma_start3A_130 = tpu.memref_slice %arg6[%squeeze3A_110, %dma_start3A_129] : memref<100000x1xf32, #tpu.memory_space<hbm>> -> memref<1x1xf32, #tpu.memory_space<hbm>>
      %dma_start3A_131 = arith.constant 0 : i32
      %dma_start3A_132 = tpu.memref_slice %arg12[%add3A_106, %dma_start3A_131] : memref<256x1xf32, #tpu.memory_space<vmem>> -> memref<1x1xf32, #tpu.memory_space<vmem>>
      %dma_start3A_133 = arith.constant 0 : i32
      %dma_start3A_134 = tpu.memref_slice %arg6[%squeeze3A_110, %dma_start3A_133] : memref<100000x1xf32, #tpu.memory_space<hbm>> -> memref<1x1xf32, #tpu.memory_space<hbm>>
      tpu.enqueue_dma source(%dma_start3A_134 : memref<1x1xf32, #tpu.memory_space<hbm>>) target(%dma_start3A_132 : memref<1x1xf32, #tpu.memory_space<vmem>>) target_semaphore(%arg15 : memref<!tpu.dma_semaphore, #tpu.memory_space<semaphore_mem>>)
      %mul3A_135 = arith.constant 16 : i32
      %mul3A_136 = arith.muli %scan3A_62, %mul3A_135 : i32
      %add3A_137 = arith.constant 2 : i32
      %add3A_138 = arith.addi %mul3A_136, %add3A_137 : i32
      %slice3A_139 = vector.extract_strided_slice %get3A_67 {offsets = [2], sizes = [1], strides = [1]} : vector<16xi32> to vector<1xi32>
      %squeeze3A_140 = vector.extract %slice3A_139[0] : i32 from vector<1xi32>
      %slice3A_141 = vector.extract_strided_slice %get3A_73 {offsets = [2], sizes = [1], strides = [1]} : vector<16xi32> to vector<1xi32>
      %squeeze3A_142 = vector.extract %slice3A_141[0] : i32 from vector<1xi32>
      %dma_start3A_143 = arith.constant 0 : i32
      %dma_start3A_144 = tpu.memref_slice %arg10[%add3A_138, %dma_start3A_143] : memref<256x64xf32, #tpu.memory_space<vmem>> -> memref<1x64xf32, #tpu.memory_space<vmem>>
      %dma_start3A_145 = arith.constant 0 : i32
      %dma_start3A_146 = tpu.memref_slice %arg4[%squeeze3A_140, %dma_start3A_145] : memref<100000x64xf32, #tpu.memory_space<hbm>> -> memref<1x64xf32, #tpu.memory_space<hbm>>
      %dma_start3A_147 = arith.constant 0 : i32
      %dma_start3A_148 = tpu.memref_slice %arg10[%add3A_138, %dma_start3A_147] : memref<256x64xf32, #tpu.memory_space<vmem>> -> memref<1x64xf32, #tpu.memory_space<vmem>>
      %dma_start3A_149 = arith.constant 0 : i32
      %dma_start3A_150 = tpu.memref_slice %arg4[%squeeze3A_140, %dma_start3A_149] : memref<100000x64xf32, #tpu.memory_space<hbm>> -> memref<1x64xf32, #tpu.memory_space<hbm>>
      tpu.enqueue_dma source(%dma_start3A_150 : memref<1x64xf32, #tpu.memory_space<hbm>>) target(%dma_start3A_148 : memref<1x64xf32, #tpu.memory_space<vmem>>) target_semaphore(%arg14 : memref<!tpu.dma_semaphore, #tpu.memory_space<semaphore_mem>>)
      %dma_start3A_151 = arith.constant 0 : i32
      %dma_start3A_152 = tpu.memref_slice %arg11[%add3A_138, %dma_start3A_151] : memref<256x64xf32, #tpu.memory_space<vmem>> -> memref<1x64xf32, #tpu.memory_space<vmem>>
      %dma_start3A_153 = arith.constant 0 : i32
      %dma_start3A_154 = tpu.memref_slice %arg5[%squeeze3A_142, %dma_start3A_153] : memref<100000x64xf32, #tpu.memory_space<hbm>> -> memref<1x64xf32, #tpu.memory_space<hbm>>
      %dma_start3A_155 = arith.constant 0 : i32
      %dma_start3A_156 = tpu.memref_slice %arg11[%add3A_138, %dma_start3A_155] : memref<256x64xf32, #tpu.memory_space<vmem>> -> memref<1x64xf32, #tpu.memory_space<vmem>>
      %dma_start3A_157 = arith.constant 0 : i32
      %dma_start3A_158 = tpu.memref_slice %arg5[%squeeze3A_142, %dma_start3A_157] : memref<100000x64xf32, #tpu.memory_space<hbm>> -> memref<1x64xf32, #tpu.memory_space<hbm>>
      tpu.enqueue_dma source(%dma_start3A_158 : memref<1x64xf32, #tpu.memory_space<hbm>>) target(%dma_start3A_156 : memref<1x64xf32, #tpu.memory_space<vmem>>) target_semaphore(%arg14 : memref<!tpu.dma_semaphore, #tpu.memory_space<semaphore_mem>>)
      %dma_start3A_159 = arith.constant 0 : i32
      %dma_start3A_160 = tpu.memref_slice %arg12[%add3A_138, %dma_start3A_159] : memref<256x1xf32, #tpu.memory_space<vmem>> -> memref<1x1xf32, #tpu.memory_space<vmem>>
      %dma_start3A_161 = arith.constant 0 : i32
      %dma_start3A_162 = tpu.memref_slice %arg6[%squeeze3A_142, %dma_start3A_161] : memref<100000x1xf32, #tpu.memory_space<hbm>> -> memref<1x1xf32, #tpu.memory_space<hbm>>
      %dma_start3A_163 = arith.constant 0 : i32
      %dma_start3A_164 = tpu.memref_slice %arg12[%add3A_138, %dma_start3A_163] : memref<256x1xf32, #tpu.memory_space<vmem>> -> memref<1x1xf32, #tpu.memory_space<vmem>>
      %dma_start3A_165 = arith.constant 0 : i32
      %dma_start3A_166 = tpu.memref_slice %arg6[%squeeze3A_142, %dma_start3A_165] : memref<100000x1xf32, #tpu.memory_space<hbm>> -> memref<1x1xf32, #tpu.memory_space<hbm>>
      tpu.enqueue_dma source(%dma_start3A_166 : memref<1x1xf32, #tpu.memory_space<hbm>>) target(%dma_start3A_164 : memref<1x1xf32, #tpu.memory_space<vmem>>) target_semaphore(%arg15 : memref<!tpu.dma_semaphore, #tpu.memory_space<semaphore_mem>>)
      %mul3A_167 = arith.constant 16 : i32
      %mul3A_168 = arith.muli %scan3A_62, %mul3A_167 : i32
      %add3A_169 = arith.constant 3 : i32
      %add3A_170 = arith.addi %mul3A_168, %add3A_169 : i32
      %slice3A_171 = vector.extract_strided_slice %get3A_67 {offsets = [3], sizes = [1], strides = [1]} : vector<16xi32> to vector<1xi32>
      %squeeze3A_172 = vector.extract %slice3A_171[0] : i32 from vector<1xi32>
      %slice3A_173 = vector.extract_strided_slice %get3A_73 {offsets = [3], sizes = [1], strides = [1]} : vector<16xi32> to vector<1xi32>
      %squeeze3A_174 = vector.extract %slice3A_173[0] : i32 from vector<1xi32>
      %dma_start3A_175 = arith.constant 0 : i32
      %dma_start3A_176 = tpu.memref_slice %arg10[%add3A_170, %dma_start3A_175] : memref<256x64xf32, #tpu.memory_space<vmem>> -> memref<1x64xf32, #tpu.memory_space<vmem>>
      %dma_start3A_177 = arith.constant 0 : i32
      %dma_start3A_178 = tpu.memref_slice %arg4[%squeeze3A_172, %dma_start3A_177] : memref<100000x64xf32, #tpu.memory_space<hbm>> -> memref<1x64xf32, #tpu.memory_space<hbm>>
      %dma_start3A_179 = arith.constant 0 : i32
      %dma_start3A_180 = tpu.memref_slice %arg10[%add3A_170, %dma_start3A_179] : memref<256x64xf32, #tpu.memory_space<vmem>> -> memref<1x64xf32, #tpu.memory_space<vmem>>
      %dma_start3A_181 = arith.constant 0 : i32
      %dma_start3A_182 = tpu.memref_slice %arg4[%squeeze3A_172, %dma_start3A_181] : memref<100000x64xf32, #tpu.memory_space<hbm>> -> memref<1x64xf32, #tpu.memory_space<hbm>>
      tpu.enqueue_dma source(%dma_start3A_182 : memref<1x64xf32, #tpu.memory_space<hbm>>) target(%dma_start3A_180 : memref<1x64xf32, #tpu.memory_space<vmem>>) target_semaphore(%arg14 : memref<!tpu.dma_semaphore, #tpu.memory_space<semaphore_mem>>)
      %dma_start3A_183 = arith.constant 0 : i32
      %dma_start3A_184 = tpu.memref_slice %arg11[%add3A_170, %dma_start3A_183] : memref<256x64xf32, #tpu.memory_space<vmem>> -> memref<1x64xf32, #tpu.memory_space<vmem>>
      %dma_start3A_185 = arith.constant 0 : i32
      %dma_start3A_186 = tpu.memref_slice %arg5[%squeeze3A_174, %dma_start3A_185] : memref<100000x64xf32, #tpu.memory_space<hbm>> -> memref<1x64xf32, #tpu.memory_space<hbm>>
      %dma_start3A_187 = arith.constant 0 : i32
      %dma_start3A_188 = tpu.memref_slice %arg11[%add3A_170, %dma_start3A_187] : memref<256x64xf32, #tpu.memory_space<vmem>> -> memref<1x64xf32, #tpu.memory_space<vmem>>
      %dma_start3A_189 = arith.constant 0 : i32
      %dma_start3A_190 = tpu.memref_slice %arg5[%squeeze3A_174, %dma_start3A_189] : memref<100000x64xf32, #tpu.memory_space<hbm>> -> memref<1x64xf32, #tpu.memory_space<hbm>>
      tpu.enqueue_dma source(%dma_start3A_190 : memref<1x64xf32, #tpu.memory_space<hbm>>) target(%dma_start3A_188 : memref<1x64xf32, #tpu.memory_space<vmem>>) target_semaphore(%arg14 : memref<!tpu.dma_semaphore, #tpu.memory_space<semaphore_mem>>)
      %dma_start3A_191 = arith.constant 0 : i32
      %dma_start3A_192 = tpu.memref_slice %arg12[%add3A_170, %dma_start3A_191] : memref<256x1xf32, #tpu.memory_space<vmem>> -> memref<1x1xf32, #tpu.memory_space<vmem>>
      %dma_start3A_193 = arith.constant 0 : i32
      %dma_start3A_194 = tpu.memref_slice %arg6[%squeeze3A_174, %dma_start3A_193] : memref<100000x1xf32, #tpu.memory_space<hbm>> -> memref<1x1xf32, #tpu.memory_space<hbm>>
      %dma_start3A_195 = arith.constant 0 : i32
      %dma_start3A_196 = tpu.memref_slice %arg12[%add3A_170, %dma_start3A_195] : memref<256x1xf32, #tpu.memory_space<vmem>> -> memref<1x1xf32, #tpu.memory_space<vmem>>
      %dma_start3A_197 = arith.constant 0 : i32
      %dma_start3A_198 = tpu.memref_slice %arg6[%squeeze3A_174, %dma_start3A_197] : memref<100000x1xf32, #tpu.memory_space<hbm>> -> memref<1x1xf32, #tpu.memory_space<hbm>>
      tpu.enqueue_dma source(%dma_start3A_198 : memref<1x1xf32, #tpu.memory_space<hbm>>) target(%dma_start3A_196 : memref<1x1xf32, #tpu.memory_space<vmem>>) target_semaphore(%arg15 : memref<!tpu.dma_semaphore, #tpu.memory_space<semaphore_mem>>)
      %mul3A_199 = arith.constant 16 : i32
      %mul3A_200 = arith.muli %scan3A_62, %mul3A_199 : i32
      %add3A_201 = arith.constant 4 : i32
      %add3A_202 = arith.addi %mul3A_200, %add3A_201 : i32
      %slice3A_203 = vector.extract_strided_slice %get3A_67 {offsets = [4], sizes = [1], strides = [1]} : vector<16xi32> to vector<1xi32>
      %squeeze3A_204 = vector.extract %slice3A_203[0] : i32 from vector<1xi32>
      %slice3A_205 = vector.extract_strided_slice %get3A_73 {offsets = [4], sizes = [1], strides = [1]} : vector<16xi32> to vector<1xi32>
      %squeeze3A_206 = vector.extract %slice3A_205[0] : i32 from vector<1xi32>
      %dma_start3A_207 = arith.constant 0 : i32
      %dma_start3A_208 = tpu.memref_slice %arg10[%add3A_202, %dma_start3A_207] : memref<256x64xf32, #tpu.memory_space<vmem>> -> memref<1x64xf32, #tpu.memory_space<vmem>>
      %dma_start3A_209 = arith.constant 0 : i32
      %dma_start3A_210 = tpu.memref_slice %arg4[%squeeze3A_204, %dma_start3A_209] : memref<100000x64xf32, #tpu.memory_space<hbm>> -> memref<1x64xf32, #tpu.memory_space<hbm>>
      %dma_start3A_211 = arith.constant 0 : i32
      %dma_start3A_212 = tpu.memref_slice %arg10[%add3A_202, %dma_start3A_211] : memref<256x64xf32, #tpu.memory_space<vmem>> -> memref<1x64xf32, #tpu.memory_space<vmem>>
      %dma_start3A_213 = arith.constant 0 : i32
      %dma_start3A_214 = tpu.memref_slice %arg4[%squeeze3A_204, %dma_start3A_213] : memref<100000x64xf32, #tpu.memory_space<hbm>> -> memref<1x64xf32, #tpu.memory_space<hbm>>
      tpu.enqueue_dma source(%dma_start3A_214 : memref<1x64xf32, #tpu.memory_space<hbm>>) target(%dma_start3A_212 : memref<1x64xf32, #tpu.memory_space<vmem>>) target_semaphore(%arg14 : memref<!tpu.dma_semaphore, #tpu.memory_space<semaphore_mem>>)
      %dma_start3A_215 = arith.constant 0 : i32
      %dma_start3A_216 = tpu.memref_slice %arg11[%add3A_202, %dma_start3A_215] : memref<256x64xf32, #tpu.memory_space<vmem>> -> memref<1x64xf32, #tpu.memory_space<vmem>>
      %dma_start3A_217 = arith.constant 0 : i32
      %dma_start3A_218 = tpu.memref_slice %arg5[%squeeze3A_206, %dma_start3A_217] : memref<100000x64xf32, #tpu.memory_space<hbm>> -> memref<1x64xf32, #tpu.memory_space<hbm>>
      %dma_start3A_219 = arith.constant 0 : i32
      %dma_start3A_220 = tpu.memref_slice %arg11[%add3A_202, %dma_start3A_219] : memref<256x64xf32, #tpu.memory_space<vmem>> -> memref<1x64xf32, #tpu.memory_space<vmem>>
      %dma_start3A_221 = arith.constant 0 : i32
      %dma_start3A_222 = tpu.memref_slice %arg5[%squeeze3A_206, %dma_start3A_221] : memref<100000x64xf32, #tpu.memory_space<hbm>> -> memref<1x64xf32, #tpu.memory_space<hbm>>
      tpu.enqueue_dma source(%dma_start3A_222 : memref<1x64xf32, #tpu.memory_space<hbm>>) target(%dma_start3A_220 : memref<1x64xf32, #tpu.memory_space<vmem>>) target_semaphore(%arg14 : memref<!tpu.dma_semaphore, #tpu.memory_space<semaphore_mem>>)
      %dma_start3A_223 = arith.constant 0 : i32
      %dma_start3A_224 = tpu.memref_slice %arg12[%add3A_202, %dma_start3A_223] : memref<256x1xf32, #tpu.memory_space<vmem>> -> memref<1x1xf32, #tpu.memory_space<vmem>>
      %dma_start3A_225 = arith.constant 0 : i32
      %dma_start3A_226 = tpu.memref_slice %arg6[%squeeze3A_206, %dma_start3A_225] : memref<100000x1xf32, #tpu.memory_space<hbm>> -> memref<1x1xf32, #tpu.memory_space<hbm>>
      %dma_start3A_227 = arith.constant 0 : i32
      %dma_start3A_228 = tpu.memref_slice %arg12[%add3A_202, %dma_start3A_227] : memref<256x1xf32, #tpu.memory_space<vmem>> -> memref<1x1xf32, #tpu.memory_space<vmem>>
      %dma_start3A_229 = arith.constant 0 : i32
      %dma_start3A_230 = tpu.memref_slice %arg6[%squeeze3A_206, %dma_start3A_229] : memref<100000x1xf32, #tpu.memory_space<hbm>> -> memref<1x1xf32, #tpu.memory_space<hbm>>
      tpu.enqueue_dma source(%dma_start3A_230 : memref<1x1xf32, #tpu.memory_space<hbm>>) target(%dma_start3A_228 : memref<1x1xf32, #tpu.memory_space<vmem>>) target_semaphore(%arg15 : memref<!tpu.dma_semaphore, #tpu.memory_space<semaphore_mem>>)
      %mul3A_231 = arith.constant 16 : i32
      %mul3A_232 = arith.muli %scan3A_62, %mul3A_231 : i32
      %add3A_233 = arith.constant 5 : i32
      %add3A_234 = arith.addi %mul3A_232, %add3A_233 : i32
      %slice3A_235 = vector.extract_strided_slice %get3A_67 {offsets = [5], sizes = [1], strides = [1]} : vector<16xi32> to vector<1xi32>
      %squeeze3A_236 = vector.extract %slice3A_235[0] : i32 from vector<1xi32>
      %slice3A_237 = vector.extract_strided_slice %get3A_73 {offsets = [5], sizes = [1], strides = [1]} : vector<16xi32> to vector<1xi32>
      %squeeze3A_238 = vector.extract %slice3A_237[0] : i32 from vector<1xi32>
      %dma_start3A_239 = arith.constant 0 : i32
      %dma_start3A_240 = tpu.memref_slice %arg10[%add3A_234, %dma_start3A_239] : memref<256x64xf32, #tpu.memory_space<vmem>> -> memref<1x64xf32, #tpu.memory_space<vmem>>
      %dma_start3A_241 = arith.constant 0 : i32
      %dma_start3A_242 = tpu.memref_slice %arg4[%squeeze3A_236, %dma_start3A_241] : memref<100000x64xf32, #tpu.memory_space<hbm>> -> memref<1x64xf32, #tpu.memory_space<hbm>>
      %dma_start3A_243 = arith.constant 0 : i32
      %dma_start3A_244 = tpu.memref_slice %arg10[%add3A_234, %dma_start3A_243] : memref<256x64xf32, #tpu.memory_space<vmem>> -> memref<1x64xf32, #tpu.memory_space<vmem>>
      %dma_start3A_245 = arith.constant 0 : i32
      %dma_start3A_246 = tpu.memref_slice %arg4[%squeeze3A_236, %dma_start3A_245] : memref<100000x64xf32, #tpu.memory_space<hbm>> -> memref<1x64xf32, #tpu.memory_space<hbm>>
      tpu.enqueue_dma source(%dma_start3A_246 : memref<1x64xf32, #tpu.memory_space<hbm>>) target(%dma_start3A_244 : memref<1x64xf32, #tpu.memory_space<vmem>>) target_semaphore(%arg14 : memref<!tpu.dma_semaphore, #tpu.memory_space<semaphore_mem>>)
      %dma_start3A_247 = arith.constant 0 : i32
      %dma_start3A_248 = tpu.memref_slice %arg11[%add3A_234, %dma_start3A_247] : memref<256x64xf32, #tpu.memory_space<vmem>> -> memref<1x64xf32, #tpu.memory_space<vmem>>
      %dma_start3A_249 = arith.constant 0 : i32
      %dma_start3A_250 = tpu.memref_slice %arg5[%squeeze3A_238, %dma_start3A_249] : memref<100000x64xf32, #tpu.memory_space<hbm>> -> memref<1x64xf32, #tpu.memory_space<hbm>>
      %dma_start3A_251 = arith.constant 0 : i32
      %dma_start3A_252 = tpu.memref_slice %arg11[%add3A_234, %dma_start3A_251] : memref<256x64xf32, #tpu.memory_space<vmem>> -> memref<1x64xf32, #tpu.memory_space<vmem>>
      %dma_start3A_253 = arith.constant 0 : i32
      %dma_start3A_254 = tpu.memref_slice %arg5[%squeeze3A_238, %dma_start3A_253] : memref<100000x64xf32, #tpu.memory_space<hbm>> -> memref<1x64xf32, #tpu.memory_space<hbm>>
      tpu.enqueue_dma source(%dma_start3A_254 : memref<1x64xf32, #tpu.memory_space<hbm>>) target(%dma_start3A_252 : memref<1x64xf32, #tpu.memory_space<vmem>>) target_semaphore(%arg14 : memref<!tpu.dma_semaphore, #tpu.memory_space<semaphore_mem>>)
      %dma_start3A_255 = arith.constant 0 : i32
      %dma_start3A_256 = tpu.memref_slice %arg12[%add3A_234, %dma_start3A_255] : memref<256x1xf32, #tpu.memory_space<vmem>> -> memref<1x1xf32, #tpu.memory_space<vmem>>
      %dma_start3A_257 = arith.constant 0 : i32
      %dma_start3A_258 = tpu.memref_slice %arg6[%squeeze3A_238, %dma_start3A_257] : memref<100000x1xf32, #tpu.memory_space<hbm>> -> memref<1x1xf32, #tpu.memory_space<hbm>>
      %dma_start3A_259 = arith.constant 0 : i32
      %dma_start3A_260 = tpu.memref_slice %arg12[%add3A_234, %dma_start3A_259] : memref<256x1xf32, #tpu.memory_space<vmem>> -> memref<1x1xf32, #tpu.memory_space<vmem>>
      %dma_start3A_261 = arith.constant 0 : i32
      %dma_start3A_262 = tpu.memref_slice %arg6[%squeeze3A_238, %dma_start3A_261] : memref<100000x1xf32, #tpu.memory_space<hbm>> -> memref<1x1xf32, #tpu.memory_space<hbm>>
      tpu.enqueue_dma source(%dma_start3A_262 : memref<1x1xf32, #tpu.memory_space<hbm>>) target(%dma_start3A_260 : memref<1x1xf32, #tpu.memory_space<vmem>>) target_semaphore(%arg15 : memref<!tpu.dma_semaphore, #tpu.memory_space<semaphore_mem>>)
      %mul3A_263 = arith.constant 16 : i32
      %mul3A_264 = arith.muli %scan3A_62, %mul3A_263 : i32
      %add3A_265 = arith.constant 6 : i32
      %add3A_266 = arith.addi %mul3A_264, %add3A_265 : i32
      %slice3A_267 = vector.extract_strided_slice %get3A_67 {offsets = [6], sizes = [1], strides = [1]} : vector<16xi32> to vector<1xi32>
      %squeeze3A_268 = vector.extract %slice3A_267[0] : i32 from vector<1xi32>
      %slice3A_269 = vector.extract_strided_slice %get3A_73 {offsets = [6], sizes = [1], strides = [1]} : vector<16xi32> to vector<1xi32>
      %squeeze3A_270 = vector.extract %slice3A_269[0] : i32 from vector<1xi32>
      %dma_start3A_271 = arith.constant 0 : i32
      %dma_start3A_272 = tpu.memref_slice %arg10[%add3A_266, %dma_start3A_271] : memref<256x64xf32, #tpu.memory_space<vmem>> -> memref<1x64xf32, #tpu.memory_space<vmem>>
      %dma_start3A_273 = arith.constant 0 : i32
      %dma_start3A_274 = tpu.memref_slice %arg4[%squeeze3A_268, %dma_start3A_273] : memref<100000x64xf32, #tpu.memory_space<hbm>> -> memref<1x64xf32, #tpu.memory_space<hbm>>
      %dma_start3A_275 = arith.constant 0 : i32
      %dma_start3A_276 = tpu.memref_slice %arg10[%add3A_266, %dma_start3A_275] : memref<256x64xf32, #tpu.memory_space<vmem>> -> memref<1x64xf32, #tpu.memory_space<vmem>>
      %dma_start3A_277 = arith.constant 0 : i32
      %dma_start3A_278 = tpu.memref_slice %arg4[%squeeze3A_268, %dma_start3A_277] : memref<100000x64xf32, #tpu.memory_space<hbm>> -> memref<1x64xf32, #tpu.memory_space<hbm>>
      tpu.enqueue_dma source(%dma_start3A_278 : memref<1x64xf32, #tpu.memory_space<hbm>>) target(%dma_start3A_276 : memref<1x64xf32, #tpu.memory_space<vmem>>) target_semaphore(%arg14 : memref<!tpu.dma_semaphore, #tpu.memory_space<semaphore_mem>>)
      %dma_start3A_279 = arith.constant 0 : i32
      %dma_start3A_280 = tpu.memref_slice %arg11[%add3A_266, %dma_start3A_279] : memref<256x64xf32, #tpu.memory_space<vmem>> -> memref<1x64xf32, #tpu.memory_space<vmem>>
      %dma_start3A_281 = arith.constant 0 : i32
      %dma_start3A_282 = tpu.memref_slice %arg5[%squeeze3A_270, %dma_start3A_281] : memref<100000x64xf32, #tpu.memory_space<hbm>> -> memref<1x64xf32, #tpu.memory_space<hbm>>
      %dma_start3A_283 = arith.constant 0 : i32
      %dma_start3A_284 = tpu.memref_slice %arg11[%add3A_266, %dma_start3A_283] : memref<256x64xf32, #tpu.memory_space<vmem>> -> memref<1x64xf32, #tpu.memory_space<vmem>>
      %dma_start3A_285 = arith.constant 0 : i32
      %dma_start3A_286 = tpu.memref_slice %arg5[%squeeze3A_270, %dma_start3A_285] : memref<100000x64xf32, #tpu.memory_space<hbm>> -> memref<1x64xf32, #tpu.memory_space<hbm>>
      tpu.enqueue_dma source(%dma_start3A_286 : memref<1x64xf32, #tpu.memory_space<hbm>>) target(%dma_start3A_284 : memref<1x64xf32, #tpu.memory_space<vmem>>) target_semaphore(%arg14 : memref<!tpu.dma_semaphore, #tpu.memory_space<semaphore_mem>>)
      %dma_start3A_287 = arith.constant 0 : i32
      %dma_start3A_288 = tpu.memref_slice %arg12[%add3A_266, %dma_start3A_287] : memref<256x1xf32, #tpu.memory_space<vmem>> -> memref<1x1xf32, #tpu.memory_space<vmem>>
      %dma_start3A_289 = arith.constant 0 : i32
      %dma_start3A_290 = tpu.memref_slice %arg6[%squeeze3A_270, %dma_start3A_289] : memref<100000x1xf32, #tpu.memory_space<hbm>> -> memref<1x1xf32, #tpu.memory_space<hbm>>
      %dma_start3A_291 = arith.constant 0 : i32
      %dma_start3A_292 = tpu.memref_slice %arg12[%add3A_266, %dma_start3A_291] : memref<256x1xf32, #tpu.memory_space<vmem>> -> memref<1x1xf32, #tpu.memory_space<vmem>>
      %dma_start3A_293 = arith.constant 0 : i32
      %dma_start3A_294 = tpu.memref_slice %arg6[%squeeze3A_270, %dma_start3A_293] : memref<100000x1xf32, #tpu.memory_space<hbm>> -> memref<1x1xf32, #tpu.memory_space<hbm>>
      tpu.enqueue_dma source(%dma_start3A_294 : memref<1x1xf32, #tpu.memory_space<hbm>>) target(%dma_start3A_292 : memref<1x1xf32, #tpu.memory_space<vmem>>) target_semaphore(%arg15 : memref<!tpu.dma_semaphore, #tpu.memory_space<semaphore_mem>>)
      %mul3A_295 = arith.constant 16 : i32
      %mul3A_296 = arith.muli %scan3A_62, %mul3A_295 : i32
      %add3A_297 = arith.constant 7 : i32
      %add3A_298 = arith.addi %mul3A_296, %add3A_297 : i32
      %slice3A_299 = vector.extract_strided_slice %get3A_67 {offsets = [7], sizes = [1], strides = [1]} : vector<16xi32> to vector<1xi32>
      %squeeze3A_300 = vector.extract %slice3A_299[0] : i32 from vector<1xi32>
      %slice3A_301 = vector.extract_strided_slice %get3A_73 {offsets = [7], sizes = [1], strides = [1]} : vector<16xi32> to vector<1xi32>
      %squeeze3A_302 = vector.extract %slice3A_301[0] : i32 from vector<1xi32>
      %dma_start3A_303 = arith.constant 0 : i32
      %dma_start3A_304 = tpu.memref_slice %arg10[%add3A_298, %dma_start3A_303] : memref<256x64xf32, #tpu.memory_space<vmem>> -> memref<1x64xf32, #tpu.memory_space<vmem>>
      %dma_start3A_305 = arith.constant 0 : i32
      %dma_start3A_306 = tpu.memref_slice %arg4[%squeeze3A_300, %dma_start3A_305] : memref<100000x64xf32, #tpu.memory_space<hbm>> -> memref<1x64xf32, #tpu.memory_space<hbm>>
      %dma_start3A_307 = arith.constant 0 : i32
      %dma_start3A_308 = tpu.memref_slice %arg10[%add3A_298, %dma_start3A_307] : memref<256x64xf32, #tpu.memory_space<vmem>> -> memref<1x64xf32, #tpu.memory_space<vmem>>
      %dma_start3A_309 = arith.constant 0 : i32
      %dma_start3A_310 = tpu.memref_slice %arg4[%squeeze3A_300, %dma_start3A_309] : memref<100000x64xf32, #tpu.memory_space<hbm>> -> memref<1x64xf32, #tpu.memory_space<hbm>>
      tpu.enqueue_dma source(%dma_start3A_310 : memref<1x64xf32, #tpu.memory_space<hbm>>) target(%dma_start3A_308 : memref<1x64xf32, #tpu.memory_space<vmem>>) target_semaphore(%arg14 : memref<!tpu.dma_semaphore, #tpu.memory_space<semaphore_mem>>)
      %dma_start3A_311 = arith.constant 0 : i32
      %dma_start3A_312 = tpu.memref_slice %arg11[%add3A_298, %dma_start3A_311] : memref<256x64xf32, #tpu.memory_space<vmem>> -> memref<1x64xf32, #tpu.memory_space<vmem>>
      %dma_start3A_313 = arith.constant 0 : i32
      %dma_start3A_314 = tpu.memref_slice %arg5[%squeeze3A_302, %dma_start3A_313] : memref<100000x64xf32, #tpu.memory_space<hbm>> -> memref<1x64xf32, #tpu.memory_space<hbm>>
      %dma_start3A_315 = arith.constant 0 : i32
      %dma_start3A_316 = tpu.memref_slice %arg11[%add3A_298, %dma_start3A_315] : memref<256x64xf32, #tpu.memory_space<vmem>> -> memref<1x64xf32, #tpu.memory_space<vmem>>
      %dma_start3A_317 = arith.constant 0 : i32
      %dma_start3A_318 = tpu.memref_slice %arg5[%squeeze3A_302, %dma_start3A_317] : memref<100000x64xf32, #tpu.memory_space<hbm>> -> memref<1x64xf32, #tpu.memory_space<hbm>>
      tpu.enqueue_dma source(%dma_start3A_318 : memref<1x64xf32, #tpu.memory_space<hbm>>) target(%dma_start3A_316 : memref<1x64xf32, #tpu.memory_space<vmem>>) target_semaphore(%arg14 : memref<!tpu.dma_semaphore, #tpu.memory_space<semaphore_mem>>)
      %dma_start3A_319 = arith.constant 0 : i32
      %dma_start3A_320 = tpu.memref_slice %arg12[%add3A_298, %dma_start3A_319] : memref<256x1xf32, #tpu.memory_space<vmem>> -> memref<1x1xf32, #tpu.memory_space<vmem>>
      %dma_start3A_321 = arith.constant 0 : i32
      %dma_start3A_322 = tpu.memref_slice %arg6[%squeeze3A_302, %dma_start3A_321] : memref<100000x1xf32, #tpu.memory_space<hbm>> -> memref<1x1xf32, #tpu.memory_space<hbm>>
      %dma_start3A_323 = arith.constant 0 : i32
      %dma_start3A_324 = tpu.memref_slice %arg12[%add3A_298, %dma_start3A_323] : memref<256x1xf32, #tpu.memory_space<vmem>> -> memref<1x1xf32, #tpu.memory_space<vmem>>
      %dma_start3A_325 = arith.constant 0 : i32
      %dma_start3A_326 = tpu.memref_slice %arg6[%squeeze3A_302, %dma_start3A_325] : memref<100000x1xf32, #tpu.memory_space<hbm>> -> memref<1x1xf32, #tpu.memory_space<hbm>>
      tpu.enqueue_dma source(%dma_start3A_326 : memref<1x1xf32, #tpu.memory_space<hbm>>) target(%dma_start3A_324 : memref<1x1xf32, #tpu.memory_space<vmem>>) target_semaphore(%arg15 : memref<!tpu.dma_semaphore, #tpu.memory_space<semaphore_mem>>)
      %mul3A_327 = arith.constant 16 : i32
      %mul3A_328 = arith.muli %scan3A_62, %mul3A_327 : i32
      %add3A_329 = arith.constant 8 : i32
      %add3A_330 = arith.addi %mul3A_328, %add3A_329 : i32
      %slice3A_331 = vector.extract_strided_slice %get3A_67 {offsets = [8], sizes = [1], strides = [1]} : vector<16xi32> to vector<1xi32>
      %squeeze3A_332 = vector.extract %slice3A_331[0] : i32 from vector<1xi32>
      %slice3A_333 = vector.extract_strided_slice %get3A_73 {offsets = [8], sizes = [1], strides = [1]} : vector<16xi32> to vector<1xi32>
      %squeeze3A_334 = vector.extract %slice3A_333[0] : i32 from vector<1xi32>
      %dma_start3A_335 = arith.constant 0 : i32
      %dma_start3A_336 = tpu.memref_slice %arg10[%add3A_330, %dma_start3A_335] : memref<256x64xf32, #tpu.memory_space<vmem>> -> memref<1x64xf32, #tpu.memory_space<vmem>>
      %dma_start3A_337 = arith.constant 0 : i32
      %dma_start3A_338 = tpu.memref_slice %arg4[%squeeze3A_332, %dma_start3A_337] : memref<100000x64xf32, #tpu.memory_space<hbm>> -> memref<1x64xf32, #tpu.memory_space<hbm>>
      %dma_start3A_339 = arith.constant 0 : i32
      %dma_start3A_340 = tpu.memref_slice %arg10[%add3A_330, %dma_start3A_339] : memref<256x64xf32, #tpu.memory_space<vmem>> -> memref<1x64xf32, #tpu.memory_space<vmem>>
      %dma_start3A_341 = arith.constant 0 : i32
      %dma_start3A_342 = tpu.memref_slice %arg4[%squeeze3A_332, %dma_start3A_341] : memref<100000x64xf32, #tpu.memory_space<hbm>> -> memref<1x64xf32, #tpu.memory_space<hbm>>
      tpu.enqueue_dma source(%dma_start3A_342 : memref<1x64xf32, #tpu.memory_space<hbm>>) target(%dma_start3A_340 : memref<1x64xf32, #tpu.memory_space<vmem>>) target_semaphore(%arg14 : memref<!tpu.dma_semaphore, #tpu.memory_space<semaphore_mem>>)
      %dma_start3A_343 = arith.constant 0 : i32
      %dma_start3A_344 = tpu.memref_slice %arg11[%add3A_330, %dma_start3A_343] : memref<256x64xf32, #tpu.memory_space<vmem>> -> memref<1x64xf32, #tpu.memory_space<vmem>>
      %dma_start3A_345 = arith.constant 0 : i32
      %dma_start3A_346 = tpu.memref_slice %arg5[%squeeze3A_334, %dma_start3A_345] : memref<100000x64xf32, #tpu.memory_space<hbm>> -> memref<1x64xf32, #tpu.memory_space<hbm>>
      %dma_start3A_347 = arith.constant 0 : i32
      %dma_start3A_348 = tpu.memref_slice %arg11[%add3A_330, %dma_start3A_347] : memref<256x64xf32, #tpu.memory_space<vmem>> -> memref<1x64xf32, #tpu.memory_space<vmem>>
      %dma_start3A_349 = arith.constant 0 : i32
      %dma_start3A_350 = tpu.memref_slice %arg5[%squeeze3A_334, %dma_start3A_349] : memref<100000x64xf32, #tpu.memory_space<hbm>> -> memref<1x64xf32, #tpu.memory_space<hbm>>
      tpu.enqueue_dma source(%dma_start3A_350 : memref<1x64xf32, #tpu.memory_space<hbm>>) target(%dma_start3A_348 : memref<1x64xf32, #tpu.memory_space<vmem>>) target_semaphore(%arg14 : memref<!tpu.dma_semaphore, #tpu.memory_space<semaphore_mem>>)
      %dma_start3A_351 = arith.constant 0 : i32
      %dma_start3A_352 = tpu.memref_slice %arg12[%add3A_330, %dma_start3A_351] : memref<256x1xf32, #tpu.memory_space<vmem>> -> memref<1x1xf32, #tpu.memory_space<vmem>>
      %dma_start3A_353 = arith.constant 0 : i32
      %dma_start3A_354 = tpu.memref_slice %arg6[%squeeze3A_334, %dma_start3A_353] : memref<100000x1xf32, #tpu.memory_space<hbm>> -> memref<1x1xf32, #tpu.memory_space<hbm>>
      %dma_start3A_355 = arith.constant 0 : i32
      %dma_start3A_356 = tpu.memref_slice %arg12[%add3A_330, %dma_start3A_355] : memref<256x1xf32, #tpu.memory_space<vmem>> -> memref<1x1xf32, #tpu.memory_space<vmem>>
      %dma_start3A_357 = arith.constant 0 : i32
      %dma_start3A_358 = tpu.memref_slice %arg6[%squeeze3A_334, %dma_start3A_357] : memref<100000x1xf32, #tpu.memory_space<hbm>> -> memref<1x1xf32, #tpu.memory_space<hbm>>
      tpu.enqueue_dma source(%dma_start3A_358 : memref<1x1xf32, #tpu.memory_space<hbm>>) target(%dma_start3A_356 : memref<1x1xf32, #tpu.memory_space<vmem>>) target_semaphore(%arg15 : memref<!tpu.dma_semaphore, #tpu.memory_space<semaphore_mem>>)
      %mul3A_359 = arith.constant 16 : i32
      %mul3A_360 = arith.muli %scan3A_62, %mul3A_359 : i32
      %add3A_361 = arith.constant 9 : i32
      %add3A_362 = arith.addi %mul3A_360, %add3A_361 : i32
      %slice3A_363 = vector.extract_strided_slice %get3A_67 {offsets = [9], sizes = [1], strides = [1]} : vector<16xi32> to vector<1xi32>
      %squeeze3A_364 = vector.extract %slice3A_363[0] : i32 from vector<1xi32>
      %slice3A_365 = vector.extract_strided_slice %get3A_73 {offsets = [9], sizes = [1], strides = [1]} : vector<16xi32> to vector<1xi32>
      %squeeze3A_366 = vector.extract %slice3A_365[0] : i32 from vector<1xi32>
      %dma_start3A_367 = arith.constant 0 : i32
      %dma_start3A_368 = tpu.memref_slice %arg10[%add3A_362, %dma_start3A_367] : memref<256x64xf32, #tpu.memory_space<vmem>> -> memref<1x64xf32, #tpu.memory_space<vmem>>
      %dma_start3A_369 = arith.constant 0 : i32
      %dma_start3A_370 = tpu.memref_slice %arg4[%squeeze3A_364, %dma_start3A_369] : memref<100000x64xf32, #tpu.memory_space<hbm>> -> memref<1x64xf32, #tpu.memory_space<hbm>>
      %dma_start3A_371 = arith.constant 0 : i32
      %dma_start3A_372 = tpu.memref_slice %arg10[%add3A_362, %dma_start3A_371] : memref<256x64xf32, #tpu.memory_space<vmem>> -> memref<1x64xf32, #tpu.memory_space<vmem>>
      %dma_start3A_373 = arith.constant 0 : i32
      %dma_start3A_374 = tpu.memref_slice %arg4[%squeeze3A_364, %dma_start3A_373] : memref<100000x64xf32, #tpu.memory_space<hbm>> -> memref<1x64xf32, #tpu.memory_space<hbm>>
      tpu.enqueue_dma source(%dma_start3A_374 : memref<1x64xf32, #tpu.memory_space<hbm>>) target(%dma_start3A_372 : memref<1x64xf32, #tpu.memory_space<vmem>>) target_semaphore(%arg14 : memref<!tpu.dma_semaphore, #tpu.memory_space<semaphore_mem>>)
      %dma_start3A_375 = arith.constant 0 : i32
      %dma_start3A_376 = tpu.memref_slice %arg11[%add3A_362, %dma_start3A_375] : memref<256x64xf32, #tpu.memory_space<vmem>> -> memref<1x64xf32, #tpu.memory_space<vmem>>
      %dma_start3A_377 = arith.constant 0 : i32
      %dma_start3A_378 = tpu.memref_slice %arg5[%squeeze3A_366, %dma_start3A_377] : memref<100000x64xf32, #tpu.memory_space<hbm>> -> memref<1x64xf32, #tpu.memory_space<hbm>>
      %dma_start3A_379 = arith.constant 0 : i32
      %dma_start3A_380 = tpu.memref_slice %arg11[%add3A_362, %dma_start3A_379] : memref<256x64xf32, #tpu.memory_space<vmem>> -> memref<1x64xf32, #tpu.memory_space<vmem>>
      %dma_start3A_381 = arith.constant 0 : i32
      %dma_start3A_382 = tpu.memref_slice %arg5[%squeeze3A_366, %dma_start3A_381] : memref<100000x64xf32, #tpu.memory_space<hbm>> -> memref<1x64xf32, #tpu.memory_space<hbm>>
      tpu.enqueue_dma source(%dma_start3A_382 : memref<1x64xf32, #tpu.memory_space<hbm>>) target(%dma_start3A_380 : memref<1x64xf32, #tpu.memory_space<vmem>>) target_semaphore(%arg14 : memref<!tpu.dma_semaphore, #tpu.memory_space<semaphore_mem>>)
      %dma_start3A_383 = arith.constant 0 : i32
      %dma_start3A_384 = tpu.memref_slice %arg12[%add3A_362, %dma_start3A_383] : memref<256x1xf32, #tpu.memory_space<vmem>> -> memref<1x1xf32, #tpu.memory_space<vmem>>
      %dma_start3A_385 = arith.constant 0 : i32
      %dma_start3A_386 = tpu.memref_slice %arg6[%squeeze3A_366, %dma_start3A_385] : memref<100000x1xf32, #tpu.memory_space<hbm>> -> memref<1x1xf32, #tpu.memory_space<hbm>>
      %dma_start3A_387 = arith.constant 0 : i32
      %dma_start3A_388 = tpu.memref_slice %arg12[%add3A_362, %dma_start3A_387] : memref<256x1xf32, #tpu.memory_space<vmem>> -> memref<1x1xf32, #tpu.memory_space<vmem>>
      %dma_start3A_389 = arith.constant 0 : i32
      %dma_start3A_390 = tpu.memref_slice %arg6[%squeeze3A_366, %dma_start3A_389] : memref<100000x1xf32, #tpu.memory_space<hbm>> -> memref<1x1xf32, #tpu.memory_space<hbm>>
      tpu.enqueue_dma source(%dma_start3A_390 : memref<1x1xf32, #tpu.memory_space<hbm>>) target(%dma_start3A_388 : memref<1x1xf32, #tpu.memory_space<vmem>>) target_semaphore(%arg15 : memref<!tpu.dma_semaphore, #tpu.memory_space<semaphore_mem>>)
      %mul3A_391 = arith.constant 16 : i32
      %mul3A_392 = arith.muli %scan3A_62, %mul3A_391 : i32
      %add3A_393 = arith.constant 10 : i32
      %add3A_394 = arith.addi %mul3A_392, %add3A_393 : i32
      %slice3A_395 = vector.extract_strided_slice %get3A_67 {offsets = [10], sizes = [1], strides = [1]} : vector<16xi32> to vector<1xi32>
      %squeeze3A_396 = vector.extract %slice3A_395[0] : i32 from vector<1xi32>
      %slice3A_397 = vector.extract_strided_slice %get3A_73 {offsets = [10], sizes = [1], strides = [1]} : vector<16xi32> to vector<1xi32>
      %squeeze3A_398 = vector.extract %slice3A_397[0] : i32 from vector<1xi32>
      %dma_start3A_399 = arith.constant 0 : i32
      %dma_start3A_400 = tpu.memref_slice %arg10[%add3A_394, %dma_start3A_399] : memref<256x64xf32, #tpu.memory_space<vmem>> -> memref<1x64xf32, #tpu.memory_space<vmem>>
      %dma_start3A_401 = arith.constant 0 : i32
      %dma_start3A_402 = tpu.memref_slice %arg4[%squeeze3A_396, %dma_start3A_401] : memref<100000x64xf32, #tpu.memory_space<hbm>> -> memref<1x64xf32, #tpu.memory_space<hbm>>
      %dma_start3A_403 = arith.constant 0 : i32
      %dma_start3A_404 = tpu.memref_slice %arg10[%add3A_394, %dma_start3A_403] : memref<256x64xf32, #tpu.memory_space<vmem>> -> memref<1x64xf32, #tpu.memory_space<vmem>>
      %dma_start3A_405 = arith.constant 0 : i32
      %dma_start3A_406 = tpu.memref_slice %arg4[%squeeze3A_396, %dma_start3A_405] : memref<100000x64xf32, #tpu.memory_space<hbm>> -> memref<1x64xf32, #tpu.memory_space<hbm>>
      tpu.enqueue_dma source(%dma_start3A_406 : memref<1x64xf32, #tpu.memory_space<hbm>>) target(%dma_start3A_404 : memref<1x64xf32, #tpu.memory_space<vmem>>) target_semaphore(%arg14 : memref<!tpu.dma_semaphore, #tpu.memory_space<semaphore_mem>>)
      %dma_start3A_407 = arith.constant 0 : i32
      %dma_start3A_408 = tpu.memref_slice %arg11[%add3A_394, %dma_start3A_407] : memref<256x64xf32, #tpu.memory_space<vmem>> -> memref<1x64xf32, #tpu.memory_space<vmem>>
      %dma_start3A_409 = arith.constant 0 : i32
      %dma_start3A_410 = tpu.memref_slice %arg5[%squeeze3A_398, %dma_start3A_409] : memref<100000x64xf32, #tpu.memory_space<hbm>> -> memref<1x64xf32, #tpu.memory_space<hbm>>
      %dma_start3A_411 = arith.constant 0 : i32
      %dma_start3A_412 = tpu.memref_slice %arg11[%add3A_394, %dma_start3A_411] : memref<256x64xf32, #tpu.memory_space<vmem>> -> memref<1x64xf32, #tpu.memory_space<vmem>>
      %dma_start3A_413 = arith.constant 0 : i32
      %dma_start3A_414 = tpu.memref_slice %arg5[%squeeze3A_398, %dma_start3A_413] : memref<100000x64xf32, #tpu.memory_space<hbm>> -> memref<1x64xf32, #tpu.memory_space<hbm>>
      tpu.enqueue_dma source(%dma_start3A_414 : memref<1x64xf32, #tpu.memory_space<hbm>>) target(%dma_start3A_412 : memref<1x64xf32, #tpu.memory_space<vmem>>) target_semaphore(%arg14 : memref<!tpu.dma_semaphore, #tpu.memory_space<semaphore_mem>>)
      %dma_start3A_415 = arith.constant 0 : i32
      %dma_start3A_416 = tpu.memref_slice %arg12[%add3A_394, %dma_start3A_415] : memref<256x1xf32, #tpu.memory_space<vmem>> -> memref<1x1xf32, #tpu.memory_space<vmem>>
      %dma_start3A_417 = arith.constant 0 : i32
      %dma_start3A_418 = tpu.memref_slice %arg6[%squeeze3A_398, %dma_start3A_417] : memref<100000x1xf32, #tpu.memory_space<hbm>> -> memref<1x1xf32, #tpu.memory_space<hbm>>
      %dma_start3A_419 = arith.constant 0 : i32
      %dma_start3A_420 = tpu.memref_slice %arg12[%add3A_394, %dma_start3A_419] : memref<256x1xf32, #tpu.memory_space<vmem>> -> memref<1x1xf32, #tpu.memory_space<vmem>>
      %dma_start3A_421 = arith.constant 0 : i32
      %dma_start3A_422 = tpu.memref_slice %arg6[%squeeze3A_398, %dma_start3A_421] : memref<100000x1xf32, #tpu.memory_space<hbm>> -> memref<1x1xf32, #tpu.memory_space<hbm>>
      tpu.enqueue_dma source(%dma_start3A_422 : memref<1x1xf32, #tpu.memory_space<hbm>>) target(%dma_start3A_420 : memref<1x1xf32, #tpu.memory_space<vmem>>) target_semaphore(%arg15 : memref<!tpu.dma_semaphore, #tpu.memory_space<semaphore_mem>>)
      %mul3A_423 = arith.constant 16 : i32
      %mul3A_424 = arith.muli %scan3A_62, %mul3A_423 : i32
      %add3A_425 = arith.constant 11 : i32
      %add3A_426 = arith.addi %mul3A_424, %add3A_425 : i32
      %slice3A_427 = vector.extract_strided_slice %get3A_67 {offsets = [11], sizes = [1], strides = [1]} : vector<16xi32> to vector<1xi32>
      %squeeze3A_428 = vector.extract %slice3A_427[0] : i32 from vector<1xi32>
      %slice3A_429 = vector.extract_strided_slice %get3A_73 {offsets = [11], sizes = [1], strides = [1]} : vector<16xi32> to vector<1xi32>
      %squeeze3A_430 = vector.extract %slice3A_429[0] : i32 from vector<1xi32>
      %dma_start3A_431 = arith.constant 0 : i32
      %dma_start3A_432 = tpu.memref_slice %arg10[%add3A_426, %dma_start3A_431] : memref<256x64xf32, #tpu.memory_space<vmem>> -> memref<1x64xf32, #tpu.memory_space<vmem>>
      %dma_start3A_433 = arith.constant 0 : i32
      %dma_start3A_434 = tpu.memref_slice %arg4[%squeeze3A_428, %dma_start3A_433] : memref<100000x64xf32, #tpu.memory_space<hbm>> -> memref<1x64xf32, #tpu.memory_space<hbm>>
      %dma_start3A_435 = arith.constant 0 : i32
      %dma_start3A_436 = tpu.memref_slice %arg10[%add3A_426, %dma_start3A_435] : memref<256x64xf32, #tpu.memory_space<vmem>> -> memref<1x64xf32, #tpu.memory_space<vmem>>
      %dma_start3A_437 = arith.constant 0 : i32
      %dma_start3A_438 = tpu.memref_slice %arg4[%squeeze3A_428, %dma_start3A_437] : memref<100000x64xf32, #tpu.memory_space<hbm>> -> memref<1x64xf32, #tpu.memory_space<hbm>>
      tpu.enqueue_dma source(%dma_start3A_438 : memref<1x64xf32, #tpu.memory_space<hbm>>) target(%dma_start3A_436 : memref<1x64xf32, #tpu.memory_space<vmem>>) target_semaphore(%arg14 : memref<!tpu.dma_semaphore, #tpu.memory_space<semaphore_mem>>)
      %dma_start3A_439 = arith.constant 0 : i32
      %dma_start3A_440 = tpu.memref_slice %arg11[%add3A_426, %dma_start3A_439] : memref<256x64xf32, #tpu.memory_space<vmem>> -> memref<1x64xf32, #tpu.memory_space<vmem>>
      %dma_start3A_441 = arith.constant 0 : i32
      %dma_start3A_442 = tpu.memref_slice %arg5[%squeeze3A_430, %dma_start3A_441] : memref<100000x64xf32, #tpu.memory_space<hbm>> -> memref<1x64xf32, #tpu.memory_space<hbm>>
      %dma_start3A_443 = arith.constant 0 : i32
      %dma_start3A_444 = tpu.memref_slice %arg11[%add3A_426, %dma_start3A_443] : memref<256x64xf32, #tpu.memory_space<vmem>> -> memref<1x64xf32, #tpu.memory_space<vmem>>
      %dma_start3A_445 = arith.constant 0 : i32
      %dma_start3A_446 = tpu.memref_slice %arg5[%squeeze3A_430, %dma_start3A_445] : memref<100000x64xf32, #tpu.memory_space<hbm>> -> memref<1x64xf32, #tpu.memory_space<hbm>>
      tpu.enqueue_dma source(%dma_start3A_446 : memref<1x64xf32, #tpu.memory_space<hbm>>) target(%dma_start3A_444 : memref<1x64xf32, #tpu.memory_space<vmem>>) target_semaphore(%arg14 : memref<!tpu.dma_semaphore, #tpu.memory_space<semaphore_mem>>)
      %dma_start3A_447 = arith.constant 0 : i32
      %dma_start3A_448 = tpu.memref_slice %arg12[%add3A_426, %dma_start3A_447] : memref<256x1xf32, #tpu.memory_space<vmem>> -> memref<1x1xf32, #tpu.memory_space<vmem>>
      %dma_start3A_449 = arith.constant 0 : i32
      %dma_start3A_450 = tpu.memref_slice %arg6[%squeeze3A_430, %dma_start3A_449] : memref<100000x1xf32, #tpu.memory_space<hbm>> -> memref<1x1xf32, #tpu.memory_space<hbm>>
      %dma_start3A_451 = arith.constant 0 : i32
      %dma_start3A_452 = tpu.memref_slice %arg12[%add3A_426, %dma_start3A_451] : memref<256x1xf32, #tpu.memory_space<vmem>> -> memref<1x1xf32, #tpu.memory_space<vmem>>
      %dma_start3A_453 = arith.constant 0 : i32
      %dma_start3A_454 = tpu.memref_slice %arg6[%squeeze3A_430, %dma_start3A_453] : memref<100000x1xf32, #tpu.memory_space<hbm>> -> memref<1x1xf32, #tpu.memory_space<hbm>>
      tpu.enqueue_dma source(%dma_start3A_454 : memref<1x1xf32, #tpu.memory_space<hbm>>) target(%dma_start3A_452 : memref<1x1xf32, #tpu.memory_space<vmem>>) target_semaphore(%arg15 : memref<!tpu.dma_semaphore, #tpu.memory_space<semaphore_mem>>)
      %mul3A_455 = arith.constant 16 : i32
      %mul3A_456 = arith.muli %scan3A_62, %mul3A_455 : i32
      %add3A_457 = arith.constant 12 : i32
      %add3A_458 = arith.addi %mul3A_456, %add3A_457 : i32
      %slice3A_459 = vector.extract_strided_slice %get3A_67 {offsets = [12], sizes = [1], strides = [1]} : vector<16xi32> to vector<1xi32>
      %squeeze3A_460 = vector.extract %slice3A_459[0] : i32 from vector<1xi32>
      %slice3A_461 = vector.extract_strided_slice %get3A_73 {offsets = [12], sizes = [1], strides = [1]} : vector<16xi32> to vector<1xi32>
      %squeeze3A_462 = vector.extract %slice3A_461[0] : i32 from vector<1xi32>
      %dma_start3A_463 = arith.constant 0 : i32
      %dma_start3A_464 = tpu.memref_slice %arg10[%add3A_458, %dma_start3A_463] : memref<256x64xf32, #tpu.memory_space<vmem>> -> memref<1x64xf32, #tpu.memory_space<vmem>>
      %dma_start3A_465 = arith.constant 0 : i32
      %dma_start3A_466 = tpu.memref_slice %arg4[%squeeze3A_460, %dma_start3A_465] : memref<100000x64xf32, #tpu.memory_space<hbm>> -> memref<1x64xf32, #tpu.memory_space<hbm>>
      %dma_start3A_467 = arith.constant 0 : i32
      %dma_start3A_468 = tpu.memref_slice %arg10[%add3A_458, %dma_start3A_467] : memref<256x64xf32, #tpu.memory_space<vmem>> -> memref<1x64xf32, #tpu.memory_space<vmem>>
      %dma_start3A_469 = arith.constant 0 : i32
      %dma_start3A_470 = tpu.memref_slice %arg4[%squeeze3A_460, %dma_start3A_469] : memref<100000x64xf32, #tpu.memory_space<hbm>> -> memref<1x64xf32, #tpu.memory_space<hbm>>
      tpu.enqueue_dma source(%dma_start3A_470 : memref<1x64xf32, #tpu.memory_space<hbm>>) target(%dma_start3A_468 : memref<1x64xf32, #tpu.memory_space<vmem>>) target_semaphore(%arg14 : memref<!tpu.dma_semaphore, #tpu.memory_space<semaphore_mem>>)
      %dma_start3A_471 = arith.constant 0 : i32
      %dma_start3A_472 = tpu.memref_slice %arg11[%add3A_458, %dma_start3A_471] : memref<256x64xf32, #tpu.memory_space<vmem>> -> memref<1x64xf32, #tpu.memory_space<vmem>>
      %dma_start3A_473 = arith.constant 0 : i32
      %dma_start3A_474 = tpu.memref_slice %arg5[%squeeze3A_462, %dma_start3A_473] : memref<100000x64xf32, #tpu.memory_space<hbm>> -> memref<1x64xf32, #tpu.memory_space<hbm>>
      %dma_start3A_475 = arith.constant 0 : i32
      %dma_start3A_476 = tpu.memref_slice %arg11[%add3A_458, %dma_start3A_475] : memref<256x64xf32, #tpu.memory_space<vmem>> -> memref<1x64xf32, #tpu.memory_space<vmem>>
      %dma_start3A_477 = arith.constant 0 : i32
      %dma_start3A_478 = tpu.memref_slice %arg5[%squeeze3A_462, %dma_start3A_477] : memref<100000x64xf32, #tpu.memory_space<hbm>> -> memref<1x64xf32, #tpu.memory_space<hbm>>
      tpu.enqueue_dma source(%dma_start3A_478 : memref<1x64xf32, #tpu.memory_space<hbm>>) target(%dma_start3A_476 : memref<1x64xf32, #tpu.memory_space<vmem>>) target_semaphore(%arg14 : memref<!tpu.dma_semaphore, #tpu.memory_space<semaphore_mem>>)
      %dma_start3A_479 = arith.constant 0 : i32
      %dma_start3A_480 = tpu.memref_slice %arg12[%add3A_458, %dma_start3A_479] : memref<256x1xf32, #tpu.memory_space<vmem>> -> memref<1x1xf32, #tpu.memory_space<vmem>>
      %dma_start3A_481 = arith.constant 0 : i32
      %dma_start3A_482 = tpu.memref_slice %arg6[%squeeze3A_462, %dma_start3A_481] : memref<100000x1xf32, #tpu.memory_space<hbm>> -> memref<1x1xf32, #tpu.memory_space<hbm>>
      %dma_start3A_483 = arith.constant 0 : i32
      %dma_start3A_484 = tpu.memref_slice %arg12[%add3A_458, %dma_start3A_483] : memref<256x1xf32, #tpu.memory_space<vmem>> -> memref<1x1xf32, #tpu.memory_space<vmem>>
      %dma_start3A_485 = arith.constant 0 : i32
      %dma_start3A_486 = tpu.memref_slice %arg6[%squeeze3A_462, %dma_start3A_485] : memref<100000x1xf32, #tpu.memory_space<hbm>> -> memref<1x1xf32, #tpu.memory_space<hbm>>
      tpu.enqueue_dma source(%dma_start3A_486 : memref<1x1xf32, #tpu.memory_space<hbm>>) target(%dma_start3A_484 : memref<1x1xf32, #tpu.memory_space<vmem>>) target_semaphore(%arg15 : memref<!tpu.dma_semaphore, #tpu.memory_space<semaphore_mem>>)
      %mul3A_487 = arith.constant 16 : i32
      %mul3A_488 = arith.muli %scan3A_62, %mul3A_487 : i32
      %add3A_489 = arith.constant 13 : i32
      %add3A_490 = arith.addi %mul3A_488, %add3A_489 : i32
      %slice3A_491 = vector.extract_strided_slice %get3A_67 {offsets = [13], sizes = [1], strides = [1]} : vector<16xi32> to vector<1xi32>
      %squeeze3A_492 = vector.extract %slice3A_491[0] : i32 from vector<1xi32>
      %slice3A_493 = vector.extract_strided_slice %get3A_73 {offsets = [13], sizes = [1], strides = [1]} : vector<16xi32> to vector<1xi32>
      %squeeze3A_494 = vector.extract %slice3A_493[0] : i32 from vector<1xi32>
      %dma_start3A_495 = arith.constant 0 : i32
      %dma_start3A_496 = tpu.memref_slice %arg10[%add3A_490, %dma_start3A_495] : memref<256x64xf32, #tpu.memory_space<vmem>> -> memref<1x64xf32, #tpu.memory_space<vmem>>
      %dma_start3A_497 = arith.constant 0 : i32
      %dma_start3A_498 = tpu.memref_slice %arg4[%squeeze3A_492, %dma_start3A_497] : memref<100000x64xf32, #tpu.memory_space<hbm>> -> memref<1x64xf32, #tpu.memory_space<hbm>>
      %dma_start3A_499 = arith.constant 0 : i32
      %dma_start3A_500 = tpu.memref_slice %arg10[%add3A_490, %dma_start3A_499] : memref<256x64xf32, #tpu.memory_space<vmem>> -> memref<1x64xf32, #tpu.memory_space<vmem>>
      %dma_start3A_501 = arith.constant 0 : i32
      %dma_start3A_502 = tpu.memref_slice %arg4[%squeeze3A_492, %dma_start3A_501] : memref<100000x64xf32, #tpu.memory_space<hbm>> -> memref<1x64xf32, #tpu.memory_space<hbm>>
      tpu.enqueue_dma source(%dma_start3A_502 : memref<1x64xf32, #tpu.memory_space<hbm>>) target(%dma_start3A_500 : memref<1x64xf32, #tpu.memory_space<vmem>>) target_semaphore(%arg14 : memref<!tpu.dma_semaphore, #tpu.memory_space<semaphore_mem>>)
      %dma_start3A_503 = arith.constant 0 : i32
      %dma_start3A_504 = tpu.memref_slice %arg11[%add3A_490, %dma_start3A_503] : memref<256x64xf32, #tpu.memory_space<vmem>> -> memref<1x64xf32, #tpu.memory_space<vmem>>
      %dma_start3A_505 = arith.constant 0 : i32
      %dma_start3A_506 = tpu.memref_slice %arg5[%squeeze3A_494, %dma_start3A_505] : memref<100000x64xf32, #tpu.memory_space<hbm>> -> memref<1x64xf32, #tpu.memory_space<hbm>>
      %dma_start3A_507 = arith.constant 0 : i32
      %dma_start3A_508 = tpu.memref_slice %arg11[%add3A_490, %dma_start3A_507] : memref<256x64xf32, #tpu.memory_space<vmem>> -> memref<1x64xf32, #tpu.memory_space<vmem>>
      %dma_start3A_509 = arith.constant 0 : i32
      %dma_start3A_510 = tpu.memref_slice %arg5[%squeeze3A_494, %dma_start3A_509] : memref<100000x64xf32, #tpu.memory_space<hbm>> -> memref<1x64xf32, #tpu.memory_space<hbm>>
      tpu.enqueue_dma source(%dma_start3A_510 : memref<1x64xf32, #tpu.memory_space<hbm>>) target(%dma_start3A_508 : memref<1x64xf32, #tpu.memory_space<vmem>>) target_semaphore(%arg14 : memref<!tpu.dma_semaphore, #tpu.memory_space<semaphore_mem>>)
      %dma_start3A_511 = arith.constant 0 : i32
      %dma_start3A_512 = tpu.memref_slice %arg12[%add3A_490, %dma_start3A_511] : memref<256x1xf32, #tpu.memory_space<vmem>> -> memref<1x1xf32, #tpu.memory_space<vmem>>
      %dma_start3A_513 = arith.constant 0 : i32
      %dma_start3A_514 = tpu.memref_slice %arg6[%squeeze3A_494, %dma_start3A_513] : memref<100000x1xf32, #tpu.memory_space<hbm>> -> memref<1x1xf32, #tpu.memory_space<hbm>>
      %dma_start3A_515 = arith.constant 0 : i32
      %dma_start3A_516 = tpu.memref_slice %arg12[%add3A_490, %dma_start3A_515] : memref<256x1xf32, #tpu.memory_space<vmem>> -> memref<1x1xf32, #tpu.memory_space<vmem>>
      %dma_start3A_517 = arith.constant 0 : i32
      %dma_start3A_518 = tpu.memref_slice %arg6[%squeeze3A_494, %dma_start3A_517] : memref<100000x1xf32, #tpu.memory_space<hbm>> -> memref<1x1xf32, #tpu.memory_space<hbm>>
      tpu.enqueue_dma source(%dma_start3A_518 : memref<1x1xf32, #tpu.memory_space<hbm>>) target(%dma_start3A_516 : memref<1x1xf32, #tpu.memory_space<vmem>>) target_semaphore(%arg15 : memref<!tpu.dma_semaphore, #tpu.memory_space<semaphore_mem>>)
      %mul3A_519 = arith.constant 16 : i32
      %mul3A_520 = arith.muli %scan3A_62, %mul3A_519 : i32
      %add3A_521 = arith.constant 14 : i32
      %add3A_522 = arith.addi %mul3A_520, %add3A_521 : i32
      %slice3A_523 = vector.extract_strided_slice %get3A_67 {offsets = [14], sizes = [1], strides = [1]} : vector<16xi32> to vector<1xi32>
      %squeeze3A_524 = vector.extract %slice3A_523[0] : i32 from vector<1xi32>
      %slice3A_525 = vector.extract_strided_slice %get3A_73 {offsets = [14], sizes = [1], strides = [1]} : vector<16xi32> to vector<1xi32>
      %squeeze3A_526 = vector.extract %slice3A_525[0] : i32 from vector<1xi32>
      %dma_start3A_527 = arith.constant 0 : i32
      %dma_start3A_528 = tpu.memref_slice %arg10[%add3A_522, %dma_start3A_527] : memref<256x64xf32, #tpu.memory_space<vmem>> -> memref<1x64xf32, #tpu.memory_space<vmem>>
      %dma_start3A_529 = arith.constant 0 : i32
      %dma_start3A_530 = tpu.memref_slice %arg4[%squeeze3A_524, %dma_start3A_529] : memref<100000x64xf32, #tpu.memory_space<hbm>> -> memref<1x64xf32, #tpu.memory_space<hbm>>
      %dma_start3A_531 = arith.constant 0 : i32
      %dma_start3A_532 = tpu.memref_slice %arg10[%add3A_522, %dma_start3A_531] : memref<256x64xf32, #tpu.memory_space<vmem>> -> memref<1x64xf32, #tpu.memory_space<vmem>>
      %dma_start3A_533 = arith.constant 0 : i32
      %dma_start3A_534 = tpu.memref_slice %arg4[%squeeze3A_524, %dma_start3A_533] : memref<100000x64xf32, #tpu.memory_space<hbm>> -> memref<1x64xf32, #tpu.memory_space<hbm>>
      tpu.enqueue_dma source(%dma_start3A_534 : memref<1x64xf32, #tpu.memory_space<hbm>>) target(%dma_start3A_532 : memref<1x64xf32, #tpu.memory_space<vmem>>) target_semaphore(%arg14 : memref<!tpu.dma_semaphore, #tpu.memory_space<semaphore_mem>>)
      %dma_start3A_535 = arith.constant 0 : i32
      %dma_start3A_536 = tpu.memref_slice %arg11[%add3A_522, %dma_start3A_535] : memref<256x64xf32, #tpu.memory_space<vmem>> -> memref<1x64xf32, #tpu.memory_space<vmem>>
      %dma_start3A_537 = arith.constant 0 : i32
      %dma_start3A_538 = tpu.memref_slice %arg5[%squeeze3A_526, %dma_start3A_537] : memref<100000x64xf32, #tpu.memory_space<hbm>> -> memref<1x64xf32, #tpu.memory_space<hbm>>
      %dma_start3A_539 = arith.constant 0 : i32
      %dma_start3A_540 = tpu.memref_slice %arg11[%add3A_522, %dma_start3A_539] : memref<256x64xf32, #tpu.memory_space<vmem>> -> memref<1x64xf32, #tpu.memory_space<vmem>>
      %dma_start3A_541 = arith.constant 0 : i32
      %dma_start3A_542 = tpu.memref_slice %arg5[%squeeze3A_526, %dma_start3A_541] : memref<100000x64xf32, #tpu.memory_space<hbm>> -> memref<1x64xf32, #tpu.memory_space<hbm>>
      tpu.enqueue_dma source(%dma_start3A_542 : memref<1x64xf32, #tpu.memory_space<hbm>>) target(%dma_start3A_540 : memref<1x64xf32, #tpu.memory_space<vmem>>) target_semaphore(%arg14 : memref<!tpu.dma_semaphore, #tpu.memory_space<semaphore_mem>>)
      %dma_start3A_543 = arith.constant 0 : i32
      %dma_start3A_544 = tpu.memref_slice %arg12[%add3A_522, %dma_start3A_543] : memref<256x1xf32, #tpu.memory_space<vmem>> -> memref<1x1xf32, #tpu.memory_space<vmem>>
      %dma_start3A_545 = arith.constant 0 : i32
      %dma_start3A_546 = tpu.memref_slice %arg6[%squeeze3A_526, %dma_start3A_545] : memref<100000x1xf32, #tpu.memory_space<hbm>> -> memref<1x1xf32, #tpu.memory_space<hbm>>
      %dma_start3A_547 = arith.constant 0 : i32
      %dma_start3A_548 = tpu.memref_slice %arg12[%add3A_522, %dma_start3A_547] : memref<256x1xf32, #tpu.memory_space<vmem>> -> memref<1x1xf32, #tpu.memory_space<vmem>>
      %dma_start3A_549 = arith.constant 0 : i32
      %dma_start3A_550 = tpu.memref_slice %arg6[%squeeze3A_526, %dma_start3A_549] : memref<100000x1xf32, #tpu.memory_space<hbm>> -> memref<1x1xf32, #tpu.memory_space<hbm>>
      tpu.enqueue_dma source(%dma_start3A_550 : memref<1x1xf32, #tpu.memory_space<hbm>>) target(%dma_start3A_548 : memref<1x1xf32, #tpu.memory_space<vmem>>) target_semaphore(%arg15 : memref<!tpu.dma_semaphore, #tpu.memory_space<semaphore_mem>>)
      %mul3A_551 = arith.constant 16 : i32
      %mul3A_552 = arith.muli %scan3A_62, %mul3A_551 : i32
      %add3A_553 = arith.constant 15 : i32
      %add3A_554 = arith.addi %mul3A_552, %add3A_553 : i32
      %slice3A_555 = vector.extract_strided_slice %get3A_67 {offsets = [15], sizes = [1], strides = [1]} : vector<16xi32> to vector<1xi32>
      %squeeze3A_556 = vector.extract %slice3A_555[0] : i32 from vector<1xi32>
      %slice3A_557 = vector.extract_strided_slice %get3A_73 {offsets = [15], sizes = [1], strides = [1]} : vector<16xi32> to vector<1xi32>
      %squeeze3A_558 = vector.extract %slice3A_557[0] : i32 from vector<1xi32>
      %dma_start3A_559 = arith.constant 0 : i32
      %dma_start3A_560 = tpu.memref_slice %arg10[%add3A_554, %dma_start3A_559] : memref<256x64xf32, #tpu.memory_space<vmem>> -> memref<1x64xf32, #tpu.memory_space<vmem>>
      %dma_start3A_561 = arith.constant 0 : i32
      %dma_start3A_562 = tpu.memref_slice %arg4[%squeeze3A_556, %dma_start3A_561] : memref<100000x64xf32, #tpu.memory_space<hbm>> -> memref<1x64xf32, #tpu.memory_space<hbm>>
      %dma_start3A_563 = arith.constant 0 : i32
      %dma_start3A_564 = tpu.memref_slice %arg10[%add3A_554, %dma_start3A_563] : memref<256x64xf32, #tpu.memory_space<vmem>> -> memref<1x64xf32, #tpu.memory_space<vmem>>
      %dma_start3A_565 = arith.constant 0 : i32
      %dma_start3A_566 = tpu.memref_slice %arg4[%squeeze3A_556, %dma_start3A_565] : memref<100000x64xf32, #tpu.memory_space<hbm>> -> memref<1x64xf32, #tpu.memory_space<hbm>>
      tpu.enqueue_dma source(%dma_start3A_566 : memref<1x64xf32, #tpu.memory_space<hbm>>) target(%dma_start3A_564 : memref<1x64xf32, #tpu.memory_space<vmem>>) target_semaphore(%arg14 : memref<!tpu.dma_semaphore, #tpu.memory_space<semaphore_mem>>)
      %dma_start3A_567 = arith.constant 0 : i32
      %dma_start3A_568 = tpu.memref_slice %arg11[%add3A_554, %dma_start3A_567] : memref<256x64xf32, #tpu.memory_space<vmem>> -> memref<1x64xf32, #tpu.memory_space<vmem>>
      %dma_start3A_569 = arith.constant 0 : i32
      %dma_start3A_570 = tpu.memref_slice %arg5[%squeeze3A_558, %dma_start3A_569] : memref<100000x64xf32, #tpu.memory_space<hbm>> -> memref<1x64xf32, #tpu.memory_space<hbm>>
      %dma_start3A_571 = arith.constant 0 : i32
      %dma_start3A_572 = tpu.memref_slice %arg11[%add3A_554, %dma_start3A_571] : memref<256x64xf32, #tpu.memory_space<vmem>> -> memref<1x64xf32, #tpu.memory_space<vmem>>
      %dma_start3A_573 = arith.constant 0 : i32
      %dma_start3A_574 = tpu.memref_slice %arg5[%squeeze3A_558, %dma_start3A_573] : memref<100000x64xf32, #tpu.memory_space<hbm>> -> memref<1x64xf32, #tpu.memory_space<hbm>>
      tpu.enqueue_dma source(%dma_start3A_574 : memref<1x64xf32, #tpu.memory_space<hbm>>) target(%dma_start3A_572 : memref<1x64xf32, #tpu.memory_space<vmem>>) target_semaphore(%arg14 : memref<!tpu.dma_semaphore, #tpu.memory_space<semaphore_mem>>)
      %dma_start3A_575 = arith.constant 0 : i32
      %dma_start3A_576 = tpu.memref_slice %arg12[%add3A_554, %dma_start3A_575] : memref<256x1xf32, #tpu.memory_space<vmem>> -> memref<1x1xf32, #tpu.memory_space<vmem>>
      %dma_start3A_577 = arith.constant 0 : i32
      %dma_start3A_578 = tpu.memref_slice %arg6[%squeeze3A_558, %dma_start3A_577] : memref<100000x1xf32, #tpu.memory_space<hbm>> -> memref<1x1xf32, #tpu.memory_space<hbm>>
      %dma_start3A_579 = arith.constant 0 : i32
      %dma_start3A_580 = tpu.memref_slice %arg12[%add3A_554, %dma_start3A_579] : memref<256x1xf32, #tpu.memory_space<vmem>> -> memref<1x1xf32, #tpu.memory_space<vmem>>
      %dma_start3A_581 = arith.constant 0 : i32
      %dma_start3A_582 = tpu.memref_slice %arg6[%squeeze3A_558, %dma_start3A_581] : memref<100000x1xf32, #tpu.memory_space<hbm>> -> memref<1x1xf32, #tpu.memory_space<hbm>>
      tpu.enqueue_dma source(%dma_start3A_582 : memref<1x1xf32, #tpu.memory_space<hbm>>) target(%dma_start3A_580 : memref<1x1xf32, #tpu.memory_space<vmem>>) target_semaphore(%arg15 : memref<!tpu.dma_semaphore, #tpu.memory_space<semaphore_mem>>)
    }
    %scan3A_8 = arith.constant 16 : i32
    %dma_wait3A = arith.constant 0 : i32
    %dma_wait3A_9 = arith.constant 0 : i32
    %dma_wait3A_10 = tpu.memref_slice %arg4[%dma_wait3A, %dma_wait3A_9] : memref<100000x64xf32, #tpu.memory_space<hbm>> -> memref<256x64xf32, #tpu.memory_space<hbm>>
    %dma_wait3A_11 = arith.constant 0 : i32
    %dma_wait3A_12 = arith.constant 0 : i32
    %dma_wait3A_13 = tpu.memref_slice %arg4[%dma_wait3A_11, %dma_wait3A_12] : memref<100000x64xf32, #tpu.memory_space<hbm>> -> memref<256x64xf32, #tpu.memory_space<hbm>>
    tpu.wait_dma2 semaphore(%arg14 : memref<!tpu.dma_semaphore, #tpu.memory_space<semaphore_mem>>) src(%dma_wait3A_13 : memref<256x64xf32, #tpu.memory_space<hbm>>) dst(%arg10 : memref<256x64xf32, #tpu.memory_space<vmem>>)
    %dma_wait3A_14 = arith.constant 0 : i32
    %dma_wait3A_15 = arith.constant 0 : i32
    %dma_wait3A_16 = tpu.memref_slice %arg5[%dma_wait3A_14, %dma_wait3A_15] : memref<100000x64xf32, #tpu.memory_space<hbm>> -> memref<256x64xf32, #tpu.memory_space<hbm>>
    %dma_wait3A_17 = arith.constant 0 : i32
    %dma_wait3A_18 = arith.constant 0 : i32
    %dma_wait3A_19 = tpu.memref_slice %arg5[%dma_wait3A_17, %dma_wait3A_18] : memref<100000x64xf32, #tpu.memory_space<hbm>> -> memref<256x64xf32, #tpu.memory_space<hbm>>
    tpu.wait_dma2 semaphore(%arg14 : memref<!tpu.dma_semaphore, #tpu.memory_space<semaphore_mem>>) src(%dma_wait3A_19 : memref<256x64xf32, #tpu.memory_space<hbm>>) dst(%arg11 : memref<256x64xf32, #tpu.memory_space<vmem>>)
    %dma_wait3A_20 = arith.constant 0 : i32
    %dma_wait3A_21 = arith.constant 0 : i32
    %dma_wait3A_22 = tpu.memref_slice %arg6[%dma_wait3A_20, %dma_wait3A_21] : memref<100000x1xf32, #tpu.memory_space<hbm>> -> memref<256x1xf32, #tpu.memory_space<hbm>>
    %dma_wait3A_23 = arith.constant 0 : i32
    %dma_wait3A_24 = arith.constant 0 : i32
    %dma_wait3A_25 = tpu.memref_slice %arg6[%dma_wait3A_23, %dma_wait3A_24] : memref<100000x1xf32, #tpu.memory_space<hbm>> -> memref<256x1xf32, #tpu.memory_space<hbm>>
    tpu.wait_dma2 semaphore(%arg15 : memref<!tpu.dma_semaphore, #tpu.memory_space<semaphore_mem>>) src(%dma_wait3A_25 : memref<256x1xf32, #tpu.memory_space<hbm>>) dst(%arg12 : memref<256x1xf32, #tpu.memory_space<vmem>>)
    %scan3A_26 = arith.constant 0 : i32
    %scan3A_27 = arith.constant 0 : i32
    %scan3A_28 = arith.constant 16 : i32
    %scan3A_29 = arith.addi %scan3A_27, %scan3A_28 : i32
    %scan3A_30 = arith.constant 1 : i32
    scf.for %scan3A_62 = %scan3A_27 to %scan3A_29 step %scan3A_30  : i32 {
      %broadcast_in_dim3A_63 = arith.constant 0.000000e+00 : f32
      %broadcast_in_dim3A_64 = vector.broadcast %broadcast_in_dim3A_63 : f32 to vector<16xf32>
      %mul3A_65 = arith.constant 16 : i32
      %mul3A_66 = arith.muli %scan3A_62, %mul3A_65 : i32
      %add3A_67 = arith.constant 0 : i32
      %add3A_68 = arith.addi %mul3A_66, %add3A_67 : i32
      %get3A = arith.index_cast %add3A_68 : i32 to index
      %get3A_69 = arith.constant 0 : index
      %get3A_70 = tpu.vector_load %arg10[%get3A, %get3A_69] {strides = array<i32>} : memref<256x64xf32, #tpu.memory_space<vmem>>, vector<16xf32>,
      %get3A_71 = arith.index_cast %add3A_68 : i32 to index
      %get3A_72 = arith.constant 16 : index
      %get3A_73 = tpu.vector_load %arg10[%get3A_71, %get3A_72] {strides = array<i32>} : memref<256x64xf32, #tpu.memory_space<vmem>>, vector<16xf32>,
      %get3A_74 = arith.index_cast %add3A_68 : i32 to index
      %get3A_75 = arith.constant 32 : index
      %get3A_76 = tpu.vector_load %arg10[%get3A_74, %get3A_75] {strides = array<i32>} : memref<256x64xf32, #tpu.memory_space<vmem>>, vector<16xf32>,
      %get3A_77 = arith.index_cast %add3A_68 : i32 to index
      %get3A_78 = arith.constant 48 : index
      %get3A_79 = tpu.vector_load %arg10[%get3A_77, %get3A_78] {strides = array<i32>} : memref<256x64xf32, #tpu.memory_space<vmem>>, vector<16xf32>,
      %get3A_80 = arith.index_cast %add3A_68 : i32 to index
      %get3A_81 = arith.constant 0 : index
      %get3A_82 = tpu.vector_load %arg11[%get3A_80, %get3A_81] {strides = array<i32>} : memref<256x64xf32, #tpu.memory_space<vmem>>, vector<16xf32>,
      %get3A_83 = arith.index_cast %add3A_68 : i32 to index
      %get3A_84 = arith.constant 16 : index
      %get3A_85 = tpu.vector_load %arg11[%get3A_83, %get3A_84] {strides = array<i32>} : memref<256x64xf32, #tpu.memory_space<vmem>>, vector<16xf32>,
      %get3A_86 = arith.index_cast %add3A_68 : i32 to index
      %get3A_87 = arith.constant 32 : index
      %get3A_88 = tpu.vector_load %arg11[%get3A_86, %get3A_87] {strides = array<i32>} : memref<256x64xf32, #tpu.memory_space<vmem>>, vector<16xf32>,
      %get3A_89 = arith.index_cast %add3A_68 : i32 to index
      %get3A_90 = arith.constant 48 : index
      %get3A_91 = tpu.vector_load %arg11[%get3A_89, %get3A_90] {strides = array<i32>} : memref<256x64xf32, #tpu.memory_space<vmem>>, vector<16xf32>,
      %mul3A_92 = arith.mulf %get3A_70, %get3A_82 : vector<16xf32>
      %mul3A_93 = arith.mulf %get3A_73, %get3A_85 : vector<16xf32>
      %add3A_94 = arith.addf %mul3A_92, %mul3A_93 : vector<16xf32>
      %mul3A_95 = arith.mulf %get3A_76, %get3A_88 : vector<16xf32>
      %mul3A_96 = arith.mulf %get3A_79, %get3A_91 : vector<16xf32>
      %add3A_97 = arith.addf %mul3A_95, %mul3A_96 : vector<16xf32>
      %add3A_98 = arith.addf %add3A_94, %add3A_97 : vector<16xf32>
      %reduce_sum3A = arith.constant true
      %reduce_sum3A_99 = vector.broadcast %reduce_sum3A : i1 to vector<16xi1>
      %reduce_sum3A_100 = tpu.scan <sum>, %add3A_98 masked %reduce_sum3A_99 : vector<16xf32>, vector<16xi1> -> vector<16xf32>
      %reduce_sum3A_101 = vector.extract %reduce_sum3A_100[15] : f32 from vector<16xf32>
      %eq3A = arith.constant 0 : i32
      %eq3A_102 = vector.broadcast %eq3A : i32 to vector<16xi32>
      %eq3A_103 = arith.cmpi eq, %iota3A, %eq3A_102 : vector<16xi32>
      %broadcast_in_dim3A_104 = vector.broadcast %reduce_sum3A_101 : f32 to vector<16xf32>
      %select_n3A = arith.select %eq3A_103, %broadcast_in_dim3A_104, %broadcast_in_dim3A_64 : vector<16xi1>, vector<16xf32>
      %mul3A_105 = arith.constant 16 : i32
      %mul3A_106 = arith.muli %scan3A_62, %mul3A_105 : i32
      %add3A_107 = arith.constant 1 : i32
      %add3A_108 = arith.addi %mul3A_106, %add3A_107 : i32
      %get3A_109 = arith.index_cast %add3A_108 : i32 to index
      %get3A_110 = arith.constant 0 : index
      %get3A_111 = tpu.vector_load %arg10[%get3A_109, %get3A_110] {strides = array<i32>} : memref<256x64xf32, #tpu.memory_space<vmem>>, vector<16xf32>,
      %get3A_112 = arith.index_cast %add3A_108 : i32 to index
      %get3A_113 = arith.constant 16 : index
      %get3A_114 = tpu.vector_load %arg10[%get3A_112, %get3A_113] {strides = array<i32>} : memref<256x64xf32, #tpu.memory_space<vmem>>, vector<16xf32>,
      %get3A_115 = arith.index_cast %add3A_108 : i32 to index
      %get3A_116 = arith.constant 32 : index
      %get3A_117 = tpu.vector_load %arg10[%get3A_115, %get3A_116] {strides = array<i32>} : memref<256x64xf32, #tpu.memory_space<vmem>>, vector<16xf32>,
      %get3A_118 = arith.index_cast %add3A_108 : i32 to index
      %get3A_119 = arith.constant 48 : index
      %get3A_120 = tpu.vector_load %arg10[%get3A_118, %get3A_119] {strides = array<i32>} : memref<256x64xf32, #tpu.memory_space<vmem>>, vector<16xf32>,
      %get3A_121 = arith.index_cast %add3A_108 : i32 to index
      %get3A_122 = arith.constant 0 : index
      %get3A_123 = tpu.vector_load %arg11[%get3A_121, %get3A_122] {strides = array<i32>} : memref<256x64xf32, #tpu.memory_space<vmem>>, vector<16xf32>,
      %get3A_124 = arith.index_cast %add3A_108 : i32 to index
      %get3A_125 = arith.constant 16 : index
      %get3A_126 = tpu.vector_load %arg11[%get3A_124, %get3A_125] {strides = array<i32>} : memref<256x64xf32, #tpu.memory_space<vmem>>, vector<16xf32>,
      %get3A_127 = arith.index_cast %add3A_108 : i32 to index
      %get3A_128 = arith.constant 32 : index
      %get3A_129 = tpu.vector_load %arg11[%get3A_127, %get3A_128] {strides = array<i32>} : memref<256x64xf32, #tpu.memory_space<vmem>>, vector<16xf32>,
      %get3A_130 = arith.index_cast %add3A_108 : i32 to index
      %get3A_131 = arith.constant 48 : index
      %get3A_132 = tpu.vector_load %arg11[%get3A_130, %get3A_131] {strides = array<i32>} : memref<256x64xf32, #tpu.memory_space<vmem>>, vector<16xf32>,
      %mul3A_133 = arith.mulf %get3A_111, %get3A_123 : vector<16xf32>
      %mul3A_134 = arith.mulf %get3A_114, %get3A_126 : vector<16xf32>
      %add3A_135 = arith.addf %mul3A_133, %mul3A_134 : vector<16xf32>
      %mul3A_136 = arith.mulf %get3A_117, %get3A_129 : vector<16xf32>
      %mul3A_137 = arith.mulf %get3A_120, %get3A_132 : vector<16xf32>
      %add3A_138 = arith.addf %mul3A_136, %mul3A_137 : vector<16xf32>
      %add3A_139 = arith.addf %add3A_135, %add3A_138 : vector<16xf32>
      %reduce_sum3A_140 = arith.constant true
      %reduce_sum3A_141 = vector.broadcast %reduce_sum3A_140 : i1 to vector<16xi1>
      %reduce_sum3A_142 = tpu.scan <sum>, %add3A_139 masked %reduce_sum3A_141 : vector<16xf32>, vector<16xi1> -> vector<16xf32>
      %reduce_sum3A_143 = vector.extract %reduce_sum3A_142[15] : f32 from vector<16xf32>
      %eq3A_144 = arith.constant 1 : i32
      %eq3A_145 = vector.broadcast %eq3A_144 : i32 to vector<16xi32>
      %eq3A_146 = arith.cmpi eq, %iota3A, %eq3A_145 : vector<16xi32>
      %broadcast_in_dim3A_147 = vector.broadcast %reduce_sum3A_143 : f32 to vector<16xf32>
      %select_n3A_148 = arith.select %eq3A_146, %broadcast_in_dim3A_147, %select_n3A : vector<16xi1>, vector<16xf32>
      %mul3A_149 = arith.constant 16 : i32
      %mul3A_150 = arith.muli %scan3A_62, %mul3A_149 : i32
      %add3A_151 = arith.constant 2 : i32
      %add3A_152 = arith.addi %mul3A_150, %add3A_151 : i32
      %get3A_153 = arith.index_cast %add3A_152 : i32 to index
      %get3A_154 = arith.constant 0 : index
      %get3A_155 = tpu.vector_load %arg10[%get3A_153, %get3A_154] {strides = array<i32>} : memref<256x64xf32, #tpu.memory_space<vmem>>, vector<16xf32>,
      %get3A_156 = arith.index_cast %add3A_152 : i32 to index
      %get3A_157 = arith.constant 16 : index
      %get3A_158 = tpu.vector_load %arg10[%get3A_156, %get3A_157] {strides = array<i32>} : memref<256x64xf32, #tpu.memory_space<vmem>>, vector<16xf32>,
      %get3A_159 = arith.index_cast %add3A_152 : i32 to index
      %get3A_160 = arith.constant 32 : index
      %get3A_161 = tpu.vector_load %arg10[%get3A_159, %get3A_160] {strides = array<i32>} : memref<256x64xf32, #tpu.memory_space<vmem>>, vector<16xf32>,
      %get3A_162 = arith.index_cast %add3A_152 : i32 to index
      %get3A_163 = arith.constant 48 : index
      %get3A_164 = tpu.vector_load %arg10[%get3A_162, %get3A_163] {strides = array<i32>} : memref<256x64xf32, #tpu.memory_space<vmem>>, vector<16xf32>,
      %get3A_165 = arith.index_cast %add3A_152 : i32 to index
      %get3A_166 = arith.constant 0 : index
      %get3A_167 = tpu.vector_load %arg11[%get3A_165, %get3A_166] {strides = array<i32>} : memref<256x64xf32, #tpu.memory_space<vmem>>, vector<16xf32>,
      %get3A_168 = arith.index_cast %add3A_152 : i32 to index
      %get3A_169 = arith.constant 16 : index
      %get3A_170 = tpu.vector_load %arg11[%get3A_168, %get3A_169] {strides = array<i32>} : memref<256x64xf32, #tpu.memory_space<vmem>>, vector<16xf32>,
      %get3A_171 = arith.index_cast %add3A_152 : i32 to index
      %get3A_172 = arith.constant 32 : index
      %get3A_173 = tpu.vector_load %arg11[%get3A_171, %get3A_172] {strides = array<i32>} : memref<256x64xf32, #tpu.memory_space<vmem>>, vector<16xf32>,
      %get3A_174 = arith.index_cast %add3A_152 : i32 to index
      %get3A_175 = arith.constant 48 : index
      %get3A_176 = tpu.vector_load %arg11[%get3A_174, %get3A_175] {strides = array<i32>} : memref<256x64xf32, #tpu.memory_space<vmem>>, vector<16xf32>,
      %mul3A_177 = arith.mulf %get3A_155, %get3A_167 : vector<16xf32>
      %mul3A_178 = arith.mulf %get3A_158, %get3A_170 : vector<16xf32>
      %add3A_179 = arith.addf %mul3A_177, %mul3A_178 : vector<16xf32>
      %mul3A_180 = arith.mulf %get3A_161, %get3A_173 : vector<16xf32>
      %mul3A_181 = arith.mulf %get3A_164, %get3A_176 : vector<16xf32>
      %add3A_182 = arith.addf %mul3A_180, %mul3A_181 : vector<16xf32>
      %add3A_183 = arith.addf %add3A_179, %add3A_182 : vector<16xf32>
      %reduce_sum3A_184 = arith.constant true
      %reduce_sum3A_185 = vector.broadcast %reduce_sum3A_184 : i1 to vector<16xi1>
      %reduce_sum3A_186 = tpu.scan <sum>, %add3A_183 masked %reduce_sum3A_185 : vector<16xf32>, vector<16xi1> -> vector<16xf32>
      %reduce_sum3A_187 = vector.extract %reduce_sum3A_186[15] : f32 from vector<16xf32>
      %eq3A_188 = arith.constant 2 : i32
      %eq3A_189 = vector.broadcast %eq3A_188 : i32 to vector<16xi32>
      %eq3A_190 = arith.cmpi eq, %iota3A, %eq3A_189 : vector<16xi32>
      %broadcast_in_dim3A_191 = vector.broadcast %reduce_sum3A_187 : f32 to vector<16xf32>
      %select_n3A_192 = arith.select %eq3A_190, %broadcast_in_dim3A_191, %select_n3A_148 : vector<16xi1>, vector<16xf32>
      %mul3A_193 = arith.constant 16 : i32
      %mul3A_194 = arith.muli %scan3A_62, %mul3A_193 : i32
      %add3A_195 = arith.constant 3 : i32
      %add3A_196 = arith.addi %mul3A_194, %add3A_195 : i32
      %get3A_197 = arith.index_cast %add3A_196 : i32 to index
      %get3A_198 = arith.constant 0 : index
      %get3A_199 = tpu.vector_load %arg10[%get3A_197, %get3A_198] {strides = array<i32>} : memref<256x64xf32, #tpu.memory_space<vmem>>, vector<16xf32>,
      %get3A_200 = arith.index_cast %add3A_196 : i32 to index
      %get3A_201 = arith.constant 16 : index
      %get3A_202 = tpu.vector_load %arg10[%get3A_200, %get3A_201] {strides = array<i32>} : memref<256x64xf32, #tpu.memory_space<vmem>>, vector<16xf32>,
      %get3A_203 = arith.index_cast %add3A_196 : i32 to index
      %get3A_204 = arith.constant 32 : index
      %get3A_205 = tpu.vector_load %arg10[%get3A_203, %get3A_204] {strides = array<i32>} : memref<256x64xf32, #tpu.memory_space<vmem>>, vector<16xf32>,
      %get3A_206 = arith.index_cast %add3A_196 : i32 to index
      %get3A_207 = arith.constant 48 : index
      %get3A_208 = tpu.vector_load %arg10[%get3A_206, %get3A_207] {strides = array<i32>} : memref<256x64xf32, #tpu.memory_space<vmem>>, vector<16xf32>,
      %get3A_209 = arith.index_cast %add3A_196 : i32 to index
      %get3A_210 = arith.constant 0 : index
      %get3A_211 = tpu.vector_load %arg11[%get3A_209, %get3A_210] {strides = array<i32>} : memref<256x64xf32, #tpu.memory_space<vmem>>, vector<16xf32>,
      %get3A_212 = arith.index_cast %add3A_196 : i32 to index
      %get3A_213 = arith.constant 16 : index
      %get3A_214 = tpu.vector_load %arg11[%get3A_212, %get3A_213] {strides = array<i32>} : memref<256x64xf32, #tpu.memory_space<vmem>>, vector<16xf32>,
      %get3A_215 = arith.index_cast %add3A_196 : i32 to index
      %get3A_216 = arith.constant 32 : index
      %get3A_217 = tpu.vector_load %arg11[%get3A_215, %get3A_216] {strides = array<i32>} : memref<256x64xf32, #tpu.memory_space<vmem>>, vector<16xf32>,
      %get3A_218 = arith.index_cast %add3A_196 : i32 to index
      %get3A_219 = arith.constant 48 : index
      %get3A_220 = tpu.vector_load %arg11[%get3A_218, %get3A_219] {strides = array<i32>} : memref<256x64xf32, #tpu.memory_space<vmem>>, vector<16xf32>,
      %mul3A_221 = arith.mulf %get3A_199, %get3A_211 : vector<16xf32>
      %mul3A_222 = arith.mulf %get3A_202, %get3A_214 : vector<16xf32>
      %add3A_223 = arith.addf %mul3A_221, %mul3A_222 : vector<16xf32>
      %mul3A_224 = arith.mulf %get3A_205, %get3A_217 : vector<16xf32>
      %mul3A_225 = arith.mulf %get3A_208, %get3A_220 : vector<16xf32>
      %add3A_226 = arith.addf %mul3A_224, %mul3A_225 : vector<16xf32>
      %add3A_227 = arith.addf %add3A_223, %add3A_226 : vector<16xf32>
      %reduce_sum3A_228 = arith.constant true
      %reduce_sum3A_229 = vector.broadcast %reduce_sum3A_228 : i1 to vector<16xi1>
      %reduce_sum3A_230 = tpu.scan <sum>, %add3A_227 masked %reduce_sum3A_229 : vector<16xf32>, vector<16xi1> -> vector<16xf32>
      %reduce_sum3A_231 = vector.extract %reduce_sum3A_230[15] : f32 from vector<16xf32>
      %eq3A_232 = arith.constant 3 : i32
      %eq3A_233 = vector.broadcast %eq3A_232 : i32 to vector<16xi32>
      %eq3A_234 = arith.cmpi eq, %iota3A, %eq3A_233 : vector<16xi32>
      %broadcast_in_dim3A_235 = vector.broadcast %reduce_sum3A_231 : f32 to vector<16xf32>
      %select_n3A_236 = arith.select %eq3A_234, %broadcast_in_dim3A_235, %select_n3A_192 : vector<16xi1>, vector<16xf32>
      %mul3A_237 = arith.constant 16 : i32
      %mul3A_238 = arith.muli %scan3A_62, %mul3A_237 : i32
      %add3A_239 = arith.constant 4 : i32
      %add3A_240 = arith.addi %mul3A_238, %add3A_239 : i32
      %get3A_241 = arith.index_cast %add3A_240 : i32 to index
      %get3A_242 = arith.constant 0 : index
      %get3A_243 = tpu.vector_load %arg10[%get3A_241, %get3A_242] {strides = array<i32>} : memref<256x64xf32, #tpu.memory_space<vmem>>, vector<16xf32>,
      %get3A_244 = arith.index_cast %add3A_240 : i32 to index
      %get3A_245 = arith.constant 16 : index
      %get3A_246 = tpu.vector_load %arg10[%get3A_244, %get3A_245] {strides = array<i32>} : memref<256x64xf32, #tpu.memory_space<vmem>>, vector<16xf32>,
      %get3A_247 = arith.index_cast %add3A_240 : i32 to index
      %get3A_248 = arith.constant 32 : index
      %get3A_249 = tpu.vector_load %arg10[%get3A_247, %get3A_248] {strides = array<i32>} : memref<256x64xf32, #tpu.memory_space<vmem>>, vector<16xf32>,
      %get3A_250 = arith.index_cast %add3A_240 : i32 to index
      %get3A_251 = arith.constant 48 : index
      %get3A_252 = tpu.vector_load %arg10[%get3A_250, %get3A_251] {strides = array<i32>} : memref<256x64xf32, #tpu.memory_space<vmem>>, vector<16xf32>,
      %get3A_253 = arith.index_cast %add3A_240 : i32 to index
      %get3A_254 = arith.constant 0 : index
      %get3A_255 = tpu.vector_load %arg11[%get3A_253, %get3A_254] {strides = array<i32>} : memref<256x64xf32, #tpu.memory_space<vmem>>, vector<16xf32>,
      %get3A_256 = arith.index_cast %add3A_240 : i32 to index
      %get3A_257 = arith.constant 16 : index
      %get3A_258 = tpu.vector_load %arg11[%get3A_256, %get3A_257] {strides = array<i32>} : memref<256x64xf32, #tpu.memory_space<vmem>>, vector<16xf32>,
      %get3A_259 = arith.index_cast %add3A_240 : i32 to index
      %get3A_260 = arith.constant 32 : index
      %get3A_261 = tpu.vector_load %arg11[%get3A_259, %get3A_260] {strides = array<i32>} : memref<256x64xf32, #tpu.memory_space<vmem>>, vector<16xf32>,
      %get3A_262 = arith.index_cast %add3A_240 : i32 to index
      %get3A_263 = arith.constant 48 : index
      %get3A_264 = tpu.vector_load %arg11[%get3A_262, %get3A_263] {strides = array<i32>} : memref<256x64xf32, #tpu.memory_space<vmem>>, vector<16xf32>,
      %mul3A_265 = arith.mulf %get3A_243, %get3A_255 : vector<16xf32>
      %mul3A_266 = arith.mulf %get3A_246, %get3A_258 : vector<16xf32>
      %add3A_267 = arith.addf %mul3A_265, %mul3A_266 : vector<16xf32>
      %mul3A_268 = arith.mulf %get3A_249, %get3A_261 : vector<16xf32>
      %mul3A_269 = arith.mulf %get3A_252, %get3A_264 : vector<16xf32>
      %add3A_270 = arith.addf %mul3A_268, %mul3A_269 : vector<16xf32>
      %add3A_271 = arith.addf %add3A_267, %add3A_270 : vector<16xf32>
      %reduce_sum3A_272 = arith.constant true
      %reduce_sum3A_273 = vector.broadcast %reduce_sum3A_272 : i1 to vector<16xi1>
      %reduce_sum3A_274 = tpu.scan <sum>, %add3A_271 masked %reduce_sum3A_273 : vector<16xf32>, vector<16xi1> -> vector<16xf32>
      %reduce_sum3A_275 = vector.extract %reduce_sum3A_274[15] : f32 from vector<16xf32>
      %eq3A_276 = arith.constant 4 : i32
      %eq3A_277 = vector.broadcast %eq3A_276 : i32 to vector<16xi32>
      %eq3A_278 = arith.cmpi eq, %iota3A, %eq3A_277 : vector<16xi32>
      %broadcast_in_dim3A_279 = vector.broadcast %reduce_sum3A_275 : f32 to vector<16xf32>
      %select_n3A_280 = arith.select %eq3A_278, %broadcast_in_dim3A_279, %select_n3A_236 : vector<16xi1>, vector<16xf32>
      %mul3A_281 = arith.constant 16 : i32
      %mul3A_282 = arith.muli %scan3A_62, %mul3A_281 : i32
      %add3A_283 = arith.constant 5 : i32
      %add3A_284 = arith.addi %mul3A_282, %add3A_283 : i32
      %get3A_285 = arith.index_cast %add3A_284 : i32 to index
      %get3A_286 = arith.constant 0 : index
      %get3A_287 = tpu.vector_load %arg10[%get3A_285, %get3A_286] {strides = array<i32>} : memref<256x64xf32, #tpu.memory_space<vmem>>, vector<16xf32>,
      %get3A_288 = arith.index_cast %add3A_284 : i32 to index
      %get3A_289 = arith.constant 16 : index
      %get3A_290 = tpu.vector_load %arg10[%get3A_288, %get3A_289] {strides = array<i32>} : memref<256x64xf32, #tpu.memory_space<vmem>>, vector<16xf32>,
      %get3A_291 = arith.index_cast %add3A_284 : i32 to index
      %get3A_292 = arith.constant 32 : index
      %get3A_293 = tpu.vector_load %arg10[%get3A_291, %get3A_292] {strides = array<i32>} : memref<256x64xf32, #tpu.memory_space<vmem>>, vector<16xf32>,
      %get3A_294 = arith.index_cast %add3A_284 : i32 to index
      %get3A_295 = arith.constant 48 : index
      %get3A_296 = tpu.vector_load %arg10[%get3A_294, %get3A_295] {strides = array<i32>} : memref<256x64xf32, #tpu.memory_space<vmem>>, vector<16xf32>,
      %get3A_297 = arith.index_cast %add3A_284 : i32 to index
      %get3A_298 = arith.constant 0 : index
      %get3A_299 = tpu.vector_load %arg11[%get3A_297, %get3A_298] {strides = array<i32>} : memref<256x64xf32, #tpu.memory_space<vmem>>, vector<16xf32>,
      %get3A_300 = arith.index_cast %add3A_284 : i32 to index
      %get3A_301 = arith.constant 16 : index
      %get3A_302 = tpu.vector_load %arg11[%get3A_300, %get3A_301] {strides = array<i32>} : memref<256x64xf32, #tpu.memory_space<vmem>>, vector<16xf32>,
      %get3A_303 = arith.index_cast %add3A_284 : i32 to index
      %get3A_304 = arith.constant 32 : index
      %get3A_305 = tpu.vector_load %arg11[%get3A_303, %get3A_304] {strides = array<i32>} : memref<256x64xf32, #tpu.memory_space<vmem>>, vector<16xf32>,
      %get3A_306 = arith.index_cast %add3A_284 : i32 to index
      %get3A_307 = arith.constant 48 : index
      %get3A_308 = tpu.vector_load %arg11[%get3A_306, %get3A_307] {strides = array<i32>} : memref<256x64xf32, #tpu.memory_space<vmem>>, vector<16xf32>,
      %mul3A_309 = arith.mulf %get3A_287, %get3A_299 : vector<16xf32>
      %mul3A_310 = arith.mulf %get3A_290, %get3A_302 : vector<16xf32>
      %add3A_311 = arith.addf %mul3A_309, %mul3A_310 : vector<16xf32>
      %mul3A_312 = arith.mulf %get3A_293, %get3A_305 : vector<16xf32>
      %mul3A_313 = arith.mulf %get3A_296, %get3A_308 : vector<16xf32>
      %add3A_314 = arith.addf %mul3A_312, %mul3A_313 : vector<16xf32>
      %add3A_315 = arith.addf %add3A_311, %add3A_314 : vector<16xf32>
      %reduce_sum3A_316 = arith.constant true
      %reduce_sum3A_317 = vector.broadcast %reduce_sum3A_316 : i1 to vector<16xi1>
      %reduce_sum3A_318 = tpu.scan <sum>, %add3A_315 masked %reduce_sum3A_317 : vector<16xf32>, vector<16xi1> -> vector<16xf32>
      %reduce_sum3A_319 = vector.extract %reduce_sum3A_318[15] : f32 from vector<16xf32>
      %eq3A_320 = arith.constant 5 : i32
      %eq3A_321 = vector.broadcast %eq3A_320 : i32 to vector<16xi32>
      %eq3A_322 = arith.cmpi eq, %iota3A, %eq3A_321 : vector<16xi32>
      %broadcast_in_dim3A_323 = vector.broadcast %reduce_sum3A_319 : f32 to vector<16xf32>
      %select_n3A_324 = arith.select %eq3A_322, %broadcast_in_dim3A_323, %select_n3A_280 : vector<16xi1>, vector<16xf32>
      %mul3A_325 = arith.constant 16 : i32
      %mul3A_326 = arith.muli %scan3A_62, %mul3A_325 : i32
      %add3A_327 = arith.constant 6 : i32
      %add3A_328 = arith.addi %mul3A_326, %add3A_327 : i32
      %get3A_329 = arith.index_cast %add3A_328 : i32 to index
      %get3A_330 = arith.constant 0 : index
      %get3A_331 = tpu.vector_load %arg10[%get3A_329, %get3A_330] {strides = array<i32>} : memref<256x64xf32, #tpu.memory_space<vmem>>, vector<16xf32>,
      %get3A_332 = arith.index_cast %add3A_328 : i32 to index
      %get3A_333 = arith.constant 16 : index
      %get3A_334 = tpu.vector_load %arg10[%get3A_332, %get3A_333] {strides = array<i32>} : memref<256x64xf32, #tpu.memory_space<vmem>>, vector<16xf32>,
      %get3A_335 = arith.index_cast %add3A_328 : i32 to index
      %get3A_336 = arith.constant 32 : index
      %get3A_337 = tpu.vector_load %arg10[%get3A_335, %get3A_336] {strides = array<i32>} : memref<256x64xf32, #tpu.memory_space<vmem>>, vector<16xf32>,
      %get3A_338 = arith.index_cast %add3A_328 : i32 to index
      %get3A_339 = arith.constant 48 : index
      %get3A_340 = tpu.vector_load %arg10[%get3A_338, %get3A_339] {strides = array<i32>} : memref<256x64xf32, #tpu.memory_space<vmem>>, vector<16xf32>,
      %get3A_341 = arith.index_cast %add3A_328 : i32 to index
      %get3A_342 = arith.constant 0 : index
      %get3A_343 = tpu.vector_load %arg11[%get3A_341, %get3A_342] {strides = array<i32>} : memref<256x64xf32, #tpu.memory_space<vmem>>, vector<16xf32>,
      %get3A_344 = arith.index_cast %add3A_328 : i32 to index
      %get3A_345 = arith.constant 16 : index
      %get3A_346 = tpu.vector_load %arg11[%get3A_344, %get3A_345] {strides = array<i32>} : memref<256x64xf32, #tpu.memory_space<vmem>>, vector<16xf32>,
      %get3A_347 = arith.index_cast %add3A_328 : i32 to index
      %get3A_348 = arith.constant 32 : index
      %get3A_349 = tpu.vector_load %arg11[%get3A_347, %get3A_348] {strides = array<i32>} : memref<256x64xf32, #tpu.memory_space<vmem>>, vector<16xf32>,
      %get3A_350 = arith.index_cast %add3A_328 : i32 to index
      %get3A_351 = arith.constant 48 : index
      %get3A_352 = tpu.vector_load %arg11[%get3A_350, %get3A_351] {strides = array<i32>} : memref<256x64xf32, #tpu.memory_space<vmem>>, vector<16xf32>,
      %mul3A_353 = arith.mulf %get3A_331, %get3A_343 : vector<16xf32>
      %mul3A_354 = arith.mulf %get3A_334, %get3A_346 : vector<16xf32>
      %add3A_355 = arith.addf %mul3A_353, %mul3A_354 : vector<16xf32>
      %mul3A_356 = arith.mulf %get3A_337, %get3A_349 : vector<16xf32>
      %mul3A_357 = arith.mulf %get3A_340, %get3A_352 : vector<16xf32>
      %add3A_358 = arith.addf %mul3A_356, %mul3A_357 : vector<16xf32>
      %add3A_359 = arith.addf %add3A_355, %add3A_358 : vector<16xf32>
      %reduce_sum3A_360 = arith.constant true
      %reduce_sum3A_361 = vector.broadcast %reduce_sum3A_360 : i1 to vector<16xi1>
      %reduce_sum3A_362 = tpu.scan <sum>, %add3A_359 masked %reduce_sum3A_361 : vector<16xf32>, vector<16xi1> -> vector<16xf32>
      %reduce_sum3A_363 = vector.extract %reduce_sum3A_362[15] : f32 from vector<16xf32>
      %eq3A_364 = arith.constant 6 : i32
      %eq3A_365 = vector.broadcast %eq3A_364 : i32 to vector<16xi32>
      %eq3A_366 = arith.cmpi eq, %iota3A, %eq3A_365 : vector<16xi32>
      %broadcast_in_dim3A_367 = vector.broadcast %reduce_sum3A_363 : f32 to vector<16xf32>
      %select_n3A_368 = arith.select %eq3A_366, %broadcast_in_dim3A_367, %select_n3A_324 : vector<16xi1>, vector<16xf32>
      %mul3A_369 = arith.constant 16 : i32
      %mul3A_370 = arith.muli %scan3A_62, %mul3A_369 : i32
      %add3A_371 = arith.constant 7 : i32
      %add3A_372 = arith.addi %mul3A_370, %add3A_371 : i32
      %get3A_373 = arith.index_cast %add3A_372 : i32 to index
      %get3A_374 = arith.constant 0 : index
      %get3A_375 = tpu.vector_load %arg10[%get3A_373, %get3A_374] {strides = array<i32>} : memref<256x64xf32, #tpu.memory_space<vmem>>, vector<16xf32>,
      %get3A_376 = arith.index_cast %add3A_372 : i32 to index
      %get3A_377 = arith.constant 16 : index
      %get3A_378 = tpu.vector_load %arg10[%get3A_376, %get3A_377] {strides = array<i32>} : memref<256x64xf32, #tpu.memory_space<vmem>>, vector<16xf32>,
      %get3A_379 = arith.index_cast %add3A_372 : i32 to index
      %get3A_380 = arith.constant 32 : index
      %get3A_381 = tpu.vector_load %arg10[%get3A_379, %get3A_380] {strides = array<i32>} : memref<256x64xf32, #tpu.memory_space<vmem>>, vector<16xf32>,
      %get3A_382 = arith.index_cast %add3A_372 : i32 to index
      %get3A_383 = arith.constant 48 : index
      %get3A_384 = tpu.vector_load %arg10[%get3A_382, %get3A_383] {strides = array<i32>} : memref<256x64xf32, #tpu.memory_space<vmem>>, vector<16xf32>,
      %get3A_385 = arith.index_cast %add3A_372 : i32 to index
      %get3A_386 = arith.constant 0 : index
      %get3A_387 = tpu.vector_load %arg11[%get3A_385, %get3A_386] {strides = array<i32>} : memref<256x64xf32, #tpu.memory_space<vmem>>, vector<16xf32>,
      %get3A_388 = arith.index_cast %add3A_372 : i32 to index
      %get3A_389 = arith.constant 16 : index
      %get3A_390 = tpu.vector_load %arg11[%get3A_388, %get3A_389] {strides = array<i32>} : memref<256x64xf32, #tpu.memory_space<vmem>>, vector<16xf32>,
      %get3A_391 = arith.index_cast %add3A_372 : i32 to index
      %get3A_392 = arith.constant 32 : index
      %get3A_393 = tpu.vector_load %arg11[%get3A_391, %get3A_392] {strides = array<i32>} : memref<256x64xf32, #tpu.memory_space<vmem>>, vector<16xf32>,
      %get3A_394 = arith.index_cast %add3A_372 : i32 to index
      %get3A_395 = arith.constant 48 : index
      %get3A_396 = tpu.vector_load %arg11[%get3A_394, %get3A_395] {strides = array<i32>} : memref<256x64xf32, #tpu.memory_space<vmem>>, vector<16xf32>,
      %mul3A_397 = arith.mulf %get3A_375, %get3A_387 : vector<16xf32>
      %mul3A_398 = arith.mulf %get3A_378, %get3A_390 : vector<16xf32>
      %add3A_399 = arith.addf %mul3A_397, %mul3A_398 : vector<16xf32>
      %mul3A_400 = arith.mulf %get3A_381, %get3A_393 : vector<16xf32>
      %mul3A_401 = arith.mulf %get3A_384, %get3A_396 : vector<16xf32>
      %add3A_402 = arith.addf %mul3A_400, %mul3A_401 : vector<16xf32>
      %add3A_403 = arith.addf %add3A_399, %add3A_402 : vector<16xf32>
      %reduce_sum3A_404 = arith.constant true
      %reduce_sum3A_405 = vector.broadcast %reduce_sum3A_404 : i1 to vector<16xi1>
      %reduce_sum3A_406 = tpu.scan <sum>, %add3A_403 masked %reduce_sum3A_405 : vector<16xf32>, vector<16xi1> -> vector<16xf32>
      %reduce_sum3A_407 = vector.extract %reduce_sum3A_406[15] : f32 from vector<16xf32>
      %eq3A_408 = arith.constant 7 : i32
      %eq3A_409 = vector.broadcast %eq3A_408 : i32 to vector<16xi32>
      %eq3A_410 = arith.cmpi eq, %iota3A, %eq3A_409 : vector<16xi32>
      %broadcast_in_dim3A_411 = vector.broadcast %reduce_sum3A_407 : f32 to vector<16xf32>
      %select_n3A_412 = arith.select %eq3A_410, %broadcast_in_dim3A_411, %select_n3A_368 : vector<16xi1>, vector<16xf32>
      %mul3A_413 = arith.constant 16 : i32
      %mul3A_414 = arith.muli %scan3A_62, %mul3A_413 : i32
      %add3A_415 = arith.constant 8 : i32
      %add3A_416 = arith.addi %mul3A_414, %add3A_415 : i32
      %get3A_417 = arith.index_cast %add3A_416 : i32 to index
      %get3A_418 = arith.constant 0 : index
      %get3A_419 = tpu.vector_load %arg10[%get3A_417, %get3A_418] {strides = array<i32>} : memref<256x64xf32, #tpu.memory_space<vmem>>, vector<16xf32>,
      %get3A_420 = arith.index_cast %add3A_416 : i32 to index
      %get3A_421 = arith.constant 16 : index
      %get3A_422 = tpu.vector_load %arg10[%get3A_420, %get3A_421] {strides = array<i32>} : memref<256x64xf32, #tpu.memory_space<vmem>>, vector<16xf32>,
      %get3A_423 = arith.index_cast %add3A_416 : i32 to index
      %get3A_424 = arith.constant 32 : index
      %get3A_425 = tpu.vector_load %arg10[%get3A_423, %get3A_424] {strides = array<i32>} : memref<256x64xf32, #tpu.memory_space<vmem>>, vector<16xf32>,
      %get3A_426 = arith.index_cast %add3A_416 : i32 to index
      %get3A_427 = arith.constant 48 : index
      %get3A_428 = tpu.vector_load %arg10[%get3A_426, %get3A_427] {strides = array<i32>} : memref<256x64xf32, #tpu.memory_space<vmem>>, vector<16xf32>,
      %get3A_429 = arith.index_cast %add3A_416 : i32 to index
      %get3A_430 = arith.constant 0 : index
      %get3A_431 = tpu.vector_load %arg11[%get3A_429, %get3A_430] {strides = array<i32>} : memref<256x64xf32, #tpu.memory_space<vmem>>, vector<16xf32>,
      %get3A_432 = arith.index_cast %add3A_416 : i32 to index
      %get3A_433 = arith.constant 16 : index
      %get3A_434 = tpu.vector_load %arg11[%get3A_432, %get3A_433] {strides = array<i32>} : memref<256x64xf32, #tpu.memory_space<vmem>>, vector<16xf32>,
      %get3A_435 = arith.index_cast %add3A_416 : i32 to index
      %get3A_436 = arith.constant 32 : index
      %get3A_437 = tpu.vector_load %arg11[%get3A_435, %get3A_436] {strides = array<i32>} : memref<256x64xf32, #tpu.memory_space<vmem>>, vector<16xf32>,
      %get3A_438 = arith.index_cast %add3A_416 : i32 to index
      %get3A_439 = arith.constant 48 : index
      %get3A_440 = tpu.vector_load %arg11[%get3A_438, %get3A_439] {strides = array<i32>} : memref<256x64xf32, #tpu.memory_space<vmem>>, vector<16xf32>,
      %mul3A_441 = arith.mulf %get3A_419, %get3A_431 : vector<16xf32>
      %mul3A_442 = arith.mulf %get3A_422, %get3A_434 : vector<16xf32>
      %add3A_443 = arith.addf %mul3A_441, %mul3A_442 : vector<16xf32>
      %mul3A_444 = arith.mulf %get3A_425, %get3A_437 : vector<16xf32>
      %mul3A_445 = arith.mulf %get3A_428, %get3A_440 : vector<16xf32>
      %add3A_446 = arith.addf %mul3A_444, %mul3A_445 : vector<16xf32>
      %add3A_447 = arith.addf %add3A_443, %add3A_446 : vector<16xf32>
      %reduce_sum3A_448 = arith.constant true
      %reduce_sum3A_449 = vector.broadcast %reduce_sum3A_448 : i1 to vector<16xi1>
      %reduce_sum3A_450 = tpu.scan <sum>, %add3A_447 masked %reduce_sum3A_449 : vector<16xf32>, vector<16xi1> -> vector<16xf32>
      %reduce_sum3A_451 = vector.extract %reduce_sum3A_450[15] : f32 from vector<16xf32>
      %eq3A_452 = arith.constant 8 : i32
      %eq3A_453 = vector.broadcast %eq3A_452 : i32 to vector<16xi32>
      %eq3A_454 = arith.cmpi eq, %iota3A, %eq3A_453 : vector<16xi32>
      %broadcast_in_dim3A_455 = vector.broadcast %reduce_sum3A_451 : f32 to vector<16xf32>
      %select_n3A_456 = arith.select %eq3A_454, %broadcast_in_dim3A_455, %select_n3A_412 : vector<16xi1>, vector<16xf32>
      %mul3A_457 = arith.constant 16 : i32
      %mul3A_458 = arith.muli %scan3A_62, %mul3A_457 : i32
      %add3A_459 = arith.constant 9 : i32
      %add3A_460 = arith.addi %mul3A_458, %add3A_459 : i32
      %get3A_461 = arith.index_cast %add3A_460 : i32 to index
      %get3A_462 = arith.constant 0 : index
      %get3A_463 = tpu.vector_load %arg10[%get3A_461, %get3A_462] {strides = array<i32>} : memref<256x64xf32, #tpu.memory_space<vmem>>, vector<16xf32>,
      %get3A_464 = arith.index_cast %add3A_460 : i32 to index
      %get3A_465 = arith.constant 16 : index
      %get3A_466 = tpu.vector_load %arg10[%get3A_464, %get3A_465] {strides = array<i32>} : memref<256x64xf32, #tpu.memory_space<vmem>>, vector<16xf32>,
      %get3A_467 = arith.index_cast %add3A_460 : i32 to index
      %get3A_468 = arith.constant 32 : index
      %get3A_469 = tpu.vector_load %arg10[%get3A_467, %get3A_468] {strides = array<i32>} : memref<256x64xf32, #tpu.memory_space<vmem>>, vector<16xf32>,
      %get3A_470 = arith.index_cast %add3A_460 : i32 to index
      %get3A_471 = arith.constant 48 : index
      %get3A_472 = tpu.vector_load %arg10[%get3A_470, %get3A_471] {strides = array<i32>} : memref<256x64xf32, #tpu.memory_space<vmem>>, vector<16xf32>,
      %get3A_473 = arith.index_cast %add3A_460 : i32 to index
      %get3A_474 = arith.constant 0 : index
      %get3A_475 = tpu.vector_load %arg11[%get3A_473, %get3A_474] {strides = array<i32>} : memref<256x64xf32, #tpu.memory_space<vmem>>, vector<16xf32>,
      %get3A_476 = arith.index_cast %add3A_460 : i32 to index
      %get3A_477 = arith.constant 16 : index
      %get3A_478 = tpu.vector_load %arg11[%get3A_476, %get3A_477] {strides = array<i32>} : memref<256x64xf32, #tpu.memory_space<vmem>>, vector<16xf32>,
      %get3A_479 = arith.index_cast %add3A_460 : i32 to index
      %get3A_480 = arith.constant 32 : index
      %get3A_481 = tpu.vector_load %arg11[%get3A_479, %get3A_480] {strides = array<i32>} : memref<256x64xf32, #tpu.memory_space<vmem>>, vector<16xf32>,
      %get3A_482 = arith.index_cast %add3A_460 : i32 to index
      %get3A_483 = arith.constant 48 : index
      %get3A_484 = tpu.vector_load %arg11[%get3A_482, %get3A_483] {strides = array<i32>} : memref<256x64xf32, #tpu.memory_space<vmem>>, vector<16xf32>,
      %mul3A_485 = arith.mulf %get3A_463, %get3A_475 : vector<16xf32>
      %mul3A_486 = arith.mulf %get3A_466, %get3A_478 : vector<16xf32>
      %add3A_487 = arith.addf %mul3A_485, %mul3A_486 : vector<16xf32>
      %mul3A_488 = arith.mulf %get3A_469, %get3A_481 : vector<16xf32>
      %mul3A_489 = arith.mulf %get3A_472, %get3A_484 : vector<16xf32>
      %add3A_490 = arith.addf %mul3A_488, %mul3A_489 : vector<16xf32>
      %add3A_491 = arith.addf %add3A_487, %add3A_490 : vector<16xf32>
      %reduce_sum3A_492 = arith.constant true
      %reduce_sum3A_493 = vector.broadcast %reduce_sum3A_492 : i1 to vector<16xi1>
      %reduce_sum3A_494 = tpu.scan <sum>, %add3A_491 masked %reduce_sum3A_493 : vector<16xf32>, vector<16xi1> -> vector<16xf32>
      %reduce_sum3A_495 = vector.extract %reduce_sum3A_494[15] : f32 from vector<16xf32>
      %eq3A_496 = arith.constant 9 : i32
      %eq3A_497 = vector.broadcast %eq3A_496 : i32 to vector<16xi32>
      %eq3A_498 = arith.cmpi eq, %iota3A, %eq3A_497 : vector<16xi32>
      %broadcast_in_dim3A_499 = vector.broadcast %reduce_sum3A_495 : f32 to vector<16xf32>
      %select_n3A_500 = arith.select %eq3A_498, %broadcast_in_dim3A_499, %select_n3A_456 : vector<16xi1>, vector<16xf32>
      %mul3A_501 = arith.constant 16 : i32
      %mul3A_502 = arith.muli %scan3A_62, %mul3A_501 : i32
      %add3A_503 = arith.constant 10 : i32
      %add3A_504 = arith.addi %mul3A_502, %add3A_503 : i32
      %get3A_505 = arith.index_cast %add3A_504 : i32 to index
      %get3A_506 = arith.constant 0 : index
      %get3A_507 = tpu.vector_load %arg10[%get3A_505, %get3A_506] {strides = array<i32>} : memref<256x64xf32, #tpu.memory_space<vmem>>, vector<16xf32>,
      %get3A_508 = arith.index_cast %add3A_504 : i32 to index
      %get3A_509 = arith.constant 16 : index
      %get3A_510 = tpu.vector_load %arg10[%get3A_508, %get3A_509] {strides = array<i32>} : memref<256x64xf32, #tpu.memory_space<vmem>>, vector<16xf32>,
      %get3A_511 = arith.index_cast %add3A_504 : i32 to index
      %get3A_512 = arith.constant 32 : index
      %get3A_513 = tpu.vector_load %arg10[%get3A_511, %get3A_512] {strides = array<i32>} : memref<256x64xf32, #tpu.memory_space<vmem>>, vector<16xf32>,
      %get3A_514 = arith.index_cast %add3A_504 : i32 to index
      %get3A_515 = arith.constant 48 : index
      %get3A_516 = tpu.vector_load %arg10[%get3A_514, %get3A_515] {strides = array<i32>} : memref<256x64xf32, #tpu.memory_space<vmem>>, vector<16xf32>,
      %get3A_517 = arith.index_cast %add3A_504 : i32 to index
      %get3A_518 = arith.constant 0 : index
      %get3A_519 = tpu.vector_load %arg11[%get3A_517, %get3A_518] {strides = array<i32>} : memref<256x64xf32, #tpu.memory_space<vmem>>, vector<16xf32>,
      %get3A_520 = arith.index_cast %add3A_504 : i32 to index
      %get3A_521 = arith.constant 16 : index
      %get3A_522 = tpu.vector_load %arg11[%get3A_520, %get3A_521] {strides = array<i32>} : memref<256x64xf32, #tpu.memory_space<vmem>>, vector<16xf32>,
      %get3A_523 = arith.index_cast %add3A_504 : i32 to index
      %get3A_524 = arith.constant 32 : index
      %get3A_525 = tpu.vector_load %arg11[%get3A_523, %get3A_524] {strides = array<i32>} : memref<256x64xf32, #tpu.memory_space<vmem>>, vector<16xf32>,
      %get3A_526 = arith.index_cast %add3A_504 : i32 to index
      %get3A_527 = arith.constant 48 : index
      %get3A_528 = tpu.vector_load %arg11[%get3A_526, %get3A_527] {strides = array<i32>} : memref<256x64xf32, #tpu.memory_space<vmem>>, vector<16xf32>,
      %mul3A_529 = arith.mulf %get3A_507, %get3A_519 : vector<16xf32>
      %mul3A_530 = arith.mulf %get3A_510, %get3A_522 : vector<16xf32>
      %add3A_531 = arith.addf %mul3A_529, %mul3A_530 : vector<16xf32>
      %mul3A_532 = arith.mulf %get3A_513, %get3A_525 : vector<16xf32>
      %mul3A_533 = arith.mulf %get3A_516, %get3A_528 : vector<16xf32>
      %add3A_534 = arith.addf %mul3A_532, %mul3A_533 : vector<16xf32>
      %add3A_535 = arith.addf %add3A_531, %add3A_534 : vector<16xf32>
      %reduce_sum3A_536 = arith.constant true
      %reduce_sum3A_537 = vector.broadcast %reduce_sum3A_536 : i1 to vector<16xi1>
      %reduce_sum3A_538 = tpu.scan <sum>, %add3A_535 masked %reduce_sum3A_537 : vector<16xf32>, vector<16xi1> -> vector<16xf32>
      %reduce_sum3A_539 = vector.extract %reduce_sum3A_538[15] : f32 from vector<16xf32>
      %eq3A_540 = arith.constant 10 : i32
      %eq3A_541 = vector.broadcast %eq3A_540 : i32 to vector<16xi32>
      %eq3A_542 = arith.cmpi eq, %iota3A, %eq3A_541 : vector<16xi32>
      %broadcast_in_dim3A_543 = vector.broadcast %reduce_sum3A_539 : f32 to vector<16xf32>
      %select_n3A_544 = arith.select %eq3A_542, %broadcast_in_dim3A_543, %select_n3A_500 : vector<16xi1>, vector<16xf32>
      %mul3A_545 = arith.constant 16 : i32
      %mul3A_546 = arith.muli %scan3A_62, %mul3A_545 : i32
      %add3A_547 = arith.constant 11 : i32
      %add3A_548 = arith.addi %mul3A_546, %add3A_547 : i32
      %get3A_549 = arith.index_cast %add3A_548 : i32 to index
      %get3A_550 = arith.constant 0 : index
      %get3A_551 = tpu.vector_load %arg10[%get3A_549, %get3A_550] {strides = array<i32>} : memref<256x64xf32, #tpu.memory_space<vmem>>, vector<16xf32>,
      %get3A_552 = arith.index_cast %add3A_548 : i32 to index
      %get3A_553 = arith.constant 16 : index
      %get3A_554 = tpu.vector_load %arg10[%get3A_552, %get3A_553] {strides = array<i32>} : memref<256x64xf32, #tpu.memory_space<vmem>>, vector<16xf32>,
      %get3A_555 = arith.index_cast %add3A_548 : i32 to index
      %get3A_556 = arith.constant 32 : index
      %get3A_557 = tpu.vector_load %arg10[%get3A_555, %get3A_556] {strides = array<i32>} : memref<256x64xf32, #tpu.memory_space<vmem>>, vector<16xf32>,
      %get3A_558 = arith.index_cast %add3A_548 : i32 to index
      %get3A_559 = arith.constant 48 : index
      %get3A_560 = tpu.vector_load %arg10[%get3A_558, %get3A_559] {strides = array<i32>} : memref<256x64xf32, #tpu.memory_space<vmem>>, vector<16xf32>,
      %get3A_561 = arith.index_cast %add3A_548 : i32 to index
      %get3A_562 = arith.constant 0 : index
      %get3A_563 = tpu.vector_load %arg11[%get3A_561, %get3A_562] {strides = array<i32>} : memref<256x64xf32, #tpu.memory_space<vmem>>, vector<16xf32>,
      %get3A_564 = arith.index_cast %add3A_548 : i32 to index
      %get3A_565 = arith.constant 16 : index
      %get3A_566 = tpu.vector_load %arg11[%get3A_564, %get3A_565] {strides = array<i32>} : memref<256x64xf32, #tpu.memory_space<vmem>>, vector<16xf32>,
      %get3A_567 = arith.index_cast %add3A_548 : i32 to index
      %get3A_568 = arith.constant 32 : index
      %get3A_569 = tpu.vector_load %arg11[%get3A_567, %get3A_568] {strides = array<i32>} : memref<256x64xf32, #tpu.memory_space<vmem>>, vector<16xf32>,
      %get3A_570 = arith.index_cast %add3A_548 : i32 to index
      %get3A_571 = arith.constant 48 : index
      %get3A_572 = tpu.vector_load %arg11[%get3A_570, %get3A_571] {strides = array<i32>} : memref<256x64xf32, #tpu.memory_space<vmem>>, vector<16xf32>,
      %mul3A_573 = arith.mulf %get3A_551, %get3A_563 : vector<16xf32>
      %mul3A_574 = arith.mulf %get3A_554, %get3A_566 : vector<16xf32>
      %add3A_575 = arith.addf %mul3A_573, %mul3A_574 : vector<16xf32>
      %mul3A_576 = arith.mulf %get3A_557, %get3A_569 : vector<16xf32>
      %mul3A_577 = arith.mulf %get3A_560, %get3A_572 : vector<16xf32>
      %add3A_578 = arith.addf %mul3A_576, %mul3A_577 : vector<16xf32>
      %add3A_579 = arith.addf %add3A_575, %add3A_578 : vector<16xf32>
      %reduce_sum3A_580 = arith.constant true
      %reduce_sum3A_581 = vector.broadcast %reduce_sum3A_580 : i1 to vector<16xi1>
      %reduce_sum3A_582 = tpu.scan <sum>, %add3A_579 masked %reduce_sum3A_581 : vector<16xf32>, vector<16xi1> -> vector<16xf32>
      %reduce_sum3A_583 = vector.extract %reduce_sum3A_582[15] : f32 from vector<16xf32>
      %eq3A_584 = arith.constant 11 : i32
      %eq3A_585 = vector.broadcast %eq3A_584 : i32 to vector<16xi32>
      %eq3A_586 = arith.cmpi eq, %iota3A, %eq3A_585 : vector<16xi32>
      %broadcast_in_dim3A_587 = vector.broadcast %reduce_sum3A_583 : f32 to vector<16xf32>
      %select_n3A_588 = arith.select %eq3A_586, %broadcast_in_dim3A_587, %select_n3A_544 : vector<16xi1>, vector<16xf32>
      %mul3A_589 = arith.constant 16 : i32
      %mul3A_590 = arith.muli %scan3A_62, %mul3A_589 : i32
      %add3A_591 = arith.constant 12 : i32
      %add3A_592 = arith.addi %mul3A_590, %add3A_591 : i32
      %get3A_593 = arith.index_cast %add3A_592 : i32 to index
      %get3A_594 = arith.constant 0 : index
      %get3A_595 = tpu.vector_load %arg10[%get3A_593, %get3A_594] {strides = array<i32>} : memref<256x64xf32, #tpu.memory_space<vmem>>, vector<16xf32>,
      %get3A_596 = arith.index_cast %add3A_592 : i32 to index
      %get3A_597 = arith.constant 16 : index
      %get3A_598 = tpu.vector_load %arg10[%get3A_596, %get3A_597] {strides = array<i32>} : memref<256x64xf32, #tpu.memory_space<vmem>>, vector<16xf32>,
      %get3A_599 = arith.index_cast %add3A_592 : i32 to index
      %get3A_600 = arith.constant 32 : index
      %get3A_601 = tpu.vector_load %arg10[%get3A_599, %get3A_600] {strides = array<i32>} : memref<256x64xf32, #tpu.memory_space<vmem>>, vector<16xf32>,
      %get3A_602 = arith.index_cast %add3A_592 : i32 to index
      %get3A_603 = arith.constant 48 : index
      %get3A_604 = tpu.vector_load %arg10[%get3A_602, %get3A_603] {strides = array<i32>} : memref<256x64xf32, #tpu.memory_space<vmem>>, vector<16xf32>,
      %get3A_605 = arith.index_cast %add3A_592 : i32 to index
      %get3A_606 = arith.constant 0 : index
      %get3A_607 = tpu.vector_load %arg11[%get3A_605, %get3A_606] {strides = array<i32>} : memref<256x64xf32, #tpu.memory_space<vmem>>, vector<16xf32>,
      %get3A_608 = arith.index_cast %add3A_592 : i32 to index
      %get3A_609 = arith.constant 16 : index
      %get3A_610 = tpu.vector_load %arg11[%get3A_608, %get3A_609] {strides = array<i32>} : memref<256x64xf32, #tpu.memory_space<vmem>>, vector<16xf32>,
      %get3A_611 = arith.index_cast %add3A_592 : i32 to index
      %get3A_612 = arith.constant 32 : index
      %get3A_613 = tpu.vector_load %arg11[%get3A_611, %get3A_612] {strides = array<i32>} : memref<256x64xf32, #tpu.memory_space<vmem>>, vector<16xf32>,
      %get3A_614 = arith.index_cast %add3A_592 : i32 to index
      %get3A_615 = arith.constant 48 : index
      %get3A_616 = tpu.vector_load %arg11[%get3A_614, %get3A_615] {strides = array<i32>} : memref<256x64xf32, #tpu.memory_space<vmem>>, vector<16xf32>,
      %mul3A_617 = arith.mulf %get3A_595, %get3A_607 : vector<16xf32>
      %mul3A_618 = arith.mulf %get3A_598, %get3A_610 : vector<16xf32>
      %add3A_619 = arith.addf %mul3A_617, %mul3A_618 : vector<16xf32>
      %mul3A_620 = arith.mulf %get3A_601, %get3A_613 : vector<16xf32>
      %mul3A_621 = arith.mulf %get3A_604, %get3A_616 : vector<16xf32>
      %add3A_622 = arith.addf %mul3A_620, %mul3A_621 : vector<16xf32>
      %add3A_623 = arith.addf %add3A_619, %add3A_622 : vector<16xf32>
      %reduce_sum3A_624 = arith.constant true
      %reduce_sum3A_625 = vector.broadcast %reduce_sum3A_624 : i1 to vector<16xi1>
      %reduce_sum3A_626 = tpu.scan <sum>, %add3A_623 masked %reduce_sum3A_625 : vector<16xf32>, vector<16xi1> -> vector<16xf32>
      %reduce_sum3A_627 = vector.extract %reduce_sum3A_626[15] : f32 from vector<16xf32>
      %eq3A_628 = arith.constant 12 : i32
      %eq3A_629 = vector.broadcast %eq3A_628 : i32 to vector<16xi32>
      %eq3A_630 = arith.cmpi eq, %iota3A, %eq3A_629 : vector<16xi32>
      %broadcast_in_dim3A_631 = vector.broadcast %reduce_sum3A_627 : f32 to vector<16xf32>
      %select_n3A_632 = arith.select %eq3A_630, %broadcast_in_dim3A_631, %select_n3A_588 : vector<16xi1>, vector<16xf32>
      %mul3A_633 = arith.constant 16 : i32
      %mul3A_634 = arith.muli %scan3A_62, %mul3A_633 : i32
      %add3A_635 = arith.constant 13 : i32
      %add3A_636 = arith.addi %mul3A_634, %add3A_635 : i32
      %get3A_637 = arith.index_cast %add3A_636 : i32 to index
      %get3A_638 = arith.constant 0 : index
      %get3A_639 = tpu.vector_load %arg10[%get3A_637, %get3A_638] {strides = array<i32>} : memref<256x64xf32, #tpu.memory_space<vmem>>, vector<16xf32>,
      %get3A_640 = arith.index_cast %add3A_636 : i32 to index
      %get3A_641 = arith.constant 16 : index
      %get3A_642 = tpu.vector_load %arg10[%get3A_640, %get3A_641] {strides = array<i32>} : memref<256x64xf32, #tpu.memory_space<vmem>>, vector<16xf32>,
      %get3A_643 = arith.index_cast %add3A_636 : i32 to index
      %get3A_644 = arith.constant 32 : index
      %get3A_645 = tpu.vector_load %arg10[%get3A_643, %get3A_644] {strides = array<i32>} : memref<256x64xf32, #tpu.memory_space<vmem>>, vector<16xf32>,
      %get3A_646 = arith.index_cast %add3A_636 : i32 to index
      %get3A_647 = arith.constant 48 : index
      %get3A_648 = tpu.vector_load %arg10[%get3A_646, %get3A_647] {strides = array<i32>} : memref<256x64xf32, #tpu.memory_space<vmem>>, vector<16xf32>,
      %get3A_649 = arith.index_cast %add3A_636 : i32 to index
      %get3A_650 = arith.constant 0 : index
      %get3A_651 = tpu.vector_load %arg11[%get3A_649, %get3A_650] {strides = array<i32>} : memref<256x64xf32, #tpu.memory_space<vmem>>, vector<16xf32>,
      %get3A_652 = arith.index_cast %add3A_636 : i32 to index
      %get3A_653 = arith.constant 16 : index
      %get3A_654 = tpu.vector_load %arg11[%get3A_652, %get3A_653] {strides = array<i32>} : memref<256x64xf32, #tpu.memory_space<vmem>>, vector<16xf32>,
      %get3A_655 = arith.index_cast %add3A_636 : i32 to index
      %get3A_656 = arith.constant 32 : index
      %get3A_657 = tpu.vector_load %arg11[%get3A_655, %get3A_656] {strides = array<i32>} : memref<256x64xf32, #tpu.memory_space<vmem>>, vector<16xf32>,
      %get3A_658 = arith.index_cast %add3A_636 : i32 to index
      %get3A_659 = arith.constant 48 : index
      %get3A_660 = tpu.vector_load %arg11[%get3A_658, %get3A_659] {strides = array<i32>} : memref<256x64xf32, #tpu.memory_space<vmem>>, vector<16xf32>,
      %mul3A_661 = arith.mulf %get3A_639, %get3A_651 : vector<16xf32>
      %mul3A_662 = arith.mulf %get3A_642, %get3A_654 : vector<16xf32>
      %add3A_663 = arith.addf %mul3A_661, %mul3A_662 : vector<16xf32>
      %mul3A_664 = arith.mulf %get3A_645, %get3A_657 : vector<16xf32>
      %mul3A_665 = arith.mulf %get3A_648, %get3A_660 : vector<16xf32>
      %add3A_666 = arith.addf %mul3A_664, %mul3A_665 : vector<16xf32>
      %add3A_667 = arith.addf %add3A_663, %add3A_666 : vector<16xf32>
      %reduce_sum3A_668 = arith.constant true
      %reduce_sum3A_669 = vector.broadcast %reduce_sum3A_668 : i1 to vector<16xi1>
      %reduce_sum3A_670 = tpu.scan <sum>, %add3A_667 masked %reduce_sum3A_669 : vector<16xf32>, vector<16xi1> -> vector<16xf32>
      %reduce_sum3A_671 = vector.extract %reduce_sum3A_670[15] : f32 from vector<16xf32>
      %eq3A_672 = arith.constant 13 : i32
      %eq3A_673 = vector.broadcast %eq3A_672 : i32 to vector<16xi32>
      %eq3A_674 = arith.cmpi eq, %iota3A, %eq3A_673 : vector<16xi32>
      %broadcast_in_dim3A_675 = vector.broadcast %reduce_sum3A_671 : f32 to vector<16xf32>
      %select_n3A_676 = arith.select %eq3A_674, %broadcast_in_dim3A_675, %select_n3A_632 : vector<16xi1>, vector<16xf32>
      %mul3A_677 = arith.constant 16 : i32
      %mul3A_678 = arith.muli %scan3A_62, %mul3A_677 : i32
      %add3A_679 = arith.constant 14 : i32
      %add3A_680 = arith.addi %mul3A_678, %add3A_679 : i32
      %get3A_681 = arith.index_cast %add3A_680 : i32 to index
      %get3A_682 = arith.constant 0 : index
      %get3A_683 = tpu.vector_load %arg10[%get3A_681, %get3A_682] {strides = array<i32>} : memref<256x64xf32, #tpu.memory_space<vmem>>, vector<16xf32>,
      %get3A_684 = arith.index_cast %add3A_680 : i32 to index
      %get3A_685 = arith.constant 16 : index
      %get3A_686 = tpu.vector_load %arg10[%get3A_684, %get3A_685] {strides = array<i32>} : memref<256x64xf32, #tpu.memory_space<vmem>>, vector<16xf32>,
      %get3A_687 = arith.index_cast %add3A_680 : i32 to index
      %get3A_688 = arith.constant 32 : index
      %get3A_689 = tpu.vector_load %arg10[%get3A_687, %get3A_688] {strides = array<i32>} : memref<256x64xf32, #tpu.memory_space<vmem>>, vector<16xf32>,
      %get3A_690 = arith.index_cast %add3A_680 : i32 to index
      %get3A_691 = arith.constant 48 : index
      %get3A_692 = tpu.vector_load %arg10[%get3A_690, %get3A_691] {strides = array<i32>} : memref<256x64xf32, #tpu.memory_space<vmem>>, vector<16xf32>,
      %get3A_693 = arith.index_cast %add3A_680 : i32 to index
      %get3A_694 = arith.constant 0 : index
      %get3A_695 = tpu.vector_load %arg11[%get3A_693, %get3A_694] {strides = array<i32>} : memref<256x64xf32, #tpu.memory_space<vmem>>, vector<16xf32>,
      %get3A_696 = arith.index_cast %add3A_680 : i32 to index
      %get3A_697 = arith.constant 16 : index
      %get3A_698 = tpu.vector_load %arg11[%get3A_696, %get3A_697] {strides = array<i32>} : memref<256x64xf32, #tpu.memory_space<vmem>>, vector<16xf32>,
      %get3A_699 = arith.index_cast %add3A_680 : i32 to index
      %get3A_700 = arith.constant 32 : index
      %get3A_701 = tpu.vector_load %arg11[%get3A_699, %get3A_700] {strides = array<i32>} : memref<256x64xf32, #tpu.memory_space<vmem>>, vector<16xf32>,
      %get3A_702 = arith.index_cast %add3A_680 : i32 to index
      %get3A_703 = arith.constant 48 : index
      %get3A_704 = tpu.vector_load %arg11[%get3A_702, %get3A_703] {strides = array<i32>} : memref<256x64xf32, #tpu.memory_space<vmem>>, vector<16xf32>,
      %mul3A_705 = arith.mulf %get3A_683, %get3A_695 : vector<16xf32>
      %mul3A_706 = arith.mulf %get3A_686, %get3A_698 : vector<16xf32>
      %add3A_707 = arith.addf %mul3A_705, %mul3A_706 : vector<16xf32>
      %mul3A_708 = arith.mulf %get3A_689, %get3A_701 : vector<16xf32>
      %mul3A_709 = arith.mulf %get3A_692, %get3A_704 : vector<16xf32>
      %add3A_710 = arith.addf %mul3A_708, %mul3A_709 : vector<16xf32>
      %add3A_711 = arith.addf %add3A_707, %add3A_710 : vector<16xf32>
      %reduce_sum3A_712 = arith.constant true
      %reduce_sum3A_713 = vector.broadcast %reduce_sum3A_712 : i1 to vector<16xi1>
      %reduce_sum3A_714 = tpu.scan <sum>, %add3A_711 masked %reduce_sum3A_713 : vector<16xf32>, vector<16xi1> -> vector<16xf32>
      %reduce_sum3A_715 = vector.extract %reduce_sum3A_714[15] : f32 from vector<16xf32>
      %eq3A_716 = arith.constant 14 : i32
      %eq3A_717 = vector.broadcast %eq3A_716 : i32 to vector<16xi32>
      %eq3A_718 = arith.cmpi eq, %iota3A, %eq3A_717 : vector<16xi32>
      %broadcast_in_dim3A_719 = vector.broadcast %reduce_sum3A_715 : f32 to vector<16xf32>
      %select_n3A_720 = arith.select %eq3A_718, %broadcast_in_dim3A_719, %select_n3A_676 : vector<16xi1>, vector<16xf32>
      %mul3A_721 = arith.constant 16 : i32
      %mul3A_722 = arith.muli %scan3A_62, %mul3A_721 : i32
      %add3A_723 = arith.constant 15 : i32
      %add3A_724 = arith.addi %mul3A_722, %add3A_723 : i32
      %get3A_725 = arith.index_cast %add3A_724 : i32 to index
      %get3A_726 = arith.constant 0 : index
      %get3A_727 = tpu.vector_load %arg10[%get3A_725, %get3A_726] {strides = array<i32>} : memref<256x64xf32, #tpu.memory_space<vmem>>, vector<16xf32>,
      %get3A_728 = arith.index_cast %add3A_724 : i32 to index
      %get3A_729 = arith.constant 16 : index
      %get3A_730 = tpu.vector_load %arg10[%get3A_728, %get3A_729] {strides = array<i32>} : memref<256x64xf32, #tpu.memory_space<vmem>>, vector<16xf32>,
      %get3A_731 = arith.index_cast %add3A_724 : i32 to index
      %get3A_732 = arith.constant 32 : index
      %get3A_733 = tpu.vector_load %arg10[%get3A_731, %get3A_732] {strides = array<i32>} : memref<256x64xf32, #tpu.memory_space<vmem>>, vector<16xf32>,
      %get3A_734 = arith.index_cast %add3A_724 : i32 to index
      %get3A_735 = arith.constant 48 : index
      %get3A_736 = tpu.vector_load %arg10[%get3A_734, %get3A_735] {strides = array<i32>} : memref<256x64xf32, #tpu.memory_space<vmem>>, vector<16xf32>,
      %get3A_737 = arith.index_cast %add3A_724 : i32 to index
      %get3A_738 = arith.constant 0 : index
      %get3A_739 = tpu.vector_load %arg11[%get3A_737, %get3A_738] {strides = array<i32>} : memref<256x64xf32, #tpu.memory_space<vmem>>, vector<16xf32>,
      %get3A_740 = arith.index_cast %add3A_724 : i32 to index
      %get3A_741 = arith.constant 16 : index
      %get3A_742 = tpu.vector_load %arg11[%get3A_740, %get3A_741] {strides = array<i32>} : memref<256x64xf32, #tpu.memory_space<vmem>>, vector<16xf32>,
      %get3A_743 = arith.index_cast %add3A_724 : i32 to index
      %get3A_744 = arith.constant 32 : index
      %get3A_745 = tpu.vector_load %arg11[%get3A_743, %get3A_744] {strides = array<i32>} : memref<256x64xf32, #tpu.memory_space<vmem>>, vector<16xf32>,
      %get3A_746 = arith.index_cast %add3A_724 : i32 to index
      %get3A_747 = arith.constant 48 : index
      %get3A_748 = tpu.vector_load %arg11[%get3A_746, %get3A_747] {strides = array<i32>} : memref<256x64xf32, #tpu.memory_space<vmem>>, vector<16xf32>,
      %mul3A_749 = arith.mulf %get3A_727, %get3A_739 : vector<16xf32>
      %mul3A_750 = arith.mulf %get3A_730, %get3A_742 : vector<16xf32>
      %add3A_751 = arith.addf %mul3A_749, %mul3A_750 : vector<16xf32>
      %mul3A_752 = arith.mulf %get3A_733, %get3A_745 : vector<16xf32>
      %mul3A_753 = arith.mulf %get3A_736, %get3A_748 : vector<16xf32>
      %add3A_754 = arith.addf %mul3A_752, %mul3A_753 : vector<16xf32>
      %add3A_755 = arith.addf %add3A_751, %add3A_754 : vector<16xf32>
      %reduce_sum3A_756 = arith.constant true
      %reduce_sum3A_757 = vector.broadcast %reduce_sum3A_756 : i1 to vector<16xi1>
      %reduce_sum3A_758 = tpu.scan <sum>, %add3A_755 masked %reduce_sum3A_757 : vector<16xf32>, vector<16xi1> -> vector<16xf32>
      %reduce_sum3A_759 = vector.extract %reduce_sum3A_758[15] : f32 from vector<16xf32>
      %eq3A_760 = arith.constant 15 : i32
      %eq3A_761 = vector.broadcast %eq3A_760 : i32 to vector<16xi32>
      %eq3A_762 = arith.cmpi eq, %iota3A, %eq3A_761 : vector<16xi32>
      %broadcast_in_dim3A_763 = vector.broadcast %reduce_sum3A_759 : f32 to vector<16xf32>
      %select_n3A_764 = arith.select %eq3A_762, %broadcast_in_dim3A_763, %select_n3A_720 : vector<16xi1>, vector<16xf32>
      %mul3A_765 = arith.constant 16 : i32
      %mul3A_766 = arith.muli %scan3A_62, %mul3A_765 : i32
      %add3A_767 = vector.broadcast %mul3A_766 : i32 to vector<16xi32>
      %add3A_768 = arith.addi %add3A_767, %iota3A : vector<16xi32>
      %gather3A = tpu.vector_load_idx %arg12[%add3A_768, %broadcast_in_dim3A_3] : memref<256x1xf32, #tpu.memory_space<vmem>>[vector<16xi32>, vector<16xi32>], vector<16xf32>,
      %add3A_769 = arith.addf %select_n3A_764, %gather3A : vector<16xf32>
      %mul3A_770 = arith.constant 16 : i32
      %mul3A_771 = arith.muli %scan3A_62, %mul3A_770 : i32
      %add3A_772 = arith.constant 0 : i32
      %add3A_773 = arith.addi %add3A_772, %mul3A_771 : i32
      %swap3A = arith.index_cast %add3A_773 : i32 to index
      %swap3A_774 = tpu.vector_load %arg13[%swap3A] {strides = array<i32>} : memref<512xf32, #tpu.memory_space<vmem>>, vector<16xf32>,
      tpu.vector_store %arg13[%swap3A], %add3A_769 {strides = array<i32>} : memref<512xf32, #tpu.memory_space<vmem>>, vector<16xf32>,
    }
    %scan3A_31 = arith.constant 16 : i32
    %scan3A_32 = arith.constant 0 : i32
    %scan3A_33 = arith.constant 0 : i32
    %scan3A_34 = arith.constant 16 : i32
    %scan3A_35 = arith.addi %scan3A_33, %scan3A_34 : i32
    %scan3A_36 = arith.constant 1 : i32
    scf.for %scan3A_62 = %scan3A_33 to %scan3A_35 step %scan3A_36  : i32 {
      %mul3A_63 = arith.constant 16 : i32
      %mul3A_64 = arith.muli %scan3A_62, %mul3A_63 : i32
      %add3A_65 = arith.constant 256 : i32
      %add3A_66 = arith.addi %add3A_65, %mul3A_64 : i32
      %get3A = arith.index_cast %add3A_66 : i32 to index
      %get3A_67 = tpu.vector_load %arg8[%get3A] {strides = array<i32>} : memref<512xi32, #tpu.memory_space<vmem>>, vector<16xi32>,
      %mul3A_68 = arith.constant 16 : i32
      %mul3A_69 = arith.muli %scan3A_62, %mul3A_68 : i32
      %add3A_70 = arith.constant 256 : i32
      %add3A_71 = arith.addi %add3A_70, %mul3A_69 : i32
      %get3A_72 = arith.index_cast %add3A_71 : i32 to index
      %get3A_73 = tpu.vector_load %arg9[%get3A_72] {strides = array<i32>} : memref<512xi32, #tpu.memory_space<vmem>>, vector<16xi32>,
      %mul3A_74 = arith.constant 16 : i32
      %mul3A_75 = arith.muli %scan3A_62, %mul3A_74 : i32
      %add3A_76 = arith.constant 0 : i32
      %add3A_77 = arith.addi %mul3A_75, %add3A_76 : i32
      %slice3A = vector.extract_strided_slice %get3A_67 {offsets = [0], sizes = [1], strides = [1]} : vector<16xi32> to vector<1xi32>
      %squeeze3A = vector.extract %slice3A[0] : i32 from vector<1xi32>
      %slice3A_78 = vector.extract_strided_slice %get3A_73 {offsets = [0], sizes = [1], strides = [1]} : vector<16xi32> to vector<1xi32>
      %squeeze3A_79 = vector.extract %slice3A_78[0] : i32 from vector<1xi32>
      %dma_start3A = arith.constant 0 : i32
      %dma_start3A_80 = tpu.memref_slice %arg10[%add3A_77, %dma_start3A] : memref<256x64xf32, #tpu.memory_space<vmem>> -> memref<1x64xf32, #tpu.memory_space<vmem>>
      %dma_start3A_81 = arith.constant 0 : i32
      %dma_start3A_82 = tpu.memref_slice %arg4[%squeeze3A, %dma_start3A_81] : memref<100000x64xf32, #tpu.memory_space<hbm>> -> memref<1x64xf32, #tpu.memory_space<hbm>>
      %dma_start3A_83 = arith.constant 0 : i32
      %dma_start3A_84 = tpu.memref_slice %arg10[%add3A_77, %dma_start3A_83] : memref<256x64xf32, #tpu.memory_space<vmem>> -> memref<1x64xf32, #tpu.memory_space<vmem>>
      %dma_start3A_85 = arith.constant 0 : i32
      %dma_start3A_86 = tpu.memref_slice %arg4[%squeeze3A, %dma_start3A_85] : memref<100000x64xf32, #tpu.memory_space<hbm>> -> memref<1x64xf32, #tpu.memory_space<hbm>>
      tpu.enqueue_dma source(%dma_start3A_86 : memref<1x64xf32, #tpu.memory_space<hbm>>) target(%dma_start3A_84 : memref<1x64xf32, #tpu.memory_space<vmem>>) target_semaphore(%arg14 : memref<!tpu.dma_semaphore, #tpu.memory_space<semaphore_mem>>)
      %dma_start3A_87 = arith.constant 0 : i32
      %dma_start3A_88 = tpu.memref_slice %arg11[%add3A_77, %dma_start3A_87] : memref<256x64xf32, #tpu.memory_space<vmem>> -> memref<1x64xf32, #tpu.memory_space<vmem>>
      %dma_start3A_89 = arith.constant 0 : i32
      %dma_start3A_90 = tpu.memref_slice %arg5[%squeeze3A_79, %dma_start3A_89] : memref<100000x64xf32, #tpu.memory_space<hbm>> -> memref<1x64xf32, #tpu.memory_space<hbm>>
      %dma_start3A_91 = arith.constant 0 : i32
      %dma_start3A_92 = tpu.memref_slice %arg11[%add3A_77, %dma_start3A_91] : memref<256x64xf32, #tpu.memory_space<vmem>> -> memref<1x64xf32, #tpu.memory_space<vmem>>
      %dma_start3A_93 = arith.constant 0 : i32
      %dma_start3A_94 = tpu.memref_slice %arg5[%squeeze3A_79, %dma_start3A_93] : memref<100000x64xf32, #tpu.memory_space<hbm>> -> memref<1x64xf32, #tpu.memory_space<hbm>>
      tpu.enqueue_dma source(%dma_start3A_94 : memref<1x64xf32, #tpu.memory_space<hbm>>) target(%dma_start3A_92 : memref<1x64xf32, #tpu.memory_space<vmem>>) target_semaphore(%arg14 : memref<!tpu.dma_semaphore, #tpu.memory_space<semaphore_mem>>)
      %dma_start3A_95 = arith.constant 0 : i32
      %dma_start3A_96 = tpu.memref_slice %arg12[%add3A_77, %dma_start3A_95] : memref<256x1xf32, #tpu.memory_space<vmem>> -> memref<1x1xf32, #tpu.memory_space<vmem>>
      %dma_start3A_97 = arith.constant 0 : i32
      %dma_start3A_98 = tpu.memref_slice %arg6[%squeeze3A_79, %dma_start3A_97] : memref<100000x1xf32, #tpu.memory_space<hbm>> -> memref<1x1xf32, #tpu.memory_space<hbm>>
      %dma_start3A_99 = arith.constant 0 : i32
      %dma_start3A_100 = tpu.memref_slice %arg12[%add3A_77, %dma_start3A_99] : memref<256x1xf32, #tpu.memory_space<vmem>> -> memref<1x1xf32, #tpu.memory_space<vmem>>
      %dma_start3A_101 = arith.constant 0 : i32
      %dma_start3A_102 = tpu.memref_slice %arg6[%squeeze3A_79, %dma_start3A_101] : memref<100000x1xf32, #tpu.memory_space<hbm>> -> memref<1x1xf32, #tpu.memory_space<hbm>>
      tpu.enqueue_dma source(%dma_start3A_102 : memref<1x1xf32, #tpu.memory_space<hbm>>) target(%dma_start3A_100 : memref<1x1xf32, #tpu.memory_space<vmem>>) target_semaphore(%arg15 : memref<!tpu.dma_semaphore, #tpu.memory_space<semaphore_mem>>)
      %mul3A_103 = arith.constant 16 : i32
      %mul3A_104 = arith.muli %scan3A_62, %mul3A_103 : i32
      %add3A_105 = arith.constant 1 : i32
      %add3A_106 = arith.addi %mul3A_104, %add3A_105 : i32
      %slice3A_107 = vector.extract_strided_slice %get3A_67 {offsets = [1], sizes = [1], strides = [1]} : vector<16xi32> to vector<1xi32>
      %squeeze3A_108 = vector.extract %slice3A_107[0] : i32 from vector<1xi32>
      %slice3A_109 = vector.extract_strided_slice %get3A_73 {offsets = [1], sizes = [1], strides = [1]} : vector<16xi32> to vector<1xi32>
      %squeeze3A_110 = vector.extract %slice3A_109[0] : i32 from vector<1xi32>
      %dma_start3A_111 = arith.constant 0 : i32
      %dma_start3A_112 = tpu.memref_slice %arg10[%add3A_106, %dma_start3A_111] : memref<256x64xf32, #tpu.memory_space<vmem>> -> memref<1x64xf32, #tpu.memory_space<vmem>>
      %dma_start3A_113 = arith.constant 0 : i32
      %dma_start3A_114 = tpu.memref_slice %arg4[%squeeze3A_108, %dma_start3A_113] : memref<100000x64xf32, #tpu.memory_space<hbm>> -> memref<1x64xf32, #tpu.memory_space<hbm>>
      %dma_start3A_115 = arith.constant 0 : i32
      %dma_start3A_116 = tpu.memref_slice %arg10[%add3A_106, %dma_start3A_115] : memref<256x64xf32, #tpu.memory_space<vmem>> -> memref<1x64xf32, #tpu.memory_space<vmem>>
      %dma_start3A_117 = arith.constant 0 : i32
      %dma_start3A_118 = tpu.memref_slice %arg4[%squeeze3A_108, %dma_start3A_117] : memref<100000x64xf32, #tpu.memory_space<hbm>> -> memref<1x64xf32, #tpu.memory_space<hbm>>
      tpu.enqueue_dma source(%dma_start3A_118 : memref<1x64xf32, #tpu.memory_space<hbm>>) target(%dma_start3A_116 : memref<1x64xf32, #tpu.memory_space<vmem>>) target_semaphore(%arg14 : memref<!tpu.dma_semaphore, #tpu.memory_space<semaphore_mem>>)
      %dma_start3A_119 = arith.constant 0 : i32
      %dma_start3A_120 = tpu.memref_slice %arg11[%add3A_106, %dma_start3A_119] : memref<256x64xf32, #tpu.memory_space<vmem>> -> memref<1x64xf32, #tpu.memory_space<vmem>>
      %dma_start3A_121 = arith.constant 0 : i32
      %dma_start3A_122 = tpu.memref_slice %arg5[%squeeze3A_110, %dma_start3A_121] : memref<100000x64xf32, #tpu.memory_space<hbm>> -> memref<1x64xf32, #tpu.memory_space<hbm>>
      %dma_start3A_123 = arith.constant 0 : i32
      %dma_start3A_124 = tpu.memref_slice %arg11[%add3A_106, %dma_start3A_123] : memref<256x64xf32, #tpu.memory_space<vmem>> -> memref<1x64xf32, #tpu.memory_space<vmem>>
      %dma_start3A_125 = arith.constant 0 : i32
      %dma_start3A_126 = tpu.memref_slice %arg5[%squeeze3A_110, %dma_start3A_125] : memref<100000x64xf32, #tpu.memory_space<hbm>> -> memref<1x64xf32, #tpu.memory_space<hbm>>
      tpu.enqueue_dma source(%dma_start3A_126 : memref<1x64xf32, #tpu.memory_space<hbm>>) target(%dma_start3A_124 : memref<1x64xf32, #tpu.memory_space<vmem>>) target_semaphore(%arg14 : memref<!tpu.dma_semaphore, #tpu.memory_space<semaphore_mem>>)
      %dma_start3A_127 = arith.constant 0 : i32
      %dma_start3A_128 = tpu.memref_slice %arg12[%add3A_106, %dma_start3A_127] : memref<256x1xf32, #tpu.memory_space<vmem>> -> memref<1x1xf32, #tpu.memory_space<vmem>>
      %dma_start3A_129 = arith.constant 0 : i32
      %dma_start3A_130 = tpu.memref_slice %arg6[%squeeze3A_110, %dma_start3A_129] : memref<100000x1xf32, #tpu.memory_space<hbm>> -> memref<1x1xf32, #tpu.memory_space<hbm>>
      %dma_start3A_131 = arith.constant 0 : i32
      %dma_start3A_132 = tpu.memref_slice %arg12[%add3A_106, %dma_start3A_131] : memref<256x1xf32, #tpu.memory_space<vmem>> -> memref<1x1xf32, #tpu.memory_space<vmem>>
      %dma_start3A_133 = arith.constant 0 : i32
      %dma_start3A_134 = tpu.memref_slice %arg6[%squeeze3A_110, %dma_start3A_133] : memref<100000x1xf32, #tpu.memory_space<hbm>> -> memref<1x1xf32, #tpu.memory_space<hbm>>
      tpu.enqueue_dma source(%dma_start3A_134 : memref<1x1xf32, #tpu.memory_space<hbm>>) target(%dma_start3A_132 : memref<1x1xf32, #tpu.memory_space<vmem>>) target_semaphore(%arg15 : memref<!tpu.dma_semaphore, #tpu.memory_space<semaphore_mem>>)
      %mul3A_135 = arith.constant 16 : i32
      %mul3A_136 = arith.muli %scan3A_62, %mul3A_135 : i32
      %add3A_137 = arith.constant 2 : i32
      %add3A_138 = arith.addi %mul3A_136, %add3A_137 : i32
      %slice3A_139 = vector.extract_strided_slice %get3A_67 {offsets = [2], sizes = [1], strides = [1]} : vector<16xi32> to vector<1xi32>
      %squeeze3A_140 = vector.extract %slice3A_139[0] : i32 from vector<1xi32>
      %slice3A_141 = vector.extract_strided_slice %get3A_73 {offsets = [2], sizes = [1], strides = [1]} : vector<16xi32> to vector<1xi32>
      %squeeze3A_142 = vector.extract %slice3A_141[0] : i32 from vector<1xi32>
      %dma_start3A_143 = arith.constant 0 : i32
      %dma_start3A_144 = tpu.memref_slice %arg10[%add3A_138, %dma_start3A_143] : memref<256x64xf32, #tpu.memory_space<vmem>> -> memref<1x64xf32, #tpu.memory_space<vmem>>
      %dma_start3A_145 = arith.constant 0 : i32
      %dma_start3A_146 = tpu.memref_slice %arg4[%squeeze3A_140, %dma_start3A_145] : memref<100000x64xf32, #tpu.memory_space<hbm>> -> memref<1x64xf32, #tpu.memory_space<hbm>>
      %dma_start3A_147 = arith.constant 0 : i32
      %dma_start3A_148 = tpu.memref_slice %arg10[%add3A_138, %dma_start3A_147] : memref<256x64xf32, #tpu.memory_space<vmem>> -> memref<1x64xf32, #tpu.memory_space<vmem>>
      %dma_start3A_149 = arith.constant 0 : i32
      %dma_start3A_150 = tpu.memref_slice %arg4[%squeeze3A_140, %dma_start3A_149] : memref<100000x64xf32, #tpu.memory_space<hbm>> -> memref<1x64xf32, #tpu.memory_space<hbm>>
      tpu.enqueue_dma source(%dma_start3A_150 : memref<1x64xf32, #tpu.memory_space<hbm>>) target(%dma_start3A_148 : memref<1x64xf32, #tpu.memory_space<vmem>>) target_semaphore(%arg14 : memref<!tpu.dma_semaphore, #tpu.memory_space<semaphore_mem>>)
      %dma_start3A_151 = arith.constant 0 : i32
      %dma_start3A_152 = tpu.memref_slice %arg11[%add3A_138, %dma_start3A_151] : memref<256x64xf32, #tpu.memory_space<vmem>> -> memref<1x64xf32, #tpu.memory_space<vmem>>
      %dma_start3A_153 = arith.constant 0 : i32
      %dma_start3A_154 = tpu.memref_slice %arg5[%squeeze3A_142, %dma_start3A_153] : memref<100000x64xf32, #tpu.memory_space<hbm>> -> memref<1x64xf32, #tpu.memory_space<hbm>>
      %dma_start3A_155 = arith.constant 0 : i32
      %dma_start3A_156 = tpu.memref_slice %arg11[%add3A_138, %dma_start3A_155] : memref<256x64xf32, #tpu.memory_space<vmem>> -> memref<1x64xf32, #tpu.memory_space<vmem>>
      %dma_start3A_157 = arith.constant 0 : i32
      %dma_start3A_158 = tpu.memref_slice %arg5[%squeeze3A_142, %dma_start3A_157] : memref<100000x64xf32, #tpu.memory_space<hbm>> -> memref<1x64xf32, #tpu.memory_space<hbm>>
      tpu.enqueue_dma source(%dma_start3A_158 : memref<1x64xf32, #tpu.memory_space<hbm>>) target(%dma_start3A_156 : memref<1x64xf32, #tpu.memory_space<vmem>>) target_semaphore(%arg14 : memref<!tpu.dma_semaphore, #tpu.memory_space<semaphore_mem>>)
      %dma_start3A_159 = arith.constant 0 : i32
      %dma_start3A_160 = tpu.memref_slice %arg12[%add3A_138, %dma_start3A_159] : memref<256x1xf32, #tpu.memory_space<vmem>> -> memref<1x1xf32, #tpu.memory_space<vmem>>
      %dma_start3A_161 = arith.constant 0 : i32
      %dma_start3A_162 = tpu.memref_slice %arg6[%squeeze3A_142, %dma_start3A_161] : memref<100000x1xf32, #tpu.memory_space<hbm>> -> memref<1x1xf32, #tpu.memory_space<hbm>>
      %dma_start3A_163 = arith.constant 0 : i32
      %dma_start3A_164 = tpu.memref_slice %arg12[%add3A_138, %dma_start3A_163] : memref<256x1xf32, #tpu.memory_space<vmem>> -> memref<1x1xf32, #tpu.memory_space<vmem>>
      %dma_start3A_165 = arith.constant 0 : i32
      %dma_start3A_166 = tpu.memref_slice %arg6[%squeeze3A_142, %dma_start3A_165] : memref<100000x1xf32, #tpu.memory_space<hbm>> -> memref<1x1xf32, #tpu.memory_space<hbm>>
      tpu.enqueue_dma source(%dma_start3A_166 : memref<1x1xf32, #tpu.memory_space<hbm>>) target(%dma_start3A_164 : memref<1x1xf32, #tpu.memory_space<vmem>>) target_semaphore(%arg15 : memref<!tpu.dma_semaphore, #tpu.memory_space<semaphore_mem>>)
      %mul3A_167 = arith.constant 16 : i32
      %mul3A_168 = arith.muli %scan3A_62, %mul3A_167 : i32
      %add3A_169 = arith.constant 3 : i32
      %add3A_170 = arith.addi %mul3A_168, %add3A_169 : i32
      %slice3A_171 = vector.extract_strided_slice %get3A_67 {offsets = [3], sizes = [1], strides = [1]} : vector<16xi32> to vector<1xi32>
      %squeeze3A_172 = vector.extract %slice3A_171[0] : i32 from vector<1xi32>
      %slice3A_173 = vector.extract_strided_slice %get3A_73 {offsets = [3], sizes = [1], strides = [1]} : vector<16xi32> to vector<1xi32>
      %squeeze3A_174 = vector.extract %slice3A_173[0] : i32 from vector<1xi32>
      %dma_start3A_175 = arith.constant 0 : i32
      %dma_start3A_176 = tpu.memref_slice %arg10[%add3A_170, %dma_start3A_175] : memref<256x64xf32, #tpu.memory_space<vmem>> -> memref<1x64xf32, #tpu.memory_space<vmem>>
      %dma_start3A_177 = arith.constant 0 : i32
      %dma_start3A_178 = tpu.memref_slice %arg4[%squeeze3A_172, %dma_start3A_177] : memref<100000x64xf32, #tpu.memory_space<hbm>> -> memref<1x64xf32, #tpu.memory_space<hbm>>
      %dma_start3A_179 = arith.constant 0 : i32
      %dma_start3A_180 = tpu.memref_slice %arg10[%add3A_170, %dma_start3A_179] : memref<256x64xf32, #tpu.memory_space<vmem>> -> memref<1x64xf32, #tpu.memory_space<vmem>>
      %dma_start3A_181 = arith.constant 0 : i32
      %dma_start3A_182 = tpu.memref_slice %arg4[%squeeze3A_172, %dma_start3A_181] : memref<100000x64xf32, #tpu.memory_space<hbm>> -> memref<1x64xf32, #tpu.memory_space<hbm>>
      tpu.enqueue_dma source(%dma_start3A_182 : memref<1x64xf32, #tpu.memory_space<hbm>>) target(%dma_start3A_180 : memref<1x64xf32, #tpu.memory_space<vmem>>) target_semaphore(%arg14 : memref<!tpu.dma_semaphore, #tpu.memory_space<semaphore_mem>>)
      %dma_start3A_183 = arith.constant 0 : i32
      %dma_start3A_184 = tpu.memref_slice %arg11[%add3A_170, %dma_start3A_183] : memref<256x64xf32, #tpu.memory_space<vmem>> -> memref<1x64xf32, #tpu.memory_space<vmem>>
      %dma_start3A_185 = arith.constant 0 : i32
      %dma_start3A_186 = tpu.memref_slice %arg5[%squeeze3A_174, %dma_start3A_185] : memref<100000x64xf32, #tpu.memory_space<hbm>> -> memref<1x64xf32, #tpu.memory_space<hbm>>
      %dma_start3A_187 = arith.constant 0 : i32
      %dma_start3A_188 = tpu.memref_slice %arg11[%add3A_170, %dma_start3A_187] : memref<256x64xf32, #tpu.memory_space<vmem>> -> memref<1x64xf32, #tpu.memory_space<vmem>>
      %dma_start3A_189 = arith.constant 0 : i32
      %dma_start3A_190 = tpu.memref_slice %arg5[%squeeze3A_174, %dma_start3A_189] : memref<100000x64xf32, #tpu.memory_space<hbm>> -> memref<1x64xf32, #tpu.memory_space<hbm>>
      tpu.enqueue_dma source(%dma_start3A_190 : memref<1x64xf32, #tpu.memory_space<hbm>>) target(%dma_start3A_188 : memref<1x64xf32, #tpu.memory_space<vmem>>) target_semaphore(%arg14 : memref<!tpu.dma_semaphore, #tpu.memory_space<semaphore_mem>>)
      %dma_start3A_191 = arith.constant 0 : i32
      %dma_start3A_192 = tpu.memref_slice %arg12[%add3A_170, %dma_start3A_191] : memref<256x1xf32, #tpu.memory_space<vmem>> -> memref<1x1xf32, #tpu.memory_space<vmem>>
      %dma_start3A_193 = arith.constant 0 : i32
      %dma_start3A_194 = tpu.memref_slice %arg6[%squeeze3A_174, %dma_start3A_193] : memref<100000x1xf32, #tpu.memory_space<hbm>> -> memref<1x1xf32, #tpu.memory_space<hbm>>
      %dma_start3A_195 = arith.constant 0 : i32
      %dma_start3A_196 = tpu.memref_slice %arg12[%add3A_170, %dma_start3A_195] : memref<256x1xf32, #tpu.memory_space<vmem>> -> memref<1x1xf32, #tpu.memory_space<vmem>>
      %dma_start3A_197 = arith.constant 0 : i32
      %dma_start3A_198 = tpu.memref_slice %arg6[%squeeze3A_174, %dma_start3A_197] : memref<100000x1xf32, #tpu.memory_space<hbm>> -> memref<1x1xf32, #tpu.memory_space<hbm>>
      tpu.enqueue_dma source(%dma_start3A_198 : memref<1x1xf32, #tpu.memory_space<hbm>>) target(%dma_start3A_196 : memref<1x1xf32, #tpu.memory_space<vmem>>) target_semaphore(%arg15 : memref<!tpu.dma_semaphore, #tpu.memory_space<semaphore_mem>>)
      %mul3A_199 = arith.constant 16 : i32
      %mul3A_200 = arith.muli %scan3A_62, %mul3A_199 : i32
      %add3A_201 = arith.constant 4 : i32
      %add3A_202 = arith.addi %mul3A_200, %add3A_201 : i32
      %slice3A_203 = vector.extract_strided_slice %get3A_67 {offsets = [4], sizes = [1], strides = [1]} : vector<16xi32> to vector<1xi32>
      %squeeze3A_204 = vector.extract %slice3A_203[0] : i32 from vector<1xi32>
      %slice3A_205 = vector.extract_strided_slice %get3A_73 {offsets = [4], sizes = [1], strides = [1]} : vector<16xi32> to vector<1xi32>
      %squeeze3A_206 = vector.extract %slice3A_205[0] : i32 from vector<1xi32>
      %dma_start3A_207 = arith.constant 0 : i32
      %dma_start3A_208 = tpu.memref_slice %arg10[%add3A_202, %dma_start3A_207] : memref<256x64xf32, #tpu.memory_space<vmem>> -> memref<1x64xf32, #tpu.memory_space<vmem>>
      %dma_start3A_209 = arith.constant 0 : i32
      %dma_start3A_210 = tpu.memref_slice %arg4[%squeeze3A_204, %dma_start3A_209] : memref<100000x64xf32, #tpu.memory_space<hbm>> -> memref<1x64xf32, #tpu.memory_space<hbm>>
      %dma_start3A_211 = arith.constant 0 : i32
      %dma_start3A_212 = tpu.memref_slice %arg10[%add3A_202, %dma_start3A_211] : memref<256x64xf32, #tpu.memory_space<vmem>> -> memref<1x64xf32, #tpu.memory_space<vmem>>
      %dma_start3A_213 = arith.constant 0 : i32
      %dma_start3A_214 = tpu.memref_slice %arg4[%squeeze3A_204, %dma_start3A_213] : memref<100000x64xf32, #tpu.memory_space<hbm>> -> memref<1x64xf32, #tpu.memory_space<hbm>>
      tpu.enqueue_dma source(%dma_start3A_214 : memref<1x64xf32, #tpu.memory_space<hbm>>) target(%dma_start3A_212 : memref<1x64xf32, #tpu.memory_space<vmem>>) target_semaphore(%arg14 : memref<!tpu.dma_semaphore, #tpu.memory_space<semaphore_mem>>)
      %dma_start3A_215 = arith.constant 0 : i32
      %dma_start3A_216 = tpu.memref_slice %arg11[%add3A_202, %dma_start3A_215] : memref<256x64xf32, #tpu.memory_space<vmem>> -> memref<1x64xf32, #tpu.memory_space<vmem>>
      %dma_start3A_217 = arith.constant 0 : i32
      %dma_start3A_218 = tpu.memref_slice %arg5[%squeeze3A_206, %dma_start3A_217] : memref<100000x64xf32, #tpu.memory_space<hbm>> -> memref<1x64xf32, #tpu.memory_space<hbm>>
      %dma_start3A_219 = arith.constant 0 : i32
      %dma_start3A_220 = tpu.memref_slice %arg11[%add3A_202, %dma_start3A_219] : memref<256x64xf32, #tpu.memory_space<vmem>> -> memref<1x64xf32, #tpu.memory_space<vmem>>
      %dma_start3A_221 = arith.constant 0 : i32
      %dma_start3A_222 = tpu.memref_slice %arg5[%squeeze3A_206, %dma_start3A_221] : memref<100000x64xf32, #tpu.memory_space<hbm>> -> memref<1x64xf32, #tpu.memory_space<hbm>>
      tpu.enqueue_dma source(%dma_start3A_222 : memref<1x64xf32, #tpu.memory_space<hbm>>) target(%dma_start3A_220 : memref<1x64xf32, #tpu.memory_space<vmem>>) target_semaphore(%arg14 : memref<!tpu.dma_semaphore, #tpu.memory_space<semaphore_mem>>)
      %dma_start3A_223 = arith.constant 0 : i32
      %dma_start3A_224 = tpu.memref_slice %arg12[%add3A_202, %dma_start3A_223] : memref<256x1xf32, #tpu.memory_space<vmem>> -> memref<1x1xf32, #tpu.memory_space<vmem>>
      %dma_start3A_225 = arith.constant 0 : i32
      %dma_start3A_226 = tpu.memref_slice %arg6[%squeeze3A_206, %dma_start3A_225] : memref<100000x1xf32, #tpu.memory_space<hbm>> -> memref<1x1xf32, #tpu.memory_space<hbm>>
      %dma_start3A_227 = arith.constant 0 : i32
      %dma_start3A_228 = tpu.memref_slice %arg12[%add3A_202, %dma_start3A_227] : memref<256x1xf32, #tpu.memory_space<vmem>> -> memref<1x1xf32, #tpu.memory_space<vmem>>
      %dma_start3A_229 = arith.constant 0 : i32
      %dma_start3A_230 = tpu.memref_slice %arg6[%squeeze3A_206, %dma_start3A_229] : memref<100000x1xf32, #tpu.memory_space<hbm>> -> memref<1x1xf32, #tpu.memory_space<hbm>>
      tpu.enqueue_dma source(%dma_start3A_230 : memref<1x1xf32, #tpu.memory_space<hbm>>) target(%dma_start3A_228 : memref<1x1xf32, #tpu.memory_space<vmem>>) target_semaphore(%arg15 : memref<!tpu.dma_semaphore, #tpu.memory_space<semaphore_mem>>)
      %mul3A_231 = arith.constant 16 : i32
      %mul3A_232 = arith.muli %scan3A_62, %mul3A_231 : i32
      %add3A_233 = arith.constant 5 : i32
      %add3A_234 = arith.addi %mul3A_232, %add3A_233 : i32
      %slice3A_235 = vector.extract_strided_slice %get3A_67 {offsets = [5], sizes = [1], strides = [1]} : vector<16xi32> to vector<1xi32>
      %squeeze3A_236 = vector.extract %slice3A_235[0] : i32 from vector<1xi32>
      %slice3A_237 = vector.extract_strided_slice %get3A_73 {offsets = [5], sizes = [1], strides = [1]} : vector<16xi32> to vector<1xi32>
      %squeeze3A_238 = vector.extract %slice3A_237[0] : i32 from vector<1xi32>
      %dma_start3A_239 = arith.constant 0 : i32
      %dma_start3A_240 = tpu.memref_slice %arg10[%add3A_234, %dma_start3A_239] : memref<256x64xf32, #tpu.memory_space<vmem>> -> memref<1x64xf32, #tpu.memory_space<vmem>>
      %dma_start3A_241 = arith.constant 0 : i32
      %dma_start3A_242 = tpu.memref_slice %arg4[%squeeze3A_236, %dma_start3A_241] : memref<100000x64xf32, #tpu.memory_space<hbm>> -> memref<1x64xf32, #tpu.memory_space<hbm>>
      %dma_start3A_243 = arith.constant 0 : i32
      %dma_start3A_244 = tpu.memref_slice %arg10[%add3A_234, %dma_start3A_243] : memref<256x64xf32, #tpu.memory_space<vmem>> -> memref<1x64xf32, #tpu.memory_space<vmem>>
      %dma_start3A_245 = arith.constant 0 : i32
      %dma_start3A_246 = tpu.memref_slice %arg4[%squeeze3A_236, %dma_start3A_245] : memref<100000x64xf32, #tpu.memory_space<hbm>> -> memref<1x64xf32, #tpu.memory_space<hbm>>
      tpu.enqueue_dma source(%dma_start3A_246 : memref<1x64xf32, #tpu.memory_space<hbm>>) target(%dma_start3A_244 : memref<1x64xf32, #tpu.memory_space<vmem>>) target_semaphore(%arg14 : memref<!tpu.dma_semaphore, #tpu.memory_space<semaphore_mem>>)
      %dma_start3A_247 = arith.constant 0 : i32
      %dma_start3A_248 = tpu.memref_slice %arg11[%add3A_234, %dma_start3A_247] : memref<256x64xf32, #tpu.memory_space<vmem>> -> memref<1x64xf32, #tpu.memory_space<vmem>>
      %dma_start3A_249 = arith.constant 0 : i32
      %dma_start3A_250 = tpu.memref_slice %arg5[%squeeze3A_238, %dma_start3A_249] : memref<100000x64xf32, #tpu.memory_space<hbm>> -> memref<1x64xf32, #tpu.memory_space<hbm>>
      %dma_start3A_251 = arith.constant 0 : i32
      %dma_start3A_252 = tpu.memref_slice %arg11[%add3A_234, %dma_start3A_251] : memref<256x64xf32, #tpu.memory_space<vmem>> -> memref<1x64xf32, #tpu.memory_space<vmem>>
      %dma_start3A_253 = arith.constant 0 : i32
      %dma_start3A_254 = tpu.memref_slice %arg5[%squeeze3A_238, %dma_start3A_253] : memref<100000x64xf32, #tpu.memory_space<hbm>> -> memref<1x64xf32, #tpu.memory_space<hbm>>
      tpu.enqueue_dma source(%dma_start3A_254 : memref<1x64xf32, #tpu.memory_space<hbm>>) target(%dma_start3A_252 : memref<1x64xf32, #tpu.memory_space<vmem>>) target_semaphore(%arg14 : memref<!tpu.dma_semaphore, #tpu.memory_space<semaphore_mem>>)
      %dma_start3A_255 = arith.constant 0 : i32
      %dma_start3A_256 = tpu.memref_slice %arg12[%add3A_234, %dma_start3A_255] : memref<256x1xf32, #tpu.memory_space<vmem>> -> memref<1x1xf32, #tpu.memory_space<vmem>>
      %dma_start3A_257 = arith.constant 0 : i32
      %dma_start3A_258 = tpu.memref_slice %arg6[%squeeze3A_238, %dma_start3A_257] : memref<100000x1xf32, #tpu.memory_space<hbm>> -> memref<1x1xf32, #tpu.memory_space<hbm>>
      %dma_start3A_259 = arith.constant 0 : i32
      %dma_start3A_260 = tpu.memref_slice %arg12[%add3A_234, %dma_start3A_259] : memref<256x1xf32, #tpu.memory_space<vmem>> -> memref<1x1xf32, #tpu.memory_space<vmem>>
      %dma_start3A_261 = arith.constant 0 : i32
      %dma_start3A_262 = tpu.memref_slice %arg6[%squeeze3A_238, %dma_start3A_261] : memref<100000x1xf32, #tpu.memory_space<hbm>> -> memref<1x1xf32, #tpu.memory_space<hbm>>
      tpu.enqueue_dma source(%dma_start3A_262 : memref<1x1xf32, #tpu.memory_space<hbm>>) target(%dma_start3A_260 : memref<1x1xf32, #tpu.memory_space<vmem>>) target_semaphore(%arg15 : memref<!tpu.dma_semaphore, #tpu.memory_space<semaphore_mem>>)
      %mul3A_263 = arith.constant 16 : i32
      %mul3A_264 = arith.muli %scan3A_62, %mul3A_263 : i32
      %add3A_265 = arith.constant 6 : i32
      %add3A_266 = arith.addi %mul3A_264, %add3A_265 : i32
      %slice3A_267 = vector.extract_strided_slice %get3A_67 {offsets = [6], sizes = [1], strides = [1]} : vector<16xi32> to vector<1xi32>
      %squeeze3A_268 = vector.extract %slice3A_267[0] : i32 from vector<1xi32>
      %slice3A_269 = vector.extract_strided_slice %get3A_73 {offsets = [6], sizes = [1], strides = [1]} : vector<16xi32> to vector<1xi32>
      %squeeze3A_270 = vector.extract %slice3A_269[0] : i32 from vector<1xi32>
      %dma_start3A_271 = arith.constant 0 : i32
      %dma_start3A_272 = tpu.memref_slice %arg10[%add3A_266, %dma_start3A_271] : memref<256x64xf32, #tpu.memory_space<vmem>> -> memref<1x64xf32, #tpu.memory_space<vmem>>
      %dma_start3A_273 = arith.constant 0 : i32
      %dma_start3A_274 = tpu.memref_slice %arg4[%squeeze3A_268, %dma_start3A_273] : memref<100000x64xf32, #tpu.memory_space<hbm>> -> memref<1x64xf32, #tpu.memory_space<hbm>>
      %dma_start3A_275 = arith.constant 0 : i32
      %dma_start3A_276 = tpu.memref_slice %arg10[%add3A_266, %dma_start3A_275] : memref<256x64xf32, #tpu.memory_space<vmem>> -> memref<1x64xf32, #tpu.memory_space<vmem>>
      %dma_start3A_277 = arith.constant 0 : i32
      %dma_start3A_278 = tpu.memref_slice %arg4[%squeeze3A_268, %dma_start3A_277] : memref<100000x64xf32, #tpu.memory_space<hbm>> -> memref<1x64xf32, #tpu.memory_space<hbm>>
      tpu.enqueue_dma source(%dma_start3A_278 : memref<1x64xf32, #tpu.memory_space<hbm>>) target(%dma_start3A_276 : memref<1x64xf32, #tpu.memory_space<vmem>>) target_semaphore(%arg14 : memref<!tpu.dma_semaphore, #tpu.memory_space<semaphore_mem>>)
      %dma_start3A_279 = arith.constant 0 : i32
      %dma_start3A_280 = tpu.memref_slice %arg11[%add3A_266, %dma_start3A_279] : memref<256x64xf32, #tpu.memory_space<vmem>> -> memref<1x64xf32, #tpu.memory_space<vmem>>
      %dma_start3A_281 = arith.constant 0 : i32
      %dma_start3A_282 = tpu.memref_slice %arg5[%squeeze3A_270, %dma_start3A_281] : memref<100000x64xf32, #tpu.memory_space<hbm>> -> memref<1x64xf32, #tpu.memory_space<hbm>>
      %dma_start3A_283 = arith.constant 0 : i32
      %dma_start3A_284 = tpu.memref_slice %arg11[%add3A_266, %dma_start3A_283] : memref<256x64xf32, #tpu.memory_space<vmem>> -> memref<1x64xf32, #tpu.memory_space<vmem>>
      %dma_start3A_285 = arith.constant 0 : i32
      %dma_start3A_286 = tpu.memref_slice %arg5[%squeeze3A_270, %dma_start3A_285] : memref<100000x64xf32, #tpu.memory_space<hbm>> -> memref<1x64xf32, #tpu.memory_space<hbm>>
      tpu.enqueue_dma source(%dma_start3A_286 : memref<1x64xf32, #tpu.memory_space<hbm>>) target(%dma_start3A_284 : memref<1x64xf32, #tpu.memory_space<vmem>>) target_semaphore(%arg14 : memref<!tpu.dma_semaphore, #tpu.memory_space<semaphore_mem>>)
      %dma_start3A_287 = arith.constant 0 : i32
      %dma_start3A_288 = tpu.memref_slice %arg12[%add3A_266, %dma_start3A_287] : memref<256x1xf32, #tpu.memory_space<vmem>> -> memref<1x1xf32, #tpu.memory_space<vmem>>
      %dma_start3A_289 = arith.constant 0 : i32
      %dma_start3A_290 = tpu.memref_slice %arg6[%squeeze3A_270, %dma_start3A_289] : memref<100000x1xf32, #tpu.memory_space<hbm>> -> memref<1x1xf32, #tpu.memory_space<hbm>>
      %dma_start3A_291 = arith.constant 0 : i32
      %dma_start3A_292 = tpu.memref_slice %arg12[%add3A_266, %dma_start3A_291] : memref<256x1xf32, #tpu.memory_space<vmem>> -> memref<1x1xf32, #tpu.memory_space<vmem>>
      %dma_start3A_293 = arith.constant 0 : i32
      %dma_start3A_294 = tpu.memref_slice %arg6[%squeeze3A_270, %dma_start3A_293] : memref<100000x1xf32, #tpu.memory_space<hbm>> -> memref<1x1xf32, #tpu.memory_space<hbm>>
      tpu.enqueue_dma source(%dma_start3A_294 : memref<1x1xf32, #tpu.memory_space<hbm>>) target(%dma_start3A_292 : memref<1x1xf32, #tpu.memory_space<vmem>>) target_semaphore(%arg15 : memref<!tpu.dma_semaphore, #tpu.memory_space<semaphore_mem>>)
      %mul3A_295 = arith.constant 16 : i32
      %mul3A_296 = arith.muli %scan3A_62, %mul3A_295 : i32
      %add3A_297 = arith.constant 7 : i32
      %add3A_298 = arith.addi %mul3A_296, %add3A_297 : i32
      %slice3A_299 = vector.extract_strided_slice %get3A_67 {offsets = [7], sizes = [1], strides = [1]} : vector<16xi32> to vector<1xi32>
      %squeeze3A_300 = vector.extract %slice3A_299[0] : i32 from vector<1xi32>
      %slice3A_301 = vector.extract_strided_slice %get3A_73 {offsets = [7], sizes = [1], strides = [1]} : vector<16xi32> to vector<1xi32>
      %squeeze3A_302 = vector.extract %slice3A_301[0] : i32 from vector<1xi32>
      %dma_start3A_303 = arith.constant 0 : i32
      %dma_start3A_304 = tpu.memref_slice %arg10[%add3A_298, %dma_start3A_303] : memref<256x64xf32, #tpu.memory_space<vmem>> -> memref<1x64xf32, #tpu.memory_space<vmem>>
      %dma_start3A_305 = arith.constant 0 : i32
      %dma_start3A_306 = tpu.memref_slice %arg4[%squeeze3A_300, %dma_start3A_305] : memref<100000x64xf32, #tpu.memory_space<hbm>> -> memref<1x64xf32, #tpu.memory_space<hbm>>
      %dma_start3A_307 = arith.constant 0 : i32
      %dma_start3A_308 = tpu.memref_slice %arg10[%add3A_298, %dma_start3A_307] : memref<256x64xf32, #tpu.memory_space<vmem>> -> memref<1x64xf32, #tpu.memory_space<vmem>>
      %dma_start3A_309 = arith.constant 0 : i32
      %dma_start3A_310 = tpu.memref_slice %arg4[%squeeze3A_300, %dma_start3A_309] : memref<100000x64xf32, #tpu.memory_space<hbm>> -> memref<1x64xf32, #tpu.memory_space<hbm>>
      tpu.enqueue_dma source(%dma_start3A_310 : memref<1x64xf32, #tpu.memory_space<hbm>>) target(%dma_start3A_308 : memref<1x64xf32, #tpu.memory_space<vmem>>) target_semaphore(%arg14 : memref<!tpu.dma_semaphore, #tpu.memory_space<semaphore_mem>>)
      %dma_start3A_311 = arith.constant 0 : i32
      %dma_start3A_312 = tpu.memref_slice %arg11[%add3A_298, %dma_start3A_311] : memref<256x64xf32, #tpu.memory_space<vmem>> -> memref<1x64xf32, #tpu.memory_space<vmem>>
      %dma_start3A_313 = arith.constant 0 : i32
      %dma_start3A_314 = tpu.memref_slice %arg5[%squeeze3A_302, %dma_start3A_313] : memref<100000x64xf32, #tpu.memory_space<hbm>> -> memref<1x64xf32, #tpu.memory_space<hbm>>
      %dma_start3A_315 = arith.constant 0 : i32
      %dma_start3A_316 = tpu.memref_slice %arg11[%add3A_298, %dma_start3A_315] : memref<256x64xf32, #tpu.memory_space<vmem>> -> memref<1x64xf32, #tpu.memory_space<vmem>>
      %dma_start3A_317 = arith.constant 0 : i32
      %dma_start3A_318 = tpu.memref_slice %arg5[%squeeze3A_302, %dma_start3A_317] : memref<100000x64xf32, #tpu.memory_space<hbm>> -> memref<1x64xf32, #tpu.memory_space<hbm>>
      tpu.enqueue_dma source(%dma_start3A_318 : memref<1x64xf32, #tpu.memory_space<hbm>>) target(%dma_start3A_316 : memref<1x64xf32, #tpu.memory_space<vmem>>) target_semaphore(%arg14 : memref<!tpu.dma_semaphore, #tpu.memory_space<semaphore_mem>>)
      %dma_start3A_319 = arith.constant 0 : i32
      %dma_start3A_320 = tpu.memref_slice %arg12[%add3A_298, %dma_start3A_319] : memref<256x1xf32, #tpu.memory_space<vmem>> -> memref<1x1xf32, #tpu.memory_space<vmem>>
      %dma_start3A_321 = arith.constant 0 : i32
      %dma_start3A_322 = tpu.memref_slice %arg6[%squeeze3A_302, %dma_start3A_321] : memref<100000x1xf32, #tpu.memory_space<hbm>> -> memref<1x1xf32, #tpu.memory_space<hbm>>
      %dma_start3A_323 = arith.constant 0 : i32
      %dma_start3A_324 = tpu.memref_slice %arg12[%add3A_298, %dma_start3A_323] : memref<256x1xf32, #tpu.memory_space<vmem>> -> memref<1x1xf32, #tpu.memory_space<vmem>>
      %dma_start3A_325 = arith.constant 0 : i32
      %dma_start3A_326 = tpu.memref_slice %arg6[%squeeze3A_302, %dma_start3A_325] : memref<100000x1xf32, #tpu.memory_space<hbm>> -> memref<1x1xf32, #tpu.memory_space<hbm>>
      tpu.enqueue_dma source(%dma_start3A_326 : memref<1x1xf32, #tpu.memory_space<hbm>>) target(%dma_start3A_324 : memref<1x1xf32, #tpu.memory_space<vmem>>) target_semaphore(%arg15 : memref<!tpu.dma_semaphore, #tpu.memory_space<semaphore_mem>>)
      %mul3A_327 = arith.constant 16 : i32
      %mul3A_328 = arith.muli %scan3A_62, %mul3A_327 : i32
      %add3A_329 = arith.constant 8 : i32
      %add3A_330 = arith.addi %mul3A_328, %add3A_329 : i32
      %slice3A_331 = vector.extract_strided_slice %get3A_67 {offsets = [8], sizes = [1], strides = [1]} : vector<16xi32> to vector<1xi32>
      %squeeze3A_332 = vector.extract %slice3A_331[0] : i32 from vector<1xi32>
      %slice3A_333 = vector.extract_strided_slice %get3A_73 {offsets = [8], sizes = [1], strides = [1]} : vector<16xi32> to vector<1xi32>
      %squeeze3A_334 = vector.extract %slice3A_333[0] : i32 from vector<1xi32>
      %dma_start3A_335 = arith.constant 0 : i32
      %dma_start3A_336 = tpu.memref_slice %arg10[%add3A_330, %dma_start3A_335] : memref<256x64xf32, #tpu.memory_space<vmem>> -> memref<1x64xf32, #tpu.memory_space<vmem>>
      %dma_start3A_337 = arith.constant 0 : i32
      %dma_start3A_338 = tpu.memref_slice %arg4[%squeeze3A_332, %dma_start3A_337] : memref<100000x64xf32, #tpu.memory_space<hbm>> -> memref<1x64xf32, #tpu.memory_space<hbm>>
      %dma_start3A_339 = arith.constant 0 : i32
      %dma_start3A_340 = tpu.memref_slice %arg10[%add3A_330, %dma_start3A_339] : memref<256x64xf32, #tpu.memory_space<vmem>> -> memref<1x64xf32, #tpu.memory_space<vmem>>
      %dma_start3A_341 = arith.constant 0 : i32
      %dma_start3A_342 = tpu.memref_slice %arg4[%squeeze3A_332, %dma_start3A_341] : memref<100000x64xf32, #tpu.memory_space<hbm>> -> memref<1x64xf32, #tpu.memory_space<hbm>>
      tpu.enqueue_dma source(%dma_start3A_342 : memref<1x64xf32, #tpu.memory_space<hbm>>) target(%dma_start3A_340 : memref<1x64xf32, #tpu.memory_space<vmem>>) target_semaphore(%arg14 : memref<!tpu.dma_semaphore, #tpu.memory_space<semaphore_mem>>)
      %dma_start3A_343 = arith.constant 0 : i32
      %dma_start3A_344 = tpu.memref_slice %arg11[%add3A_330, %dma_start3A_343] : memref<256x64xf32, #tpu.memory_space<vmem>> -> memref<1x64xf32, #tpu.memory_space<vmem>>
      %dma_start3A_345 = arith.constant 0 : i32
      %dma_start3A_346 = tpu.memref_slice %arg5[%squeeze3A_334, %dma_start3A_345] : memref<100000x64xf32, #tpu.memory_space<hbm>> -> memref<1x64xf32, #tpu.memory_space<hbm>>
      %dma_start3A_347 = arith.constant 0 : i32
      %dma_start3A_348 = tpu.memref_slice %arg11[%add3A_330, %dma_start3A_347] : memref<256x64xf32, #tpu.memory_space<vmem>> -> memref<1x64xf32, #tpu.memory_space<vmem>>
      %dma_start3A_349 = arith.constant 0 : i32
      %dma_start3A_350 = tpu.memref_slice %arg5[%squeeze3A_334, %dma_start3A_349] : memref<100000x64xf32, #tpu.memory_space<hbm>> -> memref<1x64xf32, #tpu.memory_space<hbm>>
      tpu.enqueue_dma source(%dma_start3A_350 : memref<1x64xf32, #tpu.memory_space<hbm>>) target(%dma_start3A_348 : memref<1x64xf32, #tpu.memory_space<vmem>>) target_semaphore(%arg14 : memref<!tpu.dma_semaphore, #tpu.memory_space<semaphore_mem>>)
      %dma_start3A_351 = arith.constant 0 : i32
      %dma_start3A_352 = tpu.memref_slice %arg12[%add3A_330, %dma_start3A_351] : memref<256x1xf32, #tpu.memory_space<vmem>> -> memref<1x1xf32, #tpu.memory_space<vmem>>
      %dma_start3A_353 = arith.constant 0 : i32
      %dma_start3A_354 = tpu.memref_slice %arg6[%squeeze3A_334, %dma_start3A_353] : memref<100000x1xf32, #tpu.memory_space<hbm>> -> memref<1x1xf32, #tpu.memory_space<hbm>>
      %dma_start3A_355 = arith.constant 0 : i32
      %dma_start3A_356 = tpu.memref_slice %arg12[%add3A_330, %dma_start3A_355] : memref<256x1xf32, #tpu.memory_space<vmem>> -> memref<1x1xf32, #tpu.memory_space<vmem>>
      %dma_start3A_357 = arith.constant 0 : i32
      %dma_start3A_358 = tpu.memref_slice %arg6[%squeeze3A_334, %dma_start3A_357] : memref<100000x1xf32, #tpu.memory_space<hbm>> -> memref<1x1xf32, #tpu.memory_space<hbm>>
      tpu.enqueue_dma source(%dma_start3A_358 : memref<1x1xf32, #tpu.memory_space<hbm>>) target(%dma_start3A_356 : memref<1x1xf32, #tpu.memory_space<vmem>>) target_semaphore(%arg15 : memref<!tpu.dma_semaphore, #tpu.memory_space<semaphore_mem>>)
      %mul3A_359 = arith.constant 16 : i32
      %mul3A_360 = arith.muli %scan3A_62, %mul3A_359 : i32
      %add3A_361 = arith.constant 9 : i32
      %add3A_362 = arith.addi %mul3A_360, %add3A_361 : i32
      %slice3A_363 = vector.extract_strided_slice %get3A_67 {offsets = [9], sizes = [1], strides = [1]} : vector<16xi32> to vector<1xi32>
      %squeeze3A_364 = vector.extract %slice3A_363[0] : i32 from vector<1xi32>
      %slice3A_365 = vector.extract_strided_slice %get3A_73 {offsets = [9], sizes = [1], strides = [1]} : vector<16xi32> to vector<1xi32>
      %squeeze3A_366 = vector.extract %slice3A_365[0] : i32 from vector<1xi32>
      %dma_start3A_367 = arith.constant 0 : i32
      %dma_start3A_368 = tpu.memref_slice %arg10[%add3A_362, %dma_start3A_367] : memref<256x64xf32, #tpu.memory_space<vmem>> -> memref<1x64xf32, #tpu.memory_space<vmem>>
      %dma_start3A_369 = arith.constant 0 : i32
      %dma_start3A_370 = tpu.memref_slice %arg4[%squeeze3A_364, %dma_start3A_369] : memref<100000x64xf32, #tpu.memory_space<hbm>> -> memref<1x64xf32, #tpu.memory_space<hbm>>
      %dma_start3A_371 = arith.constant 0 : i32
      %dma_start3A_372 = tpu.memref_slice %arg10[%add3A_362, %dma_start3A_371] : memref<256x64xf32, #tpu.memory_space<vmem>> -> memref<1x64xf32, #tpu.memory_space<vmem>>
      %dma_start3A_373 = arith.constant 0 : i32
      %dma_start3A_374 = tpu.memref_slice %arg4[%squeeze3A_364, %dma_start3A_373] : memref<100000x64xf32, #tpu.memory_space<hbm>> -> memref<1x64xf32, #tpu.memory_space<hbm>>
      tpu.enqueue_dma source(%dma_start3A_374 : memref<1x64xf32, #tpu.memory_space<hbm>>) target(%dma_start3A_372 : memref<1x64xf32, #tpu.memory_space<vmem>>) target_semaphore(%arg14 : memref<!tpu.dma_semaphore, #tpu.memory_space<semaphore_mem>>)
      %dma_start3A_375 = arith.constant 0 : i32
      %dma_start3A_376 = tpu.memref_slice %arg11[%add3A_362, %dma_start3A_375] : memref<256x64xf32, #tpu.memory_space<vmem>> -> memref<1x64xf32, #tpu.memory_space<vmem>>
      %dma_start3A_377 = arith.constant 0 : i32
      %dma_start3A_378 = tpu.memref_slice %arg5[%squeeze3A_366, %dma_start3A_377] : memref<100000x64xf32, #tpu.memory_space<hbm>> -> memref<1x64xf32, #tpu.memory_space<hbm>>
      %dma_start3A_379 = arith.constant 0 : i32
      %dma_start3A_380 = tpu.memref_slice %arg11[%add3A_362, %dma_start3A_379] : memref<256x64xf32, #tpu.memory_space<vmem>> -> memref<1x64xf32, #tpu.memory_space<vmem>>
      %dma_start3A_381 = arith.constant 0 : i32
      %dma_start3A_382 = tpu.memref_slice %arg5[%squeeze3A_366, %dma_start3A_381] : memref<100000x64xf32, #tpu.memory_space<hbm>> -> memref<1x64xf32, #tpu.memory_space<hbm>>
      tpu.enqueue_dma source(%dma_start3A_382 : memref<1x64xf32, #tpu.memory_space<hbm>>) target(%dma_start3A_380 : memref<1x64xf32, #tpu.memory_space<vmem>>) target_semaphore(%arg14 : memref<!tpu.dma_semaphore, #tpu.memory_space<semaphore_mem>>)
      %dma_start3A_383 = arith.constant 0 : i32
      %dma_start3A_384 = tpu.memref_slice %arg12[%add3A_362, %dma_start3A_383] : memref<256x1xf32, #tpu.memory_space<vmem>> -> memref<1x1xf32, #tpu.memory_space<vmem>>
      %dma_start3A_385 = arith.constant 0 : i32
      %dma_start3A_386 = tpu.memref_slice %arg6[%squeeze3A_366, %dma_start3A_385] : memref<100000x1xf32, #tpu.memory_space<hbm>> -> memref<1x1xf32, #tpu.memory_space<hbm>>
      %dma_start3A_387 = arith.constant 0 : i32
      %dma_start3A_388 = tpu.memref_slice %arg12[%add3A_362, %dma_start3A_387] : memref<256x1xf32, #tpu.memory_space<vmem>> -> memref<1x1xf32, #tpu.memory_space<vmem>>
      %dma_start3A_389 = arith.constant 0 : i32
      %dma_start3A_390 = tpu.memref_slice %arg6[%squeeze3A_366, %dma_start3A_389] : memref<100000x1xf32, #tpu.memory_space<hbm>> -> memref<1x1xf32, #tpu.memory_space<hbm>>
      tpu.enqueue_dma source(%dma_start3A_390 : memref<1x1xf32, #tpu.memory_space<hbm>>) target(%dma_start3A_388 : memref<1x1xf32, #tpu.memory_space<vmem>>) target_semaphore(%arg15 : memref<!tpu.dma_semaphore, #tpu.memory_space<semaphore_mem>>)
      %mul3A_391 = arith.constant 16 : i32
      %mul3A_392 = arith.muli %scan3A_62, %mul3A_391 : i32
      %add3A_393 = arith.constant 10 : i32
      %add3A_394 = arith.addi %mul3A_392, %add3A_393 : i32
      %slice3A_395 = vector.extract_strided_slice %get3A_67 {offsets = [10], sizes = [1], strides = [1]} : vector<16xi32> to vector<1xi32>
      %squeeze3A_396 = vector.extract %slice3A_395[0] : i32 from vector<1xi32>
      %slice3A_397 = vector.extract_strided_slice %get3A_73 {offsets = [10], sizes = [1], strides = [1]} : vector<16xi32> to vector<1xi32>
      %squeeze3A_398 = vector.extract %slice3A_397[0] : i32 from vector<1xi32>
      %dma_start3A_399 = arith.constant 0 : i32
      %dma_start3A_400 = tpu.memref_slice %arg10[%add3A_394, %dma_start3A_399] : memref<256x64xf32, #tpu.memory_space<vmem>> -> memref<1x64xf32, #tpu.memory_space<vmem>>
      %dma_start3A_401 = arith.constant 0 : i32
      %dma_start3A_402 = tpu.memref_slice %arg4[%squeeze3A_396, %dma_start3A_401] : memref<100000x64xf32, #tpu.memory_space<hbm>> -> memref<1x64xf32, #tpu.memory_space<hbm>>
      %dma_start3A_403 = arith.constant 0 : i32
      %dma_start3A_404 = tpu.memref_slice %arg10[%add3A_394, %dma_start3A_403] : memref<256x64xf32, #tpu.memory_space<vmem>> -> memref<1x64xf32, #tpu.memory_space<vmem>>
      %dma_start3A_405 = arith.constant 0 : i32
      %dma_start3A_406 = tpu.memref_slice %arg4[%squeeze3A_396, %dma_start3A_405] : memref<100000x64xf32, #tpu.memory_space<hbm>> -> memref<1x64xf32, #tpu.memory_space<hbm>>
      tpu.enqueue_dma source(%dma_start3A_406 : memref<1x64xf32, #tpu.memory_space<hbm>>) target(%dma_start3A_404 : memref<1x64xf32, #tpu.memory_space<vmem>>) target_semaphore(%arg14 : memref<!tpu.dma_semaphore, #tpu.memory_space<semaphore_mem>>)
      %dma_start3A_407 = arith.constant 0 : i32
      %dma_start3A_408 = tpu.memref_slice %arg11[%add3A_394, %dma_start3A_407] : memref<256x64xf32, #tpu.memory_space<vmem>> -> memref<1x64xf32, #tpu.memory_space<vmem>>
      %dma_start3A_409 = arith.constant 0 : i32
      %dma_start3A_410 = tpu.memref_slice %arg5[%squeeze3A_398, %dma_start3A_409] : memref<100000x64xf32, #tpu.memory_space<hbm>> -> memref<1x64xf32, #tpu.memory_space<hbm>>
      %dma_start3A_411 = arith.constant 0 : i32
      %dma_start3A_412 = tpu.memref_slice %arg11[%add3A_394, %dma_start3A_411] : memref<256x64xf32, #tpu.memory_space<vmem>> -> memref<1x64xf32, #tpu.memory_space<vmem>>
      %dma_start3A_413 = arith.constant 0 : i32
      %dma_start3A_414 = tpu.memref_slice %arg5[%squeeze3A_398, %dma_start3A_413] : memref<100000x64xf32, #tpu.memory_space<hbm>> -> memref<1x64xf32, #tpu.memory_space<hbm>>
      tpu.enqueue_dma source(%dma_start3A_414 : memref<1x64xf32, #tpu.memory_space<hbm>>) target(%dma_start3A_412 : memref<1x64xf32, #tpu.memory_space<vmem>>) target_semaphore(%arg14 : memref<!tpu.dma_semaphore, #tpu.memory_space<semaphore_mem>>)
      %dma_start3A_415 = arith.constant 0 : i32
      %dma_start3A_416 = tpu.memref_slice %arg12[%add3A_394, %dma_start3A_415] : memref<256x1xf32, #tpu.memory_space<vmem>> -> memref<1x1xf32, #tpu.memory_space<vmem>>
      %dma_start3A_417 = arith.constant 0 : i32
      %dma_start3A_418 = tpu.memref_slice %arg6[%squeeze3A_398, %dma_start3A_417] : memref<100000x1xf32, #tpu.memory_space<hbm>> -> memref<1x1xf32, #tpu.memory_space<hbm>>
      %dma_start3A_419 = arith.constant 0 : i32
      %dma_start3A_420 = tpu.memref_slice %arg12[%add3A_394, %dma_start3A_419] : memref<256x1xf32, #tpu.memory_space<vmem>> -> memref<1x1xf32, #tpu.memory_space<vmem>>
      %dma_start3A_421 = arith.constant 0 : i32
      %dma_start3A_422 = tpu.memref_slice %arg6[%squeeze3A_398, %dma_start3A_421] : memref<100000x1xf32, #tpu.memory_space<hbm>> -> memref<1x1xf32, #tpu.memory_space<hbm>>
      tpu.enqueue_dma source(%dma_start3A_422 : memref<1x1xf32, #tpu.memory_space<hbm>>) target(%dma_start3A_420 : memref<1x1xf32, #tpu.memory_space<vmem>>) target_semaphore(%arg15 : memref<!tpu.dma_semaphore, #tpu.memory_space<semaphore_mem>>)
      %mul3A_423 = arith.constant 16 : i32
      %mul3A_424 = arith.muli %scan3A_62, %mul3A_423 : i32
      %add3A_425 = arith.constant 11 : i32
      %add3A_426 = arith.addi %mul3A_424, %add3A_425 : i32
      %slice3A_427 = vector.extract_strided_slice %get3A_67 {offsets = [11], sizes = [1], strides = [1]} : vector<16xi32> to vector<1xi32>
      %squeeze3A_428 = vector.extract %slice3A_427[0] : i32 from vector<1xi32>
      %slice3A_429 = vector.extract_strided_slice %get3A_73 {offsets = [11], sizes = [1], strides = [1]} : vector<16xi32> to vector<1xi32>
      %squeeze3A_430 = vector.extract %slice3A_429[0] : i32 from vector<1xi32>
      %dma_start3A_431 = arith.constant 0 : i32
      %dma_start3A_432 = tpu.memref_slice %arg10[%add3A_426, %dma_start3A_431] : memref<256x64xf32, #tpu.memory_space<vmem>> -> memref<1x64xf32, #tpu.memory_space<vmem>>
      %dma_start3A_433 = arith.constant 0 : i32
      %dma_start3A_434 = tpu.memref_slice %arg4[%squeeze3A_428, %dma_start3A_433] : memref<100000x64xf32, #tpu.memory_space<hbm>> -> memref<1x64xf32, #tpu.memory_space<hbm>>
      %dma_start3A_435 = arith.constant 0 : i32
      %dma_start3A_436 = tpu.memref_slice %arg10[%add3A_426, %dma_start3A_435] : memref<256x64xf32, #tpu.memory_space<vmem>> -> memref<1x64xf32, #tpu.memory_space<vmem>>
      %dma_start3A_437 = arith.constant 0 : i32
      %dma_start3A_438 = tpu.memref_slice %arg4[%squeeze3A_428, %dma_start3A_437] : memref<100000x64xf32, #tpu.memory_space<hbm>> -> memref<1x64xf32, #tpu.memory_space<hbm>>
      tpu.enqueue_dma source(%dma_start3A_438 : memref<1x64xf32, #tpu.memory_space<hbm>>) target(%dma_start3A_436 : memref<1x64xf32, #tpu.memory_space<vmem>>) target_semaphore(%arg14 : memref<!tpu.dma_semaphore, #tpu.memory_space<semaphore_mem>>)
      %dma_start3A_439 = arith.constant 0 : i32
      %dma_start3A_440 = tpu.memref_slice %arg11[%add3A_426, %dma_start3A_439] : memref<256x64xf32, #tpu.memory_space<vmem>> -> memref<1x64xf32, #tpu.memory_space<vmem>>
      %dma_start3A_441 = arith.constant 0 : i32
      %dma_start3A_442 = tpu.memref_slice %arg5[%squeeze3A_430, %dma_start3A_441] : memref<100000x64xf32, #tpu.memory_space<hbm>> -> memref<1x64xf32, #tpu.memory_space<hbm>>
      %dma_start3A_443 = arith.constant 0 : i32
      %dma_start3A_444 = tpu.memref_slice %arg11[%add3A_426, %dma_start3A_443] : memref<256x64xf32, #tpu.memory_space<vmem>> -> memref<1x64xf32, #tpu.memory_space<vmem>>
      %dma_start3A_445 = arith.constant 0 : i32
      %dma_start3A_446 = tpu.memref_slice %arg5[%squeeze3A_430, %dma_start3A_445] : memref<100000x64xf32, #tpu.memory_space<hbm>> -> memref<1x64xf32, #tpu.memory_space<hbm>>
      tpu.enqueue_dma source(%dma_start3A_446 : memref<1x64xf32, #tpu.memory_space<hbm>>) target(%dma_start3A_444 : memref<1x64xf32, #tpu.memory_space<vmem>>) target_semaphore(%arg14 : memref<!tpu.dma_semaphore, #tpu.memory_space<semaphore_mem>>)
      %dma_start3A_447 = arith.constant 0 : i32
      %dma_start3A_448 = tpu.memref_slice %arg12[%add3A_426, %dma_start3A_447] : memref<256x1xf32, #tpu.memory_space<vmem>> -> memref<1x1xf32, #tpu.memory_space<vmem>>
      %dma_start3A_449 = arith.constant 0 : i32
      %dma_start3A_450 = tpu.memref_slice %arg6[%squeeze3A_430, %dma_start3A_449] : memref<100000x1xf32, #tpu.memory_space<hbm>> -> memref<1x1xf32, #tpu.memory_space<hbm>>
      %dma_start3A_451 = arith.constant 0 : i32
      %dma_start3A_452 = tpu.memref_slice %arg12[%add3A_426, %dma_start3A_451] : memref<256x1xf32, #tpu.memory_space<vmem>> -> memref<1x1xf32, #tpu.memory_space<vmem>>
      %dma_start3A_453 = arith.constant 0 : i32
      %dma_start3A_454 = tpu.memref_slice %arg6[%squeeze3A_430, %dma_start3A_453] : memref<100000x1xf32, #tpu.memory_space<hbm>> -> memref<1x1xf32, #tpu.memory_space<hbm>>
      tpu.enqueue_dma source(%dma_start3A_454 : memref<1x1xf32, #tpu.memory_space<hbm>>) target(%dma_start3A_452 : memref<1x1xf32, #tpu.memory_space<vmem>>) target_semaphore(%arg15 : memref<!tpu.dma_semaphore, #tpu.memory_space<semaphore_mem>>)
      %mul3A_455 = arith.constant 16 : i32
      %mul3A_456 = arith.muli %scan3A_62, %mul3A_455 : i32
      %add3A_457 = arith.constant 12 : i32
      %add3A_458 = arith.addi %mul3A_456, %add3A_457 : i32
      %slice3A_459 = vector.extract_strided_slice %get3A_67 {offsets = [12], sizes = [1], strides = [1]} : vector<16xi32> to vector<1xi32>
      %squeeze3A_460 = vector.extract %slice3A_459[0] : i32 from vector<1xi32>
      %slice3A_461 = vector.extract_strided_slice %get3A_73 {offsets = [12], sizes = [1], strides = [1]} : vector<16xi32> to vector<1xi32>
      %squeeze3A_462 = vector.extract %slice3A_461[0] : i32 from vector<1xi32>
      %dma_start3A_463 = arith.constant 0 : i32
      %dma_start3A_464 = tpu.memref_slice %arg10[%add3A_458, %dma_start3A_463] : memref<256x64xf32, #tpu.memory_space<vmem>> -> memref<1x64xf32, #tpu.memory_space<vmem>>
      %dma_start3A_465 = arith.constant 0 : i32
      %dma_start3A_466 = tpu.memref_slice %arg4[%squeeze3A_460, %dma_start3A_465] : memref<100000x64xf32, #tpu.memory_space<hbm>> -> memref<1x64xf32, #tpu.memory_space<hbm>>
      %dma_start3A_467 = arith.constant 0 : i32
      %dma_start3A_468 = tpu.memref_slice %arg10[%add3A_458, %dma_start3A_467] : memref<256x64xf32, #tpu.memory_space<vmem>> -> memref<1x64xf32, #tpu.memory_space<vmem>>
      %dma_start3A_469 = arith.constant 0 : i32
      %dma_start3A_470 = tpu.memref_slice %arg4[%squeeze3A_460, %dma_start3A_469] : memref<100000x64xf32, #tpu.memory_space<hbm>> -> memref<1x64xf32, #tpu.memory_space<hbm>>
      tpu.enqueue_dma source(%dma_start3A_470 : memref<1x64xf32, #tpu.memory_space<hbm>>) target(%dma_start3A_468 : memref<1x64xf32, #tpu.memory_space<vmem>>) target_semaphore(%arg14 : memref<!tpu.dma_semaphore, #tpu.memory_space<semaphore_mem>>)
      %dma_start3A_471 = arith.constant 0 : i32
      %dma_start3A_472 = tpu.memref_slice %arg11[%add3A_458, %dma_start3A_471] : memref<256x64xf32, #tpu.memory_space<vmem>> -> memref<1x64xf32, #tpu.memory_space<vmem>>
      %dma_start3A_473 = arith.constant 0 : i32
      %dma_start3A_474 = tpu.memref_slice %arg5[%squeeze3A_462, %dma_start3A_473] : memref<100000x64xf32, #tpu.memory_space<hbm>> -> memref<1x64xf32, #tpu.memory_space<hbm>>
      %dma_start3A_475 = arith.constant 0 : i32
      %dma_start3A_476 = tpu.memref_slice %arg11[%add3A_458, %dma_start3A_475] : memref<256x64xf32, #tpu.memory_space<vmem>> -> memref<1x64xf32, #tpu.memory_space<vmem>>
      %dma_start3A_477 = arith.constant 0 : i32
      %dma_start3A_478 = tpu.memref_slice %arg5[%squeeze3A_462, %dma_start3A_477] : memref<100000x64xf32, #tpu.memory_space<hbm>> -> memref<1x64xf32, #tpu.memory_space<hbm>>
      tpu.enqueue_dma source(%dma_start3A_478 : memref<1x64xf32, #tpu.memory_space<hbm>>) target(%dma_start3A_476 : memref<1x64xf32, #tpu.memory_space<vmem>>) target_semaphore(%arg14 : memref<!tpu.dma_semaphore, #tpu.memory_space<semaphore_mem>>)
      %dma_start3A_479 = arith.constant 0 : i32
      %dma_start3A_480 = tpu.memref_slice %arg12[%add3A_458, %dma_start3A_479] : memref<256x1xf32, #tpu.memory_space<vmem>> -> memref<1x1xf32, #tpu.memory_space<vmem>>
      %dma_start3A_481 = arith.constant 0 : i32
      %dma_start3A_482 = tpu.memref_slice %arg6[%squeeze3A_462, %dma_start3A_481] : memref<100000x1xf32, #tpu.memory_space<hbm>> -> memref<1x1xf32, #tpu.memory_space<hbm>>
      %dma_start3A_483 = arith.constant 0 : i32
      %dma_start3A_484 = tpu.memref_slice %arg12[%add3A_458, %dma_start3A_483] : memref<256x1xf32, #tpu.memory_space<vmem>> -> memref<1x1xf32, #tpu.memory_space<vmem>>
      %dma_start3A_485 = arith.constant 0 : i32
      %dma_start3A_486 = tpu.memref_slice %arg6[%squeeze3A_462, %dma_start3A_485] : memref<100000x1xf32, #tpu.memory_space<hbm>> -> memref<1x1xf32, #tpu.memory_space<hbm>>
      tpu.enqueue_dma source(%dma_start3A_486 : memref<1x1xf32, #tpu.memory_space<hbm>>) target(%dma_start3A_484 : memref<1x1xf32, #tpu.memory_space<vmem>>) target_semaphore(%arg15 : memref<!tpu.dma_semaphore, #tpu.memory_space<semaphore_mem>>)
      %mul3A_487 = arith.constant 16 : i32
      %mul3A_488 = arith.muli %scan3A_62, %mul3A_487 : i32
      %add3A_489 = arith.constant 13 : i32
      %add3A_490 = arith.addi %mul3A_488, %add3A_489 : i32
      %slice3A_491 = vector.extract_strided_slice %get3A_67 {offsets = [13], sizes = [1], strides = [1]} : vector<16xi32> to vector<1xi32>
      %squeeze3A_492 = vector.extract %slice3A_491[0] : i32 from vector<1xi32>
      %slice3A_493 = vector.extract_strided_slice %get3A_73 {offsets = [13], sizes = [1], strides = [1]} : vector<16xi32> to vector<1xi32>
      %squeeze3A_494 = vector.extract %slice3A_493[0] : i32 from vector<1xi32>
      %dma_start3A_495 = arith.constant 0 : i32
      %dma_start3A_496 = tpu.memref_slice %arg10[%add3A_490, %dma_start3A_495] : memref<256x64xf32, #tpu.memory_space<vmem>> -> memref<1x64xf32, #tpu.memory_space<vmem>>
      %dma_start3A_497 = arith.constant 0 : i32
      %dma_start3A_498 = tpu.memref_slice %arg4[%squeeze3A_492, %dma_start3A_497] : memref<100000x64xf32, #tpu.memory_space<hbm>> -> memref<1x64xf32, #tpu.memory_space<hbm>>
      %dma_start3A_499 = arith.constant 0 : i32
      %dma_start3A_500 = tpu.memref_slice %arg10[%add3A_490, %dma_start3A_499] : memref<256x64xf32, #tpu.memory_space<vmem>> -> memref<1x64xf32, #tpu.memory_space<vmem>>
      %dma_start3A_501 = arith.constant 0 : i32
      %dma_start3A_502 = tpu.memref_slice %arg4[%squeeze3A_492, %dma_start3A_501] : memref<100000x64xf32, #tpu.memory_space<hbm>> -> memref<1x64xf32, #tpu.memory_space<hbm>>
      tpu.enqueue_dma source(%dma_start3A_502 : memref<1x64xf32, #tpu.memory_space<hbm>>) target(%dma_start3A_500 : memref<1x64xf32, #tpu.memory_space<vmem>>) target_semaphore(%arg14 : memref<!tpu.dma_semaphore, #tpu.memory_space<semaphore_mem>>)
      %dma_start3A_503 = arith.constant 0 : i32
      %dma_start3A_504 = tpu.memref_slice %arg11[%add3A_490, %dma_start3A_503] : memref<256x64xf32, #tpu.memory_space<vmem>> -> memref<1x64xf32, #tpu.memory_space<vmem>>
      %dma_start3A_505 = arith.constant 0 : i32
      %dma_start3A_506 = tpu.memref_slice %arg5[%squeeze3A_494, %dma_start3A_505] : memref<100000x64xf32, #tpu.memory_space<hbm>> -> memref<1x64xf32, #tpu.memory_space<hbm>>
      %dma_start3A_507 = arith.constant 0 : i32
      %dma_start3A_508 = tpu.memref_slice %arg11[%add3A_490, %dma_start3A_507] : memref<256x64xf32, #tpu.memory_space<vmem>> -> memref<1x64xf32, #tpu.memory_space<vmem>>
      %dma_start3A_509 = arith.constant 0 : i32
      %dma_start3A_510 = tpu.memref_slice %arg5[%squeeze3A_494, %dma_start3A_509] : memref<100000x64xf32, #tpu.memory_space<hbm>> -> memref<1x64xf32, #tpu.memory_space<hbm>>
      tpu.enqueue_dma source(%dma_start3A_510 : memref<1x64xf32, #tpu.memory_space<hbm>>) target(%dma_start3A_508 : memref<1x64xf32, #tpu.memory_space<vmem>>) target_semaphore(%arg14 : memref<!tpu.dma_semaphore, #tpu.memory_space<semaphore_mem>>)
      %dma_start3A_511 = arith.constant 0 : i32
      %dma_start3A_512 = tpu.memref_slice %arg12[%add3A_490, %dma_start3A_511] : memref<256x1xf32, #tpu.memory_space<vmem>> -> memref<1x1xf32, #tpu.memory_space<vmem>>
      %dma_start3A_513 = arith.constant 0 : i32
      %dma_start3A_514 = tpu.memref_slice %arg6[%squeeze3A_494, %dma_start3A_513] : memref<100000x1xf32, #tpu.memory_space<hbm>> -> memref<1x1xf32, #tpu.memory_space<hbm>>
      %dma_start3A_515 = arith.constant 0 : i32
      %dma_start3A_516 = tpu.memref_slice %arg12[%add3A_490, %dma_start3A_515] : memref<256x1xf32, #tpu.memory_space<vmem>> -> memref<1x1xf32, #tpu.memory_space<vmem>>
      %dma_start3A_517 = arith.constant 0 : i32
      %dma_start3A_518 = tpu.memref_slice %arg6[%squeeze3A_494, %dma_start3A_517] : memref<100000x1xf32, #tpu.memory_space<hbm>> -> memref<1x1xf32, #tpu.memory_space<hbm>>
      tpu.enqueue_dma source(%dma_start3A_518 : memref<1x1xf32, #tpu.memory_space<hbm>>) target(%dma_start3A_516 : memref<1x1xf32, #tpu.memory_space<vmem>>) target_semaphore(%arg15 : memref<!tpu.dma_semaphore, #tpu.memory_space<semaphore_mem>>)
      %mul3A_519 = arith.constant 16 : i32
      %mul3A_520 = arith.muli %scan3A_62, %mul3A_519 : i32
      %add3A_521 = arith.constant 14 : i32
      %add3A_522 = arith.addi %mul3A_520, %add3A_521 : i32
      %slice3A_523 = vector.extract_strided_slice %get3A_67 {offsets = [14], sizes = [1], strides = [1]} : vector<16xi32> to vector<1xi32>
      %squeeze3A_524 = vector.extract %slice3A_523[0] : i32 from vector<1xi32>
      %slice3A_525 = vector.extract_strided_slice %get3A_73 {offsets = [14], sizes = [1], strides = [1]} : vector<16xi32> to vector<1xi32>
      %squeeze3A_526 = vector.extract %slice3A_525[0] : i32 from vector<1xi32>
      %dma_start3A_527 = arith.constant 0 : i32
      %dma_start3A_528 = tpu.memref_slice %arg10[%add3A_522, %dma_start3A_527] : memref<256x64xf32, #tpu.memory_space<vmem>> -> memref<1x64xf32, #tpu.memory_space<vmem>>
      %dma_start3A_529 = arith.constant 0 : i32
      %dma_start3A_530 = tpu.memref_slice %arg4[%squeeze3A_524, %dma_start3A_529] : memref<100000x64xf32, #tpu.memory_space<hbm>> -> memref<1x64xf32, #tpu.memory_space<hbm>>
      %dma_start3A_531 = arith.constant 0 : i32
      %dma_start3A_532 = tpu.memref_slice %arg10[%add3A_522, %dma_start3A_531] : memref<256x64xf32, #tpu.memory_space<vmem>> -> memref<1x64xf32, #tpu.memory_space<vmem>>
      %dma_start3A_533 = arith.constant 0 : i32
      %dma_start3A_534 = tpu.memref_slice %arg4[%squeeze3A_524, %dma_start3A_533] : memref<100000x64xf32, #tpu.memory_space<hbm>> -> memref<1x64xf32, #tpu.memory_space<hbm>>
      tpu.enqueue_dma source(%dma_start3A_534 : memref<1x64xf32, #tpu.memory_space<hbm>>) target(%dma_start3A_532 : memref<1x64xf32, #tpu.memory_space<vmem>>) target_semaphore(%arg14 : memref<!tpu.dma_semaphore, #tpu.memory_space<semaphore_mem>>)
      %dma_start3A_535 = arith.constant 0 : i32
      %dma_start3A_536 = tpu.memref_slice %arg11[%add3A_522, %dma_start3A_535] : memref<256x64xf32, #tpu.memory_space<vmem>> -> memref<1x64xf32, #tpu.memory_space<vmem>>
      %dma_start3A_537 = arith.constant 0 : i32
      %dma_start3A_538 = tpu.memref_slice %arg5[%squeeze3A_526, %dma_start3A_537] : memref<100000x64xf32, #tpu.memory_space<hbm>> -> memref<1x64xf32, #tpu.memory_space<hbm>>
      %dma_start3A_539 = arith.constant 0 : i32
      %dma_start3A_540 = tpu.memref_slice %arg11[%add3A_522, %dma_start3A_539] : memref<256x64xf32, #tpu.memory_space<vmem>> -> memref<1x64xf32, #tpu.memory_space<vmem>>
      %dma_start3A_541 = arith.constant 0 : i32
      %dma_start3A_542 = tpu.memref_slice %arg5[%squeeze3A_526, %dma_start3A_541] : memref<100000x64xf32, #tpu.memory_space<hbm>> -> memref<1x64xf32, #tpu.memory_space<hbm>>
      tpu.enqueue_dma source(%dma_start3A_542 : memref<1x64xf32, #tpu.memory_space<hbm>>) target(%dma_start3A_540 : memref<1x64xf32, #tpu.memory_space<vmem>>) target_semaphore(%arg14 : memref<!tpu.dma_semaphore, #tpu.memory_space<semaphore_mem>>)
      %dma_start3A_543 = arith.constant 0 : i32
      %dma_start3A_544 = tpu.memref_slice %arg12[%add3A_522, %dma_start3A_543] : memref<256x1xf32, #tpu.memory_space<vmem>> -> memref<1x1xf32, #tpu.memory_space<vmem>>
      %dma_start3A_545 = arith.constant 0 : i32
      %dma_start3A_546 = tpu.memref_slice %arg6[%squeeze3A_526, %dma_start3A_545] : memref<100000x1xf32, #tpu.memory_space<hbm>> -> memref<1x1xf32, #tpu.memory_space<hbm>>
      %dma_start3A_547 = arith.constant 0 : i32
      %dma_start3A_548 = tpu.memref_slice %arg12[%add3A_522, %dma_start3A_547] : memref<256x1xf32, #tpu.memory_space<vmem>> -> memref<1x1xf32, #tpu.memory_space<vmem>>
      %dma_start3A_549 = arith.constant 0 : i32
      %dma_start3A_550 = tpu.memref_slice %arg6[%squeeze3A_526, %dma_start3A_549] : memref<100000x1xf32, #tpu.memory_space<hbm>> -> memref<1x1xf32, #tpu.memory_space<hbm>>
      tpu.enqueue_dma source(%dma_start3A_550 : memref<1x1xf32, #tpu.memory_space<hbm>>) target(%dma_start3A_548 : memref<1x1xf32, #tpu.memory_space<vmem>>) target_semaphore(%arg15 : memref<!tpu.dma_semaphore, #tpu.memory_space<semaphore_mem>>)
      %mul3A_551 = arith.constant 16 : i32
      %mul3A_552 = arith.muli %scan3A_62, %mul3A_551 : i32
      %add3A_553 = arith.constant 15 : i32
      %add3A_554 = arith.addi %mul3A_552, %add3A_553 : i32
      %slice3A_555 = vector.extract_strided_slice %get3A_67 {offsets = [15], sizes = [1], strides = [1]} : vector<16xi32> to vector<1xi32>
      %squeeze3A_556 = vector.extract %slice3A_555[0] : i32 from vector<1xi32>
      %slice3A_557 = vector.extract_strided_slice %get3A_73 {offsets = [15], sizes = [1], strides = [1]} : vector<16xi32> to vector<1xi32>
      %squeeze3A_558 = vector.extract %slice3A_557[0] : i32 from vector<1xi32>
      %dma_start3A_559 = arith.constant 0 : i32
      %dma_start3A_560 = tpu.memref_slice %arg10[%add3A_554, %dma_start3A_559] : memref<256x64xf32, #tpu.memory_space<vmem>> -> memref<1x64xf32, #tpu.memory_space<vmem>>
      %dma_start3A_561 = arith.constant 0 : i32
      %dma_start3A_562 = tpu.memref_slice %arg4[%squeeze3A_556, %dma_start3A_561] : memref<100000x64xf32, #tpu.memory_space<hbm>> -> memref<1x64xf32, #tpu.memory_space<hbm>>
      %dma_start3A_563 = arith.constant 0 : i32
      %dma_start3A_564 = tpu.memref_slice %arg10[%add3A_554, %dma_start3A_563] : memref<256x64xf32, #tpu.memory_space<vmem>> -> memref<1x64xf32, #tpu.memory_space<vmem>>
      %dma_start3A_565 = arith.constant 0 : i32
      %dma_start3A_566 = tpu.memref_slice %arg4[%squeeze3A_556, %dma_start3A_565] : memref<100000x64xf32, #tpu.memory_space<hbm>> -> memref<1x64xf32, #tpu.memory_space<hbm>>
      tpu.enqueue_dma source(%dma_start3A_566 : memref<1x64xf32, #tpu.memory_space<hbm>>) target(%dma_start3A_564 : memref<1x64xf32, #tpu.memory_space<vmem>>) target_semaphore(%arg14 : memref<!tpu.dma_semaphore, #tpu.memory_space<semaphore_mem>>)
      %dma_start3A_567 = arith.constant 0 : i32
      %dma_start3A_568 = tpu.memref_slice %arg11[%add3A_554, %dma_start3A_567] : memref<256x64xf32, #tpu.memory_space<vmem>> -> memref<1x64xf32, #tpu.memory_space<vmem>>
      %dma_start3A_569 = arith.constant 0 : i32
      %dma_start3A_570 = tpu.memref_slice %arg5[%squeeze3A_558, %dma_start3A_569] : memref<100000x64xf32, #tpu.memory_space<hbm>> -> memref<1x64xf32, #tpu.memory_space<hbm>>
      %dma_start3A_571 = arith.constant 0 : i32
      %dma_start3A_572 = tpu.memref_slice %arg11[%add3A_554, %dma_start3A_571] : memref<256x64xf32, #tpu.memory_space<vmem>> -> memref<1x64xf32, #tpu.memory_space<vmem>>
      %dma_start3A_573 = arith.constant 0 : i32
      %dma_start3A_574 = tpu.memref_slice %arg5[%squeeze3A_558, %dma_start3A_573] : memref<100000x64xf32, #tpu.memory_space<hbm>> -> memref<1x64xf32, #tpu.memory_space<hbm>>
      tpu.enqueue_dma source(%dma_start3A_574 : memref<1x64xf32, #tpu.memory_space<hbm>>) target(%dma_start3A_572 : memref<1x64xf32, #tpu.memory_space<vmem>>) target_semaphore(%arg14 : memref<!tpu.dma_semaphore, #tpu.memory_space<semaphore_mem>>)
      %dma_start3A_575 = arith.constant 0 : i32
      %dma_start3A_576 = tpu.memref_slice %arg12[%add3A_554, %dma_start3A_575] : memref<256x1xf32, #tpu.memory_space<vmem>> -> memref<1x1xf32, #tpu.memory_space<vmem>>
      %dma_start3A_577 = arith.constant 0 : i32
      %dma_start3A_578 = tpu.memref_slice %arg6[%squeeze3A_558, %dma_start3A_577] : memref<100000x1xf32, #tpu.memory_space<hbm>> -> memref<1x1xf32, #tpu.memory_space<hbm>>
      %dma_start3A_579 = arith.constant 0 : i32
      %dma_start3A_580 = tpu.memref_slice %arg12[%add3A_554, %dma_start3A_579] : memref<256x1xf32, #tpu.memory_space<vmem>> -> memref<1x1xf32, #tpu.memory_space<vmem>>
      %dma_start3A_581 = arith.constant 0 : i32
      %dma_start3A_582 = tpu.memref_slice %arg6[%squeeze3A_558, %dma_start3A_581] : memref<100000x1xf32, #tpu.memory_space<hbm>> -> memref<1x1xf32, #tpu.memory_space<hbm>>
      tpu.enqueue_dma source(%dma_start3A_582 : memref<1x1xf32, #tpu.memory_space<hbm>>) target(%dma_start3A_580 : memref<1x1xf32, #tpu.memory_space<vmem>>) target_semaphore(%arg15 : memref<!tpu.dma_semaphore, #tpu.memory_space<semaphore_mem>>)
    }
    %scan3A_37 = arith.constant 16 : i32
    %dma_wait3A_38 = arith.constant 0 : i32
    %dma_wait3A_39 = arith.constant 0 : i32
    %dma_wait3A_40 = tpu.memref_slice %arg4[%dma_wait3A_38, %dma_wait3A_39] : memref<100000x64xf32, #tpu.memory_space<hbm>> -> memref<256x64xf32, #tpu.memory_space<hbm>>
    %dma_wait3A_41 = arith.constant 0 : i32
    %dma_wait3A_42 = arith.constant 0 : i32
    %dma_wait3A_43 = tpu.memref_slice %arg4[%dma_wait3A_41, %dma_wait3A_42] : memref<100000x64xf32, #tpu.memory_space<hbm>> -> memref<256x64xf32, #tpu.memory_space<hbm>>
    tpu.wait_dma2 semaphore(%arg14 : memref<!tpu.dma_semaphore, #tpu.memory_space<semaphore_mem>>) src(%dma_wait3A_43 : memref<256x64xf32, #tpu.memory_space<hbm>>) dst(%arg10 : memref<256x64xf32, #tpu.memory_space<vmem>>)
    %dma_wait3A_44 = arith.constant 0 : i32
    %dma_wait3A_45 = arith.constant 0 : i32
    %dma_wait3A_46 = tpu.memref_slice %arg5[%dma_wait3A_44, %dma_wait3A_45] : memref<100000x64xf32, #tpu.memory_space<hbm>> -> memref<256x64xf32, #tpu.memory_space<hbm>>
    %dma_wait3A_47 = arith.constant 0 : i32
    %dma_wait3A_48 = arith.constant 0 : i32
    %dma_wait3A_49 = tpu.memref_slice %arg5[%dma_wait3A_47, %dma_wait3A_48] : memref<100000x64xf32, #tpu.memory_space<hbm>> -> memref<256x64xf32, #tpu.memory_space<hbm>>
    tpu.wait_dma2 semaphore(%arg14 : memref<!tpu.dma_semaphore, #tpu.memory_space<semaphore_mem>>) src(%dma_wait3A_49 : memref<256x64xf32, #tpu.memory_space<hbm>>) dst(%arg11 : memref<256x64xf32, #tpu.memory_space<vmem>>)
    %dma_wait3A_50 = arith.constant 0 : i32
    %dma_wait3A_51 = arith.constant 0 : i32
    %dma_wait3A_52 = tpu.memref_slice %arg6[%dma_wait3A_50, %dma_wait3A_51] : memref<100000x1xf32, #tpu.memory_space<hbm>> -> memref<256x1xf32, #tpu.memory_space<hbm>>
    %dma_wait3A_53 = arith.constant 0 : i32
    %dma_wait3A_54 = arith.constant 0 : i32
    %dma_wait3A_55 = tpu.memref_slice %arg6[%dma_wait3A_53, %dma_wait3A_54] : memref<100000x1xf32, #tpu.memory_space<hbm>> -> memref<256x1xf32, #tpu.memory_space<hbm>>
    tpu.wait_dma2 semaphore(%arg15 : memref<!tpu.dma_semaphore, #tpu.memory_space<semaphore_mem>>) src(%dma_wait3A_55 : memref<256x1xf32, #tpu.memory_space<hbm>>) dst(%arg12 : memref<256x1xf32, #tpu.memory_space<vmem>>)
    %scan3A_56 = arith.constant 0 : i32
    %scan3A_57 = arith.constant 0 : i32
    %scan3A_58 = arith.constant 16 : i32
    %scan3A_59 = arith.addi %scan3A_57, %scan3A_58 : i32
    %scan3A_60 = arith.constant 1 : i32
    scf.for %scan3A_62 = %scan3A_57 to %scan3A_59 step %scan3A_60  : i32 {
      %broadcast_in_dim3A_63 = arith.constant 0.000000e+00 : f32
      %broadcast_in_dim3A_64 = vector.broadcast %broadcast_in_dim3A_63 : f32 to vector<16xf32>
      %mul3A_65 = arith.constant 16 : i32
      %mul3A_66 = arith.muli %scan3A_62, %mul3A_65 : i32
      %add3A_67 = arith.constant 0 : i32
      %add3A_68 = arith.addi %mul3A_66, %add3A_67 : i32
      %get3A = arith.index_cast %add3A_68 : i32 to index
      %get3A_69 = arith.constant 0 : index
      %get3A_70 = tpu.vector_load %arg10[%get3A, %get3A_69] {strides = array<i32>} : memref<256x64xf32, #tpu.memory_space<vmem>>, vector<16xf32>,
      %get3A_71 = arith.index_cast %add3A_68 : i32 to index
      %get3A_72 = arith.constant 16 : index
      %get3A_73 = tpu.vector_load %arg10[%get3A_71, %get3A_72] {strides = array<i32>} : memref<256x64xf32, #tpu.memory_space<vmem>>, vector<16xf32>,
      %get3A_74 = arith.index_cast %add3A_68 : i32 to index
      %get3A_75 = arith.constant 32 : index
      %get3A_76 = tpu.vector_load %arg10[%get3A_74, %get3A_75] {strides = array<i32>} : memref<256x64xf32, #tpu.memory_space<vmem>>, vector<16xf32>,
      %get3A_77 = arith.index_cast %add3A_68 : i32 to index
      %get3A_78 = arith.constant 48 : index
      %get3A_79 = tpu.vector_load %arg10[%get3A_77, %get3A_78] {strides = array<i32>} : memref<256x64xf32, #tpu.memory_space<vmem>>, vector<16xf32>,
      %get3A_80 = arith.index_cast %add3A_68 : i32 to index
      %get3A_81 = arith.constant 0 : index
      %get3A_82 = tpu.vector_load %arg11[%get3A_80, %get3A_81] {strides = array<i32>} : memref<256x64xf32, #tpu.memory_space<vmem>>, vector<16xf32>,
      %get3A_83 = arith.index_cast %add3A_68 : i32 to index
      %get3A_84 = arith.constant 16 : index
      %get3A_85 = tpu.vector_load %arg11[%get3A_83, %get3A_84] {strides = array<i32>} : memref<256x64xf32, #tpu.memory_space<vmem>>, vector<16xf32>,
      %get3A_86 = arith.index_cast %add3A_68 : i32 to index
      %get3A_87 = arith.constant 32 : index
      %get3A_88 = tpu.vector_load %arg11[%get3A_86, %get3A_87] {strides = array<i32>} : memref<256x64xf32, #tpu.memory_space<vmem>>, vector<16xf32>,
      %get3A_89 = arith.index_cast %add3A_68 : i32 to index
      %get3A_90 = arith.constant 48 : index
      %get3A_91 = tpu.vector_load %arg11[%get3A_89, %get3A_90] {strides = array<i32>} : memref<256x64xf32, #tpu.memory_space<vmem>>, vector<16xf32>,
      %mul3A_92 = arith.mulf %get3A_70, %get3A_82 : vector<16xf32>
      %mul3A_93 = arith.mulf %get3A_73, %get3A_85 : vector<16xf32>
      %add3A_94 = arith.addf %mul3A_92, %mul3A_93 : vector<16xf32>
      %mul3A_95 = arith.mulf %get3A_76, %get3A_88 : vector<16xf32>
      %mul3A_96 = arith.mulf %get3A_79, %get3A_91 : vector<16xf32>
      %add3A_97 = arith.addf %mul3A_95, %mul3A_96 : vector<16xf32>
      %add3A_98 = arith.addf %add3A_94, %add3A_97 : vector<16xf32>
      %reduce_sum3A = arith.constant true
      %reduce_sum3A_99 = vector.broadcast %reduce_sum3A : i1 to vector<16xi1>
      %reduce_sum3A_100 = tpu.scan <sum>, %add3A_98 masked %reduce_sum3A_99 : vector<16xf32>, vector<16xi1> -> vector<16xf32>
      %reduce_sum3A_101 = vector.extract %reduce_sum3A_100[15] : f32 from vector<16xf32>
      %eq3A = arith.constant 0 : i32
      %eq3A_102 = vector.broadcast %eq3A : i32 to vector<16xi32>
      %eq3A_103 = arith.cmpi eq, %iota3A, %eq3A_102 : vector<16xi32>
      %broadcast_in_dim3A_104 = vector.broadcast %reduce_sum3A_101 : f32 to vector<16xf32>
      %select_n3A = arith.select %eq3A_103, %broadcast_in_dim3A_104, %broadcast_in_dim3A_64 : vector<16xi1>, vector<16xf32>
      %mul3A_105 = arith.constant 16 : i32
      %mul3A_106 = arith.muli %scan3A_62, %mul3A_105 : i32
      %add3A_107 = arith.constant 1 : i32
      %add3A_108 = arith.addi %mul3A_106, %add3A_107 : i32
      %get3A_109 = arith.index_cast %add3A_108 : i32 to index
      %get3A_110 = arith.constant 0 : index
      %get3A_111 = tpu.vector_load %arg10[%get3A_109, %get3A_110] {strides = array<i32>} : memref<256x64xf32, #tpu.memory_space<vmem>>, vector<16xf32>,
      %get3A_112 = arith.index_cast %add3A_108 : i32 to index
      %get3A_113 = arith.constant 16 : index
      %get3A_114 = tpu.vector_load %arg10[%get3A_112, %get3A_113] {strides = array<i32>} : memref<256x64xf32, #tpu.memory_space<vmem>>, vector<16xf32>,
      %get3A_115 = arith.index_cast %add3A_108 : i32 to index
      %get3A_116 = arith.constant 32 : index
      %get3A_117 = tpu.vector_load %arg10[%get3A_115, %get3A_116] {strides = array<i32>} : memref<256x64xf32, #tpu.memory_space<vmem>>, vector<16xf32>,
      %get3A_118 = arith.index_cast %add3A_108 : i32 to index
      %get3A_119 = arith.constant 48 : index
      %get3A_120 = tpu.vector_load %arg10[%get3A_118, %get3A_119] {strides = array<i32>} : memref<256x64xf32, #tpu.memory_space<vmem>>, vector<16xf32>,
      %get3A_121 = arith.index_cast %add3A_108 : i32 to index
      %get3A_122 = arith.constant 0 : index
      %get3A_123 = tpu.vector_load %arg11[%get3A_121, %get3A_122] {strides = array<i32>} : memref<256x64xf32, #tpu.memory_space<vmem>>, vector<16xf32>,
      %get3A_124 = arith.index_cast %add3A_108 : i32 to index
      %get3A_125 = arith.constant 16 : index
      %get3A_126 = tpu.vector_load %arg11[%get3A_124, %get3A_125] {strides = array<i32>} : memref<256x64xf32, #tpu.memory_space<vmem>>, vector<16xf32>,
      %get3A_127 = arith.index_cast %add3A_108 : i32 to index
      %get3A_128 = arith.constant 32 : index
      %get3A_129 = tpu.vector_load %arg11[%get3A_127, %get3A_128] {strides = array<i32>} : memref<256x64xf32, #tpu.memory_space<vmem>>, vector<16xf32>,
      %get3A_130 = arith.index_cast %add3A_108 : i32 to index
      %get3A_131 = arith.constant 48 : index
      %get3A_132 = tpu.vector_load %arg11[%get3A_130, %get3A_131] {strides = array<i32>} : memref<256x64xf32, #tpu.memory_space<vmem>>, vector<16xf32>,
      %mul3A_133 = arith.mulf %get3A_111, %get3A_123 : vector<16xf32>
      %mul3A_134 = arith.mulf %get3A_114, %get3A_126 : vector<16xf32>
      %add3A_135 = arith.addf %mul3A_133, %mul3A_134 : vector<16xf32>
      %mul3A_136 = arith.mulf %get3A_117, %get3A_129 : vector<16xf32>
      %mul3A_137 = arith.mulf %get3A_120, %get3A_132 : vector<16xf32>
      %add3A_138 = arith.addf %mul3A_136, %mul3A_137 : vector<16xf32>
      %add3A_139 = arith.addf %add3A_135, %add3A_138 : vector<16xf32>
      %reduce_sum3A_140 = arith.constant true
      %reduce_sum3A_141 = vector.broadcast %reduce_sum3A_140 : i1 to vector<16xi1>
      %reduce_sum3A_142 = tpu.scan <sum>, %add3A_139 masked %reduce_sum3A_141 : vector<16xf32>, vector<16xi1> -> vector<16xf32>
      %reduce_sum3A_143 = vector.extract %reduce_sum3A_142[15] : f32 from vector<16xf32>
      %eq3A_144 = arith.constant 1 : i32
      %eq3A_145 = vector.broadcast %eq3A_144 : i32 to vector<16xi32>
      %eq3A_146 = arith.cmpi eq, %iota3A, %eq3A_145 : vector<16xi32>
      %broadcast_in_dim3A_147 = vector.broadcast %reduce_sum3A_143 : f32 to vector<16xf32>
      %select_n3A_148 = arith.select %eq3A_146, %broadcast_in_dim3A_147, %select_n3A : vector<16xi1>, vector<16xf32>
      %mul3A_149 = arith.constant 16 : i32
      %mul3A_150 = arith.muli %scan3A_62, %mul3A_149 : i32
      %add3A_151 = arith.constant 2 : i32
      %add3A_152 = arith.addi %mul3A_150, %add3A_151 : i32
      %get3A_153 = arith.index_cast %add3A_152 : i32 to index
      %get3A_154 = arith.constant 0 : index
      %get3A_155 = tpu.vector_load %arg10[%get3A_153, %get3A_154] {strides = array<i32>} : memref<256x64xf32, #tpu.memory_space<vmem>>, vector<16xf32>,
      %get3A_156 = arith.index_cast %add3A_152 : i32 to index
      %get3A_157 = arith.constant 16 : index
      %get3A_158 = tpu.vector_load %arg10[%get3A_156, %get3A_157] {strides = array<i32>} : memref<256x64xf32, #tpu.memory_space<vmem>>, vector<16xf32>,
      %get3A_159 = arith.index_cast %add3A_152 : i32 to index
      %get3A_160 = arith.constant 32 : index
      %get3A_161 = tpu.vector_load %arg10[%get3A_159, %get3A_160] {strides = array<i32>} : memref<256x64xf32, #tpu.memory_space<vmem>>, vector<16xf32>,
      %get3A_162 = arith.index_cast %add3A_152 : i32 to index
      %get3A_163 = arith.constant 48 : index
      %get3A_164 = tpu.vector_load %arg10[%get3A_162, %get3A_163] {strides = array<i32>} : memref<256x64xf32, #tpu.memory_space<vmem>>, vector<16xf32>,
      %get3A_165 = arith.index_cast %add3A_152 : i32 to index
      %get3A_166 = arith.constant 0 : index
      %get3A_167 = tpu.vector_load %arg11[%get3A_165, %get3A_166] {strides = array<i32>} : memref<256x64xf32, #tpu.memory_space<vmem>>, vector<16xf32>,
      %get3A_168 = arith.index_cast %add3A_152 : i32 to index
      %get3A_169 = arith.constant 16 : index
      %get3A_170 = tpu.vector_load %arg11[%get3A_168, %get3A_169] {strides = array<i32>} : memref<256x64xf32, #tpu.memory_space<vmem>>, vector<16xf32>,
      %get3A_171 = arith.index_cast %add3A_152 : i32 to index
      %get3A_172 = arith.constant 32 : index
      %get3A_173 = tpu.vector_load %arg11[%get3A_171, %get3A_172] {strides = array<i32>} : memref<256x64xf32, #tpu.memory_space<vmem>>, vector<16xf32>,
      %get3A_174 = arith.index_cast %add3A_152 : i32 to index
      %get3A_175 = arith.constant 48 : index
      %get3A_176 = tpu.vector_load %arg11[%get3A_174, %get3A_175] {strides = array<i32>} : memref<256x64xf32, #tpu.memory_space<vmem>>, vector<16xf32>,
      %mul3A_177 = arith.mulf %get3A_155, %get3A_167 : vector<16xf32>
      %mul3A_178 = arith.mulf %get3A_158, %get3A_170 : vector<16xf32>
      %add3A_179 = arith.addf %mul3A_177, %mul3A_178 : vector<16xf32>
      %mul3A_180 = arith.mulf %get3A_161, %get3A_173 : vector<16xf32>
      %mul3A_181 = arith.mulf %get3A_164, %get3A_176 : vector<16xf32>
      %add3A_182 = arith.addf %mul3A_180, %mul3A_181 : vector<16xf32>
      %add3A_183 = arith.addf %add3A_179, %add3A_182 : vector<16xf32>
      %reduce_sum3A_184 = arith.constant true
      %reduce_sum3A_185 = vector.broadcast %reduce_sum3A_184 : i1 to vector<16xi1>
      %reduce_sum3A_186 = tpu.scan <sum>, %add3A_183 masked %reduce_sum3A_185 : vector<16xf32>, vector<16xi1> -> vector<16xf32>
      %reduce_sum3A_187 = vector.extract %reduce_sum3A_186[15] : f32 from vector<16xf32>
      %eq3A_188 = arith.constant 2 : i32
      %eq3A_189 = vector.broadcast %eq3A_188 : i32 to vector<16xi32>
      %eq3A_190 = arith.cmpi eq, %iota3A, %eq3A_189 : vector<16xi32>
      %broadcast_in_dim3A_191 = vector.broadcast %reduce_sum3A_187 : f32 to vector<16xf32>
      %select_n3A_192 = arith.select %eq3A_190, %broadcast_in_dim3A_191, %select_n3A_148 : vector<16xi1>, vector<16xf32>
      %mul3A_193 = arith.constant 16 : i32
      %mul3A_194 = arith.muli %scan3A_62, %mul3A_193 : i32
      %add3A_195 = arith.constant 3 : i32
      %add3A_196 = arith.addi %mul3A_194, %add3A_195 : i32
      %get3A_197 = arith.index_cast %add3A_196 : i32 to index
      %get3A_198 = arith.constant 0 : index
      %get3A_199 = tpu.vector_load %arg10[%get3A_197, %get3A_198] {strides = array<i32>} : memref<256x64xf32, #tpu.memory_space<vmem>>, vector<16xf32>,
      %get3A_200 = arith.index_cast %add3A_196 : i32 to index
      %get3A_201 = arith.constant 16 : index
      %get3A_202 = tpu.vector_load %arg10[%get3A_200, %get3A_201] {strides = array<i32>} : memref<256x64xf32, #tpu.memory_space<vmem>>, vector<16xf32>,
      %get3A_203 = arith.index_cast %add3A_196 : i32 to index
      %get3A_204 = arith.constant 32 : index
      %get3A_205 = tpu.vector_load %arg10[%get3A_203, %get3A_204] {strides = array<i32>} : memref<256x64xf32, #tpu.memory_space<vmem>>, vector<16xf32>,
      %get3A_206 = arith.index_cast %add3A_196 : i32 to index
      %get3A_207 = arith.constant 48 : index
      %get3A_208 = tpu.vector_load %arg10[%get3A_206, %get3A_207] {strides = array<i32>} : memref<256x64xf32, #tpu.memory_space<vmem>>, vector<16xf32>,
      %get3A_209 = arith.index_cast %add3A_196 : i32 to index
      %get3A_210 = arith.constant 0 : index
      %get3A_211 = tpu.vector_load %arg11[%get3A_209, %get3A_210] {strides = array<i32>} : memref<256x64xf32, #tpu.memory_space<vmem>>, vector<16xf32>,
      %get3A_212 = arith.index_cast %add3A_196 : i32 to index
      %get3A_213 = arith.constant 16 : index
      %get3A_214 = tpu.vector_load %arg11[%get3A_212, %get3A_213] {strides = array<i32>} : memref<256x64xf32, #tpu.memory_space<vmem>>, vector<16xf32>,
      %get3A_215 = arith.index_cast %add3A_196 : i32 to index
      %get3A_216 = arith.constant 32 : index
      %get3A_217 = tpu.vector_load %arg11[%get3A_215, %get3A_216] {strides = array<i32>} : memref<256x64xf32, #tpu.memory_space<vmem>>, vector<16xf32>,
      %get3A_218 = arith.index_cast %add3A_196 : i32 to index
      %get3A_219 = arith.constant 48 : index
      %get3A_220 = tpu.vector_load %arg11[%get3A_218, %get3A_219] {strides = array<i32>} : memref<256x64xf32, #tpu.memory_space<vmem>>, vector<16xf32>,
      %mul3A_221 = arith.mulf %get3A_199, %get3A_211 : vector<16xf32>
      %mul3A_222 = arith.mulf %get3A_202, %get3A_214 : vector<16xf32>
      %add3A_223 = arith.addf %mul3A_221, %mul3A_222 : vector<16xf32>
      %mul3A_224 = arith.mulf %get3A_205, %get3A_217 : vector<16xf32>
      %mul3A_225 = arith.mulf %get3A_208, %get3A_220 : vector<16xf32>
      %add3A_226 = arith.addf %mul3A_224, %mul3A_225 : vector<16xf32>
      %add3A_227 = arith.addf %add3A_223, %add3A_226 : vector<16xf32>
      %reduce_sum3A_228 = arith.constant true
      %reduce_sum3A_229 = vector.broadcast %reduce_sum3A_228 : i1 to vector<16xi1>
      %reduce_sum3A_230 = tpu.scan <sum>, %add3A_227 masked %reduce_sum3A_229 : vector<16xf32>, vector<16xi1> -> vector<16xf32>
      %reduce_sum3A_231 = vector.extract %reduce_sum3A_230[15] : f32 from vector<16xf32>
      %eq3A_232 = arith.constant 3 : i32
      %eq3A_233 = vector.broadcast %eq3A_232 : i32 to vector<16xi32>
      %eq3A_234 = arith.cmpi eq, %iota3A, %eq3A_233 : vector<16xi32>
      %broadcast_in_dim3A_235 = vector.broadcast %reduce_sum3A_231 : f32 to vector<16xf32>
      %select_n3A_236 = arith.select %eq3A_234, %broadcast_in_dim3A_235, %select_n3A_192 : vector<16xi1>, vector<16xf32>
      %mul3A_237 = arith.constant 16 : i32
      %mul3A_238 = arith.muli %scan3A_62, %mul3A_237 : i32
      %add3A_239 = arith.constant 4 : i32
      %add3A_240 = arith.addi %mul3A_238, %add3A_239 : i32
      %get3A_241 = arith.index_cast %add3A_240 : i32 to index
      %get3A_242 = arith.constant 0 : index
      %get3A_243 = tpu.vector_load %arg10[%get3A_241, %get3A_242] {strides = array<i32>} : memref<256x64xf32, #tpu.memory_space<vmem>>, vector<16xf32>,
      %get3A_244 = arith.index_cast %add3A_240 : i32 to index
      %get3A_245 = arith.constant 16 : index
      %get3A_246 = tpu.vector_load %arg10[%get3A_244, %get3A_245] {strides = array<i32>} : memref<256x64xf32, #tpu.memory_space<vmem>>, vector<16xf32>,
      %get3A_247 = arith.index_cast %add3A_240 : i32 to index
      %get3A_248 = arith.constant 32 : index
      %get3A_249 = tpu.vector_load %arg10[%get3A_247, %get3A_248] {strides = array<i32>} : memref<256x64xf32, #tpu.memory_space<vmem>>, vector<16xf32>,
      %get3A_250 = arith.index_cast %add3A_240 : i32 to index
      %get3A_251 = arith.constant 48 : index
      %get3A_252 = tpu.vector_load %arg10[%get3A_250, %get3A_251] {strides = array<i32>} : memref<256x64xf32, #tpu.memory_space<vmem>>, vector<16xf32>,
      %get3A_253 = arith.index_cast %add3A_240 : i32 to index
      %get3A_254 = arith.constant 0 : index
      %get3A_255 = tpu.vector_load %arg11[%get3A_253, %get3A_254] {strides = array<i32>} : memref<256x64xf32, #tpu.memory_space<vmem>>, vector<16xf32>,
      %get3A_256 = arith.index_cast %add3A_240 : i32 to index
      %get3A_257 = arith.constant 16 : index
      %get3A_258 = tpu.vector_load %arg11[%get3A_256, %get3A_257] {strides = array<i32>} : memref<256x64xf32, #tpu.memory_space<vmem>>, vector<16xf32>,
      %get3A_259 = arith.index_cast %add3A_240 : i32 to index
      %get3A_260 = arith.constant 32 : index
      %get3A_261 = tpu.vector_load %arg11[%get3A_259, %get3A_260] {strides = array<i32>} : memref<256x64xf32, #tpu.memory_space<vmem>>, vector<16xf32>,
      %get3A_262 = arith.index_cast %add3A_240 : i32 to index
      %get3A_263 = arith.constant 48 : index
      %get3A_264 = tpu.vector_load %arg11[%get3A_262, %get3A_263] {strides = array<i32>} : memref<256x64xf32, #tpu.memory_space<vmem>>, vector<16xf32>,
      %mul3A_265 = arith.mulf %get3A_243, %get3A_255 : vector<16xf32>
      %mul3A_266 = arith.mulf %get3A_246, %get3A_258 : vector<16xf32>
      %add3A_267 = arith.addf %mul3A_265, %mul3A_266 : vector<16xf32>
      %mul3A_268 = arith.mulf %get3A_249, %get3A_261 : vector<16xf32>
      %mul3A_269 = arith.mulf %get3A_252, %get3A_264 : vector<16xf32>
      %add3A_270 = arith.addf %mul3A_268, %mul3A_269 : vector<16xf32>
      %add3A_271 = arith.addf %add3A_267, %add3A_270 : vector<16xf32>
      %reduce_sum3A_272 = arith.constant true
      %reduce_sum3A_273 = vector.broadcast %reduce_sum3A_272 : i1 to vector<16xi1>
      %reduce_sum3A_274 = tpu.scan <sum>, %add3A_271 masked %reduce_sum3A_273 : vector<16xf32>, vector<16xi1> -> vector<16xf32>
      %reduce_sum3A_275 = vector.extract %reduce_sum3A_274[15] : f32 from vector<16xf32>
      %eq3A_276 = arith.constant 4 : i32
      %eq3A_277 = vector.broadcast %eq3A_276 : i32 to vector<16xi32>
      %eq3A_278 = arith.cmpi eq, %iota3A, %eq3A_277 : vector<16xi32>
      %broadcast_in_dim3A_279 = vector.broadcast %reduce_sum3A_275 : f32 to vector<16xf32>
      %select_n3A_280 = arith.select %eq3A_278, %broadcast_in_dim3A_279, %select_n3A_236 : vector<16xi1>, vector<16xf32>
      %mul3A_281 = arith.constant 16 : i32
      %mul3A_282 = arith.muli %scan3A_62, %mul3A_281 : i32
      %add3A_283 = arith.constant 5 : i32
      %add3A_284 = arith.addi %mul3A_282, %add3A_283 : i32
      %get3A_285 = arith.index_cast %add3A_284 : i32 to index
      %get3A_286 = arith.constant 0 : index
      %get3A_287 = tpu.vector_load %arg10[%get3A_285, %get3A_286] {strides = array<i32>} : memref<256x64xf32, #tpu.memory_space<vmem>>, vector<16xf32>,
      %get3A_288 = arith.index_cast %add3A_284 : i32 to index
      %get3A_289 = arith.constant 16 : index
      %get3A_290 = tpu.vector_load %arg10[%get3A_288, %get3A_289] {strides = array<i32>} : memref<256x64xf32, #tpu.memory_space<vmem>>, vector<16xf32>,
      %get3A_291 = arith.index_cast %add3A_284 : i32 to index
      %get3A_292 = arith.constant 32 : index
      %get3A_293 = tpu.vector_load %arg10[%get3A_291, %get3A_292] {strides = array<i32>} : memref<256x64xf32, #tpu.memory_space<vmem>>, vector<16xf32>,
      %get3A_294 = arith.index_cast %add3A_284 : i32 to index
      %get3A_295 = arith.constant 48 : index
      %get3A_296 = tpu.vector_load %arg10[%get3A_294, %get3A_295] {strides = array<i32>} : memref<256x64xf32, #tpu.memory_space<vmem>>, vector<16xf32>,
      %get3A_297 = arith.index_cast %add3A_284 : i32 to index
      %get3A_298 = arith.constant 0 : index
      %get3A_299 = tpu.vector_load %arg11[%get3A_297, %get3A_298] {strides = array<i32>} : memref<256x64xf32, #tpu.memory_space<vmem>>, vector<16xf32>,
      %get3A_300 = arith.index_cast %add3A_284 : i32 to index
      %get3A_301 = arith.constant 16 : index
      %get3A_302 = tpu.vector_load %arg11[%get3A_300, %get3A_301] {strides = array<i32>} : memref<256x64xf32, #tpu.memory_space<vmem>>, vector<16xf32>,
      %get3A_303 = arith.index_cast %add3A_284 : i32 to index
      %get3A_304 = arith.constant 32 : index
      %get3A_305 = tpu.vector_load %arg11[%get3A_303, %get3A_304] {strides = array<i32>} : memref<256x64xf32, #tpu.memory_space<vmem>>, vector<16xf32>,
      %get3A_306 = arith.index_cast %add3A_284 : i32 to index
      %get3A_307 = arith.constant 48 : index
      %get3A_308 = tpu.vector_load %arg11[%get3A_306, %get3A_307] {strides = array<i32>} : memref<256x64xf32, #tpu.memory_space<vmem>>, vector<16xf32>,
      %mul3A_309 = arith.mulf %get3A_287, %get3A_299 : vector<16xf32>
      %mul3A_310 = arith.mulf %get3A_290, %get3A_302 : vector<16xf32>
      %add3A_311 = arith.addf %mul3A_309, %mul3A_310 : vector<16xf32>
      %mul3A_312 = arith.mulf %get3A_293, %get3A_305 : vector<16xf32>
      %mul3A_313 = arith.mulf %get3A_296, %get3A_308 : vector<16xf32>
      %add3A_314 = arith.addf %mul3A_312, %mul3A_313 : vector<16xf32>
      %add3A_315 = arith.addf %add3A_311, %add3A_314 : vector<16xf32>
      %reduce_sum3A_316 = arith.constant true
      %reduce_sum3A_317 = vector.broadcast %reduce_sum3A_316 : i1 to vector<16xi1>
      %reduce_sum3A_318 = tpu.scan <sum>, %add3A_315 masked %reduce_sum3A_317 : vector<16xf32>, vector<16xi1> -> vector<16xf32>
      %reduce_sum3A_319 = vector.extract %reduce_sum3A_318[15] : f32 from vector<16xf32>
      %eq3A_320 = arith.constant 5 : i32
      %eq3A_321 = vector.broadcast %eq3A_320 : i32 to vector<16xi32>
      %eq3A_322 = arith.cmpi eq, %iota3A, %eq3A_321 : vector<16xi32>
      %broadcast_in_dim3A_323 = vector.broadcast %reduce_sum3A_319 : f32 to vector<16xf32>
      %select_n3A_324 = arith.select %eq3A_322, %broadcast_in_dim3A_323, %select_n3A_280 : vector<16xi1>, vector<16xf32>
      %mul3A_325 = arith.constant 16 : i32
      %mul3A_326 = arith.muli %scan3A_62, %mul3A_325 : i32
      %add3A_327 = arith.constant 6 : i32
      %add3A_328 = arith.addi %mul3A_326, %add3A_327 : i32
      %get3A_329 = arith.index_cast %add3A_328 : i32 to index
      %get3A_330 = arith.constant 0 : index
      %get3A_331 = tpu.vector_load %arg10[%get3A_329, %get3A_330] {strides = array<i32>} : memref<256x64xf32, #tpu.memory_space<vmem>>, vector<16xf32>,
      %get3A_332 = arith.index_cast %add3A_328 : i32 to index
      %get3A_333 = arith.constant 16 : index
      %get3A_334 = tpu.vector_load %arg10[%get3A_332, %get3A_333] {strides = array<i32>} : memref<256x64xf32, #tpu.memory_space<vmem>>, vector<16xf32>,
      %get3A_335 = arith.index_cast %add3A_328 : i32 to index
      %get3A_336 = arith.constant 32 : index
      %get3A_337 = tpu.vector_load %arg10[%get3A_335, %get3A_336] {strides = array<i32>} : memref<256x64xf32, #tpu.memory_space<vmem>>, vector<16xf32>,
      %get3A_338 = arith.index_cast %add3A_328 : i32 to index
      %get3A_339 = arith.constant 48 : index
      %get3A_340 = tpu.vector_load %arg10[%get3A_338, %get3A_339] {strides = array<i32>} : memref<256x64xf32, #tpu.memory_space<vmem>>, vector<16xf32>,
      %get3A_341 = arith.index_cast %add3A_328 : i32 to index
      %get3A_342 = arith.constant 0 : index
      %get3A_343 = tpu.vector_load %arg11[%get3A_341, %get3A_342] {strides = array<i32>} : memref<256x64xf32, #tpu.memory_space<vmem>>, vector<16xf32>,
      %get3A_344 = arith.index_cast %add3A_328 : i32 to index
      %get3A_345 = arith.constant 16 : index
      %get3A_346 = tpu.vector_load %arg11[%get3A_344, %get3A_345] {strides = array<i32>} : memref<256x64xf32, #tpu.memory_space<vmem>>, vector<16xf32>,
      %get3A_347 = arith.index_cast %add3A_328 : i32 to index
      %get3A_348 = arith.constant 32 : index
      %get3A_349 = tpu.vector_load %arg11[%get3A_347, %get3A_348] {strides = array<i32>} : memref<256x64xf32, #tpu.memory_space<vmem>>, vector<16xf32>,
      %get3A_350 = arith.index_cast %add3A_328 : i32 to index
      %get3A_351 = arith.constant 48 : index
      %get3A_352 = tpu.vector_load %arg11[%get3A_350, %get3A_351] {strides = array<i32>} : memref<256x64xf32, #tpu.memory_space<vmem>>, vector<16xf32>,
      %mul3A_353 = arith.mulf %get3A_331, %get3A_343 : vector<16xf32>
      %mul3A_354 = arith.mulf %get3A_334, %get3A_346 : vector<16xf32>
      %add3A_355 = arith.addf %mul3A_353, %mul3A_354 : vector<16xf32>
      %mul3A_356 = arith.mulf %get3A_337, %get3A_349 : vector<16xf32>
      %mul3A_357 = arith.mulf %get3A_340, %get3A_352 : vector<16xf32>
      %add3A_358 = arith.addf %mul3A_356, %mul3A_357 : vector<16xf32>
      %add3A_359 = arith.addf %add3A_355, %add3A_358 : vector<16xf32>
      %reduce_sum3A_360 = arith.constant true
      %reduce_sum3A_361 = vector.broadcast %reduce_sum3A_360 : i1 to vector<16xi1>
      %reduce_sum3A_362 = tpu.scan <sum>, %add3A_359 masked %reduce_sum3A_361 : vector<16xf32>, vector<16xi1> -> vector<16xf32>
      %reduce_sum3A_363 = vector.extract %reduce_sum3A_362[15] : f32 from vector<16xf32>
      %eq3A_364 = arith.constant 6 : i32
      %eq3A_365 = vector.broadcast %eq3A_364 : i32 to vector<16xi32>
      %eq3A_366 = arith.cmpi eq, %iota3A, %eq3A_365 : vector<16xi32>
      %broadcast_in_dim3A_367 = vector.broadcast %reduce_sum3A_363 : f32 to vector<16xf32>
      %select_n3A_368 = arith.select %eq3A_366, %broadcast_in_dim3A_367, %select_n3A_324 : vector<16xi1>, vector<16xf32>
      %mul3A_369 = arith.constant 16 : i32
      %mul3A_370 = arith.muli %scan3A_62, %mul3A_369 : i32
      %add3A_371 = arith.constant 7 : i32
      %add3A_372 = arith.addi %mul3A_370, %add3A_371 : i32
      %get3A_373 = arith.index_cast %add3A_372 : i32 to index
      %get3A_374 = arith.constant 0 : index
      %get3A_375 = tpu.vector_load %arg10[%get3A_373, %get3A_374] {strides = array<i32>} : memref<256x64xf32, #tpu.memory_space<vmem>>, vector<16xf32>,
      %get3A_376 = arith.index_cast %add3A_372 : i32 to index
      %get3A_377 = arith.constant 16 : index
      %get3A_378 = tpu.vector_load %arg10[%get3A_376, %get3A_377] {strides = array<i32>} : memref<256x64xf32, #tpu.memory_space<vmem>>, vector<16xf32>,
      %get3A_379 = arith.index_cast %add3A_372 : i32 to index
      %get3A_380 = arith.constant 32 : index
      %get3A_381 = tpu.vector_load %arg10[%get3A_379, %get3A_380] {strides = array<i32>} : memref<256x64xf32, #tpu.memory_space<vmem>>, vector<16xf32>,
      %get3A_382 = arith.index_cast %add3A_372 : i32 to index
      %get3A_383 = arith.constant 48 : index
      %get3A_384 = tpu.vector_load %arg10[%get3A_382, %get3A_383] {strides = array<i32>} : memref<256x64xf32, #tpu.memory_space<vmem>>, vector<16xf32>,
      %get3A_385 = arith.index_cast %add3A_372 : i32 to index
      %get3A_386 = arith.constant 0 : index
      %get3A_387 = tpu.vector_load %arg11[%get3A_385, %get3A_386] {strides = array<i32>} : memref<256x64xf32, #tpu.memory_space<vmem>>, vector<16xf32>,
      %get3A_388 = arith.index_cast %add3A_372 : i32 to index
      %get3A_389 = arith.constant 16 : index
      %get3A_390 = tpu.vector_load %arg11[%get3A_388, %get3A_389] {strides = array<i32>} : memref<256x64xf32, #tpu.memory_space<vmem>>, vector<16xf32>,
      %get3A_391 = arith.index_cast %add3A_372 : i32 to index
      %get3A_392 = arith.constant 32 : index
      %get3A_393 = tpu.vector_load %arg11[%get3A_391, %get3A_392] {strides = array<i32>} : memref<256x64xf32, #tpu.memory_space<vmem>>, vector<16xf32>,
      %get3A_394 = arith.index_cast %add3A_372 : i32 to index
      %get3A_395 = arith.constant 48 : index
      %get3A_396 = tpu.vector_load %arg11[%get3A_394, %get3A_395] {strides = array<i32>} : memref<256x64xf32, #tpu.memory_space<vmem>>, vector<16xf32>,
      %mul3A_397 = arith.mulf %get3A_375, %get3A_387 : vector<16xf32>
      %mul3A_398 = arith.mulf %get3A_378, %get3A_390 : vector<16xf32>
      %add3A_399 = arith.addf %mul3A_397, %mul3A_398 : vector<16xf32>
      %mul3A_400 = arith.mulf %get3A_381, %get3A_393 : vector<16xf32>
      %mul3A_401 = arith.mulf %get3A_384, %get3A_396 : vector<16xf32>
      %add3A_402 = arith.addf %mul3A_400, %mul3A_401 : vector<16xf32>
      %add3A_403 = arith.addf %add3A_399, %add3A_402 : vector<16xf32>
      %reduce_sum3A_404 = arith.constant true
      %reduce_sum3A_405 = vector.broadcast %reduce_sum3A_404 : i1 to vector<16xi1>
      %reduce_sum3A_406 = tpu.scan <sum>, %add3A_403 masked %reduce_sum3A_405 : vector<16xf32>, vector<16xi1> -> vector<16xf32>
      %reduce_sum3A_407 = vector.extract %reduce_sum3A_406[15] : f32 from vector<16xf32>
      %eq3A_408 = arith.constant 7 : i32
      %eq3A_409 = vector.broadcast %eq3A_408 : i32 to vector<16xi32>
      %eq3A_410 = arith.cmpi eq, %iota3A, %eq3A_409 : vector<16xi32>
      %broadcast_in_dim3A_411 = vector.broadcast %reduce_sum3A_407 : f32 to vector<16xf32>
      %select_n3A_412 = arith.select %eq3A_410, %broadcast_in_dim3A_411, %select_n3A_368 : vector<16xi1>, vector<16xf32>
      %mul3A_413 = arith.constant 16 : i32
      %mul3A_414 = arith.muli %scan3A_62, %mul3A_413 : i32
      %add3A_415 = arith.constant 8 : i32
      %add3A_416 = arith.addi %mul3A_414, %add3A_415 : i32
      %get3A_417 = arith.index_cast %add3A_416 : i32 to index
      %get3A_418 = arith.constant 0 : index
      %get3A_419 = tpu.vector_load %arg10[%get3A_417, %get3A_418] {strides = array<i32>} : memref<256x64xf32, #tpu.memory_space<vmem>>, vector<16xf32>,
      %get3A_420 = arith.index_cast %add3A_416 : i32 to index
      %get3A_421 = arith.constant 16 : index
      %get3A_422 = tpu.vector_load %arg10[%get3A_420, %get3A_421] {strides = array<i32>} : memref<256x64xf32, #tpu.memory_space<vmem>>, vector<16xf32>,
      %get3A_423 = arith.index_cast %add3A_416 : i32 to index
      %get3A_424 = arith.constant 32 : index
      %get3A_425 = tpu.vector_load %arg10[%get3A_423, %get3A_424] {strides = array<i32>} : memref<256x64xf32, #tpu.memory_space<vmem>>, vector<16xf32>,
      %get3A_426 = arith.index_cast %add3A_416 : i32 to index
      %get3A_427 = arith.constant 48 : index
      %get3A_428 = tpu.vector_load %arg10[%get3A_426, %get3A_427] {strides = array<i32>} : memref<256x64xf32, #tpu.memory_space<vmem>>, vector<16xf32>,
      %get3A_429 = arith.index_cast %add3A_416 : i32 to index
      %get3A_430 = arith.constant 0 : index
      %get3A_431 = tpu.vector_load %arg11[%get3A_429, %get3A_430] {strides = array<i32>} : memref<256x64xf32, #tpu.memory_space<vmem>>, vector<16xf32>,
      %get3A_432 = arith.index_cast %add3A_416 : i32 to index
      %get3A_433 = arith.constant 16 : index
      %get3A_434 = tpu.vector_load %arg11[%get3A_432, %get3A_433] {strides = array<i32>} : memref<256x64xf32, #tpu.memory_space<vmem>>, vector<16xf32>,
      %get3A_435 = arith.index_cast %add3A_416 : i32 to index
      %get3A_436 = arith.constant 32 : index
      %get3A_437 = tpu.vector_load %arg11[%get3A_435, %get3A_436] {strides = array<i32>} : memref<256x64xf32, #tpu.memory_space<vmem>>, vector<16xf32>,
      %get3A_438 = arith.index_cast %add3A_416 : i32 to index
      %get3A_439 = arith.constant 48 : index
      %get3A_440 = tpu.vector_load %arg11[%get3A_438, %get3A_439] {strides = array<i32>} : memref<256x64xf32, #tpu.memory_space<vmem>>, vector<16xf32>,
      %mul3A_441 = arith.mulf %get3A_419, %get3A_431 : vector<16xf32>
      %mul3A_442 = arith.mulf %get3A_422, %get3A_434 : vector<16xf32>
      %add3A_443 = arith.addf %mul3A_441, %mul3A_442 : vector<16xf32>
      %mul3A_444 = arith.mulf %get3A_425, %get3A_437 : vector<16xf32>
      %mul3A_445 = arith.mulf %get3A_428, %get3A_440 : vector<16xf32>
      %add3A_446 = arith.addf %mul3A_444, %mul3A_445 : vector<16xf32>
      %add3A_447 = arith.addf %add3A_443, %add3A_446 : vector<16xf32>
      %reduce_sum3A_448 = arith.constant true
      %reduce_sum3A_449 = vector.broadcast %reduce_sum3A_448 : i1 to vector<16xi1>
      %reduce_sum3A_450 = tpu.scan <sum>, %add3A_447 masked %reduce_sum3A_449 : vector<16xf32>, vector<16xi1> -> vector<16xf32>
      %reduce_sum3A_451 = vector.extract %reduce_sum3A_450[15] : f32 from vector<16xf32>
      %eq3A_452 = arith.constant 8 : i32
      %eq3A_453 = vector.broadcast %eq3A_452 : i32 to vector<16xi32>
      %eq3A_454 = arith.cmpi eq, %iota3A, %eq3A_453 : vector<16xi32>
      %broadcast_in_dim3A_455 = vector.broadcast %reduce_sum3A_451 : f32 to vector<16xf32>
      %select_n3A_456 = arith.select %eq3A_454, %broadcast_in_dim3A_455, %select_n3A_412 : vector<16xi1>, vector<16xf32>
      %mul3A_457 = arith.constant 16 : i32
      %mul3A_458 = arith.muli %scan3A_62, %mul3A_457 : i32
      %add3A_459 = arith.constant 9 : i32
      %add3A_460 = arith.addi %mul3A_458, %add3A_459 : i32
      %get3A_461 = arith.index_cast %add3A_460 : i32 to index
      %get3A_462 = arith.constant 0 : index
      %get3A_463 = tpu.vector_load %arg10[%get3A_461, %get3A_462] {strides = array<i32>} : memref<256x64xf32, #tpu.memory_space<vmem>>, vector<16xf32>,
      %get3A_464 = arith.index_cast %add3A_460 : i32 to index
      %get3A_465 = arith.constant 16 : index
      %get3A_466 = tpu.vector_load %arg10[%get3A_464, %get3A_465] {strides = array<i32>} : memref<256x64xf32, #tpu.memory_space<vmem>>, vector<16xf32>,
      %get3A_467 = arith.index_cast %add3A_460 : i32 to index
      %get3A_468 = arith.constant 32 : index
      %get3A_469 = tpu.vector_load %arg10[%get3A_467, %get3A_468] {strides = array<i32>} : memref<256x64xf32, #tpu.memory_space<vmem>>, vector<16xf32>,
      %get3A_470 = arith.index_cast %add3A_460 : i32 to index
      %get3A_471 = arith.constant 48 : index
      %get3A_472 = tpu.vector_load %arg10[%get3A_470, %get3A_471] {strides = array<i32>} : memref<256x64xf32, #tpu.memory_space<vmem>>, vector<16xf32>,
      %get3A_473 = arith.index_cast %add3A_460 : i32 to index
      %get3A_474 = arith.constant 0 : index
      %get3A_475 = tpu.vector_load %arg11[%get3A_473, %get3A_474] {strides = array<i32>} : memref<256x64xf32, #tpu.memory_space<vmem>>, vector<16xf32>,
      %get3A_476 = arith.index_cast %add3A_460 : i32 to index
      %get3A_477 = arith.constant 16 : index
      %get3A_478 = tpu.vector_load %arg11[%get3A_476, %get3A_477] {strides = array<i32>} : memref<256x64xf32, #tpu.memory_space<vmem>>, vector<16xf32>,
      %get3A_479 = arith.index_cast %add3A_460 : i32 to index
      %get3A_480 = arith.constant 32 : index
      %get3A_481 = tpu.vector_load %arg11[%get3A_479, %get3A_480] {strides = array<i32>} : memref<256x64xf32, #tpu.memory_space<vmem>>, vector<16xf32>,
      %get3A_482 = arith.index_cast %add3A_460 : i32 to index
      %get3A_483 = arith.constant 48 : index
      %get3A_484 = tpu.vector_load %arg11[%get3A_482, %get3A_483] {strides = array<i32>} : memref<256x64xf32, #tpu.memory_space<vmem>>, vector<16xf32>,
      %mul3A_485 = arith.mulf %get3A_463, %get3A_475 : vector<16xf32>
      %mul3A_486 = arith.mulf %get3A_466, %get3A_478 : vector<16xf32>
      %add3A_487 = arith.addf %mul3A_485, %mul3A_486 : vector<16xf32>
      %mul3A_488 = arith.mulf %get3A_469, %get3A_481 : vector<16xf32>
      %mul3A_489 = arith.mulf %get3A_472, %get3A_484 : vector<16xf32>
      %add3A_490 = arith.addf %mul3A_488, %mul3A_489 : vector<16xf32>
      %add3A_491 = arith.addf %add3A_487, %add3A_490 : vector<16xf32>
      %reduce_sum3A_492 = arith.constant true
      %reduce_sum3A_493 = vector.broadcast %reduce_sum3A_492 : i1 to vector<16xi1>
      %reduce_sum3A_494 = tpu.scan <sum>, %add3A_491 masked %reduce_sum3A_493 : vector<16xf32>, vector<16xi1> -> vector<16xf32>
      %reduce_sum3A_495 = vector.extract %reduce_sum3A_494[15] : f32 from vector<16xf32>
      %eq3A_496 = arith.constant 9 : i32
      %eq3A_497 = vector.broadcast %eq3A_496 : i32 to vector<16xi32>
      %eq3A_498 = arith.cmpi eq, %iota3A, %eq3A_497 : vector<16xi32>
      %broadcast_in_dim3A_499 = vector.broadcast %reduce_sum3A_495 : f32 to vector<16xf32>
      %select_n3A_500 = arith.select %eq3A_498, %broadcast_in_dim3A_499, %select_n3A_456 : vector<16xi1>, vector<16xf32>
      %mul3A_501 = arith.constant 16 : i32
      %mul3A_502 = arith.muli %scan3A_62, %mul3A_501 : i32
      %add3A_503 = arith.constant 10 : i32
      %add3A_504 = arith.addi %mul3A_502, %add3A_503 : i32
      %get3A_505 = arith.index_cast %add3A_504 : i32 to index
      %get3A_506 = arith.constant 0 : index
      %get3A_507 = tpu.vector_load %arg10[%get3A_505, %get3A_506] {strides = array<i32>} : memref<256x64xf32, #tpu.memory_space<vmem>>, vector<16xf32>,
      %get3A_508 = arith.index_cast %add3A_504 : i32 to index
      %get3A_509 = arith.constant 16 : index
      %get3A_510 = tpu.vector_load %arg10[%get3A_508, %get3A_509] {strides = array<i32>} : memref<256x64xf32, #tpu.memory_space<vmem>>, vector<16xf32>,
      %get3A_511 = arith.index_cast %add3A_504 : i32 to index
      %get3A_512 = arith.constant 32 : index
      %get3A_513 = tpu.vector_load %arg10[%get3A_511, %get3A_512] {strides = array<i32>} : memref<256x64xf32, #tpu.memory_space<vmem>>, vector<16xf32>,
      %get3A_514 = arith.index_cast %add3A_504 : i32 to index
      %get3A_515 = arith.constant 48 : index
      %get3A_516 = tpu.vector_load %arg10[%get3A_514, %get3A_515] {strides = array<i32>} : memref<256x64xf32, #tpu.memory_space<vmem>>, vector<16xf32>,
      %get3A_517 = arith.index_cast %add3A_504 : i32 to index
      %get3A_518 = arith.constant 0 : index
      %get3A_519 = tpu.vector_load %arg11[%get3A_517, %get3A_518] {strides = array<i32>} : memref<256x64xf32, #tpu.memory_space<vmem>>, vector<16xf32>,
      %get3A_520 = arith.index_cast %add3A_504 : i32 to index
      %get3A_521 = arith.constant 16 : index
      %get3A_522 = tpu.vector_load %arg11[%get3A_520, %get3A_521] {strides = array<i32>} : memref<256x64xf32, #tpu.memory_space<vmem>>, vector<16xf32>,
      %get3A_523 = arith.index_cast %add3A_504 : i32 to index
      %get3A_524 = arith.constant 32 : index
      %get3A_525 = tpu.vector_load %arg11[%get3A_523, %get3A_524] {strides = array<i32>} : memref<256x64xf32, #tpu.memory_space<vmem>>, vector<16xf32>,
      %get3A_526 = arith.index_cast %add3A_504 : i32 to index
      %get3A_527 = arith.constant 48 : index
      %get3A_528 = tpu.vector_load %arg11[%get3A_526, %get3A_527] {strides = array<i32>} : memref<256x64xf32, #tpu.memory_space<vmem>>, vector<16xf32>,
      %mul3A_529 = arith.mulf %get3A_507, %get3A_519 : vector<16xf32>
      %mul3A_530 = arith.mulf %get3A_510, %get3A_522 : vector<16xf32>
      %add3A_531 = arith.addf %mul3A_529, %mul3A_530 : vector<16xf32>
      %mul3A_532 = arith.mulf %get3A_513, %get3A_525 : vector<16xf32>
      %mul3A_533 = arith.mulf %get3A_516, %get3A_528 : vector<16xf32>
      %add3A_534 = arith.addf %mul3A_532, %mul3A_533 : vector<16xf32>
      %add3A_535 = arith.addf %add3A_531, %add3A_534 : vector<16xf32>
      %reduce_sum3A_536 = arith.constant true
      %reduce_sum3A_537 = vector.broadcast %reduce_sum3A_536 : i1 to vector<16xi1>
      %reduce_sum3A_538 = tpu.scan <sum>, %add3A_535 masked %reduce_sum3A_537 : vector<16xf32>, vector<16xi1> -> vector<16xf32>
      %reduce_sum3A_539 = vector.extract %reduce_sum3A_538[15] : f32 from vector<16xf32>
      %eq3A_540 = arith.constant 10 : i32
      %eq3A_541 = vector.broadcast %eq3A_540 : i32 to vector<16xi32>
      %eq3A_542 = arith.cmpi eq, %iota3A, %eq3A_541 : vector<16xi32>
      %broadcast_in_dim3A_543 = vector.broadcast %reduce_sum3A_539 : f32 to vector<16xf32>
      %select_n3A_544 = arith.select %eq3A_542, %broadcast_in_dim3A_543, %select_n3A_500 : vector<16xi1>, vector<16xf32>
      %mul3A_545 = arith.constant 16 : i32
      %mul3A_546 = arith.muli %scan3A_62, %mul3A_545 : i32
      %add3A_547 = arith.constant 11 : i32
      %add3A_548 = arith.addi %mul3A_546, %add3A_547 : i32
      %get3A_549 = arith.index_cast %add3A_548 : i32 to index
      %get3A_550 = arith.constant 0 : index
      %get3A_551 = tpu.vector_load %arg10[%get3A_549, %get3A_550] {strides = array<i32>} : memref<256x64xf32, #tpu.memory_space<vmem>>, vector<16xf32>,
      %get3A_552 = arith.index_cast %add3A_548 : i32 to index
      %get3A_553 = arith.constant 16 : index
      %get3A_554 = tpu.vector_load %arg10[%get3A_552, %get3A_553] {strides = array<i32>} : memref<256x64xf32, #tpu.memory_space<vmem>>, vector<16xf32>,
      %get3A_555 = arith.index_cast %add3A_548 : i32 to index
      %get3A_556 = arith.constant 32 : index
      %get3A_557 = tpu.vector_load %arg10[%get3A_555, %get3A_556] {strides = array<i32>} : memref<256x64xf32, #tpu.memory_space<vmem>>, vector<16xf32>,
      %get3A_558 = arith.index_cast %add3A_548 : i32 to index
      %get3A_559 = arith.constant 48 : index
      %get3A_560 = tpu.vector_load %arg10[%get3A_558, %get3A_559] {strides = array<i32>} : memref<256x64xf32, #tpu.memory_space<vmem>>, vector<16xf32>,
      %get3A_561 = arith.index_cast %add3A_548 : i32 to index
      %get3A_562 = arith.constant 0 : index
      %get3A_563 = tpu.vector_load %arg11[%get3A_561, %get3A_562] {strides = array<i32>} : memref<256x64xf32, #tpu.memory_space<vmem>>, vector<16xf32>,
      %get3A_564 = arith.index_cast %add3A_548 : i32 to index
      %get3A_565 = arith.constant 16 : index
      %get3A_566 = tpu.vector_load %arg11[%get3A_564, %get3A_565] {strides = array<i32>} : memref<256x64xf32, #tpu.memory_space<vmem>>, vector<16xf32>,
      %get3A_567 = arith.index_cast %add3A_548 : i32 to index
      %get3A_568 = arith.constant 32 : index
      %get3A_569 = tpu.vector_load %arg11[%get3A_567, %get3A_568] {strides = array<i32>} : memref<256x64xf32, #tpu.memory_space<vmem>>, vector<16xf32>,
      %get3A_570 = arith.index_cast %add3A_548 : i32 to index
      %get3A_571 = arith.constant 48 : index
      %get3A_572 = tpu.vector_load %arg11[%get3A_570, %get3A_571] {strides = array<i32>} : memref<256x64xf32, #tpu.memory_space<vmem>>, vector<16xf32>,
      %mul3A_573 = arith.mulf %get3A_551, %get3A_563 : vector<16xf32>
      %mul3A_574 = arith.mulf %get3A_554, %get3A_566 : vector<16xf32>
      %add3A_575 = arith.addf %mul3A_573, %mul3A_574 : vector<16xf32>
      %mul3A_576 = arith.mulf %get3A_557, %get3A_569 : vector<16xf32>
      %mul3A_577 = arith.mulf %get3A_560, %get3A_572 : vector<16xf32>
      %add3A_578 = arith.addf %mul3A_576, %mul3A_577 : vector<16xf32>
      %add3A_579 = arith.addf %add3A_575, %add3A_578 : vector<16xf32>
      %reduce_sum3A_580 = arith.constant true
      %reduce_sum3A_581 = vector.broadcast %reduce_sum3A_580 : i1 to vector<16xi1>
      %reduce_sum3A_582 = tpu.scan <sum>, %add3A_579 masked %reduce_sum3A_581 : vector<16xf32>, vector<16xi1> -> vector<16xf32>
      %reduce_sum3A_583 = vector.extract %reduce_sum3A_582[15] : f32 from vector<16xf32>
      %eq3A_584 = arith.constant 11 : i32
      %eq3A_585 = vector.broadcast %eq3A_584 : i32 to vector<16xi32>
      %eq3A_586 = arith.cmpi eq, %iota3A, %eq3A_585 : vector<16xi32>
      %broadcast_in_dim3A_587 = vector.broadcast %reduce_sum3A_583 : f32 to vector<16xf32>
      %select_n3A_588 = arith.select %eq3A_586, %broadcast_in_dim3A_587, %select_n3A_544 : vector<16xi1>, vector<16xf32>
      %mul3A_589 = arith.constant 16 : i32
      %mul3A_590 = arith.muli %scan3A_62, %mul3A_589 : i32
      %add3A_591 = arith.constant 12 : i32
      %add3A_592 = arith.addi %mul3A_590, %add3A_591 : i32
      %get3A_593 = arith.index_cast %add3A_592 : i32 to index
      %get3A_594 = arith.constant 0 : index
      %get3A_595 = tpu.vector_load %arg10[%get3A_593, %get3A_594] {strides = array<i32>} : memref<256x64xf32, #tpu.memory_space<vmem>>, vector<16xf32>,
      %get3A_596 = arith.index_cast %add3A_592 : i32 to index
      %get3A_597 = arith.constant 16 : index
      %get3A_598 = tpu.vector_load %arg10[%get3A_596, %get3A_597] {strides = array<i32>} : memref<256x64xf32, #tpu.memory_space<vmem>>, vector<16xf32>,
      %get3A_599 = arith.index_cast %add3A_592 : i32 to index
      %get3A_600 = arith.constant 32 : index
      %get3A_601 = tpu.vector_load %arg10[%get3A_599, %get3A_600] {strides = array<i32>} : memref<256x64xf32, #tpu.memory_space<vmem>>, vector<16xf32>,
      %get3A_602 = arith.index_cast %add3A_592 : i32 to index
      %get3A_603 = arith.constant 48 : index
      %get3A_604 = tpu.vector_load %arg10[%get3A_602, %get3A_603] {strides = array<i32>} : memref<256x64xf32, #tpu.memory_space<vmem>>, vector<16xf32>,
      %get3A_605 = arith.index_cast %add3A_592 : i32 to index
      %get3A_606 = arith.constant 0 : index
      %get3A_607 = tpu.vector_load %arg11[%get3A_605, %get3A_606] {strides = array<i32>} : memref<256x64xf32, #tpu.memory_space<vmem>>, vector<16xf32>,
      %get3A_608 = arith.index_cast %add3A_592 : i32 to index
      %get3A_609 = arith.constant 16 : index
      %get3A_610 = tpu.vector_load %arg11[%get3A_608, %get3A_609] {strides = array<i32>} : memref<256x64xf32, #tpu.memory_space<vmem>>, vector<16xf32>,
      %get3A_611 = arith.index_cast %add3A_592 : i32 to index
      %get3A_612 = arith.constant 32 : index
      %get3A_613 = tpu.vector_load %arg11[%get3A_611, %get3A_612] {strides = array<i32>} : memref<256x64xf32, #tpu.memory_space<vmem>>, vector<16xf32>,
      %get3A_614 = arith.index_cast %add3A_592 : i32 to index
      %get3A_615 = arith.constant 48 : index
      %get3A_616 = tpu.vector_load %arg11[%get3A_614, %get3A_615] {strides = array<i32>} : memref<256x64xf32, #tpu.memory_space<vmem>>, vector<16xf32>,
      %mul3A_617 = arith.mulf %get3A_595, %get3A_607 : vector<16xf32>
      %mul3A_618 = arith.mulf %get3A_598, %get3A_610 : vector<16xf32>
      %add3A_619 = arith.addf %mul3A_617, %mul3A_618 : vector<16xf32>
      %mul3A_620 = arith.mulf %get3A_601, %get3A_613 : vector<16xf32>
      %mul3A_621 = arith.mulf %get3A_604, %get3A_616 : vector<16xf32>
      %add3A_622 = arith.addf %mul3A_620, %mul3A_621 : vector<16xf32>
      %add3A_623 = arith.addf %add3A_619, %add3A_622 : vector<16xf32>
      %reduce_sum3A_624 = arith.constant true
      %reduce_sum3A_625 = vector.broadcast %reduce_sum3A_624 : i1 to vector<16xi1>
      %reduce_sum3A_626 = tpu.scan <sum>, %add3A_623 masked %reduce_sum3A_625 : vector<16xf32>, vector<16xi1> -> vector<16xf32>
      %reduce_sum3A_627 = vector.extract %reduce_sum3A_626[15] : f32 from vector<16xf32>
      %eq3A_628 = arith.constant 12 : i32
      %eq3A_629 = vector.broadcast %eq3A_628 : i32 to vector<16xi32>
      %eq3A_630 = arith.cmpi eq, %iota3A, %eq3A_629 : vector<16xi32>
      %broadcast_in_dim3A_631 = vector.broadcast %reduce_sum3A_627 : f32 to vector<16xf32>
      %select_n3A_632 = arith.select %eq3A_630, %broadcast_in_dim3A_631, %select_n3A_588 : vector<16xi1>, vector<16xf32>
      %mul3A_633 = arith.constant 16 : i32
      %mul3A_634 = arith.muli %scan3A_62, %mul3A_633 : i32
      %add3A_635 = arith.constant 13 : i32
      %add3A_636 = arith.addi %mul3A_634, %add3A_635 : i32
      %get3A_637 = arith.index_cast %add3A_636 : i32 to index
      %get3A_638 = arith.constant 0 : index
      %get3A_639 = tpu.vector_load %arg10[%get3A_637, %get3A_638] {strides = array<i32>} : memref<256x64xf32, #tpu.memory_space<vmem>>, vector<16xf32>,
      %get3A_640 = arith.index_cast %add3A_636 : i32 to index
      %get3A_641 = arith.constant 16 : index
      %get3A_642 = tpu.vector_load %arg10[%get3A_640, %get3A_641] {strides = array<i32>} : memref<256x64xf32, #tpu.memory_space<vmem>>, vector<16xf32>,
      %get3A_643 = arith.index_cast %add3A_636 : i32 to index
      %get3A_644 = arith.constant 32 : index
      %get3A_645 = tpu.vector_load %arg10[%get3A_643, %get3A_644] {strides = array<i32>} : memref<256x64xf32, #tpu.memory_space<vmem>>, vector<16xf32>,
      %get3A_646 = arith.index_cast %add3A_636 : i32 to index
      %get3A_647 = arith.constant 48 : index
      %get3A_648 = tpu.vector_load %arg10[%get3A_646, %get3A_647] {strides = array<i32>} : memref<256x64xf32, #tpu.memory_space<vmem>>, vector<16xf32>,
      %get3A_649 = arith.index_cast %add3A_636 : i32 to index
      %get3A_650 = arith.constant 0 : index
      %get3A_651 = tpu.vector_load %arg11[%get3A_649, %get3A_650] {strides = array<i32>} : memref<256x64xf32, #tpu.memory_space<vmem>>, vector<16xf32>,
      %get3A_652 = arith.index_cast %add3A_636 : i32 to index
      %get3A_653 = arith.constant 16 : index
      %get3A_654 = tpu.vector_load %arg11[%get3A_652, %get3A_653] {strides = array<i32>} : memref<256x64xf32, #tpu.memory_space<vmem>>, vector<16xf32>,
      %get3A_655 = arith.index_cast %add3A_636 : i32 to index
      %get3A_656 = arith.constant 32 : index
      %get3A_657 = tpu.vector_load %arg11[%get3A_655, %get3A_656] {strides = array<i32>} : memref<256x64xf32, #tpu.memory_space<vmem>>, vector<16xf32>,
      %get3A_658 = arith.index_cast %add3A_636 : i32 to index
      %get3A_659 = arith.constant 48 : index
      %get3A_660 = tpu.vector_load %arg11[%get3A_658, %get3A_659] {strides = array<i32>} : memref<256x64xf32, #tpu.memory_space<vmem>>, vector<16xf32>,
      %mul3A_661 = arith.mulf %get3A_639, %get3A_651 : vector<16xf32>
      %mul3A_662 = arith.mulf %get3A_642, %get3A_654 : vector<16xf32>
      %add3A_663 = arith.addf %mul3A_661, %mul3A_662 : vector<16xf32>
      %mul3A_664 = arith.mulf %get3A_645, %get3A_657 : vector<16xf32>
      %mul3A_665 = arith.mulf %get3A_648, %get3A_660 : vector<16xf32>
      %add3A_666 = arith.addf %mul3A_664, %mul3A_665 : vector<16xf32>
      %add3A_667 = arith.addf %add3A_663, %add3A_666 : vector<16xf32>
      %reduce_sum3A_668 = arith.constant true
      %reduce_sum3A_669 = vector.broadcast %reduce_sum3A_668 : i1 to vector<16xi1>
      %reduce_sum3A_670 = tpu.scan <sum>, %add3A_667 masked %reduce_sum3A_669 : vector<16xf32>, vector<16xi1> -> vector<16xf32>
      %reduce_sum3A_671 = vector.extract %reduce_sum3A_670[15] : f32 from vector<16xf32>
      %eq3A_672 = arith.constant 13 : i32
      %eq3A_673 = vector.broadcast %eq3A_672 : i32 to vector<16xi32>
      %eq3A_674 = arith.cmpi eq, %iota3A, %eq3A_673 : vector<16xi32>
      %broadcast_in_dim3A_675 = vector.broadcast %reduce_sum3A_671 : f32 to vector<16xf32>
      %select_n3A_676 = arith.select %eq3A_674, %broadcast_in_dim3A_675, %select_n3A_632 : vector<16xi1>, vector<16xf32>
      %mul3A_677 = arith.constant 16 : i32
      %mul3A_678 = arith.muli %scan3A_62, %mul3A_677 : i32
      %add3A_679 = arith.constant 14 : i32
      %add3A_680 = arith.addi %mul3A_678, %add3A_679 : i32
      %get3A_681 = arith.index_cast %add3A_680 : i32 to index
      %get3A_682 = arith.constant 0 : index
      %get3A_683 = tpu.vector_load %arg10[%get3A_681, %get3A_682] {strides = array<i32>} : memref<256x64xf32, #tpu.memory_space<vmem>>, vector<16xf32>,
      %get3A_684 = arith.index_cast %add3A_680 : i32 to index
      %get3A_685 = arith.constant 16 : index
      %get3A_686 = tpu.vector_load %arg10[%get3A_684, %get3A_685] {strides = array<i32>} : memref<256x64xf32, #tpu.memory_space<vmem>>, vector<16xf32>,
      %get3A_687 = arith.index_cast %add3A_680 : i32 to index
      %get3A_688 = arith.constant 32 : index
      %get3A_689 = tpu.vector_load %arg10[%get3A_687, %get3A_688] {strides = array<i32>} : memref<256x64xf32, #tpu.memory_space<vmem>>, vector<16xf32>,
      %get3A_690 = arith.index_cast %add3A_680 : i32 to index
      %get3A_691 = arith.constant 48 : index
      %get3A_692 = tpu.vector_load %arg10[%get3A_690, %get3A_691] {strides = array<i32>} : memref<256x64xf32, #tpu.memory_space<vmem>>, vector<16xf32>,
      %get3A_693 = arith.index_cast %add3A_680 : i32 to index
      %get3A_694 = arith.constant 0 : index
      %get3A_695 = tpu.vector_load %arg11[%get3A_693, %get3A_694] {strides = array<i32>} : memref<256x64xf32, #tpu.memory_space<vmem>>, vector<16xf32>,
      %get3A_696 = arith.index_cast %add3A_680 : i32 to index
      %get3A_697 = arith.constant 16 : index
      %get3A_698 = tpu.vector_load %arg11[%get3A_696, %get3A_697] {strides = array<i32>} : memref<256x64xf32, #tpu.memory_space<vmem>>, vector<16xf32>,
      %get3A_699 = arith.index_cast %add3A_680 : i32 to index
      %get3A_700 = arith.constant 32 : index
      %get3A_701 = tpu.vector_load %arg11[%get3A_699, %get3A_700] {strides = array<i32>} : memref<256x64xf32, #tpu.memory_space<vmem>>, vector<16xf32>,
      %get3A_702 = arith.index_cast %add3A_680 : i32 to index
      %get3A_703 = arith.constant 48 : index
      %get3A_704 = tpu.vector_load %arg11[%get3A_702, %get3A_703] {strides = array<i32>} : memref<256x64xf32, #tpu.memory_space<vmem>>, vector<16xf32>,
      %mul3A_705 = arith.mulf %get3A_683, %get3A_695 : vector<16xf32>
      %mul3A_706 = arith.mulf %get3A_686, %get3A_698 : vector<16xf32>
      %add3A_707 = arith.addf %mul3A_705, %mul3A_706 : vector<16xf32>
      %mul3A_708 = arith.mulf %get3A_689, %get3A_701 : vector<16xf32>
      %mul3A_709 = arith.mulf %get3A_692, %get3A_704 : vector<16xf32>
      %add3A_710 = arith.addf %mul3A_708, %mul3A_709 : vector<16xf32>
      %add3A_711 = arith.addf %add3A_707, %add3A_710 : vector<16xf32>
      %reduce_sum3A_712 = arith.constant true
      %reduce_sum3A_713 = vector.broadcast %reduce_sum3A_712 : i1 to vector<16xi1>
      %reduce_sum3A_714 = tpu.scan <sum>, %add3A_711 masked %reduce_sum3A_713 : vector<16xf32>, vector<16xi1> -> vector<16xf32>
      %reduce_sum3A_715 = vector.extract %reduce_sum3A_714[15] : f32 from vector<16xf32>
      %eq3A_716 = arith.constant 14 : i32
      %eq3A_717 = vector.broadcast %eq3A_716 : i32 to vector<16xi32>
      %eq3A_718 = arith.cmpi eq, %iota3A, %eq3A_717 : vector<16xi32>
      %broadcast_in_dim3A_719 = vector.broadcast %reduce_sum3A_715 : f32 to vector<16xf32>
      %select_n3A_720 = arith.select %eq3A_718, %broadcast_in_dim3A_719, %select_n3A_676 : vector<16xi1>, vector<16xf32>
      %mul3A_721 = arith.constant 16 : i32
      %mul3A_722 = arith.muli %scan3A_62, %mul3A_721 : i32
      %add3A_723 = arith.constant 15 : i32
      %add3A_724 = arith.addi %mul3A_722, %add3A_723 : i32
      %get3A_725 = arith.index_cast %add3A_724 : i32 to index
      %get3A_726 = arith.constant 0 : index
      %get3A_727 = tpu.vector_load %arg10[%get3A_725, %get3A_726] {strides = array<i32>} : memref<256x64xf32, #tpu.memory_space<vmem>>, vector<16xf32>,
      %get3A_728 = arith.index_cast %add3A_724 : i32 to index
      %get3A_729 = arith.constant 16 : index
      %get3A_730 = tpu.vector_load %arg10[%get3A_728, %get3A_729] {strides = array<i32>} : memref<256x64xf32, #tpu.memory_space<vmem>>, vector<16xf32>,
      %get3A_731 = arith.index_cast %add3A_724 : i32 to index
      %get3A_732 = arith.constant 32 : index
      %get3A_733 = tpu.vector_load %arg10[%get3A_731, %get3A_732] {strides = array<i32>} : memref<256x64xf32, #tpu.memory_space<vmem>>, vector<16xf32>,
      %get3A_734 = arith.index_cast %add3A_724 : i32 to index
      %get3A_735 = arith.constant 48 : index
      %get3A_736 = tpu.vector_load %arg10[%get3A_734, %get3A_735] {strides = array<i32>} : memref<256x64xf32, #tpu.memory_space<vmem>>, vector<16xf32>,
      %get3A_737 = arith.index_cast %add3A_724 : i32 to index
      %get3A_738 = arith.constant 0 : index
      %get3A_739 = tpu.vector_load %arg11[%get3A_737, %get3A_738] {strides = array<i32>} : memref<256x64xf32, #tpu.memory_space<vmem>>, vector<16xf32>,
      %get3A_740 = arith.index_cast %add3A_724 : i32 to index
      %get3A_741 = arith.constant 16 : index
      %get3A_742 = tpu.vector_load %arg11[%get3A_740, %get3A_741] {strides = array<i32>} : memref<256x64xf32, #tpu.memory_space<vmem>>, vector<16xf32>,
      %get3A_743 = arith.index_cast %add3A_724 : i32 to index
      %get3A_744 = arith.constant 32 : index
      %get3A_745 = tpu.vector_load %arg11[%get3A_743, %get3A_744] {strides = array<i32>} : memref<256x64xf32, #tpu.memory_space<vmem>>, vector<16xf32>,
      %get3A_746 = arith.index_cast %add3A_724 : i32 to index
      %get3A_747 = arith.constant 48 : index
      %get3A_748 = tpu.vector_load %arg11[%get3A_746, %get3A_747] {strides = array<i32>} : memref<256x64xf32, #tpu.memory_space<vmem>>, vector<16xf32>,
      %mul3A_749 = arith.mulf %get3A_727, %get3A_739 : vector<16xf32>
      %mul3A_750 = arith.mulf %get3A_730, %get3A_742 : vector<16xf32>
      %add3A_751 = arith.addf %mul3A_749, %mul3A_750 : vector<16xf32>
      %mul3A_752 = arith.mulf %get3A_733, %get3A_745 : vector<16xf32>
      %mul3A_753 = arith.mulf %get3A_736, %get3A_748 : vector<16xf32>
      %add3A_754 = arith.addf %mul3A_752, %mul3A_753 : vector<16xf32>
      %add3A_755 = arith.addf %add3A_751, %add3A_754 : vector<16xf32>
      %reduce_sum3A_756 = arith.constant true
      %reduce_sum3A_757 = vector.broadcast %reduce_sum3A_756 : i1 to vector<16xi1>
      %reduce_sum3A_758 = tpu.scan <sum>, %add3A_755 masked %reduce_sum3A_757 : vector<16xf32>, vector<16xi1> -> vector<16xf32>
      %reduce_sum3A_759 = vector.extract %reduce_sum3A_758[15] : f32 from vector<16xf32>
      %eq3A_760 = arith.constant 15 : i32
      %eq3A_761 = vector.broadcast %eq3A_760 : i32 to vector<16xi32>
      %eq3A_762 = arith.cmpi eq, %iota3A, %eq3A_761 : vector<16xi32>
      %broadcast_in_dim3A_763 = vector.broadcast %reduce_sum3A_759 : f32 to vector<16xf32>
      %select_n3A_764 = arith.select %eq3A_762, %broadcast_in_dim3A_763, %select_n3A_720 : vector<16xi1>, vector<16xf32>
      %mul3A_765 = arith.constant 16 : i32
      %mul3A_766 = arith.muli %scan3A_62, %mul3A_765 : i32
      %add3A_767 = vector.broadcast %mul3A_766 : i32 to vector<16xi32>
      %add3A_768 = arith.addi %add3A_767, %iota3A : vector<16xi32>
      %gather3A = tpu.vector_load_idx %arg12[%add3A_768, %broadcast_in_dim3A_3] : memref<256x1xf32, #tpu.memory_space<vmem>>[vector<16xi32>, vector<16xi32>], vector<16xf32>,
      %add3A_769 = arith.addf %select_n3A_764, %gather3A : vector<16xf32>
      %mul3A_770 = arith.constant 16 : i32
      %mul3A_771 = arith.muli %scan3A_62, %mul3A_770 : i32
      %add3A_772 = arith.constant 256 : i32
      %add3A_773 = arith.addi %add3A_772, %mul3A_771 : i32
      %swap3A = arith.index_cast %add3A_773 : i32 to index
      %swap3A_774 = tpu.vector_load %arg13[%swap3A] {strides = array<i32>} : memref<512xf32, #tpu.memory_space<vmem>>, vector<16xf32>,
      tpu.vector_store %arg13[%swap3A], %add3A_769 {strides = array<i32>} : memref<512xf32, #tpu.memory_space<vmem>>, vector<16xf32>,
    }
    %scan3A_61 = arith.constant 16 : i32
    "tpu.region"() ({
      %run_scoped3A = tpu.sem_alloc : memref<!tpu.dma_semaphore, #tpu.memory_space<semaphore_mem>>
      %dma_start3A = tpu.memref_slice %arg7[%mul3A_2] : memref<16384xf32, #tpu.memory_space<hbm>> -> memref<512xf32, #tpu.memory_space<hbm>>
      %dma_start3A_62 = tpu.memref_slice %arg7[%mul3A_2] : memref<16384xf32, #tpu.memory_space<hbm>> -> memref<512xf32, #tpu.memory_space<hbm>>
      tpu.enqueue_dma source(%arg13 : memref<512xf32, #tpu.memory_space<vmem>>) target(%dma_start3A_62 : memref<512xf32, #tpu.memory_space<hbm>>) target_semaphore(%run_scoped3A : memref<!tpu.dma_semaphore, #tpu.memory_space<semaphore_mem>>)
      %dma_wait3A_63 = tpu.memref_slice %arg7[%mul3A_2] : memref<16384xf32, #tpu.memory_space<hbm>> -> memref<512xf32, #tpu.memory_space<hbm>>
      %dma_wait3A_64 = tpu.memref_slice %arg7[%mul3A_2] : memref<16384xf32, #tpu.memory_space<hbm>> -> memref<512xf32, #tpu.memory_space<hbm>>
      tpu.wait_dma2 semaphore(%run_scoped3A : memref<!tpu.dma_semaphore, #tpu.memory_space<semaphore_mem>>) src(%arg13 : memref<512xf32, #tpu.memory_space<vmem>>) dst(%dma_wait3A_64 : memref<512xf32, #tpu.memory_space<hbm>>)
      tpu.yield
    }) : () -> ()
    return
  }
}

</mosaic_0001>

<sc_bundles>
// kernel: kernel.3.cloned.1.call-start
scs
__scs_entry_jumppad:
0x0: {  	(pc) =	sbr.rel $0x88, $3  }
0x1: {  	(tag) =	ssettag $0x0;
	lr =	simm.s32 $0x1  }
0x2: {  	[smem:$0x3F9C] =	sst lr;
	_ =	strace $0xD0000000  }
0x3: {  	_ = 	snop  }
0x4: {  	_ = 	snop  }
0x5: {  	_ = 	snop  }
0x6: {  	_ = 	snop  }
0x7: {  	_ = 	snop  }
__scs_overlays_trampoline_lowered:
0x8: {  	[smem:$0x3FAB] =	sst s0  }
0x9: {  	[smem:$0x3FAC] =	sst s1  }
0xa: {  	[smem:$0x3FAD] =	sst s2  }
0xb: {  	[smem:$0x3FAE] =	sst s3  }
0xc: {  	[smem:$0x3FAF] =	sst s4  }
0xd: {  	[smem:$0x3FB0] =	sst s5  }
0xe: {  	[smem:$0x3FB1] =	sst s6  }
0xf: {  	[smem:$0x3FB2] =	sst s7  }
0x10: {  	[smem:$0x3FB3] =	sst s8  }
0x11: {  	[smem:$0x3FB4] =	sst s9;
	s0 =	simm.s32 @!p0 $0x0  }
0x12: {  	s1 =	sld [smem:$0x3F9A];
	s0 =	simm.s32 @p0 $0x1  }
0x13: {  	[smem:$0x3FB5] =	sst s0;
	s0 =	simm.s32 @!p1 $0x0  }
0x14: {  	s2 =	sld [smem:$0x3F99];
	s0 =	simm.s32 @p1 $0x1  }
0x15: {  	[smem:$0x3FB6] =	sst s0;
	s0 =	simm.s32 @!p2 $0x0  }
0x16: {  	s3 =	sld [smem:$0x3FDB];
	s0 =	simm.s32 @p2 $0x1  }
0x17: {  	s4 =	simm.s32 $0x1BF5;
	[smem:$0x3FB8] =	sst s0  }
0x18: {  	s0 =	sld [smem:$0x3F9B];
	_ =	swait.ge [sflag:s4], $0x0  }
0x19: {  	s7 =	sld [smem:$0x3F9C]  }
0x1a: {  	s8 =	sadd.s32 $0xFFFFE003, lr  }
0x1b: {  	s9 =	sadd.s32 $0xFFFFFEF7, lr;
	s5 =	simm.s32 $0xFFFFFFFF;
	p2 =	slt.u32 s8, $0xFFFFF086  }
0x1c: {  	p1 =	slt.u32 s9, $0xF7A;
	s5 =	simm.s32 @!p2 $0x0  }
0x1d: {  	s5 =	simm.s32 @p1 $0x1;
	p0 =	seq.s32 s7, s2  }
0x1e: {  	s7 =	smul.u32 @!p0 $0xF7A, s2;
	p2 =	seq.s32 @!p0 s5, $0x0  }
0x1f: {  	s9 =	smul.u32 $0xF7A, s1;
	s8 =	simm.s32 @!p0 $0x1BF5;
	p2 =	por !p2, p0  }
0x20: {  	[sflag:s8] =	ssyncset.s32 @!p0 $0xFFFFF086;
	s6 =	sadd.s32 @!p0 s3, s7;
	s7 =	simm.s32 @!p0 $0x108  }
0x21: {  	s3 =	sadd.s32 s3, s9;
	s6 =	sadd.s32 @!p0 $0x88, s6;
	s7 =	simm.s32 @p2 $0x1082  }
0x22: {  	[simem:s7], [sflag:s8] =	dma.local @!p0 [hbm:s6], $0xF7A  }
0x23: {  	s9 =	sor.u32 $0xD0000000, s2;
	s6 =	simm.s32 $0x108;
	_ =	swait.ge @!p0 [sflag:s8], $0x0  }
0x24: {  	s3 =	sadd.s32 $0x88, s3;
	s6 =	simm.s32 @!p1 $0x1082;
	[sflag:s4] =	ssyncset.s32 $0xFFFFF086  }
0x25: {  	[simem:s6], [sflag:s4] =	dma.local [hbm:s3], $0xF7A  }
0x26: {  	[smem:$0x3F9C] =	sst s1;
	(tag) =	ssettag s2;
	_ =	strace s9  }
0x27: {  	s1 =	sld [smem:$0x3FAC]  }
0x28: {  	s2 =	sld [smem:$0x3FAD]  }
0x29: {  	s4 =	sld [smem:$0x3FAF]  }
0x2a: {  	p0 =	seq.s32 s5, $0x0;
	s5 =	sld [smem:$0x3FB0]  }
0x2b: {  	s6 =	sld [smem:$0x3FB1]  }
0x2c: {  	s7 =	sld [smem:$0x3FB2]  }
0x2d: {  	s3 =	simm.s32 $0x108;
	s8 =	sld [smem:$0x3FB3]  }
0x2e: {  	s3 =	simm.s32 @!p0 $0x1082;
	s9 =	sld [smem:$0x3FB4]  }
0x2f: {  	lr =	sadd.s32 s0, s3;
	s0 =	sld [smem:$0x3FAB]  }
0x30: {  	s3 =	sld [smem:$0x3FAE]  }
0x31: {  	[smem:$0x3FB7] =	sst s10  }
0x32: {  	s10 =	sld [smem:$0x3FB5];
	_ =	sdelay $0x3  }
0x33: {  	p0 =	seq.s32 s10, $0x1;
	s10 =	sld [smem:$0x3FB7];
	_ =	sdelay $0x3  }
0x34: {  	[smem:$0x3FB7] =	sst s10  }
0x35: {  	s10 =	sld [smem:$0x3FB6];
	_ =	sdelay $0x3  }
0x36: {  	p1 =	seq.s32 s10, $0x1;
	s10 =	sld [smem:$0x3FB7];
	_ =	sdelay $0x3  }
0x37: {  	[smem:$0x3FB7] =	sst s10  }
0x38: {  	s10 =	sld [smem:$0x3FB8]  }
0x39: {  	_ = 	snop;
	(pc) =	sbr.ind lr, $3  }
0x3a: {  	_ = 	snop  }
0x3b: {  	_ = 	snop  }
0x3c: {  	p2 =	seq.s32 s10, $0x1;
	s10 =	sld [smem:$0x3FB7]  }
0x3d: {  	_ =	shalt  }
0x3e: {  	_ =	shalt  }
0x3f: {  	_ =	shalt  }
0x40: {  	_ =	shalt  }
0x41: {  	_ =	shalt  }
0x42: {  	_ =	shalt  }
0x43: {  	_ =	shalt  }
0x44: {  	_ =	shalt  }
0x45: {  	_ =	shalt  }
0x46: {  	_ =	shalt  }
0x47: {  	_ =	shalt  }
0x48: {  	_ =	shalt  }
0x49: {  	_ =	shalt  }
0x4a: {  	_ =	shalt  }
0x4b: {  	_ =	shalt  }
0x4c: {  	_ =	shalt  }
0x4d: {  	_ =	shalt  }
0x4e: {  	_ =	shalt  }
0x4f: {  	_ =	shalt  }
0x50: {  	_ =	shalt  }
0x51: {  	_ =	shalt  }
0x52: {  	_ =	shalt  }
0x53: {  	_ =	shalt  }
0x54: {  	_ =	shalt  }
0x55: {  	_ =	shalt  }
0x56: {  	_ =	shalt  }
0x57: {  	_ =	shalt  }
0x58: {  	_ =	shalt  }
0x59: {  	_ =	shalt  }
0x5a: {  	_ =	shalt  }
0x5b: {  	_ =	shalt  }
0x5c: {  	_ =	shalt  }
0x5d: {  	_ =	shalt  }
0x5e: {  	_ =	shalt  }
0x5f: {  	_ =	shalt  }
0x60: {  	_ =	shalt  }
0x61: {  	_ =	shalt  }
0x62: {  	_ =	shalt  }
0x63: {  	_ =	shalt  }
0x64: {  	_ =	shalt  }
0x65: {  	_ =	shalt  }
0x66: {  	_ =	shalt  }
0x67: {  	_ =	shalt  }
0x68: {  	_ =	shalt  }
0x69: {  	_ =	shalt  }
0x6a: {  	_ =	shalt  }
0x6b: {  	_ =	shalt  }
0x6c: {  	_ =	shalt  }
0x6d: {  	_ =	shalt  }
0x6e: {  	_ =	shalt  }
0x6f: {  	_ =	shalt  }
0x70: {  	_ =	shalt  }
0x71: {  	_ =	shalt  }
0x72: {  	_ =	shalt  }
0x73: {  	_ =	shalt  }
0x74: {  	_ =	shalt  }
0x75: {  	_ =	shalt  }
0x76: {  	_ =	shalt  }
0x77: {  	_ =	shalt  }
0x78: {  	_ =	shalt  }
0x79: {  	_ =	shalt  }
0x7a: {  	_ =	shalt  }
0x7b: {  	_ =	shalt  }
0x7c: {  	_ =	shalt  }
0x7d: {  	_ =	shalt  }
0x7e: {  	_ =	shalt  }
0x7f: {  	_ =	shalt  }
0x80: {  	_ =	shalt  }
0x81: {  	_ =	shalt  }
0x82: {  	_ =	shalt  }
0x83: {  	_ =	shalt  }
0x84: {  	_ =	shalt  }
0x85: {  	_ =	shalt  }
0x86: {  	_ =	shalt  }
0x87: {  	_ =	shalt  }
.Lfunc_end0:
.L_simem_size_0:
called_computation_lowered:
.L_overlay_start_0:
0x88: {  	s2 =	sld [smem:$0x3FD9]  }
0x89: {  	s3 =	sld [smem:$0x3FFE];
	_ =	sdelay $0x1  }
0x8a: {  	s1 =	srdreg.scid  }
0x8b: {  	s0 =	sand.u32 $0x1, s1  }
0x8c: {  	s17 =	sshll.u32 s0, $0xA;
	s2 =	sadd.s32 s3, s2  }
0x8d: {  	s2 =	sadd.s32 s2, s17  }
0x8e: {  	[smem:$0x3FC3] =	sst s2  }
0x8f: {  	_ = 	snop  }
0x90: {  	s2 =	sld [smem:$0x3FC9]  }
0x91: {  	s18 =	sld [smem:$0x3FC8]  }
0x92: {  	s4 =	sld [smem:$0x3FD0];
	(tm) =	ssettm $0x1  }
0x93: {  	s5 =	sld [smem:$0x3FFB];
	_ =	sdelay $0x3  }
0x94: {  	_ =	strace s5  }
0x95: {  	s5 =	sld [smem:$0x3FFC];
	_ =	sdelay $0x3  }
0x96: {  	_ =	strace s5  }
0x97: {  	s5 =	sld [smem:$0x3FFD];
	_ =	sdelay $0x3  }
0x98: {  	_ =	strace s5  }
0x99: {  	_ =	strace $0x8FFFFFFF  }
0x9a: {  	s19 =	sld [smem:$0x3FDB];
	_ =	sdelay $0x1  }
0x9b: {  	s6 =	simm.s32 $_scs_section_size  }
0x9c: {  	s7 =	simm.s32 $_size__tile_overlayer_lowered;
	s8 =	simm.s32 $_tile_overlayer_lowered  }
0x9d: {  	s22 =	simm.s32 $0x1BFF;
	s21 =	sshll.u32 s8, $0x1;
	s5 =	sadd.s32 s6, s19  }
0x9e: {  	s9 =	simm.s32 $0x0;
	s20 =	sshll.u32 s7, $0x1;
	s7 =	sadd.s32 s21, s5  }
0x9f: {  	[timem:s9], [sflag:s22] =	dma.local [hbm:s7], s20  }
0xa0: {  	_ =	swait.ge [sflag:s22], s20  }
0xa1: {  	s6 =	ssub.s32 $0x0, s20;
	[sflag:s22] =	ssyncset.done $0x0  }
0xa2: {  	[sflag:s22] =	ssyncadd.s32 s6;
	_ =	sdelay $0x1  }
0xa3: {  	s23 =	simm.s32 $0x1B8B  }
0xa4: {  	_ =	swait.ge [sflag:s23], $0x1  }
0xa5: {  	[sflag:s23] =	ssyncset.done $0x0  }
0xa6: {  	s25 =	simm.s32 $0x1B8E;
	s24 =	sld [smem:$0x3FFE];
	[sflag:s23] =	ssyncadd.s32 $0xFFFFFFFF  }
0xa7: {  	s26 =	simm.s32 $execute0_lowered;
	[smem:$0x3FD2] =	sst s25  }
0xa8: {  	s7 =	sshll.u32 s26, $0x1;
	_ =	strace $0x80000046;
	[dreg:$0x1] =	wrdreg $0xFFFFFFFF  }
0xa9: {  	s28 =	simm.s32 $_size_execute0_lowered;
	s5 =	sadd.s32 s5, s7;
	[dreg:$0x0] =	wrdreg $0x0  }
0xaa: {  	s7 =	sshll.u32 s28, $0x1;
	[dreg:$0x2] =	wrdreg s5  }
0xab: {  	[dreg:$0x3] =	wrdreg s7  }
0xac: {  	[dreg:$0x4] =	wrdreg $0xC0  }
0xad: {  	_ =	task [dreg:s9], $0x5FFFF  }
0xae: {  	[dreg:$0x1] =	wrdreg $0xFFFFFFFF  }
0xaf: {  	[dreg:$0x0] =	wrdreg $0x60  }
0xb0: {  	[dreg:$0x2] =	wrdreg s2  }
0xb1: {  	[dreg:$0x3] =	wrdreg s18  }
0xb2: {  	[dreg:$0x4] =	wrdreg s24  }
0xb3: {  	[dreg:$0x5] =	wrdreg s4  }
0xb4: {  	[dreg:$0x6] =	wrdreg $0x9  }
0xb5: {  	_ =	task.clear_ibuf [dreg:s9], $0x7FFFF;
	_ =	strace $0x90000046  }
0xb6: {  	s29 =	simm.s32 $0x9;
	_ =	strace $0x80000048  }
0xb7: {  	_ =	swait.ge [sflag:s29], $0x1  }
0xb8: {  	[sflag:s29] =	ssyncadd.s32 $0xFFFFFFFF  }
0xb9: {  	_ =	strace $0x90000048  }
0xba: {  	_ =	sfence  }
0xbb: {  	s30 =	sld [smem:$0x0];
	_ =	sdelay $0x2  }
0xbc: {  	s31 =	sshll.u32 s1, $0xD;
	s1 =	sshrl.u32 s1, $0x2  }
0xbd: {  	s3 =	sand.u32 $0x4000, s31;
	s1 =	sadd.s32 s1, s30  }
0xbe: {  	s0 =	sor.u32 s3, s0;
	s1 =	sshll.u32 s1, $0x11  }
0xbf: {  	s0 =	sor.u32 s1, s0  }
0xc0: {  	s0 =	sadd.s32 $0x8F2B, s0  }
0xc1: {  	[sflag:s0] =	ssyncadd.remote.s32 $0x1  }
0xc2: {  	_ =	sfence.sel $0xFFFF  }
0xc3: {  	[dreg:$0x0] =	wrdreg $0xFFFFFFFF;
	(pc) =	sbr.abs _section_cstart, $3  }
0xc4: {  	[dreg:$0x1] =	wrdreg $0xFFFFFFFF  }
0xc5: {  	_ =	task.clear_ibuf [dreg:s9], $0x2FFFF;
	_ =	strace $0x9FFFFFFF  }
0xc6: {  	(tm) =	ssettm $0x7FFFFFFF  }
0xc7: {  	_ =	shalt  }
tec
execute0_lowered:
.L_overlay_start_1:
0x0: {  	(tag) =	ssettag $0x1  }
0x1: {  	s0 =	rddreg [dreg:$0x0]  }
0x2: {  	s2 =	rddreg [dreg:$0x1]  }
0x3: {  	s5 =	rddreg [dreg:$0x2]  }
0x4: {  	s8 =	rddreg [dreg:$0x3];
	s1 =	simm.s32 $0x0;
	s4 =	srdreg.scid  }
0x5: {  	s7 =	stileid.u32;
	s13 =	simm.s32 $0x10400;
	s4 =	sand.u32 $0x1, s4  }
0x6: {  	s15 =	simm.s32 $0x0;
	s7 =	sshll.u32 s7, $0x7;
	s9 =	sshll.u32 s4, $0x6  }
0x7: {  	vm0 =	vmmov $0x1;
	vm1 =	vmmov $0x3;
	[smem:$0x7FF] =	sst s1;
	s3 =	sadd.s32 $0x2200, s5;
	s9 =	sor.u32 s9, s7  }
0x8: {  	vm2 =	vmmov $0x7;
	vm3 =	vmmov $0xf;
	vm4 =	vmmov $0x1f;
	_ =	strace $0x80000047;
	s6 =	ssub.s32 $0x2, s4;
	s0 =	sadd.s32 s0, s9  }
0x9: {  	vm5 =	vmmov $0x3f;
	vm6 =	vmmov $0x7f;
	v0 =	vlaneseq.u32;
	s10 =	sshrl.u32 s6, $0x1;
	s29 =	sadd.s32 s2, s9;
	[dreg:$0x5] =	wrdreg s0  }
0xa: {  	vm7 =	vmmov $0xff;
	vm8 =	vmmov $0x1ff;
	v20 =	vmul.u32 $0x80, v0;
	s10 =	ssub.s32 s6, s10;
	s30 =	sadd.s32 s8, s9;
	[dreg:$0x6] =	wrdreg s29  }
0xb: {  	vm9 =	vmmov $0x3ff;
	vm10 =	vmmov $0x7ff;
	vm11 =	vmmov $0xfff;
	s4 =	sadd.s32 $0x188C00, s5;
	[dreg:$0x7] =	wrdreg s30;
	s31 =	smax.u32 s10, $0x1  }
0xc: {  	vm12 =	vmmov $0x1fff;
	vm13 =	vmmov $0x3fff;
	vm14 =	vmmov $0x7fff;
	s5 =	sadd.s32 $0x30F600, s5;
	[tilespmem:$0x1FFF0] =	vst v20;
	s6 =	simm.s32 $0x3;
	[dreg:$0x8] =	wrdreg s31  }
.LBB2_1:
0xd: {  	s0 =	rddreg [dreg:$0x5]  }
0xe: {  	[tilespmem:s1], [sflag:$0x3] =	stream.linear.gather [hbm4b:s0+s1], $0x200, $0x38;
	[tilespmem:$0x18600] =	vst v63  }
0xf: {  	_ =	swait.ge [sflag:s6], $0x200  }
0x10: {  	[sflag:s6] =	ssyncset.done $0x0  }
0x11: {  	s7 =	simm.s32 $0x200;
	s2 =	rddreg [dreg:$0x6];
	[sflag:s6] =	ssyncadd.s32 $0xFFFFFE00  }
0x12: {  	[tilespmem:s7], [sflag:$0x3] =	stream.linear.gather [hbm4b:s2+s1], $0x200, $0x38;
	[tilespmem:$0x18600] =	vst v63  }
0x13: {  	_ =	swait.ge [sflag:s6], $0x200  }
0x14: {  	[sflag:s6] =	ssyncset.done $0x0  }
0x15: {  	[sflag:s6] =	ssyncadd.s32 $0xFFFFFE00  }
0x16: {  	v1 =	vld [tilespmem:s1+$0x0]  }
0x17: {  	v3 =	vld [tilespmem:s7+$0x0];
	_ =	sdelay $0x3  }
0x18: {  	v2 =	vshll.u32 v1, $0x4  }
0x19: {  	v63 =	vshll.u32 v3, $0x4;
	(v2sf) =	vpush v2, $0x0  }
0x1a: {  	(v2sf) =	vpush v63, $0x0;
	_ =	sdelay $0x2  }
0x1b: {  	(v2sf) =	vpush v2, $0x1  }
0x1c: {  	(v2sf) =	vpush v63, $0x1  }
0x1d: {  	(v2sf) =	vpush v2, $0x2;
	_ =	sdelay $0x1  }
0x1e: {  	(v2sf) =	vpush v63, $0x2;
	_ =	sdelay $0x1  }
0x1f: {  	(v2sf) =	vpush v2, $0x3;
	_ =	sdelay $0x1  }
0x20: {  	s16 =	simm.s32 $0x2000  }
0x21: {  	s17 =	simm.s32 $0x0;
	s18 =	simm.s32 $0x400;
	s20 =	simm.s32 $0x8400  }
0x22: {  	s10 =	simm.s32 $0x10400;
	s23 =	simm.s32 $0x8480;
	s25 =	simm.s32 $0x10480  }
0x23: {  	s26 =	simm.s32 $0x500;
	s31 =	simm.s32 $0x8500;
	s8 =	spop (v2sf)  }
0x24: {  	s0 =	simm.s32 $0x580;
	s2 =	sand.u32 $0x1FFFFFF0, s8;
	s19 =	spop (v2sf)  }
0x25: {  	s8 =	simm.s32 $0x10500;
	s2 =	sadd.s32 s3, s2;
	s19 =	sand.u32 $0x1FFFFFF0, s19  }
0x26: {  	(v2sf) =	vpush v63, $0x3;
	[tilespmem:s18], [sflag:$0x1] =	stream.linear.gather [hbm4b:s2+s1], $0x80, $0x38;
	[tilespmem:$0x18600] =	vst v63  }
0x27: {  	s21 =	spop (v2sf);
	s9 =	sadd.s32 s4, s19;
	s11 =	sadd.s32 s5, s19  }
0x28: {  	(v2sf) =	vpush v2, $0x4;
	s12 =	sand.u32 $0x1FFFFFF0, s21;
	s14 =	spop (v2sf);
	s21 =	simm.s32 $0x480  }
0x29: {  	s2 =	simm.s32 $0x600;
	(v2sf) =	vpush v63, $0x4;
	s22 =	sand.u32 $0x1FFFFFF0, s14;
	s24 =	spop (v2sf)  }
0x2a: {  	[tilespmem:s20], [sflag:$0x1] =	stream.linear.gather [hbm4b:s9+s1], $0x80, $0x38;
	[tilespmem:$0x18600] =	vst v63  }
0x2b: {  	s19 =	sadd.s32 s3, s12;
	(v2sf) =	vpush v2, $0x5;
	s20 =	sadd.s32 s4, s22;
	s28 =	spop (v2sf)  }
0x2c: {  	[tilespmem:s10], [sflag:$0x2] =	stream.linear.gather [hbm4b:s11+s1], $0x80, $0x38;
	[tilespmem:$0x18600] =	vst v63  }
0x2d: {  	s18 =	sadd.s32 s5, s22;
	(v2sf) =	vpush v63, $0x5;
	s22 =	simm.s32 $0x10600;
	s29 =	spop (v2sf)  }
0x2e: {  	[tilespmem:s21], [sflag:$0x1] =	stream.linear.gather [hbm4b:s19+s1], $0x80, $0x38;
	[tilespmem:$0x18600] =	vst v63  }
0x2f: {  	(v2sf) =	vpush v2, $0x6;
	s30 =	sand.u32 $0x1FFFFFF0, s29;
	s11 =	simm.s32 $0x8580;
	s29 =	simm.s32 $0x10700  }
0x30: {  	[tilespmem:s23], [sflag:$0x1] =	stream.linear.gather [hbm4b:s20+s1], $0x80, $0x38;
	[tilespmem:$0x18600] =	vst v63  }
0x31: {  	s19 =	sand.u32 $0x1FFFFFF0, s24;
	s21 =	simm.s32 $0x10580;
	s24 =	simm.s32 $0x8600  }
0x32: {  	[tilespmem:s25], [sflag:$0x2] =	stream.linear.gather [hbm4b:s18+s1], $0x80, $0x38;
	[tilespmem:$0x18600] =	vst v63  }
0x33: {  	s19 =	sadd.s32 s3, s19;
	s20 =	sand.u32 $0x1FFFFFF0, s28;
	s28 =	simm.s32 $0x680  }
0x34: {  	[tilespmem:s26], [sflag:$0x1] =	stream.linear.gather [hbm4b:s19+s1], $0x80, $0x38;
	[tilespmem:$0x18600] =	vst v63  }
0x35: {  	s6 =	sadd.s32 s4, s20;
	s20 =	sadd.s32 s5, s20;
	s7 =	spop (v2sf)  }
0x36: {  	[tilespmem:s31], [sflag:$0x1] =	stream.linear.gather [hbm4b:s6+s1], $0x80, $0x38;
	[tilespmem:$0x18600] =	vst v63  }
0x37: {  	s18 =	sadd.s32 s3, s30;
	s30 =	simm.s32 $0x8680;
	(v2sf) =	vpush v63, $0x6;
	s9 =	spop (v2sf)  }
0x38: {  	s19 =	sand.u32 $0x1FFFFFF0, s7;
	s6 =	simm.s32 $0x10780;
	s14 =	spop (v2sf)  }
0x39: {  	(v2sf) =	vpush v2, $0x7;
	[tilespmem:s8], [sflag:$0x2] =	stream.linear.gather [hbm4b:s20+s1], $0x80, $0x38;
	[tilespmem:$0x18600] =	vst v63  }
0x3a: {  	s7 =	simm.s32 $0x10680;
	s10 =	sand.u32 $0x1FFFFFF0, s9;
	s23 =	spop (v2sf)  }
0x3b: {  	(v2sf) =	vpush v63, $0x7;
	[tilespmem:s0], [sflag:$0x1] =	stream.linear.gather [hbm4b:s18+s1], $0x80, $0x38;
	[tilespmem:$0x18600] =	vst v63  }
0x3c: {  	s12 =	sadd.s32 s4, s19;
	s19 =	sadd.s32 s5, s19;
	s26 =	spop (v2sf)  }
0x3d: {  	(v2sf) =	vpush v2, $0x8;
	[tilespmem:s11], [sflag:$0x1] =	stream.linear.gather [hbm4b:s12+s1], $0x80, $0x38;
	[tilespmem:$0x18600] =	vst v63  }
0x3e: {  	s18 =	sand.u32 $0x1FFFFFF0, s14;
	s0 =	sadd.s32 s3, s10;
	s8 =	spop (v2sf)  }
0x3f: {  	(v2sf) =	vpush v63, $0x8;
	[tilespmem:s21], [sflag:$0x2] =	stream.linear.gather [hbm4b:s19+s1], $0x80, $0x38;
	[tilespmem:$0x18600] =	vst v63  }
0x40: {  	s14 =	simm.s32 $0x8700;
	s25 =	sadd.s32 s4, s18;
	s20 =	sand.u32 $0x1FFFFFF0, s8  }
0x41: {  	[tilespmem:s2], [sflag:$0x1] =	stream.linear.gather [hbm4b:s0+s1], $0x80, $0x38;
	[tilespmem:$0x18600] =	vst v63  }
0x42: {  	s18 =	sadd.s32 s5, s18;
	s11 =	simm.s32 $0x700;
	s20 =	sadd.s32 s3, s20  }
0x43: {  	(v2sf) =	vpush v2, $0x9;
	[tilespmem:s24], [sflag:$0x1] =	stream.linear.gather [hbm4b:s25+s1], $0x80, $0x38;
	[tilespmem:$0x18600] =	vst v63  }
0x44: {  	s0 =	sand.u32 $0x1FFFFFF0, s23;
	s2 =	sand.u32 $0x1FFFFFF0, s26;
	s26 =	simm.s32 $0x8780  }
0x45: {  	[tilespmem:s22], [sflag:$0x2] =	stream.linear.gather [hbm4b:s18+s1], $0x80, $0x38;
	[tilespmem:$0x18600] =	vst v63  }
0x46: {  	s0 =	sadd.s32 s3, s0;
	s31 =	sadd.s32 s4, s2;
	s9 =	spop (v2sf)  }
0x47: {  	[tilespmem:s28], [sflag:$0x1] =	stream.linear.gather [hbm4b:s0+s1], $0x80, $0x38;
	[tilespmem:$0x18600] =	vst v63  }
0x48: {  	s2 =	sadd.s32 s5, s2;
	s10 =	sand.u32 $0x1FFFFFF0, s9;
	s12 =	spop (v2sf)  }
0x49: {  	[tilespmem:s30], [sflag:$0x1] =	stream.linear.gather [hbm4b:s31+s1], $0x80, $0x38;
	[tilespmem:$0x18600] =	vst v63  }
0x4a: {  	s24 =	simm.s32 $0x780;
	s21 =	sadd.s32 s4, s10;
	s22 =	spop (v2sf)  }
0x4b: {  	(v2sf) =	vpush v63, $0x9;
	[tilespmem:s7], [sflag:$0x2] =	stream.linear.gather [hbm4b:s2+s1], $0x80, $0x38;
	[tilespmem:$0x18600] =	vst v63  }
0x4c: {  	s19 =	sand.u32 $0x1FFFFFF0, s12;
	s23 =	sand.u32 $0x1FFFFFF0, s22;
	s25 =	spop (v2sf)  }
0x4d: {  	(v2sf) =	vpush v2, $0xA;
	[tilespmem:s11], [sflag:$0x1] =	stream.linear.gather [hbm4b:s20+s1], $0x80, $0x38;
	[tilespmem:$0x18600] =	vst v63  }
0x4e: {  	s19 =	sadd.s32 s3, s19;
	s28 =	spop (v2sf);
	s0 =	sadd.s32 s5, s23  }
0x4f: {  	[tilespmem:s14], [sflag:$0x1] =	stream.linear.gather [hbm4b:s21+s1], $0x80, $0x38;
	[tilespmem:$0x18600] =	vst v63  }
0x50: {  	s30 =	simm.s32 $0x800;
	s31 =	simm.s32 $0x10800;
	s2 =	sadd.s32 s5, s10  }
0x51: {  	[tilespmem:s29], [sflag:$0x2] =	stream.linear.gather [hbm4b:s2+s1], $0x80, $0x38;
	[tilespmem:$0x18600] =	vst v63  }
0x52: {  	s8 =	spop (v2sf);
	s7 =	simm.s32 $0x10880;
	s20 =	sadd.s32 s4, s23  }
0x53: {  	(v2sf) =	vpush v63, $0xA;
	[tilespmem:s24], [sflag:$0x1] =	stream.linear.gather [hbm4b:s19+s1], $0x80, $0x38;
	[tilespmem:$0x18600] =	vst v63  }
0x54: {  	s11 =	simm.s32 $0x880;
	s23 =	simm.s32 $0x900;
	s14 =	simm.s32 $0x8880  }
0x55: {  	[tilespmem:s26], [sflag:$0x1] =	stream.linear.gather [hbm4b:s20+s1], $0x80, $0x38;
	[tilespmem:$0x18600] =	vst v63  }
0x56: {  	s2 =	sand.u32 $0x1FFFFFF0, s25;
	s29 =	sand.u32 $0x1FFFFFF0, s28;
	s25 =	simm.s32 $0x8900  }
0x57: {  	(v2sf) =	vpush v2, $0xB;
	[tilespmem:s6], [sflag:$0x2] =	stream.linear.gather [hbm4b:s0+s1], $0x80, $0x38;
	[tilespmem:$0x18600] =	vst v63  }
0x58: {  	s2 =	sadd.s32 s3, s2;
	s18 =	sadd.s32 s5, s29;
	s19 =	sadd.s32 s4, s29  }
0x59: {  	(v2sf) =	vpush v63, $0xB;
	[tilespmem:s30], [sflag:$0x1] =	stream.linear.gather [hbm4b:s2+s1], $0x80, $0x38;
	[tilespmem:$0x18600] =	vst v63  }
0x5a: {  	s9 =	spop (v2sf);
	s20 =	sand.u32 $0x1FFFFFF0, s8;
	s6 =	simm.s32 $0x8800  }
0x5b: {  	(v2sf) =	vpush v2, $0xC;
	[tilespmem:s6], [sflag:$0x1] =	stream.linear.gather [hbm4b:s19+s1], $0x80, $0x38;
	[tilespmem:$0x18600] =	vst v63  }
0x5c: {  	s10 =	sand.u32 $0x1FFFFFF0, s9;
	s12 =	spop (v2sf);
	s26 =	simm.s32 $0x10900  }
0x5d: {  	(v2sf) =	vpush v63, $0xC;
	[tilespmem:s31], [sflag:$0x2] =	stream.linear.gather [hbm4b:s18+s1], $0x80, $0x38;
	[tilespmem:$0x18600] =	vst v63  }
0x5e: {  	s8 =	simm.s32 $0x10980;
	s9 =	simm.s32 $0xA00;
	s20 =	sadd.s32 s3, s20  }
0x5f: {  	[tilespmem:s11], [sflag:$0x1] =	stream.linear.gather [hbm4b:s20+s1], $0x80, $0x38;
	[tilespmem:$0x18600] =	vst v63  }
0x60: {  	s21 =	sadd.s32 s4, s10;
	s0 =	simm.s32 $0x10A00;
	s2 =	sadd.s32 s5, s10  }
0x61: {  	[tilespmem:s14], [sflag:$0x1] =	stream.linear.gather [hbm4b:s21+s1], $0x80, $0x38;
	[tilespmem:$0x18600] =	vst v63  }
0x62: {  	s30 =	simm.s32 $0x980;
	s18 =	sand.u32 $0x1FFFFFF0, s12;
	s21 =	spop (v2sf)  }
0x63: {  	(v2sf) =	vpush v2, $0xD;
	[tilespmem:s7], [sflag:$0x2] =	stream.linear.gather [hbm4b:s2+s1], $0x80, $0x38;
	[tilespmem:$0x18600] =	vst v63  }
0x64: {  	s10 =	simm.s32 $0x8A00;
	s18 =	sadd.s32 s3, s18;
	s22 =	sand.u32 $0x1FFFFFF0, s21  }
0x65: {  	(v2sf) =	vpush v63, $0xD;
	[tilespmem:s23], [sflag:$0x1] =	stream.linear.gather [hbm4b:s18+s1], $0x80, $0x38;
	[tilespmem:$0x18600] =	vst v63  }
0x66: {  	s19 =	simm.s32 $0x8A80;
	s24 =	spop (v2sf);
	s20 =	sadd.s32 s4, s22  }
0x67: {  	[tilespmem:s25], [sflag:$0x1] =	stream.linear.gather [hbm4b:s20+s1], $0x80, $0x38;
	[tilespmem:$0x18600] =	vst v63  }
0x68: {  	s28 =	spop (v2sf);
	s2 =	sadd.s32 s5, s22;
	s18 =	sand.u32 $0x1FFFFFF0, s24  }
0x69: {  	(v2sf) =	vpush v2, $0xE;
	[tilespmem:s26], [sflag:$0x2] =	stream.linear.gather [hbm4b:s2+s1], $0x80, $0x38;
	[tilespmem:$0x18600] =	vst v63  }
0x6a: {  	s21 =	sand.u32 $0x1FFFFFF0, s28;
	s29 =	spop (v2sf);
	s18 =	sadd.s32 s3, s18  }
0x6b: {  	(v2sf) =	vpush v63, $0xE;
	[tilespmem:s30], [sflag:$0x1] =	stream.linear.gather [hbm4b:s18+s1], $0x80, $0x38;
	[tilespmem:$0x18600] =	vst v63  }
0x6c: {  	s31 =	simm.s32 $0x8980;
	s6 =	sadd.s32 s4, s21;
	s7 =	spop (v2sf)  }
0x6d: {  	(v2sf) =	vpush v2, $0xF;
	[tilespmem:s31], [sflag:$0x1] =	stream.linear.gather [hbm4b:s6+s1], $0x80, $0x38;
	[tilespmem:$0x18600] =	vst v63  }
0x6e: {  	s28 =	simm.s32 $0xB00;
	s21 =	sadd.s32 s5, s21;
	s2 =	sand.u32 $0x1FFFFFF0, s29  }
0x6f: {  	(v2sf) =	vpush v63, $0xF;
	[tilespmem:s8], [sflag:$0x2] =	stream.linear.gather [hbm4b:s21+s1], $0x80, $0x38;
	[tilespmem:$0x18600] =	vst v63  }
0x70: {  	s23 =	simm.s32 $0xA80;
	s2 =	sadd.s32 s3, s2;
	s18 =	sand.u32 $0x1FFFFFF0, s7  }
0x71: {  	[tilespmem:s9], [sflag:$0x1] =	stream.linear.gather [hbm4b:s2+s1], $0x80, $0x38;
	[tilespmem:$0x18600] =	vst v63  }
0x72: {  	s24 =	simm.s32 $0x10A80;
	s11 =	spop (v2sf);
	s12 =	sadd.s32 s4, s18  }
0x73: {  	[tilespmem:s10], [sflag:$0x1] =	stream.linear.gather [hbm4b:s12+s1], $0x80, $0x38;
	[tilespmem:$0x18600] =	vst v63  }
0x74: {  	s14 =	sand.u32 $0x1FFFFFF0, s11;
	s18 =	sadd.s32 s5, s18;
	s21 =	spop (v2sf)  }
0x75: {  	[tilespmem:s0], [sflag:$0x2] =	stream.linear.gather [hbm4b:s18+s1], $0x80, $0x38;
	[tilespmem:$0x18600] =	vst v63  }
0x76: {  	s30 =	simm.s32 $0x8B00;
	s22 =	sand.u32 $0x1FFFFFF0, s21;
	s2 =	sadd.s32 s3, s14  }
0x77: {  	[tilespmem:s23], [sflag:$0x1] =	stream.linear.gather [hbm4b:s2+s1], $0x80, $0x38;
	[tilespmem:$0x18600] =	vst v63  }
0x78: {  	s25 =	spop (v2sf);
	s21 =	simm.s32 $0x10B00;
	s20 =	sadd.s32 s4, s22  }
0x79: {  	[tilespmem:s19], [sflag:$0x1] =	stream.linear.gather [hbm4b:s20+s1], $0x80, $0x38;
	[tilespmem:$0x18600] =	vst v63  }
0x7a: {  	s26 =	spop (v2sf);
	s18 =	sand.u32 $0x1FFFFFF0, s25;
	s0 =	sadd.s32 s5, s22  }
0x7b: {  	[tilespmem:s24], [sflag:$0x2] =	stream.linear.gather [hbm4b:s0+s1], $0x80, $0x38;
	[tilespmem:$0x18600] =	vst v63  }
0x7c: {  	s29 =	sand.u32 $0x1FFFFFF0, s26;
	s31 =	spop (v2sf);
	s18 =	sadd.s32 s3, s18  }
0x7d: {  	[tilespmem:s28], [sflag:$0x1] =	stream.linear.gather [hbm4b:s18+s1], $0x80, $0x38;
	[tilespmem:$0x18600] =	vst v63  }
0x7e: {  	s22 =	spop (v2sf);
	s2 =	sand.u32 $0x1FFFFFF0, s31;
	s19 =	sadd.s32 s4, s29  }
0x7f: {  	[tilespmem:s30], [sflag:$0x1] =	stream.linear.gather [hbm4b:s19+s1], $0x80, $0x38;
	[tilespmem:$0x18600] =	vst v63  }
0x80: {  	s0 =	sadd.s32 s5, s29;
	s18 =	simm.s32 $0x10;
	s19 =	simm.s32 $0x210  }
.LBB2_2:
0x81: {  	s20 =	sadd.s32 $0xB80, s17  }
0x82: {  	s2 =	sadd.s32 s3, s2;
	s22 =	sand.u32 $0x1FFFFFF0, s22;
	s23 =	smov.u32 s16  }
0x83: {  	[tilespmem:s21], [sflag:$0x2] =	stream.linear.gather [hbm4b:s0+s1], $0x80, $0x38;
	[tilespmem:$0x18600] =	vst v63  }
0x84: {  	p0 =	sne.s32 s16, $0x1E000;
	s0 =	sadd.s32 $0x8B80, s17;
	s21 =	sadd.s32 s4, s22  }
0x85: {  	[tilespmem:s20], [sflag:$0x1] =	stream.linear.gather [hbm4b:s2+s1], $0x80, $0x38;
	[tilespmem:$0x18600] =	vst v63  }
0x86: {  	s16 =	sadd.s32 $0x2000, s16;
	s2 =	sadd.s32 $0x10B80, s17;
	s17 =	sadd.s32 s5, s22  }
0x87: {  	[tilespmem:s0], [sflag:$0x1] =	stream.linear.gather [hbm4b:s21+s1], $0x80, $0x38;
	[tilespmem:$0x18600] =	vst v63  }
0x88: {  	_ = 	snop  }
0x89: {  	[tilespmem:s2], [sflag:$0x2] =	stream.linear.gather [hbm4b:s17+s1], $0x80, $0x38;
	[tilespmem:$0x18600] =	vst v63  }
0x8a: {  	v1 =	vld [tilespmem:s18+$0x0]  }
0x8b: {  	v3 =	vld [tilespmem:s19+$0x0];
	_ =	sdelay $0x3  }
0x8c: {  	v2 =	vshll.u32 v1, $0x4  }
0x8d: {  	v1 =	vshll.u32 v3, $0x4;
	(v2sf) =	vpush v2, $0x0  }
0x8e: {  	(v2sf) =	vpush v1, $0x0;
	_ =	sdelay $0x1  }
0x8f: {  	(v2sf) =	vpush v2, $0x1;
	_ =	sdelay $0x1  }
0x90: {  	(v2sf) =	vpush v1, $0x1;
	_ =	sdelay $0x1  }
0x91: {  	(v2sf) =	vpush v2, $0x2;
	_ =	sdelay $0x1  }
0x92: {  	(v2sf) =	vpush v1, $0x2  }
0x93: {  	s17 =	sshra.s32 s23, $0x2;
	s18 =	sadd.s32 $0x10, s18;
	s19 =	sadd.s32 $0x10, s19  }
0x94: {  	s2 =	sadd.s32 $0x580, s17;
	s29 =	sadd.s32 $0x10700, s17;
	s28 =	sadd.s32 $0x10780, s17  }
0x95: {  	s14 =	sadd.s32 $0x400, s17;
	s30 =	sadd.s32 $0x600, s17;
	s31 =	sadd.s32 $0x10680, s17  }
0x96: {  	s25 =	sadd.s32 $0x10800, s17;
	s23 =	sadd.s32 $0x10A00, s17;
	s22 =	sadd.s32 $0x8A80, s17;
	(v2sf) =	vpush v2, $0x3  }
0x97: {  	s6 =	sadd.s32 $0x8400, s17;
	s21 =	sadd.s32 $0x10A80, s17;
	s20 =	sadd.s32 $0x8B00, s17  }
0x98: {  	s7 =	sadd.s32 $0x500, s17;
	s24 =	sadd.s32 $0x10900, s17;
	s0 =	spop (v2sf);
	(v2sf) =	vpush v1, $0x3  }
0x99: {  	s26 =	sand.u32 $0x1FFFFFF0, s0;
	s0 =	sadd.s32 $0x10600, s17;
	s8 =	spop (v2sf)  }
0x9a: {  	s9 =	sadd.s32 s3, s26;
	s8 =	sand.u32 $0x1FFFFFF0, s8;
	s26 =	sadd.s32 $0x10880, s17  }
0x9b: {  	s10 =	sadd.s32 $0x10400, s17;
	s12 =	sadd.s32 s4, s8;
	s11 =	spop (v2sf)  }
0x9c: {  	[tilespmem:s14], [sflag:$0x1] =	stream.linear.gather [hbm4b:s9+s1], $0x80, $0x38;
	(v2sf) =	vpush v2, $0x4;
	[tilespmem:$0x18600] =	vst v63  }
0x9d: {  	s8 =	sadd.s32 s5, s8;
	s9 =	sand.u32 $0x1FFFFFF0, s11;
	s11 =	spop (v2sf)  }
0x9e: {  	[tilespmem:s6], [sflag:$0x1] =	stream.linear.gather [hbm4b:s12+s1], $0x80, $0x38;
	(v2sf) =	vpush v1, $0x4;
	[tilespmem:$0x18600] =	vst v63  }
0x9f: {  	s6 =	sadd.s32 $0x480, s17;
	s11 =	sand.u32 $0x1FFFFFF0, s11;
	s12 =	spop (v2sf)  }
0xa0: {  	[tilespmem:s10], [sflag:$0x2] =	stream.linear.gather [hbm4b:s8+s1], $0x80, $0x38;
	[tilespmem:$0x18600] =	vst v63  }
0xa1: {  	s8 =	sadd.s32 s3, s9;
	s9 =	sand.u32 $0x1FFFFFF0, s12;
	s10 =	spop (v2sf)  }
0xa2: {  	[tilespmem:s6], [sflag:$0x1] =	stream.linear.gather [hbm4b:s8+s1], $0x80, $0x38;
	(v2sf) =	vpush v2, $0x5;
	[tilespmem:$0x18600] =	vst v63  }
0xa3: {  	s6 =	sadd.s32 $0x8480, s17;
	s8 =	sadd.s32 s4, s11;
	s10 =	sand.u32 $0x1FFFFFF0, s10  }
0xa4: {  	[tilespmem:s6], [sflag:$0x1] =	stream.linear.gather [hbm4b:s8+s1], $0x80, $0x38;
	(v2sf) =	vpush v1, $0x5;
	[tilespmem:$0x18600] =	vst v63  }
0xa5: {  	s6 =	sadd.s32 $0x10480, s17;
	s8 =	sadd.s32 s5, s11;
	s11 =	spop (v2sf)  }
0xa6: {  	[tilespmem:s6], [sflag:$0x2] =	stream.linear.gather [hbm4b:s8+s1], $0x80, $0x38;
	[tilespmem:$0x18600] =	vst v63  }
0xa7: {  	s6 =	sadd.s32 s3, s9;
	s8 =	sand.u32 $0x1FFFFFF0, s11;
	s9 =	spop (v2sf)  }
0xa8: {  	[tilespmem:s7], [sflag:$0x1] =	stream.linear.gather [hbm4b:s6+s1], $0x80, $0x38;
	(v2sf) =	vpush v2, $0x6;
	[tilespmem:$0x18600] =	vst v63  }
0xa9: {  	s6 =	sadd.s32 $0x8500, s17;
	s7 =	sadd.s32 s4, s10;
	s9 =	sand.u32 $0x1FFFFFF0, s9  }
0xaa: {  	[tilespmem:s6], [sflag:$0x1] =	stream.linear.gather [hbm4b:s7+s1], $0x80, $0x38;
	[tilespmem:$0x18600] =	vst v63  }
0xab: {  	s6 =	sadd.s32 $0x10500, s17;
	s7 =	sadd.s32 s5, s10;
	s10 =	spop (v2sf)  }
0xac: {  	[tilespmem:s6], [sflag:$0x2] =	stream.linear.gather [hbm4b:s7+s1], $0x80, $0x38;
	(v2sf) =	vpush v1, $0x6;
	[tilespmem:$0x18600] =	vst v63  }
0xad: {  	s6 =	sadd.s32 s3, s8;
	s7 =	sand.u32 $0x1FFFFFF0, s10;
	s8 =	spop (v2sf)  }
0xae: {  	[tilespmem:s2], [sflag:$0x1] =	stream.linear.gather [hbm4b:s6+s1], $0x80, $0x38;
	(v2sf) =	vpush v2, $0x7;
	[tilespmem:$0x18600] =	vst v63  }
0xaf: {  	s2 =	sadd.s32 $0x8580, s17;
	s6 =	sadd.s32 s4, s9;
	s8 =	sand.u32 $0x1FFFFFF0, s8  }
0xb0: {  	[tilespmem:s2], [sflag:$0x1] =	stream.linear.gather [hbm4b:s6+s1], $0x80, $0x38;
	[tilespmem:$0x18600] =	vst v63  }
0xb1: {  	s2 =	sadd.s32 $0x10580, s17;
	s6 =	sadd.s32 s5, s9;
	s9 =	spop (v2sf)  }
0xb2: {  	[tilespmem:s2], [sflag:$0x2] =	stream.linear.gather [hbm4b:s6+s1], $0x80, $0x38;
	(v2sf) =	vpush v1, $0x7;
	[tilespmem:$0x18600] =	vst v63  }
0xb3: {  	s2 =	sadd.s32 s3, s7;
	s6 =	sand.u32 $0x1FFFFFF0, s9;
	s7 =	spop (v2sf)  }
0xb4: {  	[tilespmem:s30], [sflag:$0x1] =	stream.linear.gather [hbm4b:s2+s1], $0x80, $0x38;
	(v2sf) =	vpush v2, $0x8;
	[tilespmem:$0x18600] =	vst v63  }
0xb5: {  	s9 =	sadd.s32 s4, s8;
	s2 =	sadd.s32 $0x8600, s17;
	s7 =	sand.u32 $0x1FFFFFF0, s7  }
0xb6: {  	[tilespmem:s2], [sflag:$0x1] =	stream.linear.gather [hbm4b:s9+s1], $0x80, $0x38;
	[tilespmem:$0x18600] =	vst v63  }
0xb7: {  	s30 =	sadd.s32 $0x8A00, s17;
	s2 =	sadd.s32 s5, s8;
	s8 =	spop (v2sf)  }
0xb8: {  	[tilespmem:s0], [sflag:$0x2] =	stream.linear.gather [hbm4b:s2+s1], $0x80, $0x38;
	(v2sf) =	vpush v1, $0x8;
	[tilespmem:$0x18600] =	vst v63  }
0xb9: {  	s0 =	sadd.s32 $0x680, s17;
	s2 =	sadd.s32 s3, s6;
	s6 =	sand.u32 $0x1FFFFFF0, s8  }
0xba: {  	[tilespmem:s0], [sflag:$0x1] =	stream.linear.gather [hbm4b:s2+s1], $0x80, $0x38;
	(v2sf) =	vpush v2, $0x9;
	[tilespmem:$0x18600] =	vst v63  }
0xbb: {  	s0 =	sadd.s32 $0x8680, s17;
	s2 =	sadd.s32 s4, s7;
	s8 =	spop (v2sf)  }
0xbc: {  	[tilespmem:s0], [sflag:$0x1] =	stream.linear.gather [hbm4b:s2+s1], $0x80, $0x38;
	[tilespmem:$0x18600] =	vst v63  }
0xbd: {  	s0 =	sadd.s32 s5, s7;
	s2 =	sand.u32 $0x1FFFFFF0, s8;
	s7 =	spop (v2sf)  }
0xbe: {  	[tilespmem:s31], [sflag:$0x2] =	stream.linear.gather [hbm4b:s0+s1], $0x80, $0x38;
	(v2sf) =	vpush v1, $0x9;
	[tilespmem:$0x18600] =	vst v63  }
0xbf: {  	s6 =	sadd.s32 s3, s6;
	s0 =	sadd.s32 $0x700, s17;
	s7 =	sand.u32 $0x1FFFFFF0, s7  }
0xc0: {  	[tilespmem:s0], [sflag:$0x1] =	stream.linear.gather [hbm4b:s6+s1], $0x80, $0x38;
	(v2sf) =	vpush v2, $0xA;
	[tilespmem:$0x18600] =	vst v63  }
0xc1: {  	s0 =	sadd.s32 $0x8700, s17;
	s6 =	sadd.s32 s4, s2;
	s8 =	spop (v2sf)  }
0xc2: {  	[tilespmem:s0], [sflag:$0x1] =	stream.linear.gather [hbm4b:s6+s1], $0x80, $0x38;
	(v2sf) =	vpush v1, $0xA;
	[tilespmem:$0x18600] =	vst v63  }
0xc3: {  	s0 =	sadd.s32 s5, s2;
	s2 =	sand.u32 $0x1FFFFFF0, s8;
	s6 =	spop (v2sf)  }
0xc4: {  	[tilespmem:s29], [sflag:$0x2] =	stream.linear.gather [hbm4b:s0+s1], $0x80, $0x38;
	[tilespmem:$0x18600] =	vst v63  }
0xc5: {  	s7 =	sadd.s32 s3, s7;
	s0 =	sadd.s32 $0x780, s17;
	s6 =	sand.u32 $0x1FFFFFF0, s6  }
0xc6: {  	[tilespmem:s0], [sflag:$0x1] =	stream.linear.gather [hbm4b:s7+s1], $0x80, $0x38;
	(v2sf) =	vpush v2, $0xB;
	[tilespmem:$0x18600] =	vst v63  }
0xc7: {  	s0 =	sadd.s32 $0x8780, s17;
	s7 =	sadd.s32 s4, s2;
	s8 =	spop (v2sf)  }
0xc8: {  	[tilespmem:s0], [sflag:$0x1] =	stream.linear.gather [hbm4b:s7+s1], $0x80, $0x38;
	[tilespmem:$0x18600] =	vst v63  }
0xc9: {  	s0 =	sadd.s32 s5, s2;
	s2 =	sand.u32 $0x1FFFFFF0, s8;
	s7 =	spop (v2sf)  }
0xca: {  	[tilespmem:s28], [sflag:$0x2] =	stream.linear.gather [hbm4b:s0+s1], $0x80, $0x38;
	(v2sf) =	vpush v1, $0xB;
	[tilespmem:$0x18600] =	vst v63  }
0xcb: {  	s6 =	sadd.s32 s3, s6;
	s0 =	sadd.s32 $0x800, s17;
	s7 =	sand.u32 $0x1FFFFFF0, s7  }
0xcc: {  	[tilespmem:s0], [sflag:$0x1] =	stream.linear.gather [hbm4b:s6+s1], $0x80, $0x38;
	(v2sf) =	vpush v2, $0xC;
	[tilespmem:$0x18600] =	vst v63  }
0xcd: {  	s0 =	sadd.s32 $0x8800, s17;
	s6 =	sadd.s32 s4, s2;
	s8 =	spop (v2sf)  }
0xce: {  	[tilespmem:s0], [sflag:$0x1] =	stream.linear.gather [hbm4b:s6+s1], $0x80, $0x38;
	[tilespmem:$0x18600] =	vst v63  }
0xcf: {  	s0 =	sadd.s32 s5, s2;
	s2 =	sand.u32 $0x1FFFFFF0, s8;
	s6 =	spop (v2sf)  }
0xd0: {  	[tilespmem:s25], [sflag:$0x2] =	stream.linear.gather [hbm4b:s0+s1], $0x80, $0x38;
	(v2sf) =	vpush v1, $0xC;
	[tilespmem:$0x18600] =	vst v63  }
0xd1: {  	s7 =	sadd.s32 s3, s7;
	s0 =	sadd.s32 $0x880, s17;
	s8 =	spop (v2sf)  }
0xd2: {  	[tilespmem:s0], [sflag:$0x1] =	stream.linear.gather [hbm4b:s7+s1], $0x80, $0x38;
	[tilespmem:$0x18600] =	vst v63  }
0xd3: {  	s0 =	sadd.s32 $0x8880, s17;
	s7 =	sadd.s32 s4, s2;
	s8 =	sand.u32 $0x1FFFFFF0, s8  }
0xd4: {  	[tilespmem:s0], [sflag:$0x1] =	stream.linear.gather [hbm4b:s7+s1], $0x80, $0x38;
	(v2sf) =	vpush v2, $0xD;
	[tilespmem:$0x18600] =	vst v63  }
0xd5: {  	s0 =	sadd.s32 s5, s2;
	s2 =	sand.u32 $0x1FFFFFF0, s6;
	s6 =	spop (v2sf)  }
0xd6: {  	[tilespmem:s26], [sflag:$0x2] =	stream.linear.gather [hbm4b:s0+s1], $0x80, $0x38;
	(v2sf) =	vpush v1, $0xD;
	[tilespmem:$0x18600] =	vst v63  }
0xd7: {  	s2 =	sadd.s32 s3, s2;
	s0 =	sadd.s32 $0x900, s17;
	s6 =	sand.u32 $0x1FFFFFF0, s6  }
0xd8: {  	[tilespmem:s0], [sflag:$0x1] =	stream.linear.gather [hbm4b:s2+s1], $0x80, $0x38;
	(v2sf) =	vpush v2, $0xE;
	[tilespmem:$0x18600] =	vst v63  }
0xd9: {  	s0 =	sadd.s32 $0x8900, s17;
	s2 =	sadd.s32 s4, s8;
	s7 =	spop (v2sf)  }
0xda: {  	[tilespmem:s0], [sflag:$0x1] =	stream.linear.gather [hbm4b:s2+s1], $0x80, $0x38;
	[tilespmem:$0x18600] =	vst v63  }
0xdb: {  	s0 =	sadd.s32 s5, s8;
	s2 =	sand.u32 $0x1FFFFFF0, s7;
	s7 =	spop (v2sf)  }
0xdc: {  	[tilespmem:s24], [sflag:$0x2] =	stream.linear.gather [hbm4b:s0+s1], $0x80, $0x38;
	(v2sf) =	vpush v1, $0xE;
	[tilespmem:$0x18600] =	vst v63  }
0xdd: {  	s6 =	sadd.s32 s3, s6;
	s0 =	sadd.s32 $0x980, s17;
	s7 =	sand.u32 $0x1FFFFFF0, s7  }
0xde: {  	[tilespmem:s0], [sflag:$0x1] =	stream.linear.gather [hbm4b:s6+s1], $0x80, $0x38;
	(v2sf) =	vpush v2, $0xF;
	[tilespmem:$0x18600] =	vst v63  }
0xdf: {  	s0 =	sadd.s32 $0x8980, s17;
	s6 =	sadd.s32 s4, s2;
	s8 =	spop (v2sf)  }
0xe0: {  	[tilespmem:s0], [sflag:$0x1] =	stream.linear.gather [hbm4b:s6+s1], $0x80, $0x38;
	[tilespmem:$0x18600] =	vst v63  }
0xe1: {  	s2 =	sadd.s32 s5, s2;
	s0 =	sadd.s32 $0x10980, s17;
	s6 =	sand.u32 $0x1FFFFFF0, s8  }
0xe2: {  	[tilespmem:s0], [sflag:$0x2] =	stream.linear.gather [hbm4b:s2+s1], $0x80, $0x38;
	(v2sf) =	vpush v1, $0xF;
	[tilespmem:$0x18600] =	vst v63  }
0xe3: {  	s0 =	sadd.s32 $0xA00, s17;
	s2 =	sadd.s32 s3, s7;
	s7 =	spop (v2sf)  }
0xe4: {  	[tilespmem:s0], [sflag:$0x1] =	stream.linear.gather [hbm4b:s2+s1], $0x80, $0x38;
	[tilespmem:$0x18600] =	vst v63  }
0xe5: {  	s0 =	sadd.s32 s4, s6;
	s2 =	sand.u32 $0x1FFFFFF0, s7;
	s7 =	spop (v2sf)  }
0xe6: {  	[tilespmem:s30], [sflag:$0x1] =	stream.linear.gather [hbm4b:s0+s1], $0x80, $0x38;
	[tilespmem:$0x18600] =	vst v63  }
0xe7: {  	s0 =	sadd.s32 s5, s6;
	s6 =	sand.u32 $0x1FFFFFF0, s7;
	s7 =	spop (v2sf)  }
0xe8: {  	[tilespmem:s23], [sflag:$0x2] =	stream.linear.gather [hbm4b:s0+s1], $0x80, $0x38;
	[tilespmem:$0x18600] =	vst v63  }
0xe9: {  	s2 =	sadd.s32 s3, s2;
	s0 =	sadd.s32 $0xA80, s17;
	s7 =	sand.u32 $0x1FFFFFF0, s7  }
0xea: {  	[tilespmem:s0], [sflag:$0x1] =	stream.linear.gather [hbm4b:s2+s1], $0x80, $0x38;
	[tilespmem:$0x18600] =	vst v63  }
0xeb: {  	s8 =	sadd.s32 $0xB00, s17;
	s0 =	sadd.s32 s4, s6;
	s2 =	spop (v2sf)  }
0xec: {  	[tilespmem:s22], [sflag:$0x1] =	stream.linear.gather [hbm4b:s0+s1], $0x80, $0x38;
	[tilespmem:$0x18600] =	vst v63  }
0xed: {  	s0 =	sadd.s32 s5, s6;
	s6 =	sand.u32 $0x1FFFFFF0, s2;
	s2 =	spop (v2sf)  }
0xee: {  	[tilespmem:s21], [sflag:$0x2] =	stream.linear.gather [hbm4b:s0+s1], $0x80, $0x38;
	[tilespmem:$0x18600] =	vst v63  }
.Ltmp0:
0xef: {  	_ = 	snop;
	(pc) =	sbr.rel @p0 .LBB2_2-.Ltmp0, $4  }
0xf0: {  	s7 =	sadd.s32 s3, s7;
	s0 =	sadd.s32 s5, s6;
	s2 =	sand.u32 $0x1FFFFFF0, s2  }
0xf1: {  	[tilespmem:s8], [sflag:$0x1] =	stream.linear.gather [hbm4b:s7+s1], $0x80, $0x38;
	[tilespmem:$0x18600] =	vst v63  }
0xf2: {  	s6 =	sadd.s32 s4, s6;
	s21 =	sadd.s32 $0x10B00, s17;
	s22 =	spop (v2sf)  }
0xf3: {  	[tilespmem:s20], [sflag:$0x1] =	stream.linear.gather [hbm4b:s6+s1], $0x80, $0x38;
	[tilespmem:$0x18600] =	vst v63  }
0xf4: {  	[tilespmem:s21], [sflag:$0x2] =	stream.linear.gather [hbm4b:s0+s1], $0x80, $0x38;
	[tilespmem:$0x18600] =	vst v63  }
0xf5: {  	s21 =	sadd.s32 $0xB80, s17;
	s2 =	sadd.s32 s3, s2;
	s6 =	sand.u32 $0x1FFFFFF0, s22  }
0xf6: {  	[tilespmem:s21], [sflag:$0x1] =	stream.linear.gather [hbm4b:s2+s1], $0x80, $0x38;
	[tilespmem:$0x18600] =	vst v63  }
0xf7: {  	s23 =	sadd.s32 $0x8B80, s17;
	s24 =	sadd.s32 s4, s6  }
0xf8: {  	[tilespmem:s23], [sflag:$0x1] =	stream.linear.gather [hbm4b:s24+s1], $0x80, $0x38;
	[tilespmem:$0x18600] =	vst v63  }
0xf9: {  	s25 =	sadd.s32 $0x10B80, s17;
	s28 =	simm.s32 $0x1;
	s26 =	sadd.s32 s5, s6  }
0xfa: {  	[tilespmem:s25], [sflag:$0x2] =	stream.linear.gather [hbm4b:s26+s1], $0x80, $0x38;
	[tilespmem:$0x18600] =	vst v63  }
0xfb: {  	_ =	swait.ge [sflag:s28], $0x8000  }
0xfc: {  	[sflag:s28] =	ssyncset.done $0x0  }
0xfd: {  	[sflag:s28] =	ssyncadd.s32 $0xFFFF8000  }
0xfe: {  	_ =	swait.ge [sflag:s28], $0x8000  }
0xff: {  	[sflag:s28] =	ssyncset.done $0x0  }
0x100: {  	s29 =	simm.s32 $0x2;
	[sflag:s28] =	ssyncadd.s32 $0xFFFF8000  }
0x101: {  	_ =	swait.ge [sflag:s29], $0x8000  }
0x102: {  	[sflag:s29] =	ssyncset.done $0x0  }
0x103: {  	s30 =	simm.s32 $0x800;
	[sflag:s29] =	ssyncadd.s32 $0xFFFF8000  }
0x104: {  	s16 =	simm.s32 $0x8800;
	v0 =	vld [tilespmem:s30+$0x380]  }
0x105: {  	v1 =	vld [tilespmem:s16+$0x380]  }
0x106: {  	v42 =	vld [tilespmem:s30+$0x390]  }
0x107: {  	v43 =	vld [tilespmem:s16+$0x390]  }
0x108: {  	v2 =	vld [tilespmem:s30+$0x300]  }
0x109: {  	v3 =	vld [tilespmem:s16+$0x300]  }
0x10a: {  	v6 =	vld [tilespmem:s30+$0x310]  }
0x10b: {  	v44 =	vld [tilespmem:s16+$0x310]  }
0x10c: {  	v11 =	vld [tilespmem:s30+$0x320]  }
0x10d: {  	v45 =	vld [tilespmem:s16+$0x320]  }
0x10e: {  	v46 =	vld [tilespmem:s30+$0x330]  }
0x10f: {  	v47 =	vld [tilespmem:s16+$0x330]  }
0x110: {  	v48 =	vld [tilespmem:s30+$0x280]  }
0x111: {  	v49 =	vld [tilespmem:s16+$0x280]  }
0x112: {  	v50 =	vld [tilespmem:s30+$0x290]  }
0x113: {  	v51 =	vld [tilespmem:s16+$0x290]  }
0x114: {  	v52 =	vld [tilespmem:s30+$0x2A0]  }
0x115: {  	v33 =	vld [tilespmem:s30+$0x200]  }
0x116: {  	v29 =	vld [tilespmem:s16+$0x200]  }
0x117: {  	v30 =	vld [tilespmem:s30+$0x210]  }
0x118: {  	v31 =	vld [tilespmem:s16+$0x210]  }
0x119: {  	v40 =	vld [tilespmem:s30+$0x220]  }
0x11a: {  	v36 =	vld [tilespmem:s16+$0x220]  }
0x11b: {  	v34 =	vld [tilespmem:s30+$0x230]  }
0x11c: {  	v35 =	vld [tilespmem:s16+$0x230]  }
0x11d: {  	v53 =	vld [tilespmem:s30+$0x180]  }
0x11e: {  	v37 =	vld [tilespmem:s16+$0x180]  }
0x11f: {  	v38 =	vld [tilespmem:s30+$0x190]  }
0x120: {  	v39 =	vld [tilespmem:s16+$0x190]  }
0x121: {  	v54 =	vld [tilespmem:s30+$0x1A0]  }
0x122: {  	v41 =	vld [tilespmem:s16+$0x1A0]  }
0x123: {  	v55 =	vld [tilespmem:s30+$0x100]  }
0x124: {  	v56 =	vld [tilespmem:s16+$0x100]  }
0x125: {  	v57 =	vld [tilespmem:s30+$0x110]  }
0x126: {  	v58 =	vld [tilespmem:s16+$0x110]  }
0x127: {  	v59 =	vld [tilespmem:s30+$0x120]  }
0x128: {  	v60 =	vld [tilespmem:s30+$0xFFFFFF80]  }
0x129: {  	v61 =	vld [tilespmem:s16+$0xFFFFFF80]  }
0x12a: {  	v62 =	vld [tilespmem:s30+$0xFFFFFF90]  }
0x12b: {  	v63 =	vld [tilespmem:s16+$0xFFFFFF90]  }
0x12c: {  	v4 =	vld [tilespmem:s30+$0xFFFFFFA0]  }
0x12d: {  	v27 =	vld [tilespmem:s30+$0xFFFFFF20]  }
0x12e: {  	v21 =	vld [tilespmem:s16+$0xFFFFFF20]  }
0x12f: {  	v20 =	vld [tilespmem:s30+$0xFFFFFF30]  }
0x130: {  	v17 =	vld [tilespmem:s16+$0xFFFFFF30]  }
0x131: {  	v28 =	vld [tilespmem:s30+$0xFFFFFE80]  }
0x132: {  	v25 =	vld [tilespmem:s16+$0xFFFFFE80]  }
0x133: {  	v26 =	vld [tilespmem:s30+$0xFFFFFE90]  }
0x134: {  	v22 =	vld [tilespmem:s16+$0xFFFFFE90]  }
0x135: {  	v32 =	vld [tilespmem:s30+$0xFFFFFEA0]  }
0x136: {  	v23 =	vld [tilespmem:s16+$0xFFFFFEA0]  }
0x137: {  	v24 =	vld [tilespmem:s30+$0xFFFFFEB0]  }
0x138: {  	v18 =	vld [tilespmem:s16+$0xFFFFFEB0]  }
0x139: {  	v5 =	vld [tilespmem:s30+$0xFFFFFE00]  }
0x13a: {  	v7 =	vld [tilespmem:s16+$0xFFFFFE00]  }
0x13b: {  	v8 =	vld [tilespmem:s30+$0xFFFFFE10]  }
0x13c: {  	v9 =	vld [tilespmem:s16+$0xFFFFFE10]  }
0x13d: {  	v10 =	vld [tilespmem:s30+$0xFFFFFE20]  }
0x13e: {  	v16 =	vld [tilespmem:s30+$0xFFFFFDA0]  }
0x13f: {  	v13 =	vld [tilespmem:s16+$0xFFFFFDA0]  }
0x140: {  	v12 =	vld [tilespmem:s30+$0xFFFFFDB0]  }
0x141: {  	v19 =	vld [tilespmem:s30+$0xFFFFFD00]  }
0x142: {  	v14 =	vld [tilespmem:s16+$0xFFFFFD00]  }
0x143: {  	v15 =	vld [tilespmem:s30+$0xFFFFFD10]  }
0x144: {  	[tilespmem:$0x1FDE0] =	vst v42;
	v42 =	vld [tilespmem:s30+$0x1B0]  }
0x145: {  	[tilespmem:$0x1FDF0] =	vst v43;
	v43 =	vld [tilespmem:s16+$0x1B0]  }
0x146: {  	[tilespmem:$0x1FC30] =	vst v44;
	v44 =	vld [tilespmem:s30+$0x80]  }
0x147: {  	[tilespmem:$0x1FC40] =	vst v45;
	v45 =	vld [tilespmem:s16+$0x80]  }
0x148: {  	[tilespmem:$0x1FC50] =	vst v46;
	v46 =	vld [tilespmem:s30+$0x90]  }
0x149: {  	[tilespmem:$0x1FC60] =	vst v47;
	v47 =	vld [tilespmem:s16+$0x90]  }
0x14a: {  	[tilespmem:$0x1FD80] =	vst v48;
	v48 =	vld [tilespmem:s30+$0xA0]  }
0x14b: {  	[tilespmem:$0x1FD90] =	vst v49;
	v49 =	vld [tilespmem:s16+$0xA0]  }
0x14c: {  	[tilespmem:$0x1FDA0] =	vst v50;
	v50 =	vld [tilespmem:s30+$0xB0]  }
0x14d: {  	[tilespmem:$0x1FDB0] =	vst v51;
	v51 =	vld [tilespmem:s16+$0xB0]  }
0x14e: {  	[tilespmem:$0x1FDC0] =	vst v52;
	v52 =	vld [tilespmem:s30+$0x0]  }
0x14f: {  	[tilespmem:$0x1FC70] =	vst v53;
	v53 =	vld [tilespmem:s16+$0x0]  }
0x150: {  	[tilespmem:$0x1FC80] =	vst v54;
	v54 =	vld [tilespmem:s30+$0x10]  }
0x151: {  	[tilespmem:$0x1FD30] =	vst v55;
	v55 =	vld [tilespmem:s16+$0x10]  }
0x152: {  	[tilespmem:$0x1FD40] =	vst v56;
	v56 =	vld [tilespmem:s30+$0x20]  }
0x153: {  	[tilespmem:$0x1FD50] =	vst v57;
	v57 =	vld [tilespmem:s16+$0x20]  }
0x154: {  	[tilespmem:$0x1FD60] =	vst v58;
	v58 =	vld [tilespmem:s30+$0x30]  }
0x155: {  	[tilespmem:$0x1FD70] =	vst v59;
	v59 =	vld [tilespmem:s16+$0x30]  }
0x156: {  	[tilespmem:$0x1FCE0] =	vst v60;
	v60 =	vld [tilespmem:s30+$0xFFFFFF00]  }
0x157: {  	[tilespmem:$0x1FCF0] =	vst v61;
	v61 =	vld [tilespmem:s16+$0xFFFFFF00]  }
0x158: {  	[tilespmem:$0x1FD00] =	vst v62;
	v62 =	vld [tilespmem:s30+$0xFFFFFF10]  }
0x159: {  	[tilespmem:$0x1FD10] =	vst v63;
	v63 =	vld [tilespmem:s16+$0xFFFFFF10]  }
0x15a: {  	[tilespmem:$0x1FCD0] =	vst v10;
	v10 =	vld [tilespmem:s30+$0xFFFFFD80]  }
0x15b: {  	[tilespmem:$0x1FCB0] =	vst v8;
	v8 =	vld [tilespmem:s16+$0xFFFFFD80]  }
0x15c: {  	[tilespmem:$0x1FCA0] =	vst v7;
	v7 =	vld [tilespmem:s30+$0xFFFFFD90]  }
0x15d: {  	[tilespmem:$0x1FC90] =	vst v5;
	v5 =	vld [tilespmem:s16+$0xFFFFFD90]  }
0x15e: {  	[tilespmem:$0x1FCC0] =	vst v9;
	v9 =	vld [tilespmem:s16+$0xFFFFFDB0]  }
0x15f: {  	v30 =	vmul.f32 v31, v30;
	v31 =	vld [tilespmem:s16+$0xFFFFFD20]  }
0x160: {  	v21 =	vmul.f32 v21, v27;
	v27 =	vld [tilespmem:s16+$0xFFFFFC80]  }
0x161: {  	v22 =	vmul.f32 v22, v26;
	v26 =	vld [tilespmem:s30+$0xFFFFFC90]  }
0x162: {  	v13 =	vmul.f32 v13, v16;
	v16 =	vld [tilespmem:s16+$0xFFFFFE30]  }
0x163: {  	v29 =	vmul.f32 v29, v33;
	v14 =	vmul.f32 v14, v19;
	v19 =	vld [tilespmem:s16+$0xFFFFFFA0]  }
0x164: {  	[tilespmem:$0x1FDD0] =	vst v1;
	v17 =	vmul.f32 v17, v20;
	v1 =	vld [tilespmem:$0x1FC30]  }
0x165: {  	v29 =	vadd.f32 v30, v29;
	v30 =	vld [tilespmem:s16+$0xFFFFFD30]  }
0x166: {  	v17 =	vadd.f32 v17, v21;
	v21 =	vmul.f32 v23, v32;
	v23 =	vld [tilespmem:s16+$0xFFFFFC90]  }
0x167: {  	v54 =	vmul.f32 v55, v54;
	v55 =	vld [tilespmem:s16+$0xFFFFFC20]  }
0x168: {  	v56 =	vmul.f32 v57, v56;
	v57 =	vmul.f32 v59, v58;
	v58 =	vld [tilespmem:s30+$0xFFFFFC30]  }
0x169: {  	v59 =	vmul.f32 v61, v60;
	v61 =	vld [tilespmem:s16+$0xFFFFFC30]  }
0x16a: {  	v60 =	vmul.f32 v63, v62;
	v63 =	vld [tilespmem:s30+$0xFFFFFC80]  }
0x16b: {  	v49 =	vmul.f32 v49, v48;
	v48 =	vld [tilespmem:s30+$0xFFFFFCB0]  }
0x16c: {  	v45 =	vmul.f32 v45, v44;
	v44 =	vld [tilespmem:$0x1FD50]  }
0x16d: {  	[tilespmem:$0x1FD20] =	vst v4;
	v4 =	vmul.f32 v3, v2;
	v3 =	vmul.f32 v1, v6;
	v6 =	vld [tilespmem:s16+$0xFFFFFD10]  }
0x16e: {  	v1 =	vld [tilespmem:$0x1FC40]  }
0x16f: {  	v62 =	vadd.f32 v57, v56;
	v57 =	vld [tilespmem:$0x1FC90]  }
0x170: {  	v20 =	vadd.f32 v60, v59;
	v59 =	vld [tilespmem:s16+$0xFFFFFFB0]  }
0x171: {  	v60 =	vld [tilespmem:$0x1FCB0]  }
0x172: {  	v3 =	vadd.f32 v3, v4;
	v4 =	vmul.f32 v36, v40;
	v36 =	vld [tilespmem:$0x1FC70]  }
0x173: {  	v40 =	vmul.f32 v35, v34;
	v35 =	vld [tilespmem:s16+$0xFFFFFC00]  }
0x174: {  	v34 =	vmul.f32 v39, v38;
	v39 =	vld [tilespmem:s30+$0xFFFFFC10]  }
0x175: {  	v4 =	vadd.f32 v40, v4;
	v40 =	vld [tilespmem:$0x1FC80]  }
0x176: {  	v2 =	vmul.f32 v1, v11;
	v1 =	vld [tilespmem:$0x1FC50]  }
0x177: {  	v11 =	vld [tilespmem:$0x1FC60]  }
0x178: {  	v38 =	vld [tilespmem:s30+$0xFFFFFC20]  }
0x179: {  	v6 =	vmul.f32 v6, v15;
	v15 =	vld [tilespmem:s16+$0xFFFFFCB0]  }
0x17a: {  	v33 =	vmul.f32 v41, v40;
	v40 =	vld [tilespmem:$0x1FD10]  }
0x17b: {  	v43 =	vmul.f32 v43, v42;
	v41 =	vld [tilespmem:s16+$0x2A0]  }
0x17c: {  	v1 =	vmul.f32 v11, v1;
	v11 =	vld [tilespmem:s30+$0xFFFFFD20]  }
0x17d: {  	v4 =	vadd.f32 v4, v29;
	v29 =	vadd.f32 v43, v33;
	v33 =	vld [tilespmem:s16+$0xFFFFFC10]  }
0x17e: {  	v43 =	vld [tilespmem:$0x1FD30];
	v1 =	vadd.f32 v1, v2  }
0x17f: {  	v18 =	vmul.f32 v18, v24;
	v51 =	vmul.f32 v51, v50;
	v2 =	vld [tilespmem:s30+$0xFFFFFD30]  }
0x180: {  	v47 =	vmul.f32 v47, v46;
	v1 =	vadd.f32 v1, v3;
	v3 =	vmul.f32 v37, v36;
	v37 =	vld [tilespmem:s30+$0xFFFFFC00]  }
0x181: {  	v8 =	vmul.f32 v8, v10;
	v5 =	vmul.f32 v5, v7;
	v36 =	vadd.f32 v51, v49;
	v51 =	vld [tilespmem:s16+$0xFFFFFE20]  }
0x182: {  	v9 =	vmul.f32 v9, v12;
	v3 =	vadd.f32 v34, v3;
	v34 =	vadd.f32 v47, v45;
	v45 =	vld [tilespmem:s30+$0xFFFFFCA0]  }
0x183: {  	v47 =	vadd.f32 v17, v20;
	v17 =	vadd.f32 v18, v21;
	v18 =	vld [tilespmem:s16+$0xFFFFFCA0]  }
0x184: {  	v5 =	vadd.f32 v5, v8;
	v49 =	vadd.f32 v9, v13;
	v13 =	vmul.f32 v33, v39;
	v33 =	vld [tilespmem:s30+$0x130]  }
0x185: {  	v39 =	vld [tilespmem:$0x1FD00]  }
0x186: {  	(xrf2) =	vadd.scan.msk.f32 $0xffff, v1;
	v1 =	vadd.f32 v49, v5;
	v49 =	vld [tilespmem:$0x1FDA0]  }
0x187: {  	v25 =	vmul.f32 v25, v28;
	v20 =	vld [tilespmem:$0x1FDC0]  }
0x188: {  	v3 =	vadd.f32 v29, v3;
	v29 =	vmul.f32 v53, v52;
	v52 =	vadd.f32 v6, v14;
	v14 =	vld [tilespmem:s30+$0xFFFFFE30]  }
0x189: {  	v34 =	vadd.f32 v36, v34;
	v36 =	vld [tilespmem:$0x1FCF0]  }
0x18a: {  	v22 =	vadd.f32 v22, v25;
	v53 =	vmul.f32 v35, v37;
	v35 =	vld [tilespmem:$0x1FCE0]  }
0x18b: {  	v37 =	vld [tilespmem:s16+$0x130];
	v29 =	vadd.f32 v54, v29;
	v54 =	vmul.f32 v55, v38;
	v55 =	vmul.f32 v61, v58  }
0x18c: {  	v56 =	vmul.f32 v27, v63;
	(xrf2) =	vadd.scan.msk.f32 $0xffff, v4;
	v12 =	vadd.f32 v17, v22;
	v17 =	vmul.f32 v23, v26;
	v58 =	vld [tilespmem:$0x1FCA0]  }
0x18d: {  	(xrf2) =	vadd.scan.msk.f32 $0xffff, v3;
	v61 =	vld [tilespmem:$0x1FCC0];
	v6 =	vadd.f32 v13, v53;
	v3 =	vadd.f32 v55, v54  }
0x18e: {  	v9 =	vadd.f32 v17, v56;
	v17 =	vld [tilespmem:$0x1FD70];
	v29 =	vadd.f32 v62, v29  }
0x18f: {  	(xrf2) =	vadd.scan.msk.f32 $0xffff, v34;
	v63 =	vadd.f32 v3, v6;
	v6 =	vld [tilespmem:$0x1FCD0]  }
0x190: {  	v13 =	vld [tilespmem:s30+$0xFFFFFFB0];
	(xrf2) =	vadd.scan.msk.f32 $0xffff, v29  }
0x191: {  	v50 =	vmul.f32 v31, v11;
	v2 =	vmul.f32 v30, v2;
	v62 =	vld [tilespmem:s16+$0x120];
	(xrf2) =	vadd.scan.msk.f32 $0xffff, v47  }
0x192: {  	v8 =	vmul.f32 v15, v48;
	v7 =	vmul.f32 v18, v45;
	(xrf2) =	vadd.scan.msk.f32 $0xffff, v12;
	v12 =	vld [tilespmem:$0x1FD20]  }
0x193: {  	v2 =	vadd.f32 v2, v50;
	v32 =	vmul.f32 v16, v14;
	v14 =	vld [tilespmem:$0x1FD40];
	v4 =	vmul.f32 v58, v57  }
0x194: {  	v50 =	vld [tilespmem:$0x1FDB0];
	v7 =	vadd.f32 v8, v7;
	v8 =	vmul.f32 v61, v60;
	v3 =	vmul.f32 v51, v6  }
0x195: {  	v47 =	vld [tilespmem:$0x1FD80]  }
0x196: {  	v5 =	vmul.f32 v59, v13;
	v13 =	vld [tilespmem:s30+$0x2B0];
	v38 =	vadd.f32 v8, v4;
	v3 =	vadd.f32 v32, v3  }
0x197: {  	v2 =	vadd.f32 v2, v52;
	v10 =	vmul.f32 v62, v17;
	v17 =	vld [tilespmem:$0x1FD90];
	v12 =	vmul.f32 v19, v12  }
0x198: {  	v34 =	vadd.f32 v7, v9;
	(xrf2) =	vadd.scan.msk.f32 $0xffff, v1;
	v1 =	vadd.f32 v3, v38;
	v3 =	vmul.f32 v14, v43;
	v14 =	vld [tilespmem:s16+$0x2B0]  }
0x199: {  	v7 =	vmul.f32 v36, v35;
	v4 =	vmul.f32 v40, v39;
	(xrf2) =	vadd.scan.msk.f32 $0xffff, v2;
	v5 =	vadd.f32 v5, v12;
	v12 =	vld [tilespmem:$0x1FD60]  }
0x19a: {  	v45 =	vld [tilespmem:s16+$0x3A0];
	(xrf2) =	vadd.scan.msk.f32 $0xffff, v63  }
0x19b: {  	v55 =	vld [tilespmem:$0x1FDE0];
	v8, _, _ =	vpop (xrf2);
	v4 =	vadd.f32 v4, v7;
	(xrf2) =	vadd.scan.msk.f32 $0xffff, v34  }
0x19c: {  	v9 =	vmul.f32 v37, v33;
	v51 =	vld [tilespmem:s16+$0x3B0];
	v42, _, _ =	vpop (xrf2)  }
0x19d: {  	v6 =	vmul.f32 v41, v20;
	v15, _, _ =	vpop (xrf2);
	v4 =	vadd.f32 v5, v4;
	v5 =	vmul.f32 v17, v47;
	v17 =	vld [tilespmem:s30+$0x3B0]  }
0x19e: {  	v16, _, _ =	vpop (xrf2);
	(xrf2) =	vadd.scan.msk.f32 $0xffff, v1;
	v7 =	vmul.f32 v12, v44;
	v12 =	vld [tilespmem:s30+$0x3A0];
	v13 =	vmul.f32 v14, v13  }
0x19f: {  	v48 =	vadd.f32 v9, v10;
	v46, _, _ =	vpop (xrf2);
	v14 =	vld [tilespmem:$0x1FDF0]  }
0x1a0: {  	v18, _, _ =	vpop (xrf2);
	v3 =	vadd.f32 v7, v3;
	v6 =	vadd.f32 v13, v6;
	v13 =	vld [tilespmem:$0x1FDD0]  }
0x1a1: {  	v9 =	vmul.f32 v50, v49;
	v19, _, _ =	vpop (xrf2);
	(xrf2) =	vadd.scan.msk.f32 $0xffff, v4  }
0x1a2: {  	v52, _, _ =	vpop (xrf2);
	v3 =	vadd.f32 v48, v3  }
0x1a3: {  	v5 =	vadd.f32 v9, v5;
	v53, _, _ =	vpop (xrf2)  }
0x1a4: {  	v54, _, _ =	vpop (xrf2);
	v58 =	vmul.f32 v51, v17;
	v14 =	vmul.f32 v14, v55;
	(xrf2) =	vadd.scan.msk.f32 $0xffff, v3  }
0x1a5: {  	v59, _, _ =	vpop (xrf2);
	v56 =	vadd.f32 v6, v5;
	v57 =	vmul.f32 v45, v12;
	v13 =	vmul.f32 v13, v0  }
0x1a6: {  	v9 =	vbroadcast v54, $0xF;
	v10 =	vbroadcast v59, $0xF  }
0x1a7: {  	v7 =	vbroadcast v53, $0xF;
	v5 =	vadd.f32 v58, v57;
	(xrf2) =	vadd.scan.msk.f32 $0xffff, v56;
	v60 =	vadd.f32 v14, v13  }
0x1a8: {  	v20 =	vld [tilespmem:$0x1FFF0];
	v4 =	vbroadcast v52, $0xF;
	v61 =	vsel vm0, v9, v10;
	v62, _, _ =	vpop (xrf2)  }
0x1a9: {  	v3 =	vsel vm1, v61, v7;
	v6 =	vbroadcast v62, $0xF;
	v5 =	vadd.f32 v5, v60  }
0x1aa: {  	s31 =	simm.s32 $0x0;
	v63 =	vbroadcast v19, $0xF;
	v3 =	vsel vm2, v3, v4  }
0x1ab: {  	v32 =	vmov s31;
	v33 =	vbroadcast v18, $0xF;
	v34, _, _ =	vpop (xrf2);
	v3 =	vsel vm3, v3, v6;
	(xrf2) =	vadd.scan.msk.f32 $0xffff, v5  }
0x1ac: {  	v35 =	vshll.u32 v32, $0x7;
	v36 =	vbroadcast v34, $0xF;
	v3 =	vsel vm4, v3, v63  }
0x1ad: {  	v1 =	vbroadcast v46, $0xF;
	v3 =	vsel vm5, v3, v33;
	v5 =	vor.u32 v20, v35  }
0x1ae: {  	v37 =	vbroadcast v16, $0xF;
	v3 =	vsel vm6, v3, v36;
	v38, _, _ =	vpop (xrf2)  }
0x1af: {  	v1 =	vsel vm7, v3, v1;
	v39 =	vbroadcast v38, $0xF  }
0x1b0: {  	v40 =	vbroadcast v15, $0xF;
	v1 =	vsel vm8, v1, v37  }
0x1b1: {  	v2 =	vbroadcast v42, $0xF;
	v41, _, _ =	vpop (xrf2);
	v1 =	vsel vm9, v1, v39  }
0x1b2: {  	v5 =	vld.idx.msk [tilespmem:v5+s13+$0x0], $0xffff;
	v3 =	vbroadcast v41, $0xF;
	v1 =	vsel vm10, v1, v40  }
0x1b3: {  	v42 =	vbroadcast v8, $0xF;
	v1 =	vsel vm11, v1, v2  }
0x1b4: {  	v1 =	vsel vm12, v1, v3  }
0x1b5: {  	v1 =	vsel vm13, v1, v42;
	v43, _, _ =	vpop (xrf2)  }
0x1b6: {  	v1 =	vsel vm14, v1, v43  }
0x1b7: {  	v1 =	vadd.f32 v1, v5  }
0x1b8: {  	s16 =	simm.s32 $0x18400  }
0x1b9: {  	s18 =	simm.s32 $0x1000;
	[tilespmem:s16+$0x0] =	vst v1  }
0x1ba: {  	s17 =	simm.s32 $0x9000;
	v44 =	vld [tilespmem:s18+$0x380]  }
0x1bb: {  	v45 =	vld [tilespmem:s17+$0x380]  }
0x1bc: {  	v46 =	vld [tilespmem:s18+$0x390]  }
0x1bd: {  	v47 =	vld [tilespmem:s17+$0x390]  }
0x1be: {  	v1 =	vld [tilespmem:s18+$0x300]  }
0x1bf: {  	v2 =	vld [tilespmem:s17+$0x300]  }
0x1c0: {  	v3 =	vld [tilespmem:s18+$0x310]  }
0x1c1: {  	v5 =	vld [tilespmem:s17+$0x310]  }
0x1c2: {  	v4 =	vld [tilespmem:s18+$0x320]  }
0x1c3: {  	v6 =	vld [tilespmem:s17+$0x320]  }
0x1c4: {  	v7 =	vld [tilespmem:s18+$0x330]  }
0x1c5: {  	v10 =	vld [tilespmem:s17+$0x330]  }
0x1c6: {  	v48 =	vld [tilespmem:s18+$0x280]  }
0x1c7: {  	v49 =	vld [tilespmem:s17+$0x280]  }
0x1c8: {  	v50 =	vld [tilespmem:s18+$0x290]  }
0x1c9: {  	v51 =	vld [tilespmem:s17+$0x290]  }
0x1ca: {  	v52 =	vld [tilespmem:s18+$0x2A0]  }
0x1cb: {  	v42 =	vld [tilespmem:s18+$0x200]  }
0x1cc: {  	v33 =	vld [tilespmem:s17+$0x200]  }
0x1cd: {  	v35 =	vld [tilespmem:s18+$0x210]  }
0x1ce: {  	v36 =	vld [tilespmem:s17+$0x210]  }
0x1cf: {  	v43 =	vld [tilespmem:s18+$0x220]  }
0x1d0: {  	v38 =	vld [tilespmem:s17+$0x220]  }
0x1d1: {  	v31 =	vld [tilespmem:s18+$0x230]  }
0x1d2: {  	v29 =	vld [tilespmem:s17+$0x230]  }
0x1d3: {  	v53 =	vld [tilespmem:s18+$0x180]  }
0x1d4: {  	v54 =	vld [tilespmem:s17+$0x180]  }
0x1d5: {  	v32 =	vld [tilespmem:s18+$0x190]  }
0x1d6: {  	v30 =	vld [tilespmem:s17+$0x190]  }
0x1d7: {  	v55 =	vld [tilespmem:s18+$0x1A0]  }
0x1d8: {  	v62 =	vld [tilespmem:s17+$0x1A0]  }
0x1d9: {  	v63 =	vld [tilespmem:s18+$0x1B0]  }
0x1da: {  	v14 =	vld [tilespmem:s18+$0x100]  }
0x1db: {  	v56 =	vld [tilespmem:s17+$0x100]  }
0x1dc: {  	v57 =	vld [tilespmem:s18+$0x110]  }
0x1dd: {  	v58 =	vld [tilespmem:s17+$0x110]  }
0x1de: {  	v59 =	vld [tilespmem:s18+$0x120]  }
0x1df: {  	v8 =	vld [tilespmem:s18+$0x0]  }
0x1e0: {  	v11 =	vld [tilespmem:s17+$0x0]  }
0x1e1: {  	v12 =	vld [tilespmem:s18+$0x10]  }
0x1e2: {  	v60 =	vld [tilespmem:s17+$0x10]  }
0x1e3: {  	v9 =	vld [tilespmem:s18+$0x20]  }
0x1e4: {  	v26 =	vld [tilespmem:s17+$0x20]  }
0x1e5: {  	v61 =	vld [tilespmem:s18+$0x30]  }
0x1e6: {  	v34 =	vld [tilespmem:s17+$0x30]  }
0x1e7: {  	v18 =	vld [tilespmem:s18+$0xFFFFFF80]  }
0x1e8: {  	v19 =	vld [tilespmem:s17+$0xFFFFFF80]  }
0x1e9: {  	v15 =	vld [tilespmem:s18+$0xFFFFFF90]  }
0x1ea: {  	v17 =	vld [tilespmem:s17+$0xFFFFFF90]  }
0x1eb: {  	v16 =	vld [tilespmem:s18+$0xFFFFFFA0]  }
0x1ec: {  	v37 =	vld [tilespmem:s18+$0xFFFFFF00]  }
0x1ed: {  	v39 =	vld [tilespmem:s17+$0xFFFFFF00]  }
0x1ee: {  	v40 =	vld [tilespmem:s18+$0xFFFFFF20]  }
0x1ef: {  	v41 =	vld [tilespmem:s17+$0xFFFFFF20]  }
0x1f0: {  	v13 =	vld [tilespmem:s18+$0xFFFFFE00]  }
0x1f1: {  	v25 =	vld [tilespmem:s17+$0xFFFFFE00]  }
0x1f2: {  	v22 =	vld [tilespmem:s18+$0xFFFFFE10]  }
0x1f3: {  	v24 =	vld [tilespmem:s17+$0xFFFFFE10]  }
0x1f4: {  	v21 =	vld [tilespmem:s18+$0xFFFFFE20]  }
0x1f5: {  	[tilespmem:$0x1FE40] =	vst v48;
	v48 =	vld [tilespmem:s17+$0x1B0]  }
0x1f6: {  	[tilespmem:$0x1FE50] =	vst v49;
	v49 =	vld [tilespmem:s18+$0x80]  }
0x1f7: {  	[tilespmem:$0x1FE60] =	vst v50;
	v50 =	vld [tilespmem:s17+$0x80]  }
0x1f8: {  	[tilespmem:$0x1FE70] =	vst v51;
	v51 =	vld [tilespmem:s18+$0x90]  }
0x1f9: {  	[tilespmem:$0x1FE80] =	vst v52;
	v52 =	vld [tilespmem:s17+$0x90]  }
0x1fa: {  	[tilespmem:$0x1FED0] =	vst v53;
	v53 =	vld [tilespmem:s18+$0xA0]  }
0x1fb: {  	[tilespmem:$0x1FEE0] =	vst v54;
	v54 =	vld [tilespmem:s17+$0xA0]  }
0x1fc: {  	[tilespmem:$0x1FEF0] =	vst v55;
	v55 =	vld [tilespmem:s18+$0xB0]  }
0x1fd: {  	[tilespmem:$0x1FE90] =	vst v56;
	v56 =	vld [tilespmem:s17+$0xB0]  }
0x1fe: {  	[tilespmem:$0x1FF10] =	vst v61;
	v61 =	vld [tilespmem:s18+$0xFFFFFF10]  }
0x1ff: {  	[tilespmem:$0x1FF20] =	vst v34;
	v34 =	vld [tilespmem:s17+$0xFFFFFF10]  }
0x200: {  	[tilespmem:$0x1FE00] =	vst v44;
	v44 =	vld [tilespmem:s18+$0xFFFFFF30]  }
0x201: {  	[tilespmem:$0x1FE10] =	vst v45;
	v45 =	vld [tilespmem:s17+$0xFFFFFF30]  }
0x202: {  	[tilespmem:$0x1FE20] =	vst v46;
	v46 =	vld [tilespmem:s18+$0xFFFFFE80]  }
0x203: {  	[tilespmem:$0x1FE30] =	vst v47;
	v47 =	vld [tilespmem:s17+$0xFFFFFE80]  }
0x204: {  	[tilespmem:$0x1FEA0] =	vst v57;
	v57 =	vld [tilespmem:s18+$0xFFFFFE90]  }
0x205: {  	[tilespmem:$0x1FF30] =	vst v37;
	v37 =	vld [tilespmem:s17+$0xFFFFFE90]  }
0x206: {  	[tilespmem:$0x1FEB0] =	vst v58;
	v58 =	vld [tilespmem:s18+$0xFFFFFEA0]  }
0x207: {  	[tilespmem:$0x1FEC0] =	vst v59;
	v59 =	vld [tilespmem:s17+$0xFFFFFEA0]  }
0x208: {  	[tilespmem:$0x1FF00] =	vst v60;
	v60 =	vld [tilespmem:s18+$0xFFFFFEB0]  }
0x209: {  	[tilespmem:$0x1FF50] =	vst v40;
	v40 =	vld [tilespmem:s17+$0xFFFFFD80]  }
0x20a: {  	[tilespmem:$0x1FF40] =	vst v39;
	v39 =	vld [tilespmem:s17+$0xFFFFFD90]  }
0x20b: {  	[tilespmem:$0x1FF60] =	vst v41;
	v41 =	vld [tilespmem:s17+$0xFFFFFDB0]  }
0x20c: {  	v0 =	vmul.f32 v5, v3;
	v3 =	vld [tilespmem:s18+$0xFFFFFD00]  }
0x20d: {  	v23 =	vmul.f32 v2, v1;
	v30 =	vmul.f32 v30, v32;
	v32 =	vld [tilespmem:s17+$0xFFFFFC10]  }
0x20e: {  	v27 =	vmul.f32 v10, v7;
	v10 =	vmul.f32 v36, v35;
	v35 =	vld [tilespmem:$0x1FED0]  }
0x20f: {  	v28 =	vmul.f32 v6, v4;
	v36 =	vld [tilespmem:$0x1FEE0]  }
0x210: {  	v0 =	vadd.f32 v0, v23;
	v23 =	vmul.f32 v33, v42;
	v42 =	vld [tilespmem:s17+$0xFFFFFD10]  }
0x211: {  	v27 =	vadd.f32 v27, v28;
	v28 =	vmul.f32 v38, v43;
	v43 =	vld [tilespmem:s18+$0xFFFFFD20]  }
0x212: {  	v29 =	vmul.f32 v29, v31;
	v38 =	vld [tilespmem:$0x1FEF0]  }
0x213: {  	v33 =	vld [tilespmem:s18+$0xFFFFFC20]  }
0x214: {  	v28 =	vadd.f32 v29, v28;
	v29 =	vld [tilespmem:s17+$0xFFFFFC00]  }
0x215: {  	[tilespmem:$0x1FFE0] =	vst v60;
	v60 =	vld [tilespmem:s17+$0xFFFFFEB0]  }
0x216: {  	[tilespmem:$0x1FFB0] =	vst v57;
	v57 =	vld [tilespmem:s18+$0xFFFFFD80]  }
0x217: {  	[tilespmem:$0x1FF80] =	vst v45;
	v45 =	vld [tilespmem:s18+$0xFFFFFD90]  }
0x218: {  	[tilespmem:$0x1FFD0] =	vst v59;
	v59 =	vld [tilespmem:s18+$0xFFFFFDA0]  }
0x219: {  	[tilespmem:$0x1FFC0] =	vst v58;
	v58 =	vld [tilespmem:s17+$0xFFFFFDA0]  }
0x21a: {  	[tilespmem:$0x1FF90] =	vst v46;
	v46 =	vld [tilespmem:s18+$0xFFFFFDB0]  }
0x21b: {  	[tilespmem:$0x1FFA0] =	vst v47;
	v47 =	vld [tilespmem:s17+$0xFFFFFD00]  }
0x21c: {  	[tilespmem:$0x1FF70] =	vst v44;
	v44 =	vld [tilespmem:s18+$0xFFFFFD10]  }
0x21d: {  	v2 =	vmul.f32 v48, v63;
	v48 =	vld [tilespmem:s17+$0xFFFFFD20]  }
0x21e: {  	v4 =	vmul.f32 v50, v49;
	v49 =	vld [tilespmem:s18+$0xFFFFFD30]  }
0x21f: {  	v50 =	vld [tilespmem:s17+$0xFFFFFD30]  }
0x220: {  	v5 =	vmul.f32 v52, v51;
	v52 =	vld [tilespmem:$0x1FF10]  }
0x221: {  	v6 =	vmul.f32 v56, v55;
	v55 =	vld [tilespmem:$0x1FF30]  }
0x222: {  	v56 =	vld [tilespmem:$0x1FF40]  }
0x223: {  	v63 =	vld [tilespmem:$0x1FF60]  }
0x224: {  	v31 =	vmul.f32 v36, v35;
	v35 =	vld [tilespmem:s18+$0xFFFFFC30]  }
0x225: {  	v51 =	vmul.f32 v26, v9;
	v9 =	vld [tilespmem:$0x1FFA0]  }
0x226: {  	v23 =	vadd.f32 v10, v23;
	v36 =	vld [tilespmem:s18+$0xFFFFFC80]  }
0x227: {  	v0 =	vadd.f32 v27, v0;
	v27 =	vmul.f32 v62, v38;
	v38 =	vld [tilespmem:$0x1FF00]  }
0x228: {  	v23 =	vadd.f32 v28, v23;
	v62 =	vld [tilespmem:$0x1FF50]  }
0x229: {  	v31 =	vadd.f32 v30, v31;
	v30 =	vmul.f32 v54, v53;
	v53 =	vld [tilespmem:$0x1FF20];
	v27 =	vadd.f32 v2, v27  }
0x22a: {  	(xrf2) =	vadd.scan.msk.f32 $0xffff, v0;
	v28 =	vadd.f32 v5, v4;
	v5 =	vld [tilespmem:$0x1FF70]  }
0x22b: {  	(xrf2) =	vadd.scan.msk.f32 $0xffff, v23;
	v23 =	vmul.f32 v11, v8;
	v8 =	vld [tilespmem:$0x1FF90];
	v10 =	vadd.f32 v27, v31  }
0x22c: {  	v7 =	vadd.f32 v6, v30;
	v6 =	vld [tilespmem:$0x1FF80]  }
0x22d: {  	v27 =	vmul.f32 v38, v12;
	(xrf2) =	vadd.scan.msk.f32 $0xffff, v10;
	v10 =	vld [tilespmem:$0x1FFB0]  }
0x22e: {  	v28 =	vadd.f32 v7, v28;
	v54 =	vmul.f32 v53, v52;
	v53 =	vld [tilespmem:$0x1FFC0]  }
0x22f: {  	v0 =	vadd.f32 v27, v23;
	v23 =	vmul.f32 v56, v55;
	v55 =	vld [tilespmem:$0x1FFE0]  }
0x230: {  	(xrf2) =	vadd.scan.msk.f32 $0xffff, v28;
	v28 =	vadd.f32 v54, v51;
	v54 =	vld [tilespmem:$0x1FFD0]  }
0x231: {  	v30 =	vld [tilespmem:s18+$0xFFFFFC00];
	v45 =	vmul.f32 v39, v45;
	v46 =	vmul.f32 v41, v46  }
0x232: {  	v39 =	vld [tilespmem:s18+$0xFFFFFC90];
	v44 =	vmul.f32 v42, v44;
	v27 =	vmul.f32 v34, v61  }
0x233: {  	v41 =	vld [tilespmem:s18+$0xFFFFFCA0];
	v4 =	vmul.f32 v63, v62;
	v7 =	vmul.f32 v6, v5  }
0x234: {  	v42 =	vld [tilespmem:s17+$0xFFFFFCA0];
	v23 =	vadd.f32 v27, v23;
	v27 =	vmul.f32 v9, v8;
	v11 =	vmul.f32 v37, v10  }
0x235: {  	v31 =	vld [tilespmem:s18+$0xFFFFFC10];
	v28 =	vadd.f32 v28, v0;
	v56 =	vmul.f32 v60, v55;
	v0 =	vmul.f32 v54, v53  }
0x236: {  	v38 =	vld [tilespmem:s17+$0xFFFFFC80];
	v61 =	vmul.f32 v58, v59;
	v51 =	vadd.f32 v7, v4;
	v27 =	vadd.f32 v11, v27  }
0x237: {  	v34 =	vld [tilespmem:s17+$0xFFFFFC20];
	v60 =	vmul.f32 v40, v57;
	v55, _, _ =	vpop (xrf2);
	(xrf2) =	vadd.scan.msk.f32 $0xffff, v28;
	v28 =	vmul.f32 v47, v3;
	v53 =	vadd.f32 v56, v0  }
0x238: {  	v63 =	vadd.f32 v46, v61;
	v37 =	vld [tilespmem:s17+$0xFFFFFC30];
	v51 =	vadd.f32 v51, v23  }
0x239: {  	v40 =	vld [tilespmem:s17+$0xFFFFFC90];
	v23, _, _ =	vpop (xrf2);
	v45 =	vadd.f32 v45, v60;
	v62 =	vadd.f32 v53, v27  }
0x23a: {  	v47 =	vmul.f32 v48, v43;
	v43 =	vld [tilespmem:s18+$0xFFFFFCB0];
	(xrf2) =	vadd.scan.msk.f32 $0xffff, v51;
	v27, _, _ =	vpop (xrf2)  }
0x23b: {  	s19 =	simm.s32 $0x10;
	s20 =	simm.s32 $0x20;
	v48 =	vmul.f32 v50, v49;
	v46 =	vadd.f32 v44, v28;
	v44 =	vld [tilespmem:s17+$0xFFFFFCB0];
	v45 =	vadd.f32 v63, v45;
	v28, _, _ =	vpop (xrf2);
	(xrf2) =	vadd.scan.msk.f32 $0xffff, v62  }
.LBB2_4:
0x23c: {  	v63 =	vld [tilespmem:s17+$0xFFFFFE20]  }
0x23d: {  	v5 =	vld [tilespmem:s18+$0xFFFFFE30]  }
0x23e: {  	v8 =	vld [tilespmem:s17+$0xFFFFFFA0]  }
0x23f: {  	v11 =	vld [tilespmem:s18+$0xFFFFFFB0]  }
0x240: {  	v26 =	vld [tilespmem:s17+$0xFFFFFFB0]  }
0x241: {  	v22 =	vmul.f32 v24, v22;
	v24 =	vld [tilespmem:s17+$0x120]  }
0x242: {  	v12 =	vld [tilespmem:s18+$0x3A0]  }
0x243: {  	v50 =	vld [tilespmem:$0x1FE60]  }
0x244: {  	v51 =	vld [tilespmem:$0x1FE70]  }
0x245: {  	v52 =	vld [tilespmem:$0x1FE80]  }
0x246: {  	v56 =	vld [tilespmem:$0x1FE00]  }
0x247: {  	v57 =	vld [tilespmem:$0x1FE10]  }
0x248: {  	v58 =	vld [tilespmem:$0x1FE20];
	v29 =	vmul.f32 v29, v30  }
0x249: {  	(xrf2) =	vadd.scan.msk.f32 $0xffff, v45;
	v45 =	vld [tilespmem:$0x1FEB0];
	v30 =	vmul.f32 v32, v31;
	v31 =	vadd.f32 v48, v47;
	v33 =	vmul.f32 v34, v33  }
0x24a: {  	v4 =	vmul.f32 v37, v35;
	v7 =	vmul.f32 v40, v39;
	v40 =	vld [tilespmem:s18+$0x130]  }
0x24b: {  	v6 =	vmul.f32 v38, v36;
	v9 =	vmul.f32 v42, v41;
	v0 =	vadd.f32 v31, v46;
	v31 =	vld [tilespmem:s17+$0xFFFFFE30]  }
0x24c: {  	v10 =	vmul.f32 v44, v43;
	v18 =	vmul.f32 v19, v18;
	v19 =	vld [tilespmem:s17+$0x130]  }
0x24d: {  	v15 =	vmul.f32 v17, v15;
	v17 =	vld [tilespmem:s17+$0x2A0];
	v29 =	vadd.f32 v30, v29;
	v33 =	vadd.f32 v4, v33  }
0x24e: {  	v43 =	vld [tilespmem:$0x1FE90];
	v36 =	vadd.f32 v7, v6  }
0x24f: {  	v25 =	vmul.f32 v25, v13;
	v44 =	vld [tilespmem:$0x1FEA0];
	v39 =	vadd.f32 v10, v9;
	v37, _, _ =	vpop (xrf2);
	(xrf2) =	vadd.scan.msk.f32 $0xffff, v0;
	v29 =	vadd.f32 v33, v29  }
0x250: {  	v47 =	vld [tilespmem:$0x1FE40];
	v21 =	vmul.f32 v63, v21;
	v31 =	vmul.f32 v31, v5  }
0x251: {  	v46 =	vld [tilespmem:$0x1FEC0];
	v30, _, _ =	vpop (xrf2);
	(xrf2) =	vadd.scan.msk.f32 $0xffff, v29;
	v29 =	vadd.f32 v39, v36  }
0x252: {  	v48 =	vld [tilespmem:$0x1FE50];
	v1 =	vadd.f32 v22, v25;
	v21 =	vadd.f32 v31, v21  }
0x253: {  	v16 =	vmul.f32 v8, v16;
	v25 =	vmul.f32 v26, v11;
	v26 =	vld [tilespmem:s18+$0x2B0];
	v42, _, _ =	vpop (xrf2);
	(xrf2) =	vadd.scan.msk.f32 $0xffff, v29  }
0x254: {  	v13 =	vmul.f32 v43, v14;
	v14 =	vld [tilespmem:s17+$0x2B0];
	v21 =	vadd.f32 v21, v1  }
0x255: {  	v59 =	vld [tilespmem:$0x1FE30];
	v15 =	vadd.f32 v15, v18;
	v2 =	vadd.f32 v25, v16;
	v10 =	vmul.f32 v45, v44  }
0x256: {  	v9 =	vld [tilespmem:s18+$0x3B0];
	v18 =	vmul.f32 v19, v40;
	v22, _, _ =	vpop (xrf2);
	v11 =	vmul.f32 v24, v46;
	(xrf2) =	vadd.scan.msk.f32 $0xffff, v21  }
0x257: {  	v7 =	vld [tilespmem:s17+$0x3B0];
	v8 =	vmul.f32 v48, v47;
	v15 =	vadd.f32 v2, v15  }
0x258: {  	v19 =	vld [tilespmem:s17+$0x3A0];
	v6 =	vmul.f32 v17, v52;
	v10 =	vadd.f32 v10, v13;
	v49 =	vadd.f32 v18, v11  }
0x259: {  	v5 =	vmul.f32 v51, v50;
	v13 =	vmul.f32 v14, v26;
	v16, _, _ =	vpop (xrf2);
	(xrf2) =	vadd.scan.msk.f32 $0xffff, v15  }
0x25a: {  	v10 =	vadd.f32 v49, v10  }
0x25b: {  	v5 =	vadd.f32 v5, v8;
	v54 =	vadd.f32 v13, v6  }
0x25c: {  	v2 =	vmul.f32 v59, v58;
	v60 =	vmul.f32 v7, v9;
	v53, _, _ =	vpop (xrf2);
	(xrf2) =	vadd.scan.msk.f32 $0xffff, v10  }
0x25d: {  	v4 =	vmul.f32 v19, v12;
	v1 =	vmul.f32 v57, v56;
	v3 =	vadd.f32 v54, v5;
	v61, _, _ =	vpop (xrf2)  }
0x25e: {  	v62 =	vbroadcast v53, $0xF;
	v6 =	vbroadcast v61, $0xF  }
0x25f: {  	v32 =	vadd.f32 v60, v4;
	v1 =	vadd.f32 v2, v1;
	v63 =	vbroadcast v16, $0xF;
	(xrf2) =	vadd.scan.msk.f32 $0xffff, v3  }
0x260: {  	v35 =	vbroadcast v22, $0xF;
	v34 =	vsel vm0, v62, v6;
	v36, _, _ =	vpop (xrf2)  }
0x261: {  	v1 =	vadd.f32 v32, v1;
	v3 =	vsel vm1, v34, v63;
	v5 =	vbroadcast v36, $0xF  }
0x262: {  	v39 =	vbroadcast v42, $0xF;
	v38 =	vsel vm2, v3, v35  }
0x263: {  	v40 =	vmov s19;
	v41 =	vbroadcast v30, $0xF;
	v42, _, _ =	vpop (xrf2);
	(xrf2) =	vadd.scan.msk.f32 $0xffff, v1;
	v2 =	vsel vm3, v38, v5  }
0x264: {  	v4 =	vshll.u32 v40, $0x7;
	v44 =	vbroadcast v42, $0xF;
	v43 =	vsel vm4, v2, v39  }
0x265: {  	v46 =	vbroadcast v37, $0xF;
	v45 =	vor.u32 v20, v4;
	v1 =	vsel vm5, v43, v41  }
0x266: {  	v47 =	vbroadcast v28, $0xF;
	v48, _, _ =	vpop (xrf2);
	v1 =	vsel vm6, v1, v44  }
0x267: {  	v49 =	vbroadcast v48, $0xF;
	v1 =	vsel vm7, v1, v46  }
0x268: {  	v50 =	vbroadcast v27, $0xF;
	v1 =	vsel vm8, v1, v47  }
0x269: {  	v51 =	vbroadcast v23, $0xF;
	v52, _, _ =	vpop (xrf2);
	v1 =	vsel vm9, v1, v49  }
0x26a: {  	v3 =	vld.idx.msk [tilespmem:v45+s13+$0x0], $0xffff;
	v53 =	vbroadcast v52, $0xF;
	v1 =	vsel vm10, v1, v50  }
0x26b: {  	v54 =	vbroadcast v55, $0xF;
	v1 =	vsel vm11, v1, v51  }
0x26c: {  	v1 =	vsel vm12, v1, v53  }
0x26d: {  	v55, _, _ =	vpop (xrf2);
	v1 =	vsel vm13, v1, v54  }
0x26e: {  	v1 =	vsel vm14, v1, v55  }
0x26f: {  	v1 =	vadd.f32 v1, v3  }
0x270: {  	s16 =	sadd.s32 $0x10, s16  }
0x271: {  	s18 =	sadd.s32 $0x800, s18;
	[tilespmem:s16+$0x0] =	vst v1  }
0x272: {  	s17 =	sadd.s32 $0x800, s17;
	v56 =	vld [tilespmem:s18+$0x380]  }
0x273: {  	v57 =	vld [tilespmem:s17+$0x380]  }
0x274: {  	v58 =	vld [tilespmem:s18+$0x390]  }
0x275: {  	v59 =	vld [tilespmem:s17+$0x390]  }
0x276: {  	v60 =	vld [tilespmem:s18+$0x300]  }
0x277: {  	v61 =	vld [tilespmem:s17+$0x300]  }
0x278: {  	v62 =	vld [tilespmem:s18+$0x310]  }
0x279: {  	v24 =	vld [tilespmem:s17+$0x310]  }
0x27a: {  	v28 =	vld [tilespmem:s18+$0x320]  }
0x27b: {  	v25 =	vld [tilespmem:s17+$0x320]  }
0x27c: {  	v26 =	vld [tilespmem:s18+$0x330]  }
0x27d: {  	v29 =	vld [tilespmem:s17+$0x330]  }
0x27e: {  	v1 =	vld [tilespmem:s18+$0x280]  }
0x27f: {  	v63 =	vld [tilespmem:s17+$0x280]  }
0x280: {  	v4 =	vld [tilespmem:s18+$0x290]  }
0x281: {  	v5 =	vld [tilespmem:s17+$0x290]  }
0x282: {  	v6 =	vld [tilespmem:s18+$0x2A0]  }
0x283: {  	v7 =	vld [tilespmem:s18+$0x200]  }
0x284: {  	v30 =	vld [tilespmem:s17+$0x200]  }
0x285: {  	v0 =	vld [tilespmem:s18+$0x210]  }
0x286: {  	v31 =	vld [tilespmem:s17+$0x210]  }
0x287: {  	v8 =	vld [tilespmem:s18+$0x220]  }
0x288: {  	v36 =	vld [tilespmem:s17+$0x220]  }
0x289: {  	v43 =	vld [tilespmem:s18+$0x230]  }
0x28a: {  	v46 =	vld [tilespmem:s17+$0x230]  }
0x28b: {  	v9 =	vld [tilespmem:s18+$0x180]  }
0x28c: {  	v37 =	vld [tilespmem:s17+$0x180]  }
0x28d: {  	v33 =	vld [tilespmem:s18+$0x190]  }
0x28e: {  	v44 =	vld [tilespmem:s17+$0x190]  }
0x28f: {  	v35 =	vld [tilespmem:s18+$0x1A0]  }
0x290: {  	v45 =	vld [tilespmem:s17+$0x1A0]  }
0x291: {  	v34 =	vld [tilespmem:s18+$0x1B0]  }
0x292: {  	v48 =	vld [tilespmem:s17+$0x1B0]  }
0x293: {  	v10 =	vld [tilespmem:s18+$0x100]  }
0x294: {  	v11 =	vld [tilespmem:s17+$0x100]  }
0x295: {  	v32 =	vld [tilespmem:s18+$0x110]  }
0x296: {  	v38 =	vld [tilespmem:s17+$0x110]  }
0x297: {  	v39 =	vld [tilespmem:s18+$0x120]  }
0x298: {  	v49 =	vld [tilespmem:s18+$0x80]  }
0x299: {  	v51 =	vld [tilespmem:s17+$0x80]  }
0x29a: {  	v52 =	vld [tilespmem:s18+$0x90]  }
0x29b: {  	v55 =	vld [tilespmem:s17+$0x90]  }
0x29c: {  	v53 =	vld [tilespmem:s18+$0xA0]  }
0x29d: {  	v50 =	vld [tilespmem:s18+$0x0]  }
0x29e: {  	v54 =	vld [tilespmem:s17+$0x0]  }
0x29f: {  	v40 =	vld [tilespmem:s18+$0xFFFFFF80]  }
0x2a0: {  	v41 =	vld [tilespmem:s17+$0xFFFFFF80]  }
0x2a1: {  	v42 =	vld [tilespmem:s18+$0xFFFFFF90]  }
0x2a2: {  	v47 =	vld [tilespmem:s17+$0xFFFFFF90]  }
0x2a3: {  	v2 =	vld [tilespmem:s17+$0xFFFFFF00]  }
0x2a4: {  	v3 =	vld [tilespmem:s18+$0xFFFFFF10]  }
0x2a5: {  	v12 =	vld [tilespmem:s17+$0xFFFFFE90]  }
0x2a6: {  	v14 =	vld [tilespmem:s17+$0xFFFFFEA0]  }
0x2a7: {  	v15 =	vld [tilespmem:s18+$0xFFFFFEB0]  }
0x2a8: {  	v16 =	vld [tilespmem:s17+$0xFFFFFEB0]  }
0x2a9: {  	v13 =	vld [tilespmem:s18+$0xFFFFFE00]  }
0x2aa: {  	v17 =	vld [tilespmem:s18+$0xFFFFFD80]  }
0x2ab: {  	v18 =	vld [tilespmem:s17+$0xFFFFFD80]  }
0x2ac: {  	v19 =	vld [tilespmem:s18+$0xFFFFFD90]  }
0x2ad: {  	v21 =	vld [tilespmem:s17+$0xFFFFFD90]  }
0x2ae: {  	v20 =	vld [tilespmem:s18+$0xFFFFFDA0]  }
0x2af: {  	v22 =	vld [tilespmem:s17+$0xFFFFFDA0]  }
0x2b0: {  	[tilespmem:$0x1FE00] =	vst v56;
	v56 =	vld [tilespmem:s17+$0xA0]  }
0x2b1: {  	[tilespmem:$0x1FE10] =	vst v57;
	v57 =	vld [tilespmem:s18+$0xB0]  }
0x2b2: {  	[tilespmem:$0x1FE20] =	vst v58;
	v58 =	vld [tilespmem:s17+$0xB0]  }
0x2b3: {  	[tilespmem:$0x1FE30] =	vst v59;
	v59 =	vld [tilespmem:s18+$0x10]  }
0x2b4: {  	[tilespmem:$0x1FB80] =	vst v60;
	v60 =	vld [tilespmem:s17+$0x10]  }
0x2b5: {  	[tilespmem:$0x1FB90] =	vst v61;
	v61 =	vld [tilespmem:s18+$0x20]  }
0x2b6: {  	[tilespmem:$0x1FBA0] =	vst v62;
	v62 =	vld [tilespmem:s17+$0x20]  }
0x2b7: {  	[tilespmem:$0x1FE50] =	vst v63;
	v63 =	vld [tilespmem:s18+$0x30]  }
0x2b8: {  	[tilespmem:$0x1FEA0] =	vst v32;
	v32 =	vld [tilespmem:s17+$0x30]  }
0x2b9: {  	[tilespmem:$0x1FC00] =	vst v40;
	v40 =	vld [tilespmem:s18+$0xFFFFFFA0]  }
0x2ba: {  	[tilespmem:$0x1FE40] =	vst v1;
	v1 =	vld [tilespmem:s18+$0xFFFFFF00]  }
0x2bb: {  	[tilespmem:$0x1FE60] =	vst v4;
	v4 =	vld [tilespmem:s17+$0xFFFFFF10]  }
0x2bc: {  	[tilespmem:$0x1FEB0] =	vst v38;
	v38 =	vld [tilespmem:s18+$0xFFFFFF20]  }
0x2bd: {  	[tilespmem:$0x1FE80] =	vst v6;
	v6 =	vld [tilespmem:s17+$0xFFFFFF20]  }
0x2be: {  	[tilespmem:$0x1FBB0] =	vst v7;
	v7 =	vld [tilespmem:s18+$0xFFFFFF30]  }
0x2bf: {  	[tilespmem:$0x1FE70] =	vst v5;
	v5 =	vld [tilespmem:s17+$0xFFFFFF30]  }
0x2c0: {  	[tilespmem:$0x1FEC0] =	vst v39;
	v39 =	vld [tilespmem:s18+$0xFFFFFE80]  }
0x2c1: {  	[tilespmem:$0x1FBE0] =	vst v10;
	v10 =	vld [tilespmem:s17+$0xFFFFFE80]  }
0x2c2: {  	v23 =	vld [tilespmem:$0x1FB80]  }
0x2c3: {  	v27 =	vld [tilespmem:$0x1FB90]  }
0x2c4: {  	[tilespmem:$0x1FE90] =	vst v11;
	v11 =	vld [tilespmem:s18+$0xFFFFFE90]  }
0x2c5: {  	[tilespmem:$0x1FBD0] =	vst v9;
	v9 =	vld [tilespmem:s18+$0xFFFFFEA0]  }
0x2c6: {  	[tilespmem:$0x1FC10] =	vst v47;
	v47 =	vld [tilespmem:s17+$0xFFFFFE00]  }
0x2c7: {  	[tilespmem:$0x1FBF0] =	vst v42;
	v42 =	vld [tilespmem:s18+$0xFFFFFE10]  }
0x2c8: {  	v23 =	vmul.f32 v27, v23;
	v27 =	vld [tilespmem:$0x1FBA0]  }
0x2c9: {  	[tilespmem:$0x1FC20] =	vst v41;
	v41 =	vld [tilespmem:s17+$0xFFFFFE10]  }
0x2ca: {  	[tilespmem:$0x1FBC0] =	vst v8;
	v8 =	vld [tilespmem:s18+$0xFFFFFE20]  }
0x2cb: {  	v28 =	vmul.f32 v25, v28;
	v25 =	vld [tilespmem:s17+$0xFFFFFDB0]  }
0x2cc: {  	v29 =	vmul.f32 v29, v26;
	v26 =	vld [tilespmem:s18+$0xFFFFFD00]  }
0x2cd: {  	v33 =	vmul.f32 v44, v33;
	v44 =	vld [tilespmem:s18+$0xFFFFFD20];
	v27 =	vmul.f32 v24, v27  }
0x2ce: {  	v34 =	vmul.f32 v48, v34;
	v48 =	vld [tilespmem:s17+$0xFFFFFD30]  }
0x2cf: {  	v23 =	vadd.f32 v27, v23;
	v27 =	vld [tilespmem:$0x1FBB0]  }
0x2d0: {  	v28 =	vadd.f32 v29, v28;
	v29 =	vld [tilespmem:$0x1FBC0];
	v56 =	vmul.f32 v56, v53  }
0x2d1: {  	v57 =	vmul.f32 v58, v57;
	v63 =	vmul.f32 v32, v63;
	v32 =	vld [tilespmem:s17+$0xFFFFFC10]  }
0x2d2: {  	v58 =	vmul.f32 v54, v50;
	v53 =	vmul.f32 v14, v9;
	v14 =	vld [tilespmem:$0x1FBE0]  }
0x2d3: {  	v60 =	vmul.f32 v60, v59;
	v54 =	vmul.f32 v16, v15;
	v15 =	vld [tilespmem:$0x1FBF0]  }
0x2d4: {  	v16 =	vmov v40;
	v40 =	vld [tilespmem:s17+$0xFFFFFC90];
	v27 =	vmul.f32 v30, v27;
	v30 =	vmul.f32 v31, v0  }
0x2d5: {  	v1 =	vmul.f32 v2, v1;
	v59 =	vmul.f32 v22, v20;
	v20 =	vld [tilespmem:$0x1FFF0]  }
0x2d6: {  	v29 =	vmul.f32 v36, v29;
	v36 =	vmul.f32 v4, v3;
	v27 =	vadd.f32 v30, v27;
	v30 =	vld [tilespmem:$0x1FBD0]  }
0x2d7: {  	v22 =	vmov v42;
	v42 =	vld [tilespmem:s17+$0xFFFFFCA0]  }
0x2d8: {  	v1 =	vadd.f32 v36, v1;
	v36 =	vld [tilespmem:s18+$0xFFFFFC80]  }
0x2d9: {  	v24 =	vld [tilespmem:s18+$0xFFFFFDB0];
	v31 =	vmul.f32 v46, v43  }
0x2da: {  	v23 =	vadd.f32 v28, v23;
	v28 =	vld [tilespmem:s17+$0xFFFFFD10]  }
0x2db: {  	v0 =	vld [tilespmem:s17+$0xFFFFFD00];
	v29 =	vadd.f32 v31, v29;
	v30 =	vmul.f32 v37, v30  }
0x2dc: {  	v55 =	vmul.f32 v55, v52;
	v43 =	vld [tilespmem:s18+$0xFFFFFD10];
	v31 =	vmul.f32 v45, v35  }
0x2dd: {  	(xrf2) =	vadd.scan.msk.f32 $0xffff, v23;
	v46 =	vld [tilespmem:s18+$0xFFFFFD30];
	v27 =	vadd.f32 v29, v27;
	v23 =	vadd.f32 v33, v30;
	v30 =	vmul.f32 v51, v49  }
0x2de: {  	v45 =	vld [tilespmem:s17+$0xFFFFFD20];
	v31 =	vadd.f32 v34, v31  }
0x2df: {  	v35 =	vld [tilespmem:s18+$0xFFFFFC30];
	v34 =	vadd.f32 v57, v56;
	(xrf2) =	vadd.scan.msk.f32 $0xffff, v27;
	v27 =	vadd.f32 v55, v30  }
0x2e0: {  	v29 =	vld [tilespmem:s17+$0xFFFFFC00];
	v23 =	vadd.f32 v31, v23  }
0x2e1: {  	v62 =	vmul.f32 v62, v61;
	v57 =	vmul.f32 v18, v17;
	v18 =	vld [tilespmem:$0x1FC00];
	v27 =	vadd.f32 v34, v27  }
0x2e2: {  	v17 =	vld [tilespmem:$0x1FC10];
	(xrf2) =	vadd.scan.msk.f32 $0xffff, v23  }
0x2e3: {  	v37 =	vadd.f32 v63, v62;
	v62 =	vmul.f32 v28, v43;
	v43 =	vld [tilespmem:s18+$0xFFFFFCB0];
	(xrf2) =	vadd.scan.msk.f32 $0xffff, v27  }
0x2e4: {  	v33 =	vld [tilespmem:s18+$0xFFFFFC20]  }
0x2e5: {  	v5 =	vmul.f32 v5, v7;
	v49 =	vmul.f32 v6, v38;
	v38 =	vld [tilespmem:s17+$0xFFFFFC80]  }
0x2e6: {  	v52 =	vmul.f32 v12, v11;
	v51 =	vmul.f32 v10, v39;
	v39 =	vld [tilespmem:s18+$0xFFFFFC90]  }
0x2e7: {  	v30 =	vld [tilespmem:s18+$0xFFFFFC00];
	v4 =	vadd.f32 v5, v49;
	v23 =	vadd.f32 v60, v58  }
0x2e8: {  	p0 =	sne.s32 s20, $0xF0;
	v31 =	vld [tilespmem:s18+$0xFFFFFC10];
	v56 =	vadd.f32 v52, v51;
	v5 =	vadd.f32 v54, v53  }
.Ltmp1:
0x2e9: {  	v34 =	vld [tilespmem:s17+$0xFFFFFC20];
	v58 =	vmul.f32 v21, v19;
	v60 =	vmul.f32 v25, v24;
	v50 =	vadd.f32 v37, v23;
	(pc) =	sbr.rel @p0 .LBB2_4-.Ltmp1, $4  }
0x2ea: {  	v0 =	vmul.f32 v0, v26;
	v55, _, _ =	vpop (xrf2);
	v1 =	vadd.f32 v4, v1;
	v19 =	vld [tilespmem:$0x1FC20];
	v2 =	vadd.f32 v5, v56  }
0x2eb: {  	v24 =	vmov v41;
	v41 =	vld [tilespmem:s18+$0xFFFFFCA0];
	v61 =	vadd.f32 v58, v57;
	v63 =	vadd.f32 v60, v59;
	(xrf2) =	vadd.scan.msk.f32 $0xffff, v50;
	v23, _, _ =	vpop (xrf2)  }
0x2ec: {  	v48 =	vmul.f32 v48, v46;
	v25 =	vmov v47;
	v47 =	vmul.f32 v45, v44;
	v44 =	vld [tilespmem:s17+$0xFFFFFCB0];
	(xrf2) =	vadd.scan.msk.f32 $0xffff, v1;
	v27, _, _ =	vpop (xrf2)  }
0x2ed: {  	s19 =	smov.u32 s20;
	s20 =	sadd.s32 $0x10, s20;
	v46 =	vadd.f32 v62, v0;
	v21 =	vmov v8;
	v37 =	vld [tilespmem:s17+$0xFFFFFC30];
	v45 =	vadd.f32 v63, v61;
	(xrf2) =	vadd.scan.msk.f32 $0xffff, v2;
	v28, _, _ =	vpop (xrf2)  }
0x2ee: {  	v0 =	vld [tilespmem:s17+$0xFFFFFE20]  }
0x2ef: {  	v3 =	vld [tilespmem:s18+$0xFFFFFE30]  }
0x2f0: {  	v6 =	vld [tilespmem:s17+$0xFFFFFE30]  }
0x2f1: {  	v10 =	vld [tilespmem:s17+$0xFFFFFFA0]  }
0x2f2: {  	v12 =	vld [tilespmem:s18+$0xFFFFFFB0]  }
0x2f3: {  	v9 =	vmul.f32 v40, v39;
	v39 =	vld [tilespmem:s17+$0xFFFFFFB0]  }
0x2f4: {  	v7 =	vadd.f32 v48, v47;
	v47 =	vld [tilespmem:s17+$0x2A0]  }
0x2f5: {  	v50 =	vld [tilespmem:s18+$0x2B0]  }
0x2f6: {  	v51 =	vld [tilespmem:$0x1FE90]  }
0x2f7: {  	v52 =	vld [tilespmem:s17+$0x2B0]  }
0x2f8: {  	v54 =	vld [tilespmem:$0x1FEA0]  }
0x2f9: {  	v56 =	vld [tilespmem:$0x1FEB0]  }
0x2fa: {  	v57 =	vld [tilespmem:s18+$0x3A0]  }
0x2fb: {  	v58 =	vld [tilespmem:$0x1FEC0]  }
0x2fc: {  	v1 =	vmul.f32 v29, v30;
	v59 =	vld [tilespmem:s17+$0x3A0]  }
0x2fd: {  	v2 =	vmul.f32 v32, v31;
	v4 =	vmul.f32 v34, v33;
	v61 =	vld [tilespmem:$0x1FE40]  }
0x2fe: {  	v8 =	vmul.f32 v38, v36;
	v62 =	vld [tilespmem:$0x1FE50];
	v5 =	vmul.f32 v37, v35  }
0x2ff: {  	v63 =	vld [tilespmem:s18+$0x3B0];
	v1 =	vadd.f32 v2, v1;
	v11 =	vmul.f32 v44, v43;
	v37 =	vmul.f32 v42, v41  }
0x300: {  	v38 =	vmul.f32 v25, v13;
	v25 =	vld [tilespmem:$0x1FE60];
	v7 =	vadd.f32 v7, v46;
	v4 =	vadd.f32 v5, v4  }
0x301: {  	v40 =	vmul.f32 v24, v22;
	v8 =	vadd.f32 v9, v8;
	v44 =	vld [tilespmem:s17+$0x130];
	v2 =	vadd.f32 v11, v37  }
0x302: {  	(xrf2) =	vadd.scan.msk.f32 $0xffff, v45;
	v41 =	vld [tilespmem:s17+$0x120];
	v0 =	vmul.f32 v0, v21;
	v3 =	vmul.f32 v6, v3;
	v1 =	vadd.f32 v4, v1  }
0x303: {  	v45 =	vadd.f32 v40, v38;
	v42 =	vld [tilespmem:s18+$0x130];
	(xrf2) =	vadd.scan.msk.f32 $0xffff, v7;
	v2 =	vadd.f32 v2, v8  }
0x304: {  	v26 =	vld [tilespmem:$0x1FE70];
	v46 =	vmul.f32 v17, v15;
	v43 =	vmul.f32 v19, v18;
	v0 =	vadd.f32 v3, v0;
	(xrf2) =	vadd.scan.msk.f32 $0xffff, v1  }
0x305: {  	v31 =	vld [tilespmem:$0x1FE80];
	v48 =	vmul.f32 v10, v16;
	v49 =	vmul.f32 v39, v12;
	(xrf2) =	vadd.scan.msk.f32 $0xffff, v2  }
0x306: {  	v29 =	vld [tilespmem:s17+$0x3B0];
	v3 =	vadd.f32 v46, v43;
	v0 =	vadd.f32 v0, v45  }
0x307: {  	v36 =	vld [tilespmem:$0x1FE10];
	v53 =	vadd.f32 v49, v48;
	v8 =	vmul.f32 v56, v54;
	v11 =	vmul.f32 v41, v58  }
0x308: {  	v38 =	vld [tilespmem:$0x1FE30];
	v4 =	vmul.f32 v44, v42;
	v1 =	vmul.f32 v51, v14;
	(xrf2) =	vadd.scan.msk.f32 $0xffff, v0  }
0x309: {  	v35 =	vld [tilespmem:$0x1FE00];
	v6 =	vmul.f32 v62, v61;
	v60, _, _ =	vpop (xrf2);
	v3 =	vadd.f32 v53, v3  }
0x30a: {  	v5 =	vmul.f32 v47, v31;
	v37 =	vld [tilespmem:$0x1FE20];
	v24, _, _ =	vpop (xrf2);
	v4 =	vadd.f32 v4, v11;
	v1 =	vadd.f32 v8, v1  }
0x30b: {  	v30, _, _ =	vpop (xrf2);
	v2 =	vmul.f32 v52, v50;
	v8 =	vmul.f32 v26, v25;
	(xrf2) =	vadd.scan.msk.f32 $0xffff, v3  }
0x30c: {  	v32, _, _ =	vpop (xrf2);
	v1 =	vadd.f32 v4, v1  }
0x30d: {  	v2 =	vadd.f32 v2, v5;
	v33, _, _ =	vpop (xrf2);
	v6 =	vadd.f32 v8, v6  }
0x30e: {  	v40 =	vmul.f32 v59, v57;
	v41 =	vmul.f32 v29, v63;
	(xrf2) =	vadd.scan.msk.f32 $0xffff, v1;
	v34, _, _ =	vpop (xrf2)  }
0x30f: {  	v10 =	vmul.f32 v38, v37;
	v8 =	vmul.f32 v36, v35;
	v39 =	vadd.f32 v2, v6;
	v42, _, _ =	vpop (xrf2)  }
0x310: {  	v5 =	vbroadcast v34, $0xF;
	v7 =	vbroadcast v42, $0xF  }
0x311: {  	v4 =	vbroadcast v33, $0xF;
	v8 =	vadd.f32 v10, v8;
	v2 =	vadd.f32 v41, v40;
	(xrf2) =	vadd.scan.msk.f32 $0xffff, v39  }
0x312: {  	v3 =	vbroadcast v32, $0xF;
	v44, _, _ =	vpop (xrf2);
	v43 =	vsel vm0, v5, v7  }
0x313: {  	v2 =	vadd.f32 v2, v8;
	v45 =	vbroadcast v44, $0xF;
	v1 =	vsel vm1, v43, v4  }
0x314: {  	v46 =	vbroadcast v30, $0xF;
	v1 =	vsel vm2, v1, v3  }
0x315: {  	v47 =	vmov s19;
	v48 =	vbroadcast v24, $0xF;
	v49, _, _ =	vpop (xrf2);
	(xrf2) =	vadd.scan.msk.f32 $0xffff, v2;
	v1 =	vsel vm3, v1, v45  }
0x316: {  	v50 =	vshll.u32 v47, $0x7;
	v51 =	vbroadcast v49, $0xF;
	v1 =	vsel vm4, v1, v46  }
0x317: {  	v0 =	vbroadcast v60, $0xF;
	v2 =	vor.u32 v20, v50;
	v1 =	vsel vm5, v1, v48  }
0x318: {  	v52 =	vbroadcast v28, $0xF;
	v53, _, _ =	vpop (xrf2);
	v1 =	vsel vm6, v1, v51  }
0x319: {  	v54 =	vbroadcast v53, $0xF;
	v0 =	vsel vm7, v1, v0  }
0x31a: {  	v56 =	vbroadcast v27, $0xF;
	v0 =	vsel vm8, v0, v52  }
0x31b: {  	v57 =	vbroadcast v23, $0xF;
	v58, _, _ =	vpop (xrf2);
	v0 =	vsel vm9, v0, v54  }
0x31c: {  	v2 =	vld.idx.msk [tilespmem:v2+s13+$0x0], $0xffff;
	v59 =	vbroadcast v58, $0xF;
	v0 =	vsel vm10, v0, v56  }
0x31d: {  	v60 =	vbroadcast v55, $0xF;
	v0 =	vsel vm11, v0, v57  }
0x31e: {  	v0 =	vsel vm12, v0, v59  }
0x31f: {  	v61, _, _ =	vpop (xrf2);
	v0 =	vsel vm13, v0, v60  }
0x320: {  	v0 =	vsel vm14, v0, v61  }
0x321: {  	v0 =	vadd.f32 v0, v2  }
0x322: {  	s0 =	sadd.s32 $0x10, s16  }
0x323: {  	s8 =	simm.s32 $0x100;
	[tilespmem:s0+$0x0] =	vst v0  }
0x324: {  	s2 =	simm.s32 $0x300;
	v0 =	vld [tilespmem:s8+$0x0]  }
0x325: {  	v62 =	vld [tilespmem:s2+$0x0];
	_ =	sdelay $0x3  }
0x326: {  	v63 =	vshll.u32 v0, $0x4  }
0x327: {  	v1 =	vshll.u32 v62, $0x4;
	(v2sf) =	vpush v63, $0x0  }
0x328: {  	(v2sf) =	vpush v1, $0x0;
	_ =	sdelay $0x2  }
0x329: {  	(v2sf) =	vpush v63, $0x1  }
0x32a: {  	(v2sf) =	vpush v1, $0x1  }
0x32b: {  	(v2sf) =	vpush v63, $0x2;
	_ =	sdelay $0x1  }
0x32c: {  	(v2sf) =	vpush v1, $0x2;
	_ =	sdelay $0x1  }
0x32d: {  	(v2sf) =	vpush v63, $0x3;
	_ =	sdelay $0x1  }
0x32e: {  	s16 =	simm.s32 $0x2000  }
0x32f: {  	s6 =	simm.s32 $0x400;
	s11 =	simm.s32 $0x10400;
	s21 =	simm.s32 $0x8480  }
0x330: {  	s23 =	simm.s32 $0x10480;
	s24 =	simm.s32 $0x500;
	s29 =	simm.s32 $0x8500  }
0x331: {  	s17 =	simm.s32 $0x0;
	s19 =	simm.s32 $0x480;
	s9 =	spop (v2sf)  }
0x332: {  	s0 =	simm.s32 $0x580;
	s2 =	sand.u32 $0x1FFFFFF0, s9;
	s7 =	spop (v2sf)  }
0x333: {  	s8 =	simm.s32 $0x8400;
	s2 =	sadd.s32 s3, s2;
	s7 =	sand.u32 $0x1FFFFFF0, s7  }
0x334: {  	(v2sf) =	vpush v1, $0x3;
	[tilespmem:s6], [sflag:$0x1] =	stream.linear.gather [hbm4b:s2+s1], $0x80, $0x38;
	[tilespmem:$0x18600] =	vst v63  }
0x335: {  	s9 =	spop (v2sf);
	s10 =	sadd.s32 s4, s7;
	s12 =	sadd.s32 s5, s7  }
0x336: {  	(v2sf) =	vpush v63, $0x4;
	s14 =	sand.u32 $0x1FFFFFF0, s9;
	s18 =	spop (v2sf);
	s2 =	simm.s32 $0x600  }
0x337: {  	(v2sf) =	vpush v1, $0x4;
	s9 =	simm.s32 $0x10680;
	s20 =	sand.u32 $0x1FFFFFF0, s18;
	s22 =	spop (v2sf)  }
0x338: {  	[tilespmem:s8], [sflag:$0x1] =	stream.linear.gather [hbm4b:s10+s1], $0x80, $0x38;
	[tilespmem:$0x18600] =	vst v63  }
0x339: {  	s7 =	sadd.s32 s3, s14;
	(v2sf) =	vpush v63, $0x5;
	s14 =	simm.s32 $0x8580;
	s25 =	spop (v2sf)  }
0x33a: {  	[tilespmem:s11], [sflag:$0x2] =	stream.linear.gather [hbm4b:s12+s1], $0x80, $0x38;
	[tilespmem:$0x18600] =	vst v63  }
0x33b: {  	s8 =	sadd.s32 s4, s20;
	s6 =	sadd.s32 s5, s20;
	(v2sf) =	vpush v1, $0x5;
	s26 =	spop (v2sf)  }
0x33c: {  	[tilespmem:s19], [sflag:$0x1] =	stream.linear.gather [hbm4b:s7+s1], $0x80, $0x38;
	[tilespmem:$0x18600] =	vst v63  }
0x33d: {  	s10 =	simm.s32 $0x10500;
	s20 =	simm.s32 $0x10580;
	(v2sf) =	vpush v63, $0x6;
	s28 =	sand.u32 $0x1FFFFFF0, s26  }
0x33e: {  	[tilespmem:s21], [sflag:$0x1] =	stream.linear.gather [hbm4b:s8+s1], $0x80, $0x38;
	[tilespmem:$0x18600] =	vst v63  }
0x33f: {  	s26 =	simm.s32 $0x680;
	s7 =	sand.u32 $0x1FFFFFF0, s22;
	s8 =	sand.u32 $0x1FFFFFF0, s25  }
0x340: {  	[tilespmem:s23], [sflag:$0x2] =	stream.linear.gather [hbm4b:s6+s1], $0x80, $0x38;
	[tilespmem:$0x18600] =	vst v63  }
0x341: {  	s7 =	sadd.s32 s3, s7;
	s21 =	simm.s32 $0x10600;
	s30 =	sadd.s32 s4, s8  }
0x342: {  	[tilespmem:s24], [sflag:$0x1] =	stream.linear.gather [hbm4b:s7+s1], $0x80, $0x38;
	[tilespmem:$0x18600] =	vst v63  }
0x343: {  	s8 =	sadd.s32 s5, s8;
	s6 =	sadd.s32 s3, s28;
	s31 =	spop (v2sf)  }
0x344: {  	[tilespmem:s29], [sflag:$0x1] =	stream.linear.gather [hbm4b:s30+s1], $0x80, $0x38;
	[tilespmem:$0x18600] =	vst v63  }
0x345: {  	s23 =	simm.s32 $0x8600;
	s28 =	simm.s32 $0x10700;
	(v2sf) =	vpush v1, $0x6;
	s11 =	spop (v2sf)  }
0x346: {  	s7 =	sand.u32 $0x1FFFFFF0, s31;
	(v2sf) =	vpush v63, $0x7;
	s29 =	simm.s32 $0x8680;
	s19 =	spop (v2sf)  }
0x347: {  	[tilespmem:s10], [sflag:$0x2] =	stream.linear.gather [hbm4b:s8+s1], $0x80, $0x38;
	[tilespmem:$0x18600] =	vst v63  }
0x348: {  	s31 =	simm.s32 $0x10780;
	s12 =	sand.u32 $0x1FFFFFF0, s11;
	(v2sf) =	vpush v1, $0x7;
	s22 =	spop (v2sf)  }
0x349: {  	[tilespmem:s0], [sflag:$0x1] =	stream.linear.gather [hbm4b:s6+s1], $0x80, $0x38;
	[tilespmem:$0x18600] =	vst v63  }
0x34a: {  	s18 =	sadd.s32 s4, s7;
	s7 =	sadd.s32 s5, s7;
	(v2sf) =	vpush v63, $0x8;
	s25 =	spop (v2sf)  }
0x34b: {  	[tilespmem:s14], [sflag:$0x1] =	stream.linear.gather [hbm4b:s18+s1], $0x80, $0x38;
	[tilespmem:$0x18600] =	vst v63  }
0x34c: {  	(v2sf) =	vpush v1, $0x8;
	s6 =	sand.u32 $0x1FFFFFF0, s19;
	s0 =	sadd.s32 s3, s12;
	s10 =	spop (v2sf)  }
0x34d: {  	[tilespmem:s20], [sflag:$0x2] =	stream.linear.gather [hbm4b:s7+s1], $0x80, $0x38;
	[tilespmem:$0x18600] =	vst v63  }
0x34e: {  	s19 =	simm.s32 $0x8700;
	s24 =	sadd.s32 s4, s6;
	s8 =	sand.u32 $0x1FFFFFF0, s10  }
0x34f: {  	[tilespmem:s2], [sflag:$0x1] =	stream.linear.gather [hbm4b:s0+s1], $0x80, $0x38;
	[tilespmem:$0x18600] =	vst v63  }
0x350: {  	s6 =	sadd.s32 s5, s6;
	s14 =	simm.s32 $0x700;
	s8 =	sadd.s32 s3, s8  }
0x351: {  	[tilespmem:s23], [sflag:$0x1] =	stream.linear.gather [hbm4b:s24+s1], $0x80, $0x38;
	[tilespmem:$0x18600] =	vst v63  }
0x352: {  	s0 =	sand.u32 $0x1FFFFFF0, s22;
	s2 =	sand.u32 $0x1FFFFFF0, s25;
	s22 =	simm.s32 $0x780  }
0x353: {  	[tilespmem:s21], [sflag:$0x2] =	stream.linear.gather [hbm4b:s6+s1], $0x80, $0x38;
	[tilespmem:$0x18600] =	vst v63  }
0x354: {  	(v2sf) =	vpush v63, $0x9;
	s0 =	sadd.s32 s3, s0;
	s30 =	sadd.s32 s4, s2;
	s11 =	spop (v2sf)  }
0x355: {  	s2 =	sadd.s32 s5, s2;
	s24 =	simm.s32 $0x8780;
	s18 =	spop (v2sf)  }
0x356: {  	(v2sf) =	vpush v1, $0x9;
	[tilespmem:s26], [sflag:$0x1] =	stream.linear.gather [hbm4b:s0+s1], $0x80, $0x38;
	[tilespmem:$0x18600] =	vst v63  }
0x357: {  	s12 =	sand.u32 $0x1FFFFFF0, s11;
	s7 =	sand.u32 $0x1FFFFFF0, s18;
	s20 =	spop (v2sf)  }
0x358: {  	[tilespmem:s29], [sflag:$0x1] =	stream.linear.gather [hbm4b:s30+s1], $0x80, $0x38;
	[tilespmem:$0x18600] =	vst v63  }
0x359: {  	s18 =	simm.s32 $0x8880;
	s21 =	sand.u32 $0x1FFFFFF0, s20;
	s23 =	spop (v2sf)  }
0x35a: {  	(v2sf) =	vpush v63, $0xA;
	[tilespmem:s9], [sflag:$0x2] =	stream.linear.gather [hbm4b:s2+s1], $0x80, $0x38;
	[tilespmem:$0x18600] =	vst v63  }
0x35b: {  	s7 =	sadd.s32 s3, s7;
	s25 =	spop (v2sf);
	s0 =	sadd.s32 s5, s21  }
0x35c: {  	(v2sf) =	vpush v1, $0xA;
	[tilespmem:s14], [sflag:$0x1] =	stream.linear.gather [hbm4b:s8+s1], $0x80, $0x38;
	[tilespmem:$0x18600] =	vst v63  }
0x35d: {  	s29 =	simm.s32 $0x10800;
	s26 =	sand.u32 $0x1FFFFFF0, s25;
	s9 =	sadd.s32 s4, s12  }
0x35e: {  	(v2sf) =	vpush v63, $0xB;
	[tilespmem:s19], [sflag:$0x1] =	stream.linear.gather [hbm4b:s9+s1], $0x80, $0x38;
	[tilespmem:$0x18600] =	vst v63  }
0x35f: {  	s30 =	simm.s32 $0x8800;
	s2 =	sadd.s32 s5, s12;
	s6 =	sadd.s32 s5, s26  }
0x360: {  	(v2sf) =	vpush v1, $0xB;
	[tilespmem:s28], [sflag:$0x2] =	stream.linear.gather [hbm4b:s2+s1], $0x80, $0x38;
	[tilespmem:$0x18600] =	vst v63  }
0x361: {  	s12 =	simm.s32 $0x880;
	s8 =	sadd.s32 s4, s21;
	s21 =	simm.s32 $0x900  }
0x362: {  	[tilespmem:s22], [sflag:$0x1] =	stream.linear.gather [hbm4b:s7+s1], $0x80, $0x38;
	[tilespmem:$0x18600] =	vst v63  }
0x363: {  	s9 =	spop (v2sf);
	s2 =	sand.u32 $0x1FFFFFF0, s23;
	s28 =	simm.s32 $0x800  }
0x364: {  	(v2sf) =	vpush v63, $0xC;
	[tilespmem:s24], [sflag:$0x1] =	stream.linear.gather [hbm4b:s8+s1], $0x80, $0x38;
	[tilespmem:$0x18600] =	vst v63  }
0x365: {  	s23 =	simm.s32 $0x8900;
	s2 =	sadd.s32 s3, s2;
	s10 =	spop (v2sf)  }
0x366: {  	[tilespmem:s31], [sflag:$0x2] =	stream.linear.gather [hbm4b:s0+s1], $0x80, $0x38;
	[tilespmem:$0x18600] =	vst v63  }
0x367: {  	s7 =	sadd.s32 s4, s26;
	s8 =	sand.u32 $0x1FFFFFF0, s9;
	s11 =	sand.u32 $0x1FFFFFF0, s10  }
0x368: {  	(v2sf) =	vpush v1, $0xC;
	[tilespmem:s28], [sflag:$0x1] =	stream.linear.gather [hbm4b:s2+s1], $0x80, $0x38;
	[tilespmem:$0x18600] =	vst v63  }
0x369: {  	s14 =	spop (v2sf);
	s24 =	simm.s32 $0x10900;
	s10 =	simm.s32 $0x10980  }
0x36a: {  	(v2sf) =	vpush v63, $0xD;
	[tilespmem:s30], [sflag:$0x1] =	stream.linear.gather [hbm4b:s7+s1], $0x80, $0x38;
	[tilespmem:$0x18600] =	vst v63  }
0x36b: {  	s8 =	sadd.s32 s3, s8;
	s9 =	sadd.s32 s4, s11;
	s19 =	spop (v2sf)  }
0x36c: {  	[tilespmem:s29], [sflag:$0x2] =	stream.linear.gather [hbm4b:s6+s1], $0x80, $0x38;
	[tilespmem:$0x18600] =	vst v63  }
0x36d: {  	s0 =	simm.s32 $0x10A00;
	s31 =	simm.s32 $0x10880;
	s22 =	spop (v2sf)  }
0x36e: {  	(v2sf) =	vpush v1, $0xD;
	[tilespmem:s12], [sflag:$0x1] =	stream.linear.gather [hbm4b:s8+s1], $0x80, $0x38;
	[tilespmem:$0x18600] =	vst v63  }
0x36f: {  	s20 =	sand.u32 $0x1FFFFFF0, s19;
	s25 =	spop (v2sf);
	s2 =	sadd.s32 s5, s11  }
0x370: {  	[tilespmem:s18], [sflag:$0x1] =	stream.linear.gather [hbm4b:s9+s1], $0x80, $0x38;
	[tilespmem:$0x18600] =	vst v63  }
0x371: {  	s28 =	simm.s32 $0x980;
	s11 =	simm.s32 $0xA00;
	s6 =	sand.u32 $0x1FFFFFF0, s14  }
0x372: {  	(v2sf) =	vpush v63, $0xE;
	[tilespmem:s31], [sflag:$0x2] =	stream.linear.gather [hbm4b:s2+s1], $0x80, $0x38;
	[tilespmem:$0x18600] =	vst v63  }
0x373: {  	s7 =	simm.s32 $0x8A80;
	s6 =	sadd.s32 s3, s6;
	s26 =	spop (v2sf)  }
0x374: {  	(v2sf) =	vpush v1, $0xE;
	[tilespmem:s21], [sflag:$0x1] =	stream.linear.gather [hbm4b:s6+s1], $0x80, $0x38;
	[tilespmem:$0x18600] =	vst v63  }
0x375: {  	s29 =	simm.s32 $0x8980;
	s8 =	sadd.s32 s4, s20;
	s12 =	simm.s32 $0x8A00  }
0x376: {  	[tilespmem:s23], [sflag:$0x1] =	stream.linear.gather [hbm4b:s8+s1], $0x80, $0x38;
	[tilespmem:$0x18600] =	vst v63  }
0x377: {  	s2 =	sadd.s32 s5, s20;
	s31 =	spop (v2sf);
	s6 =	sand.u32 $0x1FFFFFF0, s22  }
0x378: {  	[tilespmem:s24], [sflag:$0x2] =	stream.linear.gather [hbm4b:s2+s1], $0x80, $0x38;
	[tilespmem:$0x18600] =	vst v63  }
0x379: {  	s9 =	sand.u32 $0x1FFFFFF0, s25;
	s14 =	spop (v2sf);
	s6 =	sadd.s32 s3, s6  }
0x37a: {  	(v2sf) =	vpush v63, $0xF;
	[tilespmem:s28], [sflag:$0x1] =	stream.linear.gather [hbm4b:s6+s1], $0x80, $0x38;
	[tilespmem:$0x18600] =	vst v63  }
0x37b: {  	s30 =	sadd.s32 s4, s9;
	s9 =	sadd.s32 s5, s9;
	s19 =	sand.u32 $0x1FFFFFF0, s14  }
0x37c: {  	[tilespmem:s29], [sflag:$0x1] =	stream.linear.gather [hbm4b:s30+s1], $0x80, $0x38;
	[tilespmem:$0x18600] =	vst v63  }
0x37d: {  	s20 =	spop (v2sf);
	s22 =	simm.s32 $0xA80;
	s2 =	sand.u32 $0x1FFFFFF0, s26  }
0x37e: {  	(v2sf) =	vpush v1, $0xF;
	[tilespmem:s10], [sflag:$0x2] =	stream.linear.gather [hbm4b:s9+s1], $0x80, $0x38;
	[tilespmem:$0x18600] =	vst v63  }
0x37f: {  	s21 =	sand.u32 $0x1FFFFFF0, s20;
	s2 =	sadd.s32 s3, s2;
	s6 =	sand.u32 $0x1FFFFFF0, s31  }
0x380: {  	[tilespmem:s11], [sflag:$0x1] =	stream.linear.gather [hbm4b:s2+s1], $0x80, $0x38;
	[tilespmem:$0x18600] =	vst v63  }
0x381: {  	s23 =	simm.s32 $0x10A80;
	s24 =	spop (v2sf);
	s18 =	sadd.s32 s4, s6  }
0x382: {  	[tilespmem:s12], [sflag:$0x1] =	stream.linear.gather [hbm4b:s18+s1], $0x80, $0x38;
	[tilespmem:$0x18600] =	vst v63  }
0x383: {  	s8 =	sadd.s32 s4, s21;
	s6 =	sadd.s32 s5, s6;
	s25 =	spop (v2sf)  }
0x384: {  	[tilespmem:s0], [sflag:$0x2] =	stream.linear.gather [hbm4b:s6+s1], $0x80, $0x38;
	[tilespmem:$0x18600] =	vst v63  }
0x385: {  	s26 =	simm.s32 $0xB00;
	s28 =	sand.u32 $0x1FFFFFF0, s25;
	s2 =	sadd.s32 s3, s19  }
0x386: {  	[tilespmem:s22], [sflag:$0x1] =	stream.linear.gather [hbm4b:s2+s1], $0x80, $0x38;
	[tilespmem:$0x18600] =	vst v63  }
0x387: {  	s29 =	simm.s32 $0x8B00;
	s30 =	sadd.s32 s4, s28;
	s19 =	simm.s32 $0x310  }
0x388: {  	[tilespmem:s7], [sflag:$0x1] =	stream.linear.gather [hbm4b:s8+s1], $0x80, $0x38;
	[tilespmem:$0x18600] =	vst v63  }
0x389: {  	s31 =	spop (v2sf);
	s6 =	sand.u32 $0x1FFFFFF0, s24;
	s0 =	sadd.s32 s5, s21  }
0x38a: {  	[tilespmem:s23], [sflag:$0x2] =	stream.linear.gather [hbm4b:s0+s1], $0x80, $0x38;
	[tilespmem:$0x18600] =	vst v63  }
0x38b: {  	s18 =	simm.s32 $0x110;
	s21 =	simm.s32 $0x10B00;
	s6 =	sadd.s32 s3, s6  }
0x38c: {  	[tilespmem:s26], [sflag:$0x1] =	stream.linear.gather [hbm4b:s6+s1], $0x80, $0x38;
	[tilespmem:$0x18600] =	vst v63  }
0x38d: {  	s2 =	sand.u32 $0x1FFFFFF0, s31;
	s22 =	spop (v2sf);
	s0 =	sadd.s32 s5, s28  }
0x38e: {  	[tilespmem:s29], [sflag:$0x1] =	stream.linear.gather [hbm4b:s30+s1], $0x80, $0x38;
	[tilespmem:$0x18600] =	vst v63  }
.LBB2_6:
0x38f: {  	s6 =	sadd.s32 $0xB80, s17  }
0x390: {  	s2 =	sadd.s32 s3, s2;
	s7 =	sand.u32 $0x1FFFFFF0, s22;
	s8 =	smov.u32 s16  }
0x391: {  	[tilespmem:s21], [sflag:$0x2] =	stream.linear.gather [hbm4b:s0+s1], $0x80, $0x38;
	[tilespmem:$0x18600] =	vst v63  }
0x392: {  	p0 =	sne.s32 s16, $0x1E000;
	s0 =	sadd.s32 $0x8B80, s17;
	s9 =	sadd.s32 s4, s7  }
0x393: {  	[tilespmem:s6], [sflag:$0x1] =	stream.linear.gather [hbm4b:s2+s1], $0x80, $0x38;
	[tilespmem:$0x18600] =	vst v63  }
0x394: {  	s16 =	sadd.s32 $0x2000, s16;
	s2 =	sadd.s32 $0x10B80, s17;
	s6 =	sadd.s32 s5, s7  }
0x395: {  	[tilespmem:s0], [sflag:$0x1] =	stream.linear.gather [hbm4b:s9+s1], $0x80, $0x38;
	[tilespmem:$0x18600] =	vst v63  }
0x396: {  	_ = 	snop  }
0x397: {  	[tilespmem:s2], [sflag:$0x2] =	stream.linear.gather [hbm4b:s6+s1], $0x80, $0x38;
	[tilespmem:$0x18600] =	vst v63  }
0x398: {  	v0 =	vld [tilespmem:s18+$0x0]  }
0x399: {  	v1 =	vld [tilespmem:s19+$0x0];
	_ =	sdelay $0x3  }
0x39a: {  	v2 =	vshll.u32 v0, $0x4  }
0x39b: {  	v1 =	vshll.u32 v1, $0x4;
	(v2sf) =	vpush v2, $0x0  }
0x39c: {  	(v2sf) =	vpush v1, $0x0;
	_ =	sdelay $0x1  }
0x39d: {  	(v2sf) =	vpush v2, $0x1;
	_ =	sdelay $0x1  }
0x39e: {  	(v2sf) =	vpush v1, $0x1;
	_ =	sdelay $0x1  }
0x39f: {  	(v2sf) =	vpush v2, $0x2;
	_ =	sdelay $0x1  }
0x3a0: {  	(v2sf) =	vpush v1, $0x2  }
0x3a1: {  	s17 =	sshra.s32 s8, $0x2;
	s18 =	sadd.s32 $0x10, s18;
	s19 =	sadd.s32 $0x10, s19  }
0x3a2: {  	s29 =	sadd.s32 $0x10700, s17;
	s28 =	sadd.s32 $0x10780, s17;
	s2 =	sadd.s32 $0x580, s17  }
0x3a3: {  	s30 =	sadd.s32 $0x600, s17;
	s31 =	sadd.s32 $0x10680, s17;
	s6 =	sadd.s32 $0x400, s17  }
0x3a4: {  	s25 =	sadd.s32 $0x10800, s17;
	s23 =	sadd.s32 $0x10A00, s17;
	s22 =	sadd.s32 $0x8A80, s17;
	(v2sf) =	vpush v2, $0x3  }
0x3a5: {  	s7 =	sadd.s32 $0x8400, s17;
	s21 =	sadd.s32 $0x10A80, s17;
	s20 =	sadd.s32 $0x8B00, s17  }
0x3a6: {  	s8 =	sadd.s32 $0x500, s17;
	s24 =	sadd.s32 $0x10900, s17;
	s0 =	spop (v2sf);
	(v2sf) =	vpush v1, $0x3  }
0x3a7: {  	s9 =	sand.u32 $0x1FFFFFF0, s0;
	s0 =	sadd.s32 $0x10600, s17;
	s10 =	spop (v2sf)  }
0x3a8: {  	s26 =	sadd.s32 $0x10880, s17;
	s9 =	sadd.s32 s3, s9;
	s10 =	sand.u32 $0x1FFFFFF0, s10  }
0x3a9: {  	s12 =	sadd.s32 $0x10400, s17;
	s11 =	sadd.s32 s4, s10;
	s14 =	spop (v2sf)  }
0x3aa: {  	[tilespmem:s6], [sflag:$0x1] =	stream.linear.gather [hbm4b:s9+s1], $0x80, $0x38;
	(v2sf) =	vpush v2, $0x4;
	[tilespmem:$0x18600] =	vst v63  }
0x3ab: {  	s6 =	sadd.s32 s5, s10;
	s9 =	sand.u32 $0x1FFFFFF0, s14;
	s10 =	spop (v2sf)  }
0x3ac: {  	[tilespmem:s7], [sflag:$0x1] =	stream.linear.gather [hbm4b:s11+s1], $0x80, $0x38;
	(v2sf) =	vpush v1, $0x4;
	[tilespmem:$0x18600] =	vst v63  }
0x3ad: {  	s7 =	sadd.s32 $0x480, s17;
	s10 =	sand.u32 $0x1FFFFFF0, s10;
	s11 =	spop (v2sf)  }
0x3ae: {  	[tilespmem:s12], [sflag:$0x2] =	stream.linear.gather [hbm4b:s6+s1], $0x80, $0x38;
	[tilespmem:$0x18600] =	vst v63  }
0x3af: {  	s6 =	sadd.s32 s3, s9;
	s9 =	sand.u32 $0x1FFFFFF0, s11;
	s11 =	spop (v2sf)  }
0x3b0: {  	[tilespmem:s7], [sflag:$0x1] =	stream.linear.gather [hbm4b:s6+s1], $0x80, $0x38;
	(v2sf) =	vpush v2, $0x5;
	[tilespmem:$0x18600] =	vst v63  }
0x3b1: {  	s6 =	sadd.s32 $0x8480, s17;
	s7 =	sadd.s32 s4, s10;
	s11 =	sand.u32 $0x1FFFFFF0, s11  }
0x3b2: {  	[tilespmem:s6], [sflag:$0x1] =	stream.linear.gather [hbm4b:s7+s1], $0x80, $0x38;
	(v2sf) =	vpush v1, $0x5;
	[tilespmem:$0x18600] =	vst v63  }
0x3b3: {  	s6 =	sadd.s32 $0x10480, s17;
	s7 =	sadd.s32 s5, s10;
	s10 =	spop (v2sf)  }
0x3b4: {  	[tilespmem:s6], [sflag:$0x2] =	stream.linear.gather [hbm4b:s7+s1], $0x80, $0x38;
	[tilespmem:$0x18600] =	vst v63  }
0x3b5: {  	s6 =	sadd.s32 s3, s9;
	s7 =	sand.u32 $0x1FFFFFF0, s10;
	s9 =	spop (v2sf)  }
0x3b6: {  	[tilespmem:s8], [sflag:$0x1] =	stream.linear.gather [hbm4b:s6+s1], $0x80, $0x38;
	(v2sf) =	vpush v2, $0x6;
	[tilespmem:$0x18600] =	vst v63  }
0x3b7: {  	s6 =	sadd.s32 $0x8500, s17;
	s8 =	sadd.s32 s4, s11;
	s9 =	sand.u32 $0x1FFFFFF0, s9  }
0x3b8: {  	[tilespmem:s6], [sflag:$0x1] =	stream.linear.gather [hbm4b:s8+s1], $0x80, $0x38;
	[tilespmem:$0x18600] =	vst v63  }
0x3b9: {  	s6 =	sadd.s32 $0x10500, s17;
	s8 =	sadd.s32 s5, s11;
	s10 =	spop (v2sf)  }
0x3ba: {  	[tilespmem:s6], [sflag:$0x2] =	stream.linear.gather [hbm4b:s8+s1], $0x80, $0x38;
	(v2sf) =	vpush v1, $0x6;
	[tilespmem:$0x18600] =	vst v63  }
0x3bb: {  	s6 =	sadd.s32 s3, s7;
	s7 =	sand.u32 $0x1FFFFFF0, s10;
	s8 =	spop (v2sf)  }
0x3bc: {  	[tilespmem:s2], [sflag:$0x1] =	stream.linear.gather [hbm4b:s6+s1], $0x80, $0x38;
	(v2sf) =	vpush v2, $0x7;
	[tilespmem:$0x18600] =	vst v63  }
0x3bd: {  	s2 =	sadd.s32 $0x8580, s17;
	s6 =	sadd.s32 s4, s9;
	s8 =	sand.u32 $0x1FFFFFF0, s8  }
0x3be: {  	[tilespmem:s2], [sflag:$0x1] =	stream.linear.gather [hbm4b:s6+s1], $0x80, $0x38;
	[tilespmem:$0x18600] =	vst v63  }
0x3bf: {  	s2 =	sadd.s32 $0x10580, s17;
	s6 =	sadd.s32 s5, s9;
	s9 =	spop (v2sf)  }
0x3c0: {  	[tilespmem:s2], [sflag:$0x2] =	stream.linear.gather [hbm4b:s6+s1], $0x80, $0x38;
	(v2sf) =	vpush v1, $0x7;
	[tilespmem:$0x18600] =	vst v63  }
0x3c1: {  	s2 =	sadd.s32 s3, s7;
	s6 =	sand.u32 $0x1FFFFFF0, s9;
	s7 =	spop (v2sf)  }
0x3c2: {  	[tilespmem:s30], [sflag:$0x1] =	stream.linear.gather [hbm4b:s2+s1], $0x80, $0x38;
	(v2sf) =	vpush v2, $0x8;
	[tilespmem:$0x18600] =	vst v63  }
0x3c3: {  	s9 =	sadd.s32 s4, s8;
	s2 =	sadd.s32 $0x8600, s17;
	s7 =	sand.u32 $0x1FFFFFF0, s7  }
0x3c4: {  	[tilespmem:s2], [sflag:$0x1] =	stream.linear.gather [hbm4b:s9+s1], $0x80, $0x38;
	[tilespmem:$0x18600] =	vst v63  }
0x3c5: {  	s30 =	sadd.s32 $0x8A00, s17;
	s2 =	sadd.s32 s5, s8;
	s8 =	spop (v2sf)  }
0x3c6: {  	[tilespmem:s0], [sflag:$0x2] =	stream.linear.gather [hbm4b:s2+s1], $0x80, $0x38;
	(v2sf) =	vpush v1, $0x8;
	[tilespmem:$0x18600] =	vst v63  }
0x3c7: {  	s0 =	sadd.s32 $0x680, s17;
	s2 =	sadd.s32 s3, s6;
	s6 =	sand.u32 $0x1FFFFFF0, s8  }
0x3c8: {  	[tilespmem:s0], [sflag:$0x1] =	stream.linear.gather [hbm4b:s2+s1], $0x80, $0x38;
	(v2sf) =	vpush v2, $0x9;
	[tilespmem:$0x18600] =	vst v63  }
0x3c9: {  	s0 =	sadd.s32 $0x8680, s17;
	s2 =	sadd.s32 s4, s7;
	s8 =	spop (v2sf)  }
0x3ca: {  	[tilespmem:s0], [sflag:$0x1] =	stream.linear.gather [hbm4b:s2+s1], $0x80, $0x38;
	[tilespmem:$0x18600] =	vst v63  }
0x3cb: {  	s0 =	sadd.s32 s5, s7;
	s2 =	sand.u32 $0x1FFFFFF0, s8;
	s7 =	spop (v2sf)  }
0x3cc: {  	[tilespmem:s31], [sflag:$0x2] =	stream.linear.gather [hbm4b:s0+s1], $0x80, $0x38;
	(v2sf) =	vpush v1, $0x9;
	[tilespmem:$0x18600] =	vst v63  }
0x3cd: {  	s6 =	sadd.s32 s3, s6;
	s0 =	sadd.s32 $0x700, s17;
	s7 =	sand.u32 $0x1FFFFFF0, s7  }
0x3ce: {  	[tilespmem:s0], [sflag:$0x1] =	stream.linear.gather [hbm4b:s6+s1], $0x80, $0x38;
	(v2sf) =	vpush v2, $0xA;
	[tilespmem:$0x18600] =	vst v63  }
0x3cf: {  	s0 =	sadd.s32 $0x8700, s17;
	s6 =	sadd.s32 s4, s2;
	s8 =	spop (v2sf)  }
0x3d0: {  	[tilespmem:s0], [sflag:$0x1] =	stream.linear.gather [hbm4b:s6+s1], $0x80, $0x38;
	(v2sf) =	vpush v1, $0xA;
	[tilespmem:$0x18600] =	vst v63  }
0x3d1: {  	s0 =	sadd.s32 s5, s2;
	s2 =	sand.u32 $0x1FFFFFF0, s8;
	s6 =	spop (v2sf)  }
0x3d2: {  	[tilespmem:s29], [sflag:$0x2] =	stream.linear.gather [hbm4b:s0+s1], $0x80, $0x38;
	[tilespmem:$0x18600] =	vst v63  }
0x3d3: {  	s7 =	sadd.s32 s3, s7;
	s0 =	sadd.s32 $0x780, s17;
	s6 =	sand.u32 $0x1FFFFFF0, s6  }
0x3d4: {  	[tilespmem:s0], [sflag:$0x1] =	stream.linear.gather [hbm4b:s7+s1], $0x80, $0x38;
	(v2sf) =	vpush v2, $0xB;
	[tilespmem:$0x18600] =	vst v63  }
0x3d5: {  	s0 =	sadd.s32 $0x8780, s17;
	s7 =	sadd.s32 s4, s2;
	s8 =	spop (v2sf)  }
0x3d6: {  	[tilespmem:s0], [sflag:$0x1] =	stream.linear.gather [hbm4b:s7+s1], $0x80, $0x38;
	[tilespmem:$0x18600] =	vst v63  }
0x3d7: {  	s0 =	sadd.s32 s5, s2;
	s2 =	sand.u32 $0x1FFFFFF0, s8;
	s7 =	spop (v2sf)  }
0x3d8: {  	[tilespmem:s28], [sflag:$0x2] =	stream.linear.gather [hbm4b:s0+s1], $0x80, $0x38;
	(v2sf) =	vpush v1, $0xB;
	[tilespmem:$0x18600] =	vst v63  }
0x3d9: {  	s6 =	sadd.s32 s3, s6;
	s0 =	sadd.s32 $0x800, s17;
	s7 =	sand.u32 $0x1FFFFFF0, s7  }
0x3da: {  	[tilespmem:s0], [sflag:$0x1] =	stream.linear.gather [hbm4b:s6+s1], $0x80, $0x38;
	(v2sf) =	vpush v2, $0xC;
	[tilespmem:$0x18600] =	vst v63  }
0x3db: {  	s0 =	sadd.s32 $0x8800, s17;
	s6 =	sadd.s32 s4, s2;
	s8 =	spop (v2sf)  }
0x3dc: {  	[tilespmem:s0], [sflag:$0x1] =	stream.linear.gather [hbm4b:s6+s1], $0x80, $0x38;
	[tilespmem:$0x18600] =	vst v63  }
0x3dd: {  	s0 =	sadd.s32 s5, s2;
	s2 =	sand.u32 $0x1FFFFFF0, s8;
	s6 =	spop (v2sf)  }
0x3de: {  	[tilespmem:s25], [sflag:$0x2] =	stream.linear.gather [hbm4b:s0+s1], $0x80, $0x38;
	(v2sf) =	vpush v1, $0xC;
	[tilespmem:$0x18600] =	vst v63  }
0x3df: {  	s7 =	sadd.s32 s3, s7;
	s0 =	sadd.s32 $0x880, s17;
	s8 =	spop (v2sf)  }
0x3e0: {  	[tilespmem:s0], [sflag:$0x1] =	stream.linear.gather [hbm4b:s7+s1], $0x80, $0x38;
	[tilespmem:$0x18600] =	vst v63  }
0x3e1: {  	s0 =	sadd.s32 $0x8880, s17;
	s7 =	sadd.s32 s4, s2;
	s8 =	sand.u32 $0x1FFFFFF0, s8  }
0x3e2: {  	[tilespmem:s0], [sflag:$0x1] =	stream.linear.gather [hbm4b:s7+s1], $0x80, $0x38;
	(v2sf) =	vpush v2, $0xD;
	[tilespmem:$0x18600] =	vst v63  }
0x3e3: {  	s0 =	sadd.s32 s5, s2;
	s2 =	sand.u32 $0x1FFFFFF0, s6;
	s6 =	spop (v2sf)  }
0x3e4: {  	[tilespmem:s26], [sflag:$0x2] =	stream.linear.gather [hbm4b:s0+s1], $0x80, $0x38;
	(v2sf) =	vpush v1, $0xD;
	[tilespmem:$0x18600] =	vst v63  }
0x3e5: {  	s2 =	sadd.s32 s3, s2;
	s0 =	sadd.s32 $0x900, s17;
	s6 =	sand.u32 $0x1FFFFFF0, s6  }
0x3e6: {  	[tilespmem:s0], [sflag:$0x1] =	stream.linear.gather [hbm4b:s2+s1], $0x80, $0x38;
	(v2sf) =	vpush v2, $0xE;
	[tilespmem:$0x18600] =	vst v63  }
0x3e7: {  	s0 =	sadd.s32 $0x8900, s17;
	s2 =	sadd.s32 s4, s8;
	s7 =	spop (v2sf)  }
0x3e8: {  	[tilespmem:s0], [sflag:$0x1] =	stream.linear.gather [hbm4b:s2+s1], $0x80, $0x38;
	[tilespmem:$0x18600] =	vst v63  }
0x3e9: {  	s0 =	sadd.s32 s5, s8;
	s2 =	sand.u32 $0x1FFFFFF0, s7;
	s7 =	spop (v2sf)  }
0x3ea: {  	[tilespmem:s24], [sflag:$0x2] =	stream.linear.gather [hbm4b:s0+s1], $0x80, $0x38;
	(v2sf) =	vpush v1, $0xE;
	[tilespmem:$0x18600] =	vst v63  }
0x3eb: {  	s6 =	sadd.s32 s3, s6;
	s0 =	sadd.s32 $0x980, s17;
	s7 =	sand.u32 $0x1FFFFFF0, s7  }
0x3ec: {  	[tilespmem:s0], [sflag:$0x1] =	stream.linear.gather [hbm4b:s6+s1], $0x80, $0x38;
	(v2sf) =	vpush v2, $0xF;
	[tilespmem:$0x18600] =	vst v63  }
0x3ed: {  	s0 =	sadd.s32 $0x8980, s17;
	s6 =	sadd.s32 s4, s2;
	s8 =	spop (v2sf)  }
0x3ee: {  	[tilespmem:s0], [sflag:$0x1] =	stream.linear.gather [hbm4b:s6+s1], $0x80, $0x38;
	[tilespmem:$0x18600] =	vst v63  }
0x3ef: {  	s2 =	sadd.s32 s5, s2;
	s0 =	sadd.s32 $0x10980, s17;
	s6 =	sand.u32 $0x1FFFFFF0, s8  }
0x3f0: {  	[tilespmem:s0], [sflag:$0x2] =	stream.linear.gather [hbm4b:s2+s1], $0x80, $0x38;
	(v2sf) =	vpush v1, $0xF;
	[tilespmem:$0x18600] =	vst v63  }
0x3f1: {  	s0 =	sadd.s32 $0xA00, s17;
	s2 =	sadd.s32 s3, s7;
	s7 =	spop (v2sf)  }
0x3f2: {  	[tilespmem:s0], [sflag:$0x1] =	stream.linear.gather [hbm4b:s2+s1], $0x80, $0x38;
	[tilespmem:$0x18600] =	vst v63  }
0x3f3: {  	s0 =	sadd.s32 s4, s6;
	s2 =	sand.u32 $0x1FFFFFF0, s7;
	s7 =	spop (v2sf)  }
0x3f4: {  	[tilespmem:s30], [sflag:$0x1] =	stream.linear.gather [hbm4b:s0+s1], $0x80, $0x38;
	[tilespmem:$0x18600] =	vst v63  }
0x3f5: {  	s0 =	sadd.s32 s5, s6;
	s6 =	sand.u32 $0x1FFFFFF0, s7;
	s7 =	spop (v2sf)  }
0x3f6: {  	[tilespmem:s23], [sflag:$0x2] =	stream.linear.gather [hbm4b:s0+s1], $0x80, $0x38;
	[tilespmem:$0x18600] =	vst v63  }
0x3f7: {  	s2 =	sadd.s32 s3, s2;
	s0 =	sadd.s32 $0xA80, s17;
	s7 =	sand.u32 $0x1FFFFFF0, s7  }
0x3f8: {  	[tilespmem:s0], [sflag:$0x1] =	stream.linear.gather [hbm4b:s2+s1], $0x80, $0x38;
	[tilespmem:$0x18600] =	vst v63  }
0x3f9: {  	s8 =	sadd.s32 $0xB00, s17;
	s0 =	sadd.s32 s4, s6;
	s2 =	spop (v2sf)  }
0x3fa: {  	[tilespmem:s22], [sflag:$0x1] =	stream.linear.gather [hbm4b:s0+s1], $0x80, $0x38;
	[tilespmem:$0x18600] =	vst v63  }
0x3fb: {  	s0 =	sadd.s32 s5, s6;
	s6 =	sand.u32 $0x1FFFFFF0, s2;
	s2 =	spop (v2sf)  }
0x3fc: {  	[tilespmem:s21], [sflag:$0x2] =	stream.linear.gather [hbm4b:s0+s1], $0x80, $0x38;
	[tilespmem:$0x18600] =	vst v63  }
.Ltmp2:
0x3fd: {  	_ = 	snop;
	(pc) =	sbr.rel @p0 .LBB2_6-.Ltmp2, $4  }
0x3fe: {  	s7 =	sadd.s32 s3, s7;
	s0 =	sadd.s32 s5, s6;
	s2 =	sand.u32 $0x1FFFFFF0, s2  }
0x3ff: {  	[tilespmem:s8], [sflag:$0x1] =	stream.linear.gather [hbm4b:s7+s1], $0x80, $0x38;
	[tilespmem:$0x18600] =	vst v63  }
0x400: {  	s6 =	sadd.s32 s4, s6;
	s21 =	sadd.s32 $0x10B00, s17;
	s22 =	spop (v2sf)  }
0x401: {  	[tilespmem:s20], [sflag:$0x1] =	stream.linear.gather [hbm4b:s6+s1], $0x80, $0x38;
	[tilespmem:$0x18600] =	vst v63  }
0x402: {  	[tilespmem:s21], [sflag:$0x2] =	stream.linear.gather [hbm4b:s0+s1], $0x80, $0x38;
	[tilespmem:$0x18600] =	vst v63  }
0x403: {  	s24 =	sadd.s32 $0xB80, s17;
	s2 =	sadd.s32 s3, s2;
	s6 =	sand.u32 $0x1FFFFFF0, s22  }
0x404: {  	[tilespmem:s24], [sflag:$0x1] =	stream.linear.gather [hbm4b:s2+s1], $0x80, $0x38;
	[tilespmem:$0x18600] =	vst v63  }
0x405: {  	s25 =	sadd.s32 $0x8B80, s17;
	s26 =	sadd.s32 s4, s6  }
0x406: {  	[tilespmem:s25], [sflag:$0x1] =	stream.linear.gather [hbm4b:s26+s1], $0x80, $0x38;
	[tilespmem:$0x18600] =	vst v63  }
0x407: {  	s28 =	sadd.s32 $0x10B80, s17;
	s30 =	simm.s32 $0x1;
	s29 =	sadd.s32 s5, s6  }
0x408: {  	[tilespmem:s28], [sflag:$0x2] =	stream.linear.gather [hbm4b:s29+s1], $0x80, $0x38;
	[tilespmem:$0x18600] =	vst v63  }
0x409: {  	_ =	swait.ge [sflag:s30], $0x8000  }
0x40a: {  	[sflag:s30] =	ssyncset.done $0x0  }
0x40b: {  	[sflag:s30] =	ssyncadd.s32 $0xFFFF8000  }
0x40c: {  	_ =	swait.ge [sflag:s30], $0x8000  }
0x40d: {  	[sflag:s30] =	ssyncset.done $0x0  }
0x40e: {  	s31 =	simm.s32 $0x2;
	[sflag:s30] =	ssyncadd.s32 $0xFFFF8000  }
0x40f: {  	_ =	swait.ge [sflag:s31], $0x8000  }
0x410: {  	[sflag:s31] =	ssyncset.done $0x0  }
0x411: {  	s17 =	simm.s32 $0x800;
	[sflag:s31] =	ssyncadd.s32 $0xFFFF8000  }
0x412: {  	s16 =	simm.s32 $0x8800;
	v0 =	vld [tilespmem:s17+$0x380]  }
0x413: {  	v54 =	vld [tilespmem:s16+$0x380]  }
0x414: {  	v55 =	vld [tilespmem:s17+$0x390]  }
0x415: {  	v56 =	vld [tilespmem:s16+$0x390]  }
0x416: {  	v1 =	vld [tilespmem:s17+$0x300]  }
0x417: {  	v2 =	vld [tilespmem:s16+$0x300]  }
0x418: {  	v3 =	vld [tilespmem:s17+$0x310]  }
0x419: {  	v5 =	vld [tilespmem:s16+$0x310]  }
0x41a: {  	v4 =	vld [tilespmem:s17+$0x320]  }
0x41b: {  	v6 =	vld [tilespmem:s16+$0x320]  }
0x41c: {  	v7 =	vld [tilespmem:s17+$0x330]  }
0x41d: {  	v10 =	vld [tilespmem:s16+$0x330]  }
0x41e: {  	v57 =	vld [tilespmem:s17+$0x280]  }
0x41f: {  	v58 =	vld [tilespmem:s16+$0x280]  }
0x420: {  	v59 =	vld [tilespmem:s17+$0x290]  }
0x421: {  	v60 =	vld [tilespmem:s16+$0x290]  }
0x422: {  	v61 =	vld [tilespmem:s17+$0x2A0]  }
0x423: {  	v28 =	vld [tilespmem:s17+$0x200]  }
0x424: {  	v33 =	vld [tilespmem:s16+$0x200]  }
0x425: {  	v31 =	vld [tilespmem:s17+$0x210]  }
0x426: {  	v35 =	vld [tilespmem:s16+$0x210]  }
0x427: {  	v43 =	vld [tilespmem:s17+$0x220]  }
0x428: {  	v37 =	vld [tilespmem:s16+$0x220]  }
0x429: {  	v38 =	vld [tilespmem:s17+$0x230]  }
0x42a: {  	v29 =	vld [tilespmem:s16+$0x230]  }
0x42b: {  	v62 =	vld [tilespmem:s17+$0x180]  }
0x42c: {  	v32 =	vld [tilespmem:s16+$0x180]  }
0x42d: {  	v63 =	vld [tilespmem:s17+$0x190]  }
0x42e: {  	v30 =	vld [tilespmem:s16+$0x190]  }
0x42f: {  	v8 =	vld [tilespmem:s17+$0x1A0]  }
0x430: {  	v47 =	vld [tilespmem:s16+$0x1B0]  }
0x431: {  	v14 =	vld [tilespmem:s17+$0x100]  }
0x432: {  	v9 =	vld [tilespmem:s16+$0x100]  }
0x433: {  	v11 =	vld [tilespmem:s17+$0x110]  }
0x434: {  	v34 =	vld [tilespmem:s16+$0x110]  }
0x435: {  	v36 =	vld [tilespmem:s17+$0x120]  }
0x436: {  	v48 =	vld [tilespmem:s17+$0x80]  }
0x437: {  	v49 =	vld [tilespmem:s16+$0x80]  }
0x438: {  	v50 =	vld [tilespmem:s17+$0x90]  }
0x439: {  	v51 =	vld [tilespmem:s16+$0x90]  }
0x43a: {  	v52 =	vld [tilespmem:s17+$0xA0]  }
0x43b: {  	v53 =	vld [tilespmem:s16+$0xA0]  }
0x43c: {  	v12 =	vld [tilespmem:s17+$0x10]  }
0x43d: {  	v39 =	vld [tilespmem:s16+$0x10]  }
0x43e: {  	v26 =	vld [tilespmem:s16+$0x20]  }
0x43f: {  	v40 =	vld [tilespmem:s17+$0x30]  }
0x440: {  	v41 =	vld [tilespmem:s16+$0x30]  }
0x441: {  	v18 =	vld [tilespmem:s17+$0xFFFFFF80]  }
0x442: {  	v19 =	vld [tilespmem:s16+$0xFFFFFF80]  }
0x443: {  	v15 =	vld [tilespmem:s17+$0xFFFFFF90]  }
0x444: {  	v17 =	vld [tilespmem:s16+$0xFFFFFF90]  }
0x445: {  	v16 =	vld [tilespmem:s17+$0xFFFFFFA0]  }
0x446: {  	v42 =	vld [tilespmem:s17+$0xFFFFFF00]  }
0x447: {  	v44 =	vld [tilespmem:s17+$0xFFFFFF20]  }
0x448: {  	v45 =	vld [tilespmem:s16+$0xFFFFFF20]  }
0x449: {  	v46 =	vld [tilespmem:s17+$0xFFFFFF30]  }
0x44a: {  	v13 =	vld [tilespmem:s17+$0xFFFFFE00]  }
0x44b: {  	v25 =	vld [tilespmem:s16+$0xFFFFFE00]  }
0x44c: {  	v22 =	vld [tilespmem:s17+$0xFFFFFE10]  }
0x44d: {  	v23 =	vld [tilespmem:s16+$0xFFFFFE10]  }
0x44e: {  	v21 =	vld [tilespmem:s17+$0xFFFFFE20]  }
0x44f: {  	[tilespmem:$0x1FA20] =	vst v61;
	v61 =	vld [tilespmem:s16+$0x1A0]  }
0x450: {  	[tilespmem:$0x1FA70] =	vst v62;
	v62 =	vld [tilespmem:s17+$0x1B0]  }
0x451: {  	[tilespmem:$0x1F9B0] =	vst v54;
	v54 =	vld [tilespmem:s17+$0xB0]  }
0x452: {  	[tilespmem:$0x1F9C0] =	vst v55;
	v55 =	vld [tilespmem:s16+$0xB0]  }
0x453: {  	[tilespmem:$0x1FA90] =	vst v8;
	v8 =	vld [tilespmem:s17+$0x0]  }
0x454: {  	[tilespmem:$0x1FA40] =	vst v11;
	v11 =	vld [tilespmem:s16+$0x0]  }
0x455: {  	[tilespmem:$0x1FA30] =	vst v9;
	v9 =	vld [tilespmem:s17+$0x20]  }
0x456: {  	[tilespmem:$0x1FA10] =	vst v60;
	v60 =	vld [tilespmem:s16+$0xFFFFFF00]  }
0x457: {  	[tilespmem:$0x1FA00] =	vst v59;
	v59 =	vld [tilespmem:s17+$0xFFFFFF10]  }
0x458: {  	[tilespmem:$0x1FA50] =	vst v34;
	v34 =	vld [tilespmem:s16+$0xFFFFFF10]  }
0x459: {  	[tilespmem:$0x1FA80] =	vst v63;
	v63 =	vld [tilespmem:s16+$0xFFFFFF30]  }
0x45a: {  	[tilespmem:$0x1F9D0] =	vst v56;
	v56 =	vld [tilespmem:s17+$0xFFFFFE80]  }
0x45b: {  	[tilespmem:$0x1F9E0] =	vst v57;
	v57 =	vld [tilespmem:s16+$0xFFFFFE80]  }
0x45c: {  	[tilespmem:$0x1F9F0] =	vst v58;
	v58 =	vld [tilespmem:s17+$0xFFFFFE90]  }
0x45d: {  	[tilespmem:$0x1FA60] =	vst v36;
	v36 =	vld [tilespmem:s16+$0xFFFFFE90]  }
0x45e: {  	[tilespmem:$0x1FAA0] =	vst v39;
	v39 =	vld [tilespmem:s17+$0xFFFFFEA0]  }
0x45f: {  	[tilespmem:$0x1FAB0] =	vst v40;
	v40 =	vld [tilespmem:s16+$0xFFFFFEA0]  }
0x460: {  	[tilespmem:$0x1FAC0] =	vst v41;
	v41 =	vld [tilespmem:s17+$0xFFFFFEB0]  }
0x461: {  	[tilespmem:$0x1FAE0] =	vst v44;
	v44 =	vld [tilespmem:s16+$0xFFFFFD80]  }
0x462: {  	[tilespmem:$0x1FAF0] =	vst v45;
	v45 =	vld [tilespmem:s17+$0xFFFFFDB0]  }
0x463: {  	[tilespmem:$0x1FAD0] =	vst v42;
	v42 =	vmul.f32 v5, v3;
	v5 =	vld [tilespmem:s17+$0xFFFFFD00]  }
0x464: {  	[tilespmem:$0x1FB00] =	vst v46;
	v46 =	vld [tilespmem:s16+$0xFFFFFD00]  }
0x465: {  	v33 =	vmul.f32 v33, v28;
	v28 =	vld [tilespmem:s16+$0xFFFFFD10]  }
0x466: {  	v1 =	vmul.f32 v2, v1;
	v31 =	vmul.f32 v35, v31;
	v35 =	vld [tilespmem:$0x1FA70]  }
0x467: {  	v27 =	vmul.f32 v6, v4;
	v29 =	vmul.f32 v29, v38;
	v38 =	vld [tilespmem:$0x1FA90]  }
0x468: {  	v24 =	vmul.f32 v10, v7;
	v4 =	vmul.f32 v51, v50;
	v51 =	vld [tilespmem:$0x1FAB0]  }
0x469: {  	[tilespmem:$0x1F9A0] =	vst v0;
	v0 =	vadd.f32 v42, v1;
	v42 =	vld [tilespmem:s17+$0xFFFFFD10]  }
0x46a: {  	v24 =	vadd.f32 v24, v27;
	v27 =	vmul.f32 v37, v43;
	v37 =	vld [tilespmem:$0x1FA80]  }
0x46b: {  	v43 =	vld [tilespmem:s17+$0xFFFFFD20]  }
0x46c: {  	v1 =	vadd.f32 v31, v33;
	v33 =	vld [tilespmem:s17+$0xFFFFFC20]  }
0x46d: {  	v27 =	vadd.f32 v29, v27;
	v29 =	vld [tilespmem:s16+$0xFFFFFC00]  }
0x46e: {  	[tilespmem:$0x1FB40] =	vst v36;
	v36 =	vld [tilespmem:s16+$0xFFFFFEB0]  }
0x46f: {  	[tilespmem:$0x1FB10] =	vst v56;
	v56 =	vld [tilespmem:s17+$0xFFFFFD80]  }
0x470: {  	[tilespmem:$0x1FB70] =	vst v41;
	v41 =	vld [tilespmem:s17+$0xFFFFFD90]  }
0x471: {  	[tilespmem:$0x1FB50] =	vst v39;
	v39 =	vld [tilespmem:s16+$0xFFFFFD90]  }
0x472: {  	[tilespmem:$0x1FB30] =	vst v58;
	v58 =	vld [tilespmem:s17+$0xFFFFFDA0]  }
0x473: {  	[tilespmem:$0x1FB20] =	vst v57;
	v57 =	vld [tilespmem:s16+$0xFFFFFDA0]  }
0x474: {  	[tilespmem:$0x1FB60] =	vst v40;
	v40 =	vld [tilespmem:s16+$0xFFFFFDB0]  }
0x475: {  	v6 =	vmul.f32 v55, v54;
	v55 =	vld [tilespmem:$0x1FAD0]  }
0x476: {  	v0 =	vadd.f32 v24, v0;
	v24 =	vmul.f32 v61, v38;
	v61 =	vmul.f32 v47, v62;
	v47 =	vld [tilespmem:s16+$0xFFFFFD20]  }
0x477: {  	v62 =	vmul.f32 v49, v48;
	v48 =	vld [tilespmem:s17+$0xFFFFFD30]  }
0x478: {  	v49 =	vld [tilespmem:s16+$0xFFFFFD30]  }
0x479: {  	v38 =	vld [tilespmem:$0x1FAA0]  }
0x47a: {  	v31 =	vmul.f32 v32, v35;
	v32 =	vld [tilespmem:s16+$0xFFFFFC10]  }
0x47b: {  	v35 =	vld [tilespmem:s17+$0xFFFFFC30];
	v30 =	vmul.f32 v30, v37  }
0x47c: {  	v11 =	vmul.f32 v11, v8;
	v8 =	vld [tilespmem:$0x1FB20]  }
0x47d: {  	v31 =	vadd.f32 v30, v31;
	v30 =	vmul.f32 v53, v52;
	v52 =	vld [tilespmem:$0x1FAC0]  }
0x47e: {  	v50 =	vmul.f32 v26, v9;
	v9 =	vld [tilespmem:$0x1FB30]  }
0x47f: {  	v1 =	vadd.f32 v27, v1;
	v24 =	vadd.f32 v61, v24;
	v61 =	vld [tilespmem:$0x1FAF0]  }
0x480: {  	(xrf2) =	vadd.scan.msk.f32 $0xffff, v0;
	v27 =	vadd.f32 v4, v62;
	v4 =	vld [tilespmem:$0x1FB00];
	v7 =	vadd.f32 v6, v30  }
0x481: {  	(xrf2) =	vadd.scan.msk.f32 $0xffff, v1;
	v1 =	vmul.f32 v60, v55;
	v60 =	vld [tilespmem:$0x1FAE0];
	v10 =	vadd.f32 v24, v31  }
0x482: {  	v55 =	vld [tilespmem:$0x1FB70];
	v24 =	vmul.f32 v38, v12;
	v27 =	vadd.f32 v7, v27;
	v53 =	vmul.f32 v52, v51  }
0x483: {  	(xrf2) =	vadd.scan.msk.f32 $0xffff, v10;
	v7 =	vld [tilespmem:$0x1FB10]  }
0x484: {  	v54 =	vadd.f32 v24, v11;
	v10 =	vld [tilespmem:$0x1FB40];
	(xrf2) =	vadd.scan.msk.f32 $0xffff, v27;
	v27 =	vadd.f32 v53, v50  }
0x485: {  	v53 =	vld [tilespmem:$0x1FB50]  }
0x486: {  	v0 =	vadd.f32 v27, v54;
	v54 =	vld [tilespmem:$0x1FB60]  }
0x487: {  	v37 =	vld [tilespmem:s16+$0xFFFFFC30];
	v28 =	vmul.f32 v28, v42;
	v41 =	vmul.f32 v39, v41  }
0x488: {  	v42 =	vld [tilespmem:s16+$0xFFFFFCA0];
	v45 =	vmul.f32 v40, v45;
	v24 =	vmul.f32 v34, v59  }
0x489: {  	v39 =	vld [tilespmem:s17+$0xFFFFFC90];
	v6 =	vmul.f32 v63, v4;
	v62 =	vmul.f32 v61, v60  }
0x48a: {  	v40 =	vld [tilespmem:s16+$0xFFFFFC90];
	v1 =	vadd.f32 v24, v1;
	v24 =	vmul.f32 v8, v7;
	v11 =	vmul.f32 v10, v9  }
0x48b: {  	v30 =	vld [tilespmem:s17+$0xFFFFFC00];
	v59 =	vmul.f32 v36, v55;
	v27 =	vmul.f32 v54, v53  }
0x48c: {  	v31 =	vld [tilespmem:s17+$0xFFFFFC10];
	v24 =	vadd.f32 v11, v24  }
0x48d: {  	v44 =	vmul.f32 v44, v56;
	v38 =	vld [tilespmem:s16+$0xFFFFFC80];
	v50 =	vadd.f32 v6, v62;
	v27 =	vadd.f32 v59, v27  }
0x48e: {  	v47 =	vmul.f32 v47, v43;
	v43 =	vld [tilespmem:s17+$0xFFFFFCB0];
	v60 =	vmul.f32 v57, v58  }
0x48f: {  	v34 =	vld [tilespmem:s16+$0xFFFFFC20];
	v61 =	vadd.f32 v41, v44;
	v50 =	vadd.f32 v50, v1;
	v53, _, _ =	vpop (xrf2)  }
0x490: {  	v63 =	vmul.f32 v46, v5;
	v36 =	vld [tilespmem:s17+$0xFFFFFC80];
	v45 =	vadd.f32 v45, v60;
	(xrf2) =	vadd.scan.msk.f32 $0xffff, v0;
	v62 =	vadd.f32 v27, v24;
	v24, _, _ =	vpop (xrf2)  }
0x491: {  	v41 =	vld [tilespmem:s17+$0xFFFFFCA0];
	(xrf2) =	vadd.scan.msk.f32 $0xffff, v50;
	v27, _, _ =	vpop (xrf2)  }
0x492: {  	s18 =	simm.s32 $0x0;
	s19 =	simm.s32 $0x10;
	v48 =	vmul.f32 v49, v48;
	v46 =	vadd.f32 v28, v63;
	v44 =	vld [tilespmem:s16+$0xFFFFFCB0];
	v45 =	vadd.f32 v45, v61;
	(xrf2) =	vadd.scan.msk.f32 $0xffff, v62;
	v28, _, _ =	vpop (xrf2)  }
.LBB2_8:
0x493: {  	v5 =	vld [tilespmem:s17+$0xFFFFFE30]  }
0x494: {  	v8 =	vld [tilespmem:s16+$0xFFFFFFA0]  }
0x495: {  	v11 =	vld [tilespmem:s17+$0xFFFFFFB0]  }
0x496: {  	v26 =	vld [tilespmem:s16+$0xFFFFFFB0]  }
0x497: {  	v22 =	vmul.f32 v23, v22;
	v23 =	vld [tilespmem:s16+$0x120]  }
0x498: {  	v12 =	vld [tilespmem:s17+$0x3A0]  }
0x499: {  	v49 =	vld [tilespmem:$0x1F9F0]  }
0x49a: {  	v51 =	vld [tilespmem:$0x1FA00]  }
0x49b: {  	v52 =	vld [tilespmem:$0x1FA10]  }
0x49c: {  	v54 =	vld [tilespmem:$0x1FA20]  }
0x49d: {  	v57 =	vld [tilespmem:$0x1F9A0]  }
0x49e: {  	v58 =	vld [tilespmem:$0x1F9B0]  }
0x49f: {  	v59 =	vld [tilespmem:$0x1F9C0]  }
0x4a0: {  	(xrf2) =	vadd.scan.msk.f32 $0xffff, v45;
	v45 =	vld [tilespmem:$0x1FA50];
	v0 =	vmul.f32 v29, v30;
	v29 =	vmul.f32 v32, v31;
	v30 =	vadd.f32 v48, v47  }
0x4a1: {  	v31 =	vld [tilespmem:s16+$0xFFFFFE20];
	v63 =	vmul.f32 v34, v33;
	v4 =	vmul.f32 v37, v35  }
0x4a2: {  	v6 =	vmul.f32 v38, v36;
	v7 =	vmul.f32 v40, v39;
	v1 =	vadd.f32 v30, v46;
	v30 =	vld [tilespmem:s16+$0xFFFFFE30]  }
0x4a3: {  	v9 =	vmul.f32 v42, v41;
	v18 =	vmul.f32 v19, v18;
	v19 =	vld [tilespmem:s16+$0x130]  }
0x4a4: {  	v10 =	vmul.f32 v44, v43;
	v15 =	vmul.f32 v17, v15;
	v17 =	vld [tilespmem:s16+$0x2A0]  }
0x4a5: {  	v43 =	vld [tilespmem:$0x1FA30];
	v0 =	vadd.f32 v29, v0;
	v32 =	vadd.f32 v4, v63  }
0x4a6: {  	v25 =	vmul.f32 v25, v13;
	v44 =	vld [tilespmem:$0x1FA40];
	v36 =	vadd.f32 v7, v6;
	v38 =	vadd.f32 v10, v9;
	v35, _, _ =	vpop (xrf2);
	(xrf2) =	vadd.scan.msk.f32 $0xffff, v1  }
0x4a7: {  	v46 =	vld [tilespmem:$0x1FA60];
	v0 =	vadd.f32 v32, v0;
	v21 =	vmul.f32 v31, v21;
	v30 =	vmul.f32 v30, v5  }
0x4a8: {  	v39 =	vadd.f32 v38, v36;
	v31 =	vld [tilespmem:s17+$0x130]  }
0x4a9: {  	v48 =	vld [tilespmem:$0x1F9E0];
	v22 =	vadd.f32 v22, v25;
	v29, _, _ =	vpop (xrf2);
	(xrf2) =	vadd.scan.msk.f32 $0xffff, v0;
	v2 =	vadd.f32 v30, v21  }
0x4aa: {  	v16 =	vmul.f32 v8, v16;
	v25 =	vmul.f32 v26, v11;
	v26 =	vld [tilespmem:s17+$0x2B0];
	v41, _, _ =	vpop (xrf2);
	(xrf2) =	vadd.scan.msk.f32 $0xffff, v39  }
0x4ab: {  	v13 =	vmul.f32 v43, v14;
	v14 =	vld [tilespmem:s16+$0x2B0];
	v42 =	vadd.f32 v2, v22  }
0x4ac: {  	v60 =	vld [tilespmem:$0x1F9D0];
	v3 =	vadd.f32 v15, v18;
	v16 =	vadd.f32 v25, v16;
	v10 =	vmul.f32 v45, v44  }
0x4ad: {  	v9 =	vld [tilespmem:s17+$0x3B0];
	v11 =	vmul.f32 v23, v46;
	v21, _, _ =	vpop (xrf2);
	v18 =	vmul.f32 v19, v31;
	(xrf2) =	vadd.scan.msk.f32 $0xffff, v42  }
0x4ae: {  	v7 =	vld [tilespmem:s16+$0x3B0];
	v8 =	vmul.f32 v49, v48;
	v47 =	vadd.f32 v16, v3  }
0x4af: {  	v6 =	vmul.f32 v17, v54;
	v50 =	vadd.f32 v10, v13;
	v19 =	vld [tilespmem:s16+$0x3A0];
	v11 =	vadd.f32 v18, v11  }
0x4b0: {  	v5 =	vmul.f32 v52, v51;
	v13 =	vmul.f32 v14, v26;
	v15, _, _ =	vpop (xrf2);
	(xrf2) =	vadd.scan.msk.f32 $0xffff, v47  }
0x4b1: {  	v55 =	vadd.f32 v11, v50  }
0x4b2: {  	v8 =	vadd.f32 v5, v8;
	v6 =	vadd.f32 v13, v6  }
0x4b3: {  	v1 =	vmul.f32 v58, v57;
	v63 =	vmul.f32 v7, v9;
	v56, _, _ =	vpop (xrf2);
	(xrf2) =	vadd.scan.msk.f32 $0xffff, v55  }
0x4b4: {  	v2 =	vmul.f32 v60, v59;
	v61 =	vadd.f32 v6, v8;
	v62 =	vmul.f32 v19, v12;
	v9, _, _ =	vpop (xrf2)  }
0x4b5: {  	v11 =	vbroadcast v56, $0xF;
	v5 =	vbroadcast v9, $0xF  }
0x4b6: {  	v1 =	vadd.f32 v2, v1;
	v33 =	vbroadcast v15, $0xF;
	v34 =	vadd.f32 v63, v62;
	(xrf2) =	vadd.scan.msk.f32 $0xffff, v61  }
0x4b7: {  	v37 =	vbroadcast v21, $0xF;
	v36 =	vsel vm0, v11, v5;
	v4, _, _ =	vpop (xrf2)  }
0x4b8: {  	v1 =	vadd.f32 v34, v1;
	v0 =	vsel vm1, v36, v33;
	v4 =	vbroadcast v4, $0xF  }
0x4b9: {  	v38 =	vbroadcast v41, $0xF;
	v0 =	vsel vm2, v0, v37  }
0x4ba: {  	v40 =	vbroadcast v29, $0xF;
	v39 =	vmov s18;
	v41, _, _ =	vpop (xrf2);
	(xrf2) =	vadd.scan.msk.f32 $0xffff, v1;
	v0 =	vsel vm3, v0, v4  }
0x4bb: {  	v3 =	vshll.u32 v39, $0x7;
	v42 =	vbroadcast v41, $0xF;
	v0 =	vsel vm4, v0, v38  }
0x4bc: {  	v44 =	vbroadcast v35, $0xF;
	v43 =	vor.u32 v20, v3;
	v0 =	vsel vm5, v0, v40  }
0x4bd: {  	v45 =	vbroadcast v28, $0xF;
	v46, _, _ =	vpop (xrf2);
	v0 =	vsel vm6, v0, v42  }
0x4be: {  	v47 =	vbroadcast v46, $0xF;
	v0 =	vsel vm7, v0, v44  }
0x4bf: {  	v48 =	vbroadcast v27, $0xF;
	v0 =	vsel vm8, v0, v45  }
0x4c0: {  	v49 =	vbroadcast v24, $0xF;
	v50, _, _ =	vpop (xrf2);
	v0 =	vsel vm9, v0, v47  }
0x4c1: {  	v2 =	vld.idx.msk [tilespmem:v43+s13+$0x0], $0xffff;
	v4 =	vbroadcast v50, $0xF;
	v0 =	vsel vm10, v0, v48  }
0x4c2: {  	v51 =	vbroadcast v53, $0xF;
	v0 =	vsel vm11, v0, v49  }
0x4c3: {  	v0 =	vsel vm12, v0, v4  }
0x4c4: {  	v52, _, _ =	vpop (xrf2);
	v0 =	vsel vm13, v0, v51  }
0x4c5: {  	v0 =	vsel vm14, v0, v52  }
0x4c6: {  	v0 =	vadd.f32 v0, v2  }
0x4c7: {  	s0 =	sand.u32 $0xF0, s18  }
0x4c8: {  	s17 =	sadd.s32 $0x800, s17;
	[tilespmem:s0+$0x18500] =	vst v0  }
0x4c9: {  	s16 =	sadd.s32 $0x800, s16;
	v0 =	vld [tilespmem:s17+$0x380]  }
0x4ca: {  	v53 =	vld [tilespmem:s16+$0x380]  }
0x4cb: {  	v54 =	vld [tilespmem:s17+$0x390]  }
0x4cc: {  	v55 =	vld [tilespmem:s16+$0x390]  }
0x4cd: {  	v56 =	vld [tilespmem:s17+$0x300]  }
0x4ce: {  	v57 =	vld [tilespmem:s16+$0x300]  }
0x4cf: {  	v58 =	vld [tilespmem:s17+$0x310]  }
0x4d0: {  	v23 =	vld [tilespmem:s16+$0x310]  }
0x4d1: {  	v28 =	vld [tilespmem:s17+$0x320]  }
0x4d2: {  	v25 =	vld [tilespmem:s16+$0x320]  }
0x4d3: {  	v26 =	vld [tilespmem:s17+$0x330]  }
0x4d4: {  	v29 =	vld [tilespmem:s16+$0x330]  }
0x4d5: {  	v59 =	vld [tilespmem:s17+$0x280]  }
0x4d6: {  	v60 =	vld [tilespmem:s16+$0x280]  }
0x4d7: {  	v61 =	vld [tilespmem:s17+$0x290]  }
0x4d8: {  	v62 =	vld [tilespmem:s16+$0x290]  }
0x4d9: {  	v63 =	vld [tilespmem:s17+$0x2A0]  }
0x4da: {  	v4 =	vld [tilespmem:s17+$0x200]  }
0x4db: {  	v5 =	vld [tilespmem:s16+$0x200]  }
0x4dc: {  	v6 =	vld [tilespmem:s17+$0x210]  }
0x4dd: {  	v37 =	vld [tilespmem:s17+$0x220]  }
0x4de: {  	v32 =	vld [tilespmem:s16+$0x220]  }
0x4df: {  	v43 =	vld [tilespmem:s17+$0x230]  }
0x4e0: {  	v46 =	vld [tilespmem:s16+$0x230]  }
0x4e1: {  	v7 =	vld [tilespmem:s17+$0x180]  }
0x4e2: {  	v36 =	vld [tilespmem:s16+$0x180]  }
0x4e3: {  	v33 =	vld [tilespmem:s17+$0x190]  }
0x4e4: {  	v44 =	vld [tilespmem:s16+$0x190]  }
0x4e5: {  	v35 =	vld [tilespmem:s17+$0x1A0]  }
0x4e6: {  	v45 =	vld [tilespmem:s16+$0x1A0]  }
0x4e7: {  	v34 =	vld [tilespmem:s17+$0x1B0]  }
0x4e8: {  	v48 =	vld [tilespmem:s16+$0x1B0]  }
0x4e9: {  	v8 =	vld [tilespmem:s17+$0x100]  }
0x4ea: {  	v9 =	vld [tilespmem:s16+$0x100]  }
0x4eb: {  	v10 =	vld [tilespmem:s17+$0x110]  }
0x4ec: {  	v11 =	vld [tilespmem:s16+$0x110]  }
0x4ed: {  	v38 =	vld [tilespmem:s17+$0x120]  }
0x4ee: {  	v49 =	vld [tilespmem:s17+$0x80]  }
0x4ef: {  	v51 =	vld [tilespmem:s16+$0x80]  }
0x4f0: {  	v52 =	vld [tilespmem:s17+$0x90]  }
0x4f1: {  	v31 =	vld [tilespmem:s16+$0x90]  }
0x4f2: {  	v50 =	vld [tilespmem:s17+$0x0]  }
0x4f3: {  	v39 =	vld [tilespmem:s17+$0xFFFFFF80]  }
0x4f4: {  	v40 =	vld [tilespmem:s16+$0xFFFFFF80]  }
0x4f5: {  	v41 =	vld [tilespmem:s17+$0xFFFFFF90]  }
0x4f6: {  	v42 =	vld [tilespmem:s16+$0xFFFFFF90]  }
0x4f7: {  	v1 =	vld [tilespmem:s17+$0xFFFFFF00]  }
0x4f8: {  	v2 =	vld [tilespmem:s16+$0xFFFFFF00]  }
0x4f9: {  	v3 =	vld [tilespmem:s17+$0xFFFFFF10]  }
0x4fa: {  	v12 =	vld [tilespmem:s16+$0xFFFFFE90]  }
0x4fb: {  	v14 =	vld [tilespmem:s16+$0xFFFFFEA0]  }
0x4fc: {  	v15 =	vld [tilespmem:s17+$0xFFFFFEB0]  }
0x4fd: {  	v16 =	vld [tilespmem:s16+$0xFFFFFEB0]  }
0x4fe: {  	v13 =	vld [tilespmem:s17+$0xFFFFFE00]  }
0x4ff: {  	v47 =	vld [tilespmem:s16+$0xFFFFFE00]  }
0x500: {  	v17 =	vld [tilespmem:s17+$0xFFFFFD80]  }
0x501: {  	v18 =	vld [tilespmem:s16+$0xFFFFFD80]  }
0x502: {  	v19 =	vld [tilespmem:s17+$0xFFFFFD90]  }
0x503: {  	v21 =	vld [tilespmem:s16+$0xFFFFFD90]  }
0x504: {  	v20 =	vld [tilespmem:s17+$0xFFFFFDA0]  }
0x505: {  	v22 =	vld [tilespmem:s16+$0xFFFFFDA0]  }
0x506: {  	[tilespmem:$0x1F9A0] =	vst v0;
	v0 =	vld [tilespmem:s16+$0x210]  }
0x507: {  	[tilespmem:$0x1F9B0] =	vst v53;
	v53 =	vld [tilespmem:s17+$0xA0]  }
0x508: {  	[tilespmem:$0x1F9D0] =	vst v55;
	v55 =	vld [tilespmem:s16+$0xA0]  }
0x509: {  	[tilespmem:$0x1F8E0] =	vst v56;
	v56 =	vld [tilespmem:s17+$0xB0]  }
0x50a: {  	[tilespmem:$0x1F8F0] =	vst v57;
	v57 =	vld [tilespmem:s16+$0xB0]  }
0x50b: {  	[tilespmem:$0x1F9C0] =	vst v54;
	v54 =	vld [tilespmem:s16+$0x0]  }
0x50c: {  	[tilespmem:$0x1F900] =	vst v58;
	v58 =	vld [tilespmem:s17+$0x10]  }
0x50d: {  	[tilespmem:$0x1F9E0] =	vst v59;
	v59 =	vld [tilespmem:s16+$0x10]  }
0x50e: {  	[tilespmem:$0x1F9F0] =	vst v60;
	v60 =	vld [tilespmem:s17+$0x20]  }
0x50f: {  	[tilespmem:$0x1FA00] =	vst v61;
	v61 =	vld [tilespmem:s16+$0x20]  }
0x510: {  	[tilespmem:$0x1FA10] =	vst v62;
	v62 =	vld [tilespmem:s17+$0x30]  }
0x511: {  	[tilespmem:$0x1FA20] =	vst v63;
	v63 =	vld [tilespmem:s16+$0x30]  }
0x512: {  	[tilespmem:$0x1F990] =	vst v40;
	v40 =	vld [tilespmem:s17+$0xFFFFFFA0]  }
0x513: {  	[tilespmem:$0x1F910] =	vst v4;
	v4 =	vld [tilespmem:s16+$0xFFFFFF10]  }
0x514: {  	[tilespmem:$0x1FA60] =	vst v38;
	v38 =	vld [tilespmem:s17+$0xFFFFFF20]  }
0x515: {  	v24 =	vld [tilespmem:$0x1F8E0]  }
0x516: {  	v27 =	vld [tilespmem:$0x1F8F0]  }
0x517: {  	[tilespmem:$0x1F930] =	vst v6;
	v6 =	vld [tilespmem:s16+$0xFFFFFF20]  }
0x518: {  	[tilespmem:$0x1F940] =	vst v7;
	v7 =	vld [tilespmem:s17+$0xFFFFFF30]  }
0x519: {  	[tilespmem:$0x1F920] =	vst v5;
	v5 =	vld [tilespmem:s16+$0xFFFFFF30]  }
0x51a: {  	[tilespmem:$0x1F970] =	vst v39;
	v39 =	vld [tilespmem:s17+$0xFFFFFE80]  }
0x51b: {  	v24 =	vmul.f32 v27, v24;
	v27 =	vld [tilespmem:$0x1F900]  }
0x51c: {  	[tilespmem:$0x1FA40] =	vst v10;
	v10 =	vld [tilespmem:s16+$0xFFFFFE80]  }
0x51d: {  	[tilespmem:$0x1FA50] =	vst v11;
	v11 =	vld [tilespmem:s17+$0xFFFFFE90]  }
0x51e: {  	[tilespmem:$0x1FA30] =	vst v9;
	v9 =	vld [tilespmem:s17+$0xFFFFFEA0]  }
0x51f: {  	[tilespmem:$0x1F980] =	vst v42;
	v42 =	vld [tilespmem:s17+$0xFFFFFE10]  }
0x520: {  	[tilespmem:$0x1F960] =	vst v41;
	v41 =	vld [tilespmem:s16+$0xFFFFFE10];
	v27 =	vmul.f32 v23, v27  }
0x521: {  	v30 =	vld [tilespmem:$0x1F920]  }
0x522: {  	v24 =	vadd.f32 v27, v24;
	v27 =	vld [tilespmem:$0x1F910]  }
0x523: {  	[tilespmem:$0x1F950] =	vst v8;
	v8 =	vld [tilespmem:s17+$0xFFFFFE20]  }
0x524: {  	v28 =	vmul.f32 v25, v28;
	v25 =	vld [tilespmem:s16+$0xFFFFFDB0]  }
0x525: {  	v29 =	vmul.f32 v29, v26;
	v26 =	vld [tilespmem:s17+$0xFFFFFD00]  }
0x526: {  	v46 =	vmul.f32 v46, v43;
	v43 =	vld [tilespmem:s17+$0xFFFFFD10]  }
0x527: {  	v27 =	vmul.f32 v30, v27;
	v30 =	vld [tilespmem:$0x1F930]  }
0x528: {  	v33 =	vmul.f32 v44, v33;
	v44 =	vld [tilespmem:s17+$0xFFFFFD20]  }
0x529: {  	v34 =	vmul.f32 v48, v34;
	v48 =	vld [tilespmem:s16+$0xFFFFFD30]  }
0x52a: {  	v28 =	vadd.f32 v29, v28;
	v29 =	vmul.f32 v32, v37;
	v37 =	vmul.f32 v45, v35;
	v45 =	vld [tilespmem:s16+$0xFFFFFD20]  }
0x52b: {  	v35 =	vld [tilespmem:s17+$0xFFFFFC30]  }
0x52c: {  	v29 =	vadd.f32 v46, v29;
	v46 =	vld [tilespmem:s17+$0xFFFFFD30];
	v30 =	vmul.f32 v0, v30  }
0x52d: {  	v23 =	vld [tilespmem:s17+$0xFFFFFDB0]  }
0x52e: {  	v31 =	vmul.f32 v31, v52;
	v27 =	vadd.f32 v30, v27;
	v30 =	vld [tilespmem:$0x1F940]  }
0x52f: {  	v55 =	vmul.f32 v55, v53;
	v56 =	vmul.f32 v57, v56;
	v24 =	vadd.f32 v28, v24;
	v28 =	vld [tilespmem:s16+$0xFFFFFD10]  }
0x530: {  	v32 =	vadd.f32 v34, v37;
	v34 =	vld [tilespmem:s16+$0xFFFFFC20];
	v57 =	vmul.f32 v54, v50;
	v59 =	vmul.f32 v59, v58  }
0x531: {  	v61 =	vmul.f32 v61, v60;
	v54 =	vmul.f32 v14, v9;
	v14 =	vld [tilespmem:$0x1F950]  }
0x532: {  	v63 =	vmul.f32 v63, v62;
	v58 =	vmul.f32 v21, v19;
	v19 =	vld [tilespmem:$0x1F990]  }
0x533: {  	v60 =	vmul.f32 v25, v23;
	v23 =	vmov v41;
	v41 =	vld [tilespmem:s17+$0xFFFFFCA0];
	v30 =	vmul.f32 v36, v30  }
0x534: {  	v25 =	vmov v47;
	v47 =	vmul.f32 v45, v44;
	v44 =	vld [tilespmem:s16+$0xFFFFFCB0];
	v62 =	vmul.f32 v28, v43  }
0x535: {  	(xrf2) =	vadd.scan.msk.f32 $0xffff, v24;
	v43 =	vld [tilespmem:s17+$0xFFFFFCB0];
	v27 =	vadd.f32 v29, v27;
	v24 =	vadd.f32 v33, v30;
	v30 =	vmul.f32 v51, v49  }
0x536: {  	v1 =	vmul.f32 v2, v1;
	v0 =	vld [tilespmem:s16+$0xFFFFFD00];
	v36 =	vmul.f32 v4, v3  }
0x537: {  	v29 =	vld [tilespmem:s16+$0xFFFFFC00];
	(xrf2) =	vadd.scan.msk.f32 $0xffff, v27;
	v33 =	vadd.f32 v56, v55;
	v27 =	vadd.f32 v31, v30  }
0x538: {  	v1 =	vadd.f32 v36, v1;
	v36 =	vld [tilespmem:s17+$0xFFFFFC80];
	v24 =	vadd.f32 v32, v24  }
0x539: {  	v55 =	vmul.f32 v16, v15;
	v15 =	vld [tilespmem:$0x1F960];
	v27 =	vadd.f32 v33, v27  }
0x53a: {  	v49 =	vmul.f32 v6, v38;
	v38 =	vld [tilespmem:s16+$0xFFFFFC80];
	(xrf2) =	vadd.scan.msk.f32 $0xffff, v24  }
0x53b: {  	v51 =	vmul.f32 v10, v39;
	v39 =	vld [tilespmem:s17+$0xFFFFFC90];
	(xrf2) =	vadd.scan.msk.f32 $0xffff, v27  }
0x53c: {  	v16 =	vmov v40;
	v40 =	vld [tilespmem:s16+$0xFFFFFC90]  }
0x53d: {  	v5 =	vmul.f32 v5, v7;
	v30 =	vld [tilespmem:s17+$0xFFFFFC00]  }
0x53e: {  	v52 =	vmul.f32 v12, v11;
	v37 =	vadd.f32 v63, v61;
	v31 =	vld [tilespmem:s17+$0xFFFFFC10]  }
0x53f: {  	v32 =	vld [tilespmem:s16+$0xFFFFFC10];
	v4 =	vadd.f32 v5, v49;
	v24 =	vadd.f32 v59, v57  }
0x540: {  	p0 =	sne.s32 s19, $0xF0;
	v56 =	vadd.f32 v52, v51;
	v5 =	vadd.f32 v55, v54;
	v33 =	vld [tilespmem:s17+$0xFFFFFC20]  }
.Ltmp3:
0x541: {  	v57 =	vmul.f32 v18, v17;
	v18 =	vld [tilespmem:$0x1F970];
	v59 =	vmul.f32 v22, v20;
	v50 =	vadd.f32 v37, v24;
	(pc) =	sbr.rel @p0 .LBB2_8-.Ltmp3, $4  }
0x542: {  	v53, _, _ =	vpop (xrf2);
	v1 =	vadd.f32 v4, v1;
	v17 =	vld [tilespmem:$0x1F980];
	v2 =	vadd.f32 v5, v56  }
0x543: {  	v0 =	vmul.f32 v0, v26;
	v20 =	vld [tilespmem:$0x1FFF0];
	v61 =	vadd.f32 v58, v57;
	v63 =	vadd.f32 v60, v59;
	(xrf2) =	vadd.scan.msk.f32 $0xffff, v50;
	v24, _, _ =	vpop (xrf2)  }
0x544: {  	v21 =	vmov v8;
	v22 =	vmov v42;
	v42 =	vld [tilespmem:s16+$0xFFFFFCA0];
	(xrf2) =	vadd.scan.msk.f32 $0xffff, v1;
	v27, _, _ =	vpop (xrf2)  }
0x545: {  	s18 =	smov.u32 s19;
	s19 =	sadd.s32 $0x10, s19;
	v48 =	vmul.f32 v48, v46;
	v46 =	vadd.f32 v62, v0;
	v37 =	vld [tilespmem:s16+$0xFFFFFC30];
	v45 =	vadd.f32 v63, v61;
	(xrf2) =	vadd.scan.msk.f32 $0xffff, v2;
	v28, _, _ =	vpop (xrf2)  }
0x546: {  	v0 =	vld [tilespmem:s16+$0xFFFFFE20]  }
0x547: {  	v3 =	vld [tilespmem:s17+$0xFFFFFE30]  }
0x548: {  	v6 =	vld [tilespmem:s16+$0xFFFFFE30]  }
0x549: {  	v10 =	vld [tilespmem:s16+$0xFFFFFFA0]  }
0x54a: {  	v12 =	vld [tilespmem:s17+$0xFFFFFFB0]  }
0x54b: {  	v11 =	vmul.f32 v44, v43;
	v44 =	vld [tilespmem:s16+$0xFFFFFFB0]  }
0x54c: {  	v50 =	vld [tilespmem:s16+$0x130]  }
0x54d: {  	v54 =	vld [tilespmem:s16+$0x2A0]  }
0x54e: {  	v57 =	vld [tilespmem:s17+$0x2B0]  }
0x54f: {  	v58 =	vld [tilespmem:$0x1FA30]  }
0x550: {  	v59 =	vld [tilespmem:s16+$0x2B0]  }
0x551: {  	v61 =	vld [tilespmem:$0x1FA40]  }
0x552: {  	v62 =	vld [tilespmem:$0x1FA50]  }
0x553: {  	v1 =	vmul.f32 v29, v30;
	v2 =	vmul.f32 v32, v31;
	v63 =	vld [tilespmem:s17+$0x3A0]  }
0x554: {  	v4 =	vmul.f32 v34, v33;
	v49 =	vmul.f32 v19, v18;
	v18 =	vld [tilespmem:$0x1FA60]  }
0x555: {  	v8 =	vmul.f32 v38, v36;
	v9 =	vmul.f32 v40, v39;
	v19 =	vld [tilespmem:s16+$0x3A0]  }
0x556: {  	v43 =	vmul.f32 v25, v13;
	v25 =	vld [tilespmem:s17+$0x3B0];
	v5 =	vmul.f32 v37, v35  }
0x557: {  	v29 =	vld [tilespmem:$0x1FA00];
	v7 =	vadd.f32 v48, v47;
	v1 =	vadd.f32 v2, v1;
	v42 =	vmul.f32 v42, v41  }
0x558: {  	v30 =	vld [tilespmem:$0x1FA10];
	v8 =	vadd.f32 v9, v8;
	v4 =	vadd.f32 v5, v4  }
0x559: {  	v47 =	vld [tilespmem:s16+$0x120];
	v7 =	vadd.f32 v7, v46;
	v46 =	vmul.f32 v23, v22;
	v2 =	vadd.f32 v11, v42  }
0x55a: {  	v33 =	vld [tilespmem:$0x1FA20];
	(xrf2) =	vadd.scan.msk.f32 $0xffff, v45;
	v0 =	vmul.f32 v0, v21;
	v3 =	vmul.f32 v6, v3;
	v1 =	vadd.f32 v4, v1  }
0x55b: {  	v48 =	vld [tilespmem:s17+$0x130];
	(xrf2) =	vadd.scan.msk.f32 $0xffff, v7;
	v2 =	vadd.f32 v2, v8  }
0x55c: {  	v52 =	vmul.f32 v17, v15;
	v22 =	vld [tilespmem:$0x1F9E0];
	v51 =	vadd.f32 v46, v43;
	v0 =	vadd.f32 v3, v0;
	(xrf2) =	vadd.scan.msk.f32 $0xffff, v1  }
0x55d: {  	v23 =	vld [tilespmem:$0x1F9F0];
	v55 =	vmul.f32 v10, v16;
	v56 =	vmul.f32 v44, v12;
	(xrf2) =	vadd.scan.msk.f32 $0xffff, v2  }
0x55e: {  	v31 =	vld [tilespmem:s16+$0x3B0];
	v11 =	vmul.f32 v47, v18;
	v0 =	vadd.f32 v0, v51  }
0x55f: {  	v38 =	vld [tilespmem:$0x1F9B0];
	v3 =	vadd.f32 v52, v49;
	v60 =	vadd.f32 v56, v55;
	v8 =	vmul.f32 v62, v61  }
0x560: {  	v39 =	vld [tilespmem:$0x1F9C0];
	v4 =	vmul.f32 v50, v48;
	v1 =	vmul.f32 v58, v14;
	(xrf2) =	vadd.scan.msk.f32 $0xffff, v0  }
0x561: {  	v40 =	vld [tilespmem:$0x1F9D0];
	v5 =	vmul.f32 v54, v33;
	v21, _, _ =	vpop (xrf2);
	v3 =	vadd.f32 v60, v3  }
0x562: {  	v37 =	vld [tilespmem:$0x1F9A0];
	v6 =	vmul.f32 v23, v22;
	v26, _, _ =	vpop (xrf2);
	v4 =	vadd.f32 v4, v11;
	v1 =	vadd.f32 v8, v1  }
0x563: {  	v32, _, _ =	vpop (xrf2);
	v2 =	vmul.f32 v59, v57;
	v8 =	vmul.f32 v30, v29;
	(xrf2) =	vadd.scan.msk.f32 $0xffff, v3  }
0x564: {  	v34, _, _ =	vpop (xrf2);
	v1 =	vadd.f32 v4, v1  }
0x565: {  	v2 =	vadd.f32 v2, v5;
	v6 =	vadd.f32 v8, v6;
	v35, _, _ =	vpop (xrf2)  }
0x566: {  	v10 =	vmul.f32 v40, v39;
	v42 =	vmul.f32 v19, v63;
	(xrf2) =	vadd.scan.msk.f32 $0xffff, v1;
	v36, _, _ =	vpop (xrf2)  }
0x567: {  	v43 =	vmul.f32 v31, v25;
	v8 =	vmul.f32 v38, v37;
	v41 =	vadd.f32 v2, v6;
	v44, _, _ =	vpop (xrf2)  }
0x568: {  	v5 =	vbroadcast v36, $0xF;
	v7 =	vbroadcast v44, $0xF  }
0x569: {  	v4 =	vbroadcast v35, $0xF;
	v8 =	vadd.f32 v10, v8;
	v2 =	vadd.f32 v43, v42;
	(xrf2) =	vadd.scan.msk.f32 $0xffff, v41  }
0x56a: {  	v3 =	vbroadcast v34, $0xF;
	v46, _, _ =	vpop (xrf2);
	v45 =	vsel vm0, v5, v7  }
0x56b: {  	v2 =	vadd.f32 v2, v8;
	v47 =	vbroadcast v46, $0xF;
	v1 =	vsel vm1, v45, v4  }
0x56c: {  	v48 =	vbroadcast v32, $0xF;
	v1 =	vsel vm2, v1, v3  }
0x56d: {  	v49 =	vmov s18;
	v50 =	vbroadcast v26, $0xF;
	v51, _, _ =	vpop (xrf2);
	(xrf2) =	vadd.scan.msk.f32 $0xffff, v2;
	v1 =	vsel vm3, v1, v47  }
0x56e: {  	v52 =	vshll.u32 v49, $0x7;
	v54 =	vbroadcast v51, $0xF;
	v1 =	vsel vm4, v1, v48  }
0x56f: {  	v0 =	vbroadcast v21, $0xF;
	v2 =	vor.u32 v20, v52;
	v1 =	vsel vm5, v1, v50  }
0x570: {  	v55 =	vbroadcast v28, $0xF;
	v56, _, _ =	vpop (xrf2);
	v1 =	vsel vm6, v1, v54  }
0x571: {  	v57 =	vbroadcast v56, $0xF;
	v0 =	vsel vm7, v1, v0  }
0x572: {  	v58 =	vbroadcast v27, $0xF;
	v0 =	vsel vm8, v0, v55  }
0x573: {  	v59 =	vbroadcast v24, $0xF;
	v60, _, _ =	vpop (xrf2);
	v0 =	vsel vm9, v0, v57  }
0x574: {  	v2 =	vld.idx.msk [tilespmem:v2+s13+$0x0], $0xffff;
	v61 =	vbroadcast v60, $0xF;
	v0 =	vsel vm10, v0, v58  }
0x575: {  	v62 =	vbroadcast v53, $0xF;
	v0 =	vsel vm11, v0, v59  }
0x576: {  	v0 =	vsel vm12, v0, v61  }
0x577: {  	v63, _, _ =	vpop (xrf2);
	v0 =	vsel vm13, v0, v62  }
0x578: {  	v0 =	vsel vm14, v0, v63  }
0x579: {  	v0 =	vadd.f32 v0, v2  }
0x57a: {  	s0 =	sand.u32 $0xF0, s18  }
0x57b: {  	s30 =	rddreg [dreg:$0x7];
	s2 =	simm.s32 $0x18400;
	s6 =	simm.s32 $0x3;
	[tilespmem:s0+$0x18500] =	vst v0  }
0x57c: {  	[hbm4b:s30+s1] =	stream.linear.scatter [tilespmem:s2], [sflag:$0x3], $0x200, $0x38;
	[tilespmem:$0x18600] =	vst v63  }
0x57d: {  	_ =	swait.ge [sflag:s6], $0x200  }
0x57e: {  	s15 =	sadd.s32 $0x1, s15;
	s31 =	rddreg [dreg:$0x8]  }
0x57f: {  	p0 =	sne.s32 s15, s31  }
.Ltmp4:
0x580: {  	_ = 	snop;
	(pc) =	sbr.rel @p0 .LBB2_1-.Ltmp4, $3  }
0x581: {  	_ =	sdelay $0x1  }
0x582: {  	[sflag:s6] =	ssyncset.done $0x0  }
0x583: {  	[sflag:s6] =	ssyncadd.s32 $0xFFFFFE00  }
0x584: {  	_ =	sfence.sel $0x180000  }
0x585: {  	[bflag:$0x0] =	sbarrier.arrive $0xFFFF  }
0x586: {  	_ =	strace $0x90000047  }
0x587: {  	s0 =	stileid.u32;
	[bflag:$0x2] =	sbarrier.arrive $0xFFFF  }
0x588: {  	p0 =	sne.s32 s0, $0x0;
	s0 =	rddreg [dreg:$0x4]  }
0x589: {  	s0 =	sadd.s32 @!p0 $0x100000, s0  }
0x58a: {  	[sflag:s0] =	ssyncadd.tile.s32 @!p0 $0x1;
	_ =	shalt  }
.Lfunc_end2:
_tile_overlayer_lowered:
.L_overlay_start_2:
0x58b: {  	(tag) =	ssettag $0x2  }
0x58c: {  	s0 =	rddreg [dreg:$0x0];
	s2 =	stileid.u32  }
0x58d: {  	s1 =	rddreg [dreg:$0x1];
	p0 =	sne.s32 s2, $0x0  }
0x58e: {  	s3 =	rddreg [dreg:$0x2];
	[bflag:$0x3] =	sbarrier.arrive $0xFFFF;
	s2 =	simm.s32 @!p0 $0x1C03  }
0x58f: {  	[timem:s3], [sflag:s2] =	dma.local @!p0 [hbm:s0], s1  }
0x590: {  	s0 =	simm.s32 @!p0 $0x3  }
0x591: {  	_ =	swait.ge @!p0 [sflag:s0], s1  }
0x592: {  	s1 =	ssub.s32 @!p0 $0x0, s1;
	[sflag:s0] =	ssyncset.done @!p0 $0x0  }
0x593: {  	[sflag:s0] =	ssyncadd.s32 @!p0 s1  }
0x594: {  	[bflag:$0x3] =	sbarrier.arrive $0xFFFF  }
0x595: {  	_ =	shalt  }

</sc_bundles>
